<compile_context>
chip_gen: v7x
topology: tpu7x:2x2x1
jax: 0.10.2.dev20260603
libtpu: 0.0.44.dev20260713+nightly
codegen_flags: <defaults>
</compile_context>

<pallas_src>
import functools

import jax
import jax.numpy as jnp
from jax import lax
from jax.experimental import pallas as pl
from jax.experimental.pallas import tpu as pltpu
from jax.experimental.pallas import tpu_sc as plsc

_T = 3
_N = 10000
_E = 320000
_XD = 128
_HD = 128
_ZD = 128

_NC = 2
_NS = 16
_NW = _NC * _NS
_K = 125
_EPW = _E // _NW
_NCH = _EPW // _K
_HCH = _NCH // 2
_NPAD = 10240
_RPS = _NPAD // _NS


def _spmm_body(sup_ref, src_ref, dst_ref, zeros_ref, out_ref,
               idx_s, idx_d, rows_a, rows_b, agg, sem_a, sem_b):
    c = lax.axis_index("c")
    s = lax.axis_index("s")
    w = c * _NS + s

    for t in range(_T):
        pltpu.sync_copy(zeros_ref, agg.at[pl.ds(s * _RPS, _RPS)])
        plsc.subcore_barrier()

        for half in range(_NCH // _HCH):
            pltpu.sync_copy(
                src_ref.at[t, pl.ds(w * _NCH + half * _HCH, _HCH)], idx_s)
            pltpu.sync_copy(
                dst_ref.at[t, pl.ds(w * _NCH + half * _HCH, _HCH)], idx_d)

            pltpu.async_copy(sup_ref.at[idx_s.at[0]], rows_a, sem_a)

            def _pair(p, carry):
                j0 = 2 * p
                pltpu.async_copy(sup_ref.at[idx_s.at[j0 + 1]], rows_b, sem_b)
                pltpu.make_async_copy(
                    sup_ref.at[idx_s.at[j0]], rows_a, sem_a).wait()
                pltpu.sync_copy(rows_a, agg.at[idx_d.at[j0]], add=True)

                @pl.when(p < _HCH // 2 - 1)
                def _next_a():
                    pltpu.async_copy(
                        sup_ref.at[idx_s.at[j0 + 2]], rows_a, sem_a)

                pltpu.make_async_copy(
                    sup_ref.at[idx_s.at[j0 + 1]], rows_b, sem_b).wait()
                pltpu.sync_copy(rows_b, agg.at[idx_d.at[j0 + 1]], add=True)
                return carry
            lax.fori_loop(0, _HCH // 2, _pair, 0)
        plsc.subcore_barrier()

        @pl.when(s < _NS - 1)
        def _flush_full():
            pltpu.sync_copy(agg.at[pl.ds(s * _RPS, _RPS)],
                            out_ref.at[c, t, pl.ds(s * _RPS, _RPS)])

        @pl.when(s == _NS - 1)
        def _flush_tail():
            pltpu.sync_copy(
                agg.at[pl.ds((_NS - 1) * _RPS, _N - (_NS - 1) * _RPS)],
                out_ref.at[c, t, pl.ds((_NS - 1) * _RPS,
                                       _N - (_NS - 1) * _RPS)])


@functools.lru_cache(maxsize=None)
def _make_spmm():
    return pl.kernel(
        _spmm_body,
        out_type=jax.ShapeDtypeStruct((_NC, _T, _N, _HD), jnp.float32),
        mesh=plsc.VectorSubcoreMesh(core_axis_name="c", subcore_axis_name="s",
                                    num_cores=_NC, num_subcores=_NS),
        scratch_types=[
            pltpu.VMEM((_HCH, _K), jnp.int32),
            pltpu.VMEM((_HCH, _K), jnp.int32),
            pltpu.VMEM((_K, _HD), jnp.float32),
            pltpu.VMEM((_K, _HD), jnp.float32),
            pltpu.VMEM_SHARED((_NPAD, _HD), jnp.float32),
            pltpu.SemaphoreType.DMA,
            pltpu.SemaphoreType.DMA,
        ],
    )


def _spmm(support, srcs, dsts, zeros):
    return _make_spmm()(support, srcs, dsts, zeros)


_BLKA = 1200


def _phi_gc0_body(x_ref, phiW_ref, phib_ref, gcW0_ref, out_ref):
    h = jnp.maximum(
        jnp.dot(x_ref[...], phiW_ref[...],
                preferred_element_type=jnp.float32) + phib_ref[...], 0.0)
    out_ref[...] = jnp.dot(h, gcW0_ref[...],
                           preferred_element_type=jnp.float32)


_BLKB = 1000


def _gc1_body(agg_ref, gcb0_ref, gcW1_ref, out_ref):
    acc = agg_ref[0, 0] + agg_ref[1, 0]
    rep = jnp.maximum(acc + gcb0_ref[...], 0.0)
    out_ref[...] = jnp.dot(rep, gcW1_ref[...],
                           preferred_element_type=jnp.float32)


_BLKC = 1000


def _recur_body(agg_ref, c_ref, gcb1_ref, fuseW_ref, fuseb_ref,
                out00W_ref, out00b_ref, out10W_ref, out10b_ref,
                out01W_ref, out01b_ref, out11W_ref, out11b_ref,
                ps1W_ref, ps1b_ref, bng_ref, bnb_ref, bnm_ref, bnv_ref,
                ps2W_ref, ps2b_ref,
                gruWih_ref, grubih_ref, gruWhh_ref, grubhh_ref,
                y1_ref, y0_ref, z_ref, ps0_ref, ps1o_ref, h_ref):
    h = jnp.zeros((_BLKC, _HD), jnp.float32)
    fuse_Wh = fuseW_ref[...][:_HD, :]
    fuse_Wr = fuseW_ref[...][_HD:, :]
    Wih_z = gruWih_ref[...][:_ZD, :]
    wih_c = gruWih_ref[...][_ZD, :]
    Whh = gruWhh_ref[...]
    inv_std = jax.lax.rsqrt(bnv_ref[...] + 1e-5)
    for t in range(_T):
        acc = agg_ref[0, t] + agg_ref[1, t]
        rep = jnp.maximum(acc + gcb1_ref[...], 0.0)
        z = jnp.maximum(
            jnp.dot(h, fuse_Wh, preferred_element_type=jnp.float32)
            + jnp.dot(rep, fuse_Wr, preferred_element_type=jnp.float32)
            + fuseb_ref[...], 0.0)
        cf = c_ref[0, t].astype(jnp.float32)
        gi = (jnp.dot(z, Wih_z, preferred_element_type=jnp.float32)
              + cf[:, None] * wih_c[None, :] + grubih_ref[...])
        gh = (jnp.dot(h, Whh, preferred_element_type=jnp.float32)
              + grubhh_ref[...])
        i_r, i_z, i_n = gi[:, :_HD], gi[:, _HD:2 * _HD], gi[:, 2 * _HD:]
        h_r, h_z, h_n = gh[:, :_HD], gh[:, _HD:2 * _HD], gh[:, 2 * _HD:]
        r = jax.nn.sigmoid(i_r + h_r)
        zg = jax.nn.sigmoid(i_z + h_z)
        ng = jnp.tanh(i_n + r * h_n)
        h = (1.0 - zg) * ng + zg * h

        y00 = jnp.maximum(
            jnp.dot(z, out00W_ref[...], preferred_element_type=jnp.float32)
            + out00b_ref[...], 0.0)
        y10 = jnp.maximum(
            jnp.dot(z, out10W_ref[...], preferred_element_type=jnp.float32)
            + out10b_ref[...], 0.0)
        y0 = (jnp.dot(y00, out01W_ref[...],
                      preferred_element_type=jnp.float32)[:, 0]
              + out01b_ref[0, 0])
        y1 = (jnp.dot(y10, out11W_ref[...],
                      preferred_element_type=jnp.float32)[:, 0]
              + out11b_ref[0, 0])

        p = (jnp.dot(z, ps1W_ref[...], preferred_element_type=jnp.float32)
             + ps1b_ref[...])
        p = (p - bnm_ref[...]) * inv_std * bng_ref[...] + bnb_ref[...]
        p = jax.nn.sigmoid(p)
        q0 = jnp.sum(p * ps2W0_row(ps2W_ref), axis=1) + ps2b_ref[0, 0]
        q1 = jnp.sum(p * ps2W1_row(ps2W_ref), axis=1) + ps2b_ref[0, 1]
        m = jnp.maximum(q0, q1)
        e0 = jnp.exp(q0 - m)
        e1 = jnp.exp(q1 - m)
        denom = e0 + e1
        y1_ref[0, t] = y1
        y0_ref[0, t] = y0
        z_ref[t] = z
        ps0_ref[0, t] = e0 / denom
        ps1o_ref[0, t] = e1 / denom
    h_ref[...] = h


def _bf(x):
    return x.astype(jnp.bfloat16).astype(jnp.float32)


def ps2W0_row(ps2W_ref):
    return ps2W_ref[...][:, 0][None, :]


def ps2W1_row(ps2W_ref):
    return ps2W_ref[...][:, 1][None, :]


def _full(i):
    return lambda *_: tuple(0 for _ in range(i))


def kernel(X_list, A_list, C_list, phi_W, phi_b, gc_W, gc_b, fuse_W, fuse_b,
           out00_W, out00_b, out10_W, out10_b, out01_W, out01_b,
           out11_W, out11_b, ps1_W, ps1_b, bn_g, bn_b, bn_m, bn_v,
           ps2_W, ps2_b, gru_Wih, gru_bih, gru_Whh, gru_bhh):
    x_all = X_list.reshape(_T * _N, _XD)
    toff = (jnp.arange(_T, dtype=jnp.int32) * _N)[:, None]
    srcs = (A_list[:, 0, :] + toff).reshape(_T, _E // _K, _K)
    dsts = A_list[:, 1, :].reshape(_T, _E // _K, _K)

    support0 = pl.pallas_call(
        _phi_gc0_body,
        grid=(_T * _N // _BLKA,),
        in_specs=[
            pl.BlockSpec((_BLKA, _XD), lambda i: (i, 0)),
            pl.BlockSpec((_XD, _HD), _full(2)),
            pl.BlockSpec((1, _HD), _full(2)),
            pl.BlockSpec((_HD, _HD), _full(2)),
        ],
        out_specs=pl.BlockSpec((_BLKA, _HD), lambda i: (i, 0)),
        out_shape=jax.ShapeDtypeStruct((_T * _N, _HD), jnp.float32),
    )(x_all, phi_W, phi_b.reshape(1, _HD), gc_W[0])

    zeros = jnp.zeros((_RPS, _HD), jnp.float32)
    agg0 = _spmm(support0, srcs, dsts, zeros)

    nb = _N // _BLKB
    support1 = pl.pallas_call(
        _gc1_body,
        grid=(_T * nb,),
        in_specs=[
            pl.BlockSpec((_NC, 1, _BLKB, _HD),
                         lambda i: (0, i // nb, i % nb, 0)),
            pl.BlockSpec((1, _HD), _full(2)),
            pl.BlockSpec((_HD, _HD), _full(2)),
        ],
        out_specs=pl.BlockSpec((_BLKB, _HD), lambda i: (i, 0)),
        out_shape=jax.ShapeDtypeStruct((_T * _N, _HD), jnp.float32),
    )(agg0, gc_b[0].reshape(1, _HD), gc_W[1])

    agg1 = _spmm(support1, srcs, dsts, zeros)

    nbc = _N // _BLKC
    y1, y0, z_all, ps0, ps1, h = pl.pallas_call(
        _recur_body,
        grid=(nbc,),
        in_specs=[
            pl.BlockSpec((_NC, _T, _BLKC, _HD), lambda i: (0, 0, i, 0)),
            pl.BlockSpec((1, _T, _BLKC), lambda i: (i, 0, 0)),
            pl.BlockSpec((1, _HD), _full(2)),
            pl.BlockSpec((2 * _HD, _ZD), _full(2)),
            pl.BlockSpec((1, _ZD), _full(2)),
            pl.BlockSpec((_ZD, _ZD), _full(2)),
            pl.BlockSpec((1, _ZD), _full(2)),
            pl.BlockSpec((_ZD, _ZD), _full(2)),
            pl.BlockSpec((1, _ZD), _full(2)),
            pl.BlockSpec((_ZD, 1), _full(2)),
            pl.BlockSpec((1, 1), _full(2)),
            pl.BlockSpec((_ZD, 1), _full(2)),
            pl.BlockSpec((1, 1), _full(2)),
            pl.BlockSpec((_ZD, 100), _full(2)),
            pl.BlockSpec((1, 100), _full(2)),
            pl.BlockSpec((1, 100), _full(2)),
            pl.BlockSpec((1, 100), _full(2)),
            pl.BlockSpec((1, 100), _full(2)),
            pl.BlockSpec((1, 100), _full(2)),
            pl.BlockSpec((100, 2), _full(2)),
            pl.BlockSpec((1, 2), _full(2)),
            pl.BlockSpec((_ZD + 1, 3 * _HD), _full(2)),
            pl.BlockSpec((1, 3 * _HD), _full(2)),
            pl.BlockSpec((_HD, 3 * _HD), _full(2)),
            pl.BlockSpec((1, 3 * _HD), _full(2)),
        ],
        out_specs=[
            pl.BlockSpec((1, _T, _BLKC), lambda i: (i, 0, 0)),
            pl.BlockSpec((1, _T, _BLKC), lambda i: (i, 0, 0)),
            pl.BlockSpec((_T, _BLKC, _ZD), lambda i: (0, i, 0)),
            pl.BlockSpec((1, _T, _BLKC), lambda i: (i, 0, 0)),
            pl.BlockSpec((1, _T, _BLKC), lambda i: (i, 0, 0)),
            pl.BlockSpec((_BLKC, _HD), lambda i: (i, 0)),
        ],
        out_shape=[
            jax.ShapeDtypeStruct((nbc, _T, _BLKC), jnp.float32),
            jax.ShapeDtypeStruct((nbc, _T, _BLKC), jnp.float32),
            jax.ShapeDtypeStruct((_T, _N, _ZD), jnp.float32),
            jax.ShapeDtypeStruct((nbc, _T, _BLKC), jnp.float32),
            jax.ShapeDtypeStruct((nbc, _T, _BLKC), jnp.float32),
            jax.ShapeDtypeStruct((_N, _HD), jnp.float32),
        ],
    )(agg1, C_list.reshape(_T, nbc, _BLKC).transpose(1, 0, 2),
      gc_b[1].reshape(1, _HD), fuse_W, fuse_b.reshape(1, _ZD),
      out00_W, out00_b.reshape(1, _ZD), out10_W, out10_b.reshape(1, _ZD),
      out01_W, out01_b.reshape(1, 1),
      out11_W, out11_b.reshape(1, 1),
      ps1_W, ps1_b.reshape(1, 100), bn_g.reshape(1, 100),
      bn_b.reshape(1, 100), bn_m.reshape(1, 100), bn_v.reshape(1, 100),
      ps2_W, ps2_b.reshape(1, 2),
      gru_Wih, gru_bih.reshape(1, 3 * _HD), gru_Whh,
      gru_bhh.reshape(1, 3 * _HD))

    y1 = y1.transpose(1, 0, 2).reshape(_T, _N)
    y0 = y0.transpose(1, 0, 2).reshape(_T, _N)
    ps0 = ps0.transpose(1, 0, 2).reshape(_T, _N)
    ps1 = ps1.transpose(1, 0, 2).reshape(_T, _N)
    ps_hat = jnp.stack([ps0, ps1], axis=-1)
    return (y1, y0, z_all, ps_hat, h)

# --- scband reference (transcript-rebuilt; emitter-appended) ---
"""Pipeline reference for scband-tndconf-54769422958933 (READ-ONLY COPY).

The authoritative reference and input builder live on the scoring server;
editing this copy changes nothing except your own understanding.
"""

import jax, jax.numpy as jnp
import numpy as np

T = 3
N = 10000
E = 320000
XD = 128
HD = 128
ZD = 128
NL = 2
ALPHA = 1.0

@jax.custom_vjp
def grad_reverse(x):
    return x

def _gr_fwd(x):
    return x, None

def _gr_bwd(res, g):
    return (-ALPHA * g,)

grad_reverse.defvjp(_gr_fwd, _gr_bwd)


def setup_inputs(seed: int = 0):
    key = jax.random.key(seed)
    ks = jax.random.split(key, 20)
    inp = {}
    inp["X_list"] = jax.random.normal(ks[0], (T, N, XD), jnp.float32)
    inp["A_list"] = jax.random.randint(ks[1], (T, 2, E), 0, N, dtype=jnp.int32)
    inp["C_list"] = jax.random.randint(ks[2], (T, N), 0, 2, dtype=jnp.int32)
    inp["phi_W"] = jax.random.normal(ks[3], (XD, HD), jnp.float32) / np.sqrt(XD)
    inp["phi_b"] = jnp.zeros((HD,), jnp.float32)
    inp["gc_W"] = jax.random.normal(ks[4], (NL, HD, HD), jnp.float32) * 0.02
    inp["gc_b"] = jnp.zeros((NL, HD), jnp.float32)
    inp["fuse_W"] = jax.random.normal(ks[5], (2 * HD, ZD), jnp.float32) / np.sqrt(2 * HD)
    inp["fuse_b"] = jnp.zeros((ZD,), jnp.float32)
    inp["out00_W"] = jax.random.normal(ks[6], (ZD, ZD), jnp.float32) / np.sqrt(ZD)
    inp["out00_b"] = jnp.zeros((ZD,), jnp.float32)
    inp["out10_W"] = jax.random.normal(ks[7], (ZD, ZD), jnp.float32) / np.sqrt(ZD)
    inp["out10_b"] = jnp.zeros((ZD,), jnp.float32)
    inp["out01_W"] = jax.random.normal(ks[8], (ZD, 1), jnp.float32) / np.sqrt(ZD)
    inp["out01_b"] = jnp.zeros((1,), jnp.float32)
    inp["out11_W"] = jax.random.normal(ks[9], (ZD, 1), jnp.float32) / np.sqrt(ZD)
    inp["out11_b"] = jnp.zeros((1,), jnp.float32)
    inp["ps1_W"] = jax.random.normal(ks[10], (ZD, 100), jnp.float32) / np.sqrt(ZD)
    inp["ps1_b"] = jnp.zeros((100,), jnp.float32)
    inp["bn_g"] = jnp.ones((100,), jnp.float32)
    inp["bn_b"] = jnp.zeros((100,), jnp.float32)
    inp["bn_m"] = jnp.zeros((100,), jnp.float32)
    inp["bn_v"] = jnp.ones((100,), jnp.float32)
    inp["ps2_W"] = jax.random.normal(ks[11], (100, 2), jnp.float32) / np.sqrt(100)
    inp["ps2_b"] = jnp.zeros((2,), jnp.float32)
    inp["gru_Wih"] = jax.random.normal(ks[12], (ZD + 1, 3 * HD), jnp.float32) / np.sqrt(ZD + 1)
    inp["gru_bih"] = jnp.zeros((3 * HD,), jnp.float32)
    inp["gru_Whh"] = jax.random.normal(ks[13], (HD, 3 * HD), jnp.float32) / np.sqrt(HD)
    inp["gru_bhh"] = jnp.zeros((3 * HD,), jnp.float32)
    return inp


def reference(X_list, A_list, C_list, phi_W, phi_b, gc_W, gc_b, fuse_W, fuse_b,
              out00_W, out00_b, out10_W, out10_b, out01_W, out01_b, out11_W, out11_b,
              ps1_W, ps1_b, bn_g, bn_b, bn_m, bn_v, ps2_W, ps2_b,
              gru_Wih, gru_bih, gru_Whh, gru_bhh):
    h = jnp.zeros((N, HD), jnp.float32)
    all_y1 = []
    all_y0 = []
    all_z = []
    all_ps = []
    for t in range(T):
        x = X_list[t]
        ei = A_list[t]
        phi_x_t = jax.nn.relu(x @ phi_W + phi_b)
        rep = phi_x_t
        for i in range(NL):
            support = rep @ gc_W[i]
            agg = jax.ops.segment_sum(support[ei[0]], ei[1], num_segments=N)
            rep = jax.nn.relu(agg + gc_b[i])
            # dropout is identity in eval mode
        z_t = jax.nn.relu(jnp.concatenate([h, rep], axis=1) @ fuse_W + fuse_b)
        Cf = C_list[t].astype(jnp.float32).reshape(-1, 1)
        xr = jnp.concatenate([z_t, Cf], axis=1)
        gi = xr @ gru_Wih + gru_bih
        gh = h @ gru_Whh + gru_bhh
        i_r, i_z, i_n = jnp.split(gi, 3, axis=1)
        h_r, h_z, h_n = jnp.split(gh, 3, axis=1)
        r = jax.nn.sigmoid(i_r + h_r)
        zg = jax.nn.sigmoid(i_z + h_z)
        ng = jnp.tanh(i_n + r * h_n)
        h = (1.0 - zg) * ng + zg * h
        y00 = jax.nn.relu(z_t @ out00_W + out00_b)
        y10 = jax.nn.relu(z_t @ out10_W + out10_b)
        y0 = (y00 @ out01_W + out01_b).reshape(-1)
        y1 = (y10 @ out11_W + out11_b).reshape(-1)
        rev = grad_reverse(z_t)
        p = rev @ ps1_W + ps1_b
        p = (p - bn_m) / jnp.sqrt(bn_v + 1e-5) * bn_g + bn_b
        p = jax.nn.sigmoid(p)
        ps_hat = jax.nn.softmax(p @ ps2_W + ps2_b, axis=1)
        all_y1.append(y1)
        all_y0.append(y0)
        all_z.append(z_t)
        all_ps.append(ps_hat)
    return (jnp.stack(all_y1), jnp.stack(all_y0), jnp.stack(all_z), jnp.stack(all_ps), h)

if __name__ == "__main__":
    import jax
    _d = setup_inputs()
    print(jax.jit(kernel)(*tuple(_d.values())))

</pallas_src>

<mosaic_0001>
#map = affine_map<(d0, d1) -> (0, 0)>
#map1 = affine_map<(d0, d1) -> (0, 0, 0)>
#map2 = affine_map<(d0, d1) -> (0, 0, 0, 0)>
module attributes {stable_mosaic.version = 14 : i64} {
  func.func @_spmm_body(%arg0: i32, %arg1: i32, %arg2: memref<30000x128xf32, #tpu.memory_space<hbm>>, %arg3: memref<3x2560x125xi32, #tpu.memory_space<hbm>>, %arg4: memref<3x2560x125xi32, #tpu.memory_space<hbm>>, %arg5: memref<640x128xf32, #tpu.memory_space<hbm>>, %arg6: memref<2x3x10000x128xf32, #tpu.memory_space<hbm>>, %arg7: memref<40x125xi32, #tpu.memory_space<vmem>>, %arg8: memref<40x125xi32, #tpu.memory_space<vmem>>, %arg9: memref<125x128xf32, #tpu.memory_space<vmem>>, %arg10: memref<125x128xf32, #tpu.memory_space<vmem>>, %arg11: memref<10240x128xf32, #tpu.memory_space<vmem_shared>>, %arg12: memref<!tpu.dma_semaphore, #tpu.memory_space<semaphore_mem>>, %arg13: memref<!tpu.dma_semaphore, #tpu.memory_space<semaphore_mem>>) attributes {dimension_semantics = [#tpu.dimension_semantics<core_parallel>, #tpu.dimension_semantics<subcore_parallel>], iteration_bounds = array<i64: 2, 16>, scalar_prefetch = 0 : i64, scratch_operands = 7 : i64, tpu.core_type = #tpu.core_type<sc_vector_subcore>, window_params = [{transform_indices = #map}, {transform_indices = #map1}, {transform_indices = #map1}, {transform_indices = #map}, {transform_indices = #map2}]} {
    %mul3A = arith.constant 16 : i32
    %mul3A_0 = arith.muli %arg0, %mul3A : i32
    %add3A = arith.addi %mul3A_0, %arg1 : i32
    %mul3A_1 = arith.constant 640 : i32
    %mul3A_2 = arith.muli %arg1, %mul3A_1 : i32
    "tpu.region"() ({
      %run_scoped3A_173 = tpu.sem_alloc : memref<!tpu.dma_semaphore, #tpu.memory_space<semaphore_mem>>
      %dma_start3A_174 = arith.constant 0 : i32
      %dma_start3A_175 = tpu.memref_slice %arg11[%mul3A_2, %dma_start3A_174] : memref<10240x128xf32, #tpu.memory_space<vmem_shared>> -> memref<640x128xf32, #tpu.memory_space<vmem_shared>>
      tpu.enqueue_dma source(%arg5 : memref<640x128xf32, #tpu.memory_space<hbm>>) target(%dma_start3A_175 : memref<640x128xf32, #tpu.memory_space<vmem_shared>>) target_semaphore(%run_scoped3A_173 : memref<!tpu.dma_semaphore, #tpu.memory_space<semaphore_mem>>)
      %dma_wait3A = arith.constant 0 : i32
      %dma_wait3A_176 = tpu.memref_slice %arg11[%mul3A_2, %dma_wait3A] : memref<10240x128xf32, #tpu.memory_space<vmem_shared>> -> memref<640x128xf32, #tpu.memory_space<vmem_shared>>
      tpu.wait_dma2 semaphore(%run_scoped3A_173 : memref<!tpu.dma_semaphore, #tpu.memory_space<semaphore_mem>>) src(%arg5 : memref<640x128xf32, #tpu.memory_space<hbm>>) dst(%dma_wait3A_176 : memref<640x128xf32, #tpu.memory_space<vmem_shared>>)
      tpu.yield
    }) : () -> ()
    %barrier3A = arith.constant 0 : index
    tpu.barrier barrier_id(%barrier3A)
    %mul3A_3 = arith.constant 80 : i32
    %mul3A_4 = arith.muli %add3A, %mul3A_3 : i32
    %add3A_5 = arith.constant 0 : i32
    %add3A_6 = arith.addi %mul3A_4, %add3A_5 : i32
    %run_scoped3A = arith.constant 0 : i32
    "tpu.region"() ({
      %run_scoped3A_173 = tpu.sem_alloc : memref<!tpu.dma_semaphore, #tpu.memory_space<semaphore_mem>>
      %dma_start3A_174 = arith.constant 0 : i32
      %dma_start3A_175 = tpu.memref_slice %arg3[%run_scoped3A, %add3A_6, %dma_start3A_174] : memref<3x2560x125xi32, #tpu.memory_space<hbm>> -> memref<1x40x125xi32, #tpu.memory_space<hbm>>
      %dma_start3A_176 = tpu.memref_squeeze %dma_start3A_175 : memref<1x40x125xi32, #tpu.memory_space<hbm>> -> memref<40x125xi32, #tpu.memory_space<hbm>>
      %dma_start3A_177 = arith.constant 0 : i32
      %dma_start3A_178 = tpu.memref_slice %arg3[%run_scoped3A, %add3A_6, %dma_start3A_177] : memref<3x2560x125xi32, #tpu.memory_space<hbm>> -> memref<1x40x125xi32, #tpu.memory_space<hbm>>
      %dma_start3A_179 = tpu.memref_squeeze %dma_start3A_178 : memref<1x40x125xi32, #tpu.memory_space<hbm>> -> memref<40x125xi32, #tpu.memory_space<hbm>>
      tpu.enqueue_dma source(%dma_start3A_179 : memref<40x125xi32, #tpu.memory_space<hbm>>) target(%arg7 : memref<40x125xi32, #tpu.memory_space<vmem>>) target_semaphore(%run_scoped3A_173 : memref<!tpu.dma_semaphore, #tpu.memory_space<semaphore_mem>>)
      %dma_wait3A = arith.constant 0 : i32
      %dma_wait3A_180 = tpu.memref_slice %arg3[%run_scoped3A, %add3A_6, %dma_wait3A] : memref<3x2560x125xi32, #tpu.memory_space<hbm>> -> memref<1x40x125xi32, #tpu.memory_space<hbm>>
      %dma_wait3A_181 = tpu.memref_squeeze %dma_wait3A_180 : memref<1x40x125xi32, #tpu.memory_space<hbm>> -> memref<40x125xi32, #tpu.memory_space<hbm>>
      %dma_wait3A_182 = arith.constant 0 : i32
      %dma_wait3A_183 = tpu.memref_slice %arg3[%run_scoped3A, %add3A_6, %dma_wait3A_182] : memref<3x2560x125xi32, #tpu.memory_space<hbm>> -> memref<1x40x125xi32, #tpu.memory_space<hbm>>
      %dma_wait3A_184 = tpu.memref_squeeze %dma_wait3A_183 : memref<1x40x125xi32, #tpu.memory_space<hbm>> -> memref<40x125xi32, #tpu.memory_space<hbm>>
      tpu.wait_dma2 semaphore(%run_scoped3A_173 : memref<!tpu.dma_semaphore, #tpu.memory_space<semaphore_mem>>) src(%dma_wait3A_184 : memref<40x125xi32, #tpu.memory_space<hbm>>) dst(%arg7 : memref<40x125xi32, #tpu.memory_space<vmem>>)
      tpu.yield
    }) : () -> ()
    %mul3A_7 = arith.constant 80 : i32
    %mul3A_8 = arith.muli %add3A, %mul3A_7 : i32
    %add3A_9 = arith.constant 0 : i32
    %add3A_10 = arith.addi %mul3A_8, %add3A_9 : i32
    %run_scoped3A_11 = arith.constant 0 : i32
    "tpu.region"() ({
      %run_scoped3A_173 = tpu.sem_alloc : memref<!tpu.dma_semaphore, #tpu.memory_space<semaphore_mem>>
      %dma_start3A_174 = arith.constant 0 : i32
      %dma_start3A_175 = tpu.memref_slice %arg4[%run_scoped3A_11, %add3A_10, %dma_start3A_174] : memref<3x2560x125xi32, #tpu.memory_space<hbm>> -> memref<1x40x125xi32, #tpu.memory_space<hbm>>
      %dma_start3A_176 = tpu.memref_squeeze %dma_start3A_175 : memref<1x40x125xi32, #tpu.memory_space<hbm>> -> memref<40x125xi32, #tpu.memory_space<hbm>>
      %dma_start3A_177 = arith.constant 0 : i32
      %dma_start3A_178 = tpu.memref_slice %arg4[%run_scoped3A_11, %add3A_10, %dma_start3A_177] : memref<3x2560x125xi32, #tpu.memory_space<hbm>> -> memref<1x40x125xi32, #tpu.memory_space<hbm>>
      %dma_start3A_179 = tpu.memref_squeeze %dma_start3A_178 : memref<1x40x125xi32, #tpu.memory_space<hbm>> -> memref<40x125xi32, #tpu.memory_space<hbm>>
      tpu.enqueue_dma source(%dma_start3A_179 : memref<40x125xi32, #tpu.memory_space<hbm>>) target(%arg8 : memref<40x125xi32, #tpu.memory_space<vmem>>) target_semaphore(%run_scoped3A_173 : memref<!tpu.dma_semaphore, #tpu.memory_space<semaphore_mem>>)
      %dma_wait3A = arith.constant 0 : i32
      %dma_wait3A_180 = tpu.memref_slice %arg4[%run_scoped3A_11, %add3A_10, %dma_wait3A] : memref<3x2560x125xi32, #tpu.memory_space<hbm>> -> memref<1x40x125xi32, #tpu.memory_space<hbm>>
      %dma_wait3A_181 = tpu.memref_squeeze %dma_wait3A_180 : memref<1x40x125xi32, #tpu.memory_space<hbm>> -> memref<40x125xi32, #tpu.memory_space<hbm>>
      %dma_wait3A_182 = arith.constant 0 : i32
      %dma_wait3A_183 = tpu.memref_slice %arg4[%run_scoped3A_11, %add3A_10, %dma_wait3A_182] : memref<3x2560x125xi32, #tpu.memory_space<hbm>> -> memref<1x40x125xi32, #tpu.memory_space<hbm>>
      %dma_wait3A_184 = tpu.memref_squeeze %dma_wait3A_183 : memref<1x40x125xi32, #tpu.memory_space<hbm>> -> memref<40x125xi32, #tpu.memory_space<hbm>>
      tpu.wait_dma2 semaphore(%run_scoped3A_173 : memref<!tpu.dma_semaphore, #tpu.memory_space<semaphore_mem>>) src(%dma_wait3A_184 : memref<40x125xi32, #tpu.memory_space<hbm>>) dst(%arg8 : memref<40x125xi32, #tpu.memory_space<vmem>>)
      tpu.yield
    }) : () -> ()
    %dma_start3A = arith.constant 0 : i32
    %dma_start3A_12 = arith.constant 0 : i32
    %dma_start3A_13 = tpu.memref_slice %arg7[%dma_start3A, %dma_start3A_12] : memref<40x125xi32, #tpu.memory_space<vmem>> -> memref<1x125xi32, #tpu.memory_space<vmem>>
    %dma_start3A_14 = tpu.memref_squeeze %dma_start3A_13 : memref<1x125xi32, #tpu.memory_space<vmem>> -> memref<125xi32, #tpu.memory_space<vmem>>
    %dma_start3A_15 = arith.constant 0 : i32
    %dma_start3A_16 = arith.constant 0 : i32
    %dma_start3A_17 = tpu.memref_slice %arg2[%dma_start3A_15, %dma_start3A_16] : memref<30000x128xf32, #tpu.memory_space<hbm>> -> memref<30000x128xf32, #tpu.memory_space<hbm>>
    tpu.enqueue_indirect_dma source(%dma_start3A_17 : memref<30000x128xf32, #tpu.memory_space<hbm>>) target(%arg9 : memref<125x128xf32, #tpu.memory_space<vmem>>) offsets(%dma_start3A_14 : memref<125xi32, #tpu.memory_space<vmem>>) semaphore(%arg12 : memref<!tpu.dma_semaphore, #tpu.memory_space<semaphore_mem>>)
    %scan3A = arith.constant 0 : i32
    %scan3A_18 = arith.constant 0 : i32
    %scan3A_19 = arith.constant 20 : i32
    %scan3A_20 = arith.addi %scan3A_18, %scan3A_19 : i32
    %scan3A_21 = arith.constant 1 : i32
    scf.for %scan3A_173 = %scan3A_18 to %scan3A_20 step %scan3A_21  : i32 {
      %mul3A_174 = arith.constant 2 : i32
      %mul3A_175 = arith.muli %mul3A_174, %scan3A_173 : i32
      %add3A_176 = arith.constant 1 : i32
      %add3A_177 = arith.addi %mul3A_175, %add3A_176 : i32
      %dma_start3A_178 = arith.constant 0 : i32
      %dma_start3A_179 = tpu.memref_slice %arg7[%add3A_177, %dma_start3A_178] : memref<40x125xi32, #tpu.memory_space<vmem>> -> memref<1x125xi32, #tpu.memory_space<vmem>>
      %dma_start3A_180 = tpu.memref_squeeze %dma_start3A_179 : memref<1x125xi32, #tpu.memory_space<vmem>> -> memref<125xi32, #tpu.memory_space<vmem>>
      %dma_start3A_181 = arith.constant 0 : i32
      %dma_start3A_182 = arith.constant 0 : i32
      %dma_start3A_183 = tpu.memref_slice %arg2[%dma_start3A_181, %dma_start3A_182] : memref<30000x128xf32, #tpu.memory_space<hbm>> -> memref<30000x128xf32, #tpu.memory_space<hbm>>
      tpu.enqueue_indirect_dma source(%dma_start3A_183 : memref<30000x128xf32, #tpu.memory_space<hbm>>) target(%arg10 : memref<125x128xf32, #tpu.memory_space<vmem>>) offsets(%dma_start3A_180 : memref<125xi32, #tpu.memory_space<vmem>>) semaphore(%arg13 : memref<!tpu.dma_semaphore, #tpu.memory_space<semaphore_mem>>)
      %dma_wait3A = arith.constant 0 : i32
      %dma_wait3A_184 = tpu.memref_slice %arg7[%mul3A_175, %dma_wait3A] : memref<40x125xi32, #tpu.memory_space<vmem>> -> memref<1x125xi32, #tpu.memory_space<vmem>>
      %dma_wait3A_185 = tpu.memref_squeeze %dma_wait3A_184 : memref<1x125xi32, #tpu.memory_space<vmem>> -> memref<125xi32, #tpu.memory_space<vmem>>
      %dma_wait3A_186 = arith.constant 0 : i32
      %dma_wait3A_187 = arith.constant 0 : i32
      %dma_wait3A_188 = tpu.memref_slice %arg2[%dma_wait3A_186, %dma_wait3A_187] : memref<30000x128xf32, #tpu.memory_space<hbm>> -> memref<30000x128xf32, #tpu.memory_space<hbm>>
      tpu.wait_indirect_dma semaphore(%arg12 : memref<!tpu.dma_semaphore, #tpu.memory_space<semaphore_mem>>) src(%dma_wait3A_188 : memref<30000x128xf32, #tpu.memory_space<hbm>>) dst(%arg9 : memref<125x128xf32, #tpu.memory_space<vmem>>)
      "tpu.region"() ({
        %run_scoped3A_204 = tpu.sem_alloc : memref<!tpu.dma_semaphore, #tpu.memory_space<semaphore_mem>>
        %dma_start3A_205 = arith.constant 0 : i32
        %dma_start3A_206 = tpu.memref_slice %arg8[%mul3A_175, %dma_start3A_205] : memref<40x125xi32, #tpu.memory_space<vmem>> -> memref<1x125xi32, #tpu.memory_space<vmem>>
        %dma_start3A_207 = tpu.memref_squeeze %dma_start3A_206 : memref<1x125xi32, #tpu.memory_space<vmem>> -> memref<125xi32, #tpu.memory_space<vmem>>
        %dma_start3A_208 = arith.constant 0 : i32
        %dma_start3A_209 = arith.constant 0 : i32
        %dma_start3A_210 = tpu.memref_slice %arg11[%dma_start3A_208, %dma_start3A_209] : memref<10240x128xf32, #tpu.memory_space<vmem_shared>> -> memref<10240x128xf32, #tpu.memory_space<vmem_shared>>
        tpu.enqueue_indirect_dma source(%arg9 : memref<125x128xf32, #tpu.memory_space<vmem>>) target(%dma_start3A_210 : memref<10240x128xf32, #tpu.memory_space<vmem_shared>>) offsets(%dma_start3A_207 : memref<125xi32, #tpu.memory_space<vmem>>) semaphore(%run_scoped3A_204 : memref<!tpu.dma_semaphore, #tpu.memory_space<semaphore_mem>>) {add = true}
        %dma_wait3A_211 = arith.constant 0 : i32
        %dma_wait3A_212 = tpu.memref_slice %arg8[%mul3A_175, %dma_wait3A_211] : memref<40x125xi32, #tpu.memory_space<vmem>> -> memref<1x125xi32, #tpu.memory_space<vmem>>
        %dma_wait3A_213 = tpu.memref_squeeze %dma_wait3A_212 : memref<1x125xi32, #tpu.memory_space<vmem>> -> memref<125xi32, #tpu.memory_space<vmem>>
        %dma_wait3A_214 = arith.constant 0 : i32
        %dma_wait3A_215 = arith.constant 0 : i32
        %dma_wait3A_216 = tpu.memref_slice %arg11[%dma_wait3A_214, %dma_wait3A_215] : memref<10240x128xf32, #tpu.memory_space<vmem_shared>> -> memref<10240x128xf32, #tpu.memory_space<vmem_shared>>
        tpu.wait_indirect_dma semaphore(%run_scoped3A_204 : memref<!tpu.dma_semaphore, #tpu.memory_space<semaphore_mem>>) src(%arg9 : memref<125x128xf32, #tpu.memory_space<vmem>>) dst(%dma_wait3A_216 : memref<10240x128xf32, #tpu.memory_space<vmem_shared>>)
        tpu.yield
      }) : () -> ()
      %lt3A_189 = arith.constant 19 : i32
      %lt3A_190 = arith.cmpi slt, %scan3A_173, %lt3A_189 : i32
      %convert_element_type3A_191 = arith.extui %lt3A_190 : i1 to i32
      %cond3A_192 = arith.constant 0 : i32
      %cond3A_193 = arith.cmpi ne, %convert_element_type3A_191, %cond3A_192 : i32
      scf.if %cond3A_193 {
        %add3A_204 = arith.constant 2 : i32
        %add3A_205 = arith.addi %mul3A_175, %add3A_204 : i32
        %dma_start3A_206 = arith.constant 0 : i32
        %dma_start3A_207 = tpu.memref_slice %arg7[%add3A_205, %dma_start3A_206] : memref<40x125xi32, #tpu.memory_space<vmem>> -> memref<1x125xi32, #tpu.memory_space<vmem>>
        %dma_start3A_208 = tpu.memref_squeeze %dma_start3A_207 : memref<1x125xi32, #tpu.memory_space<vmem>> -> memref<125xi32, #tpu.memory_space<vmem>>
        %dma_start3A_209 = arith.constant 0 : i32
        %dma_start3A_210 = arith.constant 0 : i32
        %dma_start3A_211 = tpu.memref_slice %arg2[%dma_start3A_209, %dma_start3A_210] : memref<30000x128xf32, #tpu.memory_space<hbm>> -> memref<30000x128xf32, #tpu.memory_space<hbm>>
        tpu.enqueue_indirect_dma source(%dma_start3A_211 : memref<30000x128xf32, #tpu.memory_space<hbm>>) target(%arg9 : memref<125x128xf32, #tpu.memory_space<vmem>>) offsets(%dma_start3A_208 : memref<125xi32, #tpu.memory_space<vmem>>) semaphore(%arg12 : memref<!tpu.dma_semaphore, #tpu.memory_space<semaphore_mem>>)
      } else {
      }
      %add3A_194 = arith.constant 1 : i32
      %add3A_195 = arith.addi %mul3A_175, %add3A_194 : i32
      %dma_wait3A_196 = arith.constant 0 : i32
      %dma_wait3A_197 = tpu.memref_slice %arg7[%add3A_195, %dma_wait3A_196] : memref<40x125xi32, #tpu.memory_space<vmem>> -> memref<1x125xi32, #tpu.memory_space<vmem>>
      %dma_wait3A_198 = tpu.memref_squeeze %dma_wait3A_197 : memref<1x125xi32, #tpu.memory_space<vmem>> -> memref<125xi32, #tpu.memory_space<vmem>>
      %dma_wait3A_199 = arith.constant 0 : i32
      %dma_wait3A_200 = arith.constant 0 : i32
      %dma_wait3A_201 = tpu.memref_slice %arg2[%dma_wait3A_199, %dma_wait3A_200] : memref<30000x128xf32, #tpu.memory_space<hbm>> -> memref<30000x128xf32, #tpu.memory_space<hbm>>
      tpu.wait_indirect_dma semaphore(%arg13 : memref<!tpu.dma_semaphore, #tpu.memory_space<semaphore_mem>>) src(%dma_wait3A_201 : memref<30000x128xf32, #tpu.memory_space<hbm>>) dst(%arg10 : memref<125x128xf32, #tpu.memory_space<vmem>>)
      %add3A_202 = arith.constant 1 : i32
      %add3A_203 = arith.addi %mul3A_175, %add3A_202 : i32
      "tpu.region"() ({
        %run_scoped3A_204 = tpu.sem_alloc : memref<!tpu.dma_semaphore, #tpu.memory_space<semaphore_mem>>
        %dma_start3A_205 = arith.constant 0 : i32
        %dma_start3A_206 = tpu.memref_slice %arg8[%add3A_203, %dma_start3A_205] : memref<40x125xi32, #tpu.memory_space<vmem>> -> memref<1x125xi32, #tpu.memory_space<vmem>>
        %dma_start3A_207 = tpu.memref_squeeze %dma_start3A_206 : memref<1x125xi32, #tpu.memory_space<vmem>> -> memref<125xi32, #tpu.memory_space<vmem>>
        %dma_start3A_208 = arith.constant 0 : i32
        %dma_start3A_209 = arith.constant 0 : i32
        %dma_start3A_210 = tpu.memref_slice %arg11[%dma_start3A_208, %dma_start3A_209] : memref<10240x128xf32, #tpu.memory_space<vmem_shared>> -> memref<10240x128xf32, #tpu.memory_space<vmem_shared>>
        tpu.enqueue_indirect_dma source(%arg10 : memref<125x128xf32, #tpu.memory_space<vmem>>) target(%dma_start3A_210 : memref<10240x128xf32, #tpu.memory_space<vmem_shared>>) offsets(%dma_start3A_207 : memref<125xi32, #tpu.memory_space<vmem>>) semaphore(%run_scoped3A_204 : memref<!tpu.dma_semaphore, #tpu.memory_space<semaphore_mem>>) {add = true}
        %dma_wait3A_211 = arith.constant 0 : i32
        %dma_wait3A_212 = tpu.memref_slice %arg8[%add3A_203, %dma_wait3A_211] : memref<40x125xi32, #tpu.memory_space<vmem>> -> memref<1x125xi32, #tpu.memory_space<vmem>>
        %dma_wait3A_213 = tpu.memref_squeeze %dma_wait3A_212 : memref<1x125xi32, #tpu.memory_space<vmem>> -> memref<125xi32, #tpu.memory_space<vmem>>
        %dma_wait3A_214 = arith.constant 0 : i32
        %dma_wait3A_215 = arith.constant 0 : i32
        %dma_wait3A_216 = tpu.memref_slice %arg11[%dma_wait3A_214, %dma_wait3A_215] : memref<10240x128xf32, #tpu.memory_space<vmem_shared>> -> memref<10240x128xf32, #tpu.memory_space<vmem_shared>>
        tpu.wait_indirect_dma semaphore(%run_scoped3A_204 : memref<!tpu.dma_semaphore, #tpu.memory_space<semaphore_mem>>) src(%arg10 : memref<125x128xf32, #tpu.memory_space<vmem>>) dst(%dma_wait3A_216 : memref<10240x128xf32, #tpu.memory_space<vmem_shared>>)
        tpu.yield
      }) : () -> ()
    }
    %scan3A_22 = arith.constant 20 : i32
    %mul3A_23 = arith.constant 80 : i32
    %mul3A_24 = arith.muli %add3A, %mul3A_23 : i32
    %add3A_25 = arith.constant 40 : i32
    %add3A_26 = arith.addi %mul3A_24, %add3A_25 : i32
    %run_scoped3A_27 = arith.constant 0 : i32
    "tpu.region"() ({
      %run_scoped3A_173 = tpu.sem_alloc : memref<!tpu.dma_semaphore, #tpu.memory_space<semaphore_mem>>
      %dma_start3A_174 = arith.constant 0 : i32
      %dma_start3A_175 = tpu.memref_slice %arg3[%run_scoped3A_27, %add3A_26, %dma_start3A_174] : memref<3x2560x125xi32, #tpu.memory_space<hbm>> -> memref<1x40x125xi32, #tpu.memory_space<hbm>>
      %dma_start3A_176 = tpu.memref_squeeze %dma_start3A_175 : memref<1x40x125xi32, #tpu.memory_space<hbm>> -> memref<40x125xi32, #tpu.memory_space<hbm>>
      %dma_start3A_177 = arith.constant 0 : i32
      %dma_start3A_178 = tpu.memref_slice %arg3[%run_scoped3A_27, %add3A_26, %dma_start3A_177] : memref<3x2560x125xi32, #tpu.memory_space<hbm>> -> memref<1x40x125xi32, #tpu.memory_space<hbm>>
      %dma_start3A_179 = tpu.memref_squeeze %dma_start3A_178 : memref<1x40x125xi32, #tpu.memory_space<hbm>> -> memref<40x125xi32, #tpu.memory_space<hbm>>
      tpu.enqueue_dma source(%dma_start3A_179 : memref<40x125xi32, #tpu.memory_space<hbm>>) target(%arg7 : memref<40x125xi32, #tpu.memory_space<vmem>>) target_semaphore(%run_scoped3A_173 : memref<!tpu.dma_semaphore, #tpu.memory_space<semaphore_mem>>)
      %dma_wait3A = arith.constant 0 : i32
      %dma_wait3A_180 = tpu.memref_slice %arg3[%run_scoped3A_27, %add3A_26, %dma_wait3A] : memref<3x2560x125xi32, #tpu.memory_space<hbm>> -> memref<1x40x125xi32, #tpu.memory_space<hbm>>
      %dma_wait3A_181 = tpu.memref_squeeze %dma_wait3A_180 : memref<1x40x125xi32, #tpu.memory_space<hbm>> -> memref<40x125xi32, #tpu.memory_space<hbm>>
      %dma_wait3A_182 = arith.constant 0 : i32
      %dma_wait3A_183 = tpu.memref_slice %arg3[%run_scoped3A_27, %add3A_26, %dma_wait3A_182] : memref<3x2560x125xi32, #tpu.memory_space<hbm>> -> memref<1x40x125xi32, #tpu.memory_space<hbm>>
      %dma_wait3A_184 = tpu.memref_squeeze %dma_wait3A_183 : memref<1x40x125xi32, #tpu.memory_space<hbm>> -> memref<40x125xi32, #tpu.memory_space<hbm>>
      tpu.wait_dma2 semaphore(%run_scoped3A_173 : memref<!tpu.dma_semaphore, #tpu.memory_space<semaphore_mem>>) src(%dma_wait3A_184 : memref<40x125xi32, #tpu.memory_space<hbm>>) dst(%arg7 : memref<40x125xi32, #tpu.memory_space<vmem>>)
      tpu.yield
    }) : () -> ()
    %mul3A_28 = arith.constant 80 : i32
    %mul3A_29 = arith.muli %add3A, %mul3A_28 : i32
    %add3A_30 = arith.constant 40 : i32
    %add3A_31 = arith.addi %mul3A_29, %add3A_30 : i32
    %run_scoped3A_32 = arith.constant 0 : i32
    "tpu.region"() ({
      %run_scoped3A_173 = tpu.sem_alloc : memref<!tpu.dma_semaphore, #tpu.memory_space<semaphore_mem>>
      %dma_start3A_174 = arith.constant 0 : i32
      %dma_start3A_175 = tpu.memref_slice %arg4[%run_scoped3A_32, %add3A_31, %dma_start3A_174] : memref<3x2560x125xi32, #tpu.memory_space<hbm>> -> memref<1x40x125xi32, #tpu.memory_space<hbm>>
      %dma_start3A_176 = tpu.memref_squeeze %dma_start3A_175 : memref<1x40x125xi32, #tpu.memory_space<hbm>> -> memref<40x125xi32, #tpu.memory_space<hbm>>
      %dma_start3A_177 = arith.constant 0 : i32
      %dma_start3A_178 = tpu.memref_slice %arg4[%run_scoped3A_32, %add3A_31, %dma_start3A_177] : memref<3x2560x125xi32, #tpu.memory_space<hbm>> -> memref<1x40x125xi32, #tpu.memory_space<hbm>>
      %dma_start3A_179 = tpu.memref_squeeze %dma_start3A_178 : memref<1x40x125xi32, #tpu.memory_space<hbm>> -> memref<40x125xi32, #tpu.memory_space<hbm>>
      tpu.enqueue_dma source(%dma_start3A_179 : memref<40x125xi32, #tpu.memory_space<hbm>>) target(%arg8 : memref<40x125xi32, #tpu.memory_space<vmem>>) target_semaphore(%run_scoped3A_173 : memref<!tpu.dma_semaphore, #tpu.memory_space<semaphore_mem>>)
      %dma_wait3A = arith.constant 0 : i32
      %dma_wait3A_180 = tpu.memref_slice %arg4[%run_scoped3A_32, %add3A_31, %dma_wait3A] : memref<3x2560x125xi32, #tpu.memory_space<hbm>> -> memref<1x40x125xi32, #tpu.memory_space<hbm>>
      %dma_wait3A_181 = tpu.memref_squeeze %dma_wait3A_180 : memref<1x40x125xi32, #tpu.memory_space<hbm>> -> memref<40x125xi32, #tpu.memory_space<hbm>>
      %dma_wait3A_182 = arith.constant 0 : i32
      %dma_wait3A_183 = tpu.memref_slice %arg4[%run_scoped3A_32, %add3A_31, %dma_wait3A_182] : memref<3x2560x125xi32, #tpu.memory_space<hbm>> -> memref<1x40x125xi32, #tpu.memory_space<hbm>>
      %dma_wait3A_184 = tpu.memref_squeeze %dma_wait3A_183 : memref<1x40x125xi32, #tpu.memory_space<hbm>> -> memref<40x125xi32, #tpu.memory_space<hbm>>
      tpu.wait_dma2 semaphore(%run_scoped3A_173 : memref<!tpu.dma_semaphore, #tpu.memory_space<semaphore_mem>>) src(%dma_wait3A_184 : memref<40x125xi32, #tpu.memory_space<hbm>>) dst(%arg8 : memref<40x125xi32, #tpu.memory_space<vmem>>)
      tpu.yield
    }) : () -> ()
    %dma_start3A_33 = arith.constant 0 : i32
    %dma_start3A_34 = arith.constant 0 : i32
    %dma_start3A_35 = tpu.memref_slice %arg7[%dma_start3A_33, %dma_start3A_34] : memref<40x125xi32, #tpu.memory_space<vmem>> -> memref<1x125xi32, #tpu.memory_space<vmem>>
    %dma_start3A_36 = tpu.memref_squeeze %dma_start3A_35 : memref<1x125xi32, #tpu.memory_space<vmem>> -> memref<125xi32, #tpu.memory_space<vmem>>
    %dma_start3A_37 = arith.constant 0 : i32
    %dma_start3A_38 = arith.constant 0 : i32
    %dma_start3A_39 = tpu.memref_slice %arg2[%dma_start3A_37, %dma_start3A_38] : memref<30000x128xf32, #tpu.memory_space<hbm>> -> memref<30000x128xf32, #tpu.memory_space<hbm>>
    tpu.enqueue_indirect_dma source(%dma_start3A_39 : memref<30000x128xf32, #tpu.memory_space<hbm>>) target(%arg9 : memref<125x128xf32, #tpu.memory_space<vmem>>) offsets(%dma_start3A_36 : memref<125xi32, #tpu.memory_space<vmem>>) semaphore(%arg12 : memref<!tpu.dma_semaphore, #tpu.memory_space<semaphore_mem>>)
    %scan3A_40 = arith.constant 0 : i32
    %scan3A_41 = arith.constant 0 : i32
    %scan3A_42 = arith.constant 20 : i32
    %scan3A_43 = arith.addi %scan3A_41, %scan3A_42 : i32
    %scan3A_44 = arith.constant 1 : i32
    scf.for %scan3A_173 = %scan3A_41 to %scan3A_43 step %scan3A_44  : i32 {
      %mul3A_174 = arith.constant 2 : i32
      %mul3A_175 = arith.muli %mul3A_174, %scan3A_173 : i32
      %add3A_176 = arith.constant 1 : i32
      %add3A_177 = arith.addi %mul3A_175, %add3A_176 : i32
      %dma_start3A_178 = arith.constant 0 : i32
      %dma_start3A_179 = tpu.memref_slice %arg7[%add3A_177, %dma_start3A_178] : memref<40x125xi32, #tpu.memory_space<vmem>> -> memref<1x125xi32, #tpu.memory_space<vmem>>
      %dma_start3A_180 = tpu.memref_squeeze %dma_start3A_179 : memref<1x125xi32, #tpu.memory_space<vmem>> -> memref<125xi32, #tpu.memory_space<vmem>>
      %dma_start3A_181 = arith.constant 0 : i32
      %dma_start3A_182 = arith.constant 0 : i32
      %dma_start3A_183 = tpu.memref_slice %arg2[%dma_start3A_181, %dma_start3A_182] : memref<30000x128xf32, #tpu.memory_space<hbm>> -> memref<30000x128xf32, #tpu.memory_space<hbm>>
      tpu.enqueue_indirect_dma source(%dma_start3A_183 : memref<30000x128xf32, #tpu.memory_space<hbm>>) target(%arg10 : memref<125x128xf32, #tpu.memory_space<vmem>>) offsets(%dma_start3A_180 : memref<125xi32, #tpu.memory_space<vmem>>) semaphore(%arg13 : memref<!tpu.dma_semaphore, #tpu.memory_space<semaphore_mem>>)
      %dma_wait3A = arith.constant 0 : i32
      %dma_wait3A_184 = tpu.memref_slice %arg7[%mul3A_175, %dma_wait3A] : memref<40x125xi32, #tpu.memory_space<vmem>> -> memref<1x125xi32, #tpu.memory_space<vmem>>
      %dma_wait3A_185 = tpu.memref_squeeze %dma_wait3A_184 : memref<1x125xi32, #tpu.memory_space<vmem>> -> memref<125xi32, #tpu.memory_space<vmem>>
      %dma_wait3A_186 = arith.constant 0 : i32
      %dma_wait3A_187 = arith.constant 0 : i32
      %dma_wait3A_188 = tpu.memref_slice %arg2[%dma_wait3A_186, %dma_wait3A_187] : memref<30000x128xf32, #tpu.memory_space<hbm>> -> memref<30000x128xf32, #tpu.memory_space<hbm>>
      tpu.wait_indirect_dma semaphore(%arg12 : memref<!tpu.dma_semaphore, #tpu.memory_space<semaphore_mem>>) src(%dma_wait3A_188 : memref<30000x128xf32, #tpu.memory_space<hbm>>) dst(%arg9 : memref<125x128xf32, #tpu.memory_space<vmem>>)
      "tpu.region"() ({
        %run_scoped3A_204 = tpu.sem_alloc : memref<!tpu.dma_semaphore, #tpu.memory_space<semaphore_mem>>
        %dma_start3A_205 = arith.constant 0 : i32
        %dma_start3A_206 = tpu.memref_slice %arg8[%mul3A_175, %dma_start3A_205] : memref<40x125xi32, #tpu.memory_space<vmem>> -> memref<1x125xi32, #tpu.memory_space<vmem>>
        %dma_start3A_207 = tpu.memref_squeeze %dma_start3A_206 : memref<1x125xi32, #tpu.memory_space<vmem>> -> memref<125xi32, #tpu.memory_space<vmem>>
        %dma_start3A_208 = arith.constant 0 : i32
        %dma_start3A_209 = arith.constant 0 : i32
        %dma_start3A_210 = tpu.memref_slice %arg11[%dma_start3A_208, %dma_start3A_209] : memref<10240x128xf32, #tpu.memory_space<vmem_shared>> -> memref<10240x128xf32, #tpu.memory_space<vmem_shared>>
        tpu.enqueue_indirect_dma source(%arg9 : memref<125x128xf32, #tpu.memory_space<vmem>>) target(%dma_start3A_210 : memref<10240x128xf32, #tpu.memory_space<vmem_shared>>) offsets(%dma_start3A_207 : memref<125xi32, #tpu.memory_space<vmem>>) semaphore(%run_scoped3A_204 : memref<!tpu.dma_semaphore, #tpu.memory_space<semaphore_mem>>) {add = true}
        %dma_wait3A_211 = arith.constant 0 : i32
        %dma_wait3A_212 = tpu.memref_slice %arg8[%mul3A_175, %dma_wait3A_211] : memref<40x125xi32, #tpu.memory_space<vmem>> -> memref<1x125xi32, #tpu.memory_space<vmem>>
        %dma_wait3A_213 = tpu.memref_squeeze %dma_wait3A_212 : memref<1x125xi32, #tpu.memory_space<vmem>> -> memref<125xi32, #tpu.memory_space<vmem>>
        %dma_wait3A_214 = arith.constant 0 : i32
        %dma_wait3A_215 = arith.constant 0 : i32
        %dma_wait3A_216 = tpu.memref_slice %arg11[%dma_wait3A_214, %dma_wait3A_215] : memref<10240x128xf32, #tpu.memory_space<vmem_shared>> -> memref<10240x128xf32, #tpu.memory_space<vmem_shared>>
        tpu.wait_indirect_dma semaphore(%run_scoped3A_204 : memref<!tpu.dma_semaphore, #tpu.memory_space<semaphore_mem>>) src(%arg9 : memref<125x128xf32, #tpu.memory_space<vmem>>) dst(%dma_wait3A_216 : memref<10240x128xf32, #tpu.memory_space<vmem_shared>>)
        tpu.yield
      }) : () -> ()
      %lt3A_189 = arith.constant 19 : i32
      %lt3A_190 = arith.cmpi slt, %scan3A_173, %lt3A_189 : i32
      %convert_element_type3A_191 = arith.extui %lt3A_190 : i1 to i32
      %cond3A_192 = arith.constant 0 : i32
      %cond3A_193 = arith.cmpi ne, %convert_element_type3A_191, %cond3A_192 : i32
      scf.if %cond3A_193 {
        %add3A_204 = arith.constant 2 : i32
        %add3A_205 = arith.addi %mul3A_175, %add3A_204 : i32
        %dma_start3A_206 = arith.constant 0 : i32
        %dma_start3A_207 = tpu.memref_slice %arg7[%add3A_205, %dma_start3A_206] : memref<40x125xi32, #tpu.memory_space<vmem>> -> memref<1x125xi32, #tpu.memory_space<vmem>>
        %dma_start3A_208 = tpu.memref_squeeze %dma_start3A_207 : memref<1x125xi32, #tpu.memory_space<vmem>> -> memref<125xi32, #tpu.memory_space<vmem>>
        %dma_start3A_209 = arith.constant 0 : i32
        %dma_start3A_210 = arith.constant 0 : i32
        %dma_start3A_211 = tpu.memref_slice %arg2[%dma_start3A_209, %dma_start3A_210] : memref<30000x128xf32, #tpu.memory_space<hbm>> -> memref<30000x128xf32, #tpu.memory_space<hbm>>
        tpu.enqueue_indirect_dma source(%dma_start3A_211 : memref<30000x128xf32, #tpu.memory_space<hbm>>) target(%arg9 : memref<125x128xf32, #tpu.memory_space<vmem>>) offsets(%dma_start3A_208 : memref<125xi32, #tpu.memory_space<vmem>>) semaphore(%arg12 : memref<!tpu.dma_semaphore, #tpu.memory_space<semaphore_mem>>)
      } else {
      }
      %add3A_194 = arith.constant 1 : i32
      %add3A_195 = arith.addi %mul3A_175, %add3A_194 : i32
      %dma_wait3A_196 = arith.constant 0 : i32
      %dma_wait3A_197 = tpu.memref_slice %arg7[%add3A_195, %dma_wait3A_196] : memref<40x125xi32, #tpu.memory_space<vmem>> -> memref<1x125xi32, #tpu.memory_space<vmem>>
      %dma_wait3A_198 = tpu.memref_squeeze %dma_wait3A_197 : memref<1x125xi32, #tpu.memory_space<vmem>> -> memref<125xi32, #tpu.memory_space<vmem>>
      %dma_wait3A_199 = arith.constant 0 : i32
      %dma_wait3A_200 = arith.constant 0 : i32
      %dma_wait3A_201 = tpu.memref_slice %arg2[%dma_wait3A_199, %dma_wait3A_200] : memref<30000x128xf32, #tpu.memory_space<hbm>> -> memref<30000x128xf32, #tpu.memory_space<hbm>>
      tpu.wait_indirect_dma semaphore(%arg13 : memref<!tpu.dma_semaphore, #tpu.memory_space<semaphore_mem>>) src(%dma_wait3A_201 : memref<30000x128xf32, #tpu.memory_space<hbm>>) dst(%arg10 : memref<125x128xf32, #tpu.memory_space<vmem>>)
      %add3A_202 = arith.constant 1 : i32
      %add3A_203 = arith.addi %mul3A_175, %add3A_202 : i32
      "tpu.region"() ({
        %run_scoped3A_204 = tpu.sem_alloc : memref<!tpu.dma_semaphore, #tpu.memory_space<semaphore_mem>>
        %dma_start3A_205 = arith.constant 0 : i32
        %dma_start3A_206 = tpu.memref_slice %arg8[%add3A_203, %dma_start3A_205] : memref<40x125xi32, #tpu.memory_space<vmem>> -> memref<1x125xi32, #tpu.memory_space<vmem>>
        %dma_start3A_207 = tpu.memref_squeeze %dma_start3A_206 : memref<1x125xi32, #tpu.memory_space<vmem>> -> memref<125xi32, #tpu.memory_space<vmem>>
        %dma_start3A_208 = arith.constant 0 : i32
        %dma_start3A_209 = arith.constant 0 : i32
        %dma_start3A_210 = tpu.memref_slice %arg11[%dma_start3A_208, %dma_start3A_209] : memref<10240x128xf32, #tpu.memory_space<vmem_shared>> -> memref<10240x128xf32, #tpu.memory_space<vmem_shared>>
        tpu.enqueue_indirect_dma source(%arg10 : memref<125x128xf32, #tpu.memory_space<vmem>>) target(%dma_start3A_210 : memref<10240x128xf32, #tpu.memory_space<vmem_shared>>) offsets(%dma_start3A_207 : memref<125xi32, #tpu.memory_space<vmem>>) semaphore(%run_scoped3A_204 : memref<!tpu.dma_semaphore, #tpu.memory_space<semaphore_mem>>) {add = true}
        %dma_wait3A_211 = arith.constant 0 : i32
        %dma_wait3A_212 = tpu.memref_slice %arg8[%add3A_203, %dma_wait3A_211] : memref<40x125xi32, #tpu.memory_space<vmem>> -> memref<1x125xi32, #tpu.memory_space<vmem>>
        %dma_wait3A_213 = tpu.memref_squeeze %dma_wait3A_212 : memref<1x125xi32, #tpu.memory_space<vmem>> -> memref<125xi32, #tpu.memory_space<vmem>>
        %dma_wait3A_214 = arith.constant 0 : i32
        %dma_wait3A_215 = arith.constant 0 : i32
        %dma_wait3A_216 = tpu.memref_slice %arg11[%dma_wait3A_214, %dma_wait3A_215] : memref<10240x128xf32, #tpu.memory_space<vmem_shared>> -> memref<10240x128xf32, #tpu.memory_space<vmem_shared>>
        tpu.wait_indirect_dma semaphore(%run_scoped3A_204 : memref<!tpu.dma_semaphore, #tpu.memory_space<semaphore_mem>>) src(%arg10 : memref<125x128xf32, #tpu.memory_space<vmem>>) dst(%dma_wait3A_216 : memref<10240x128xf32, #tpu.memory_space<vmem_shared>>)
        tpu.yield
      }) : () -> ()
    }
    %scan3A_45 = arith.constant 20 : i32
    %barrier3A_46 = arith.constant 0 : index
    tpu.barrier barrier_id(%barrier3A_46)
    %lt3A = arith.constant 15 : i32
    %lt3A_47 = arith.cmpi slt, %arg1, %lt3A : i32
    %convert_element_type3A = arith.extui %lt3A_47 : i1 to i32
    %cond3A = arith.constant 0 : i32
    %cond3A_48 = arith.cmpi ne, %convert_element_type3A, %cond3A : i32
    scf.if %cond3A_48 {
      %mul3A_173 = arith.constant 640 : i32
      %mul3A_174 = arith.muli %arg1, %mul3A_173 : i32
      %mul3A_175 = arith.constant 640 : i32
      %mul3A_176 = arith.muli %arg1, %mul3A_175 : i32
      %run_scoped3A_177 = arith.constant 0 : i32
      "tpu.region"() ({
        %run_scoped3A_178 = tpu.sem_alloc : memref<!tpu.dma_semaphore, #tpu.memory_space<semaphore_mem>>
        %dma_start3A_179 = arith.constant 0 : i32
        %dma_start3A_180 = tpu.memref_slice %arg6[%arg0, %run_scoped3A_177, %mul3A_176, %dma_start3A_179] : memref<2x3x10000x128xf32, #tpu.memory_space<hbm>> -> memref<1x1x640x128xf32, #tpu.memory_space<hbm>>
        %dma_start3A_181 = tpu.memref_squeeze %dma_start3A_180 : memref<1x1x640x128xf32, #tpu.memory_space<hbm>> -> memref<640x128xf32, #tpu.memory_space<hbm>>
        %dma_start3A_182 = arith.constant 0 : i32
        %dma_start3A_183 = tpu.memref_slice %arg11[%mul3A_174, %dma_start3A_182] : memref<10240x128xf32, #tpu.memory_space<vmem_shared>> -> memref<640x128xf32, #tpu.memory_space<vmem_shared>>
        tpu.enqueue_dma source(%dma_start3A_183 : memref<640x128xf32, #tpu.memory_space<vmem_shared>>) target(%dma_start3A_181 : memref<640x128xf32, #tpu.memory_space<hbm>>) target_semaphore(%run_scoped3A_178 : memref<!tpu.dma_semaphore, #tpu.memory_space<semaphore_mem>>)
        %dma_wait3A = arith.constant 0 : i32
        %dma_wait3A_184 = tpu.memref_slice %arg6[%arg0, %run_scoped3A_177, %mul3A_176, %dma_wait3A] : memref<2x3x10000x128xf32, #tpu.memory_space<hbm>> -> memref<1x1x640x128xf32, #tpu.memory_space<hbm>>
        %dma_wait3A_185 = tpu.memref_squeeze %dma_wait3A_184 : memref<1x1x640x128xf32, #tpu.memory_space<hbm>> -> memref<640x128xf32, #tpu.memory_space<hbm>>
        %dma_wait3A_186 = arith.constant 0 : i32
        %dma_wait3A_187 = tpu.memref_slice %arg11[%mul3A_174, %dma_wait3A_186] : memref<10240x128xf32, #tpu.memory_space<vmem_shared>> -> memref<640x128xf32, #tpu.memory_space<vmem_shared>>
        tpu.wait_dma2 semaphore(%run_scoped3A_178 : memref<!tpu.dma_semaphore, #tpu.memory_space<semaphore_mem>>) src(%dma_wait3A_187 : memref<640x128xf32, #tpu.memory_space<vmem_shared>>) dst(%dma_wait3A_185 : memref<640x128xf32, #tpu.memory_space<hbm>>)
        tpu.yield
      }) : () -> ()
    } else {
    }
    %eq3A = arith.constant 15 : i32
    %eq3A_49 = arith.cmpi eq, %arg1, %eq3A : i32
    %convert_element_type3A_50 = arith.extui %eq3A_49 : i1 to i32
    %cond3A_51 = arith.constant 0 : i32
    %cond3A_52 = arith.cmpi ne, %convert_element_type3A_50, %cond3A_51 : i32
    scf.if %cond3A_52 {
      %run_scoped3A_173 = arith.constant 0 : i32
      "tpu.region"() ({
        %run_scoped3A_174 = tpu.sem_alloc : memref<!tpu.dma_semaphore, #tpu.memory_space<semaphore_mem>>
        %dma_start3A_175 = arith.constant 9600 : i32
        %dma_start3A_176 = arith.constant 0 : i32
        %dma_start3A_177 = tpu.memref_slice %arg6[%arg0, %run_scoped3A_173, %dma_start3A_175, %dma_start3A_176] : memref<2x3x10000x128xf32, #tpu.memory_space<hbm>> -> memref<1x1x400x128xf32, #tpu.memory_space<hbm>>
        %dma_start3A_178 = tpu.memref_squeeze %dma_start3A_177 : memref<1x1x400x128xf32, #tpu.memory_space<hbm>> -> memref<400x128xf32, #tpu.memory_space<hbm>>
        %dma_start3A_179 = arith.constant 9600 : i32
        %dma_start3A_180 = arith.constant 0 : i32
        %dma_start3A_181 = tpu.memref_slice %arg11[%dma_start3A_179, %dma_start3A_180] : memref<10240x128xf32, #tpu.memory_space<vmem_shared>> -> memref<400x128xf32, #tpu.memory_space<vmem_shared>>
        tpu.enqueue_dma source(%dma_start3A_181 : memref<400x128xf32, #tpu.memory_space<vmem_shared>>) target(%dma_start3A_178 : memref<400x128xf32, #tpu.memory_space<hbm>>) target_semaphore(%run_scoped3A_174 : memref<!tpu.dma_semaphore, #tpu.memory_space<semaphore_mem>>)
        %dma_wait3A = arith.constant 9600 : i32
        %dma_wait3A_182 = arith.constant 0 : i32
        %dma_wait3A_183 = tpu.memref_slice %arg6[%arg0, %run_scoped3A_173, %dma_wait3A, %dma_wait3A_182] : memref<2x3x10000x128xf32, #tpu.memory_space<hbm>> -> memref<1x1x400x128xf32, #tpu.memory_space<hbm>>
        %dma_wait3A_184 = tpu.memref_squeeze %dma_wait3A_183 : memref<1x1x400x128xf32, #tpu.memory_space<hbm>> -> memref<400x128xf32, #tpu.memory_space<hbm>>
        %dma_wait3A_185 = arith.constant 9600 : i32
        %dma_wait3A_186 = arith.constant 0 : i32
        %dma_wait3A_187 = tpu.memref_slice %arg11[%dma_wait3A_185, %dma_wait3A_186] : memref<10240x128xf32, #tpu.memory_space<vmem_shared>> -> memref<400x128xf32, #tpu.memory_space<vmem_shared>>
        tpu.wait_dma2 semaphore(%run_scoped3A_174 : memref<!tpu.dma_semaphore, #tpu.memory_space<semaphore_mem>>) src(%dma_wait3A_187 : memref<400x128xf32, #tpu.memory_space<vmem_shared>>) dst(%dma_wait3A_184 : memref<400x128xf32, #tpu.memory_space<hbm>>)
        tpu.yield
      }) : () -> ()
    } else {
    }
    %mul3A_53 = arith.constant 640 : i32
    %mul3A_54 = arith.muli %arg1, %mul3A_53 : i32
    "tpu.region"() ({
      %run_scoped3A_173 = tpu.sem_alloc : memref<!tpu.dma_semaphore, #tpu.memory_space<semaphore_mem>>
      %dma_start3A_174 = arith.constant 0 : i32
      %dma_start3A_175 = tpu.memref_slice %arg11[%mul3A_54, %dma_start3A_174] : memref<10240x128xf32, #tpu.memory_space<vmem_shared>> -> memref<640x128xf32, #tpu.memory_space<vmem_shared>>
      tpu.enqueue_dma source(%arg5 : memref<640x128xf32, #tpu.memory_space<hbm>>) target(%dma_start3A_175 : memref<640x128xf32, #tpu.memory_space<vmem_shared>>) target_semaphore(%run_scoped3A_173 : memref<!tpu.dma_semaphore, #tpu.memory_space<semaphore_mem>>)
      %dma_wait3A = arith.constant 0 : i32
      %dma_wait3A_176 = tpu.memref_slice %arg11[%mul3A_54, %dma_wait3A] : memref<10240x128xf32, #tpu.memory_space<vmem_shared>> -> memref<640x128xf32, #tpu.memory_space<vmem_shared>>
      tpu.wait_dma2 semaphore(%run_scoped3A_173 : memref<!tpu.dma_semaphore, #tpu.memory_space<semaphore_mem>>) src(%arg5 : memref<640x128xf32, #tpu.memory_space<hbm>>) dst(%dma_wait3A_176 : memref<640x128xf32, #tpu.memory_space<vmem_shared>>)
      tpu.yield
    }) : () -> ()
    %barrier3A_55 = arith.constant 0 : index
    tpu.barrier barrier_id(%barrier3A_55)
    %mul3A_56 = arith.constant 80 : i32
    %mul3A_57 = arith.muli %add3A, %mul3A_56 : i32
    %add3A_58 = arith.constant 0 : i32
    %add3A_59 = arith.addi %mul3A_57, %add3A_58 : i32
    %run_scoped3A_60 = arith.constant 1 : i32
    "tpu.region"() ({
      %run_scoped3A_173 = tpu.sem_alloc : memref<!tpu.dma_semaphore, #tpu.memory_space<semaphore_mem>>
      %dma_start3A_174 = arith.constant 0 : i32
      %dma_start3A_175 = tpu.memref_slice %arg3[%run_scoped3A_60, %add3A_59, %dma_start3A_174] : memref<3x2560x125xi32, #tpu.memory_space<hbm>> -> memref<1x40x125xi32, #tpu.memory_space<hbm>>
      %dma_start3A_176 = tpu.memref_squeeze %dma_start3A_175 : memref<1x40x125xi32, #tpu.memory_space<hbm>> -> memref<40x125xi32, #tpu.memory_space<hbm>>
      %dma_start3A_177 = arith.constant 0 : i32
      %dma_start3A_178 = tpu.memref_slice %arg3[%run_scoped3A_60, %add3A_59, %dma_start3A_177] : memref<3x2560x125xi32, #tpu.memory_space<hbm>> -> memref<1x40x125xi32, #tpu.memory_space<hbm>>
      %dma_start3A_179 = tpu.memref_squeeze %dma_start3A_178 : memref<1x40x125xi32, #tpu.memory_space<hbm>> -> memref<40x125xi32, #tpu.memory_space<hbm>>
      tpu.enqueue_dma source(%dma_start3A_179 : memref<40x125xi32, #tpu.memory_space<hbm>>) target(%arg7 : memref<40x125xi32, #tpu.memory_space<vmem>>) target_semaphore(%run_scoped3A_173 : memref<!tpu.dma_semaphore, #tpu.memory_space<semaphore_mem>>)
      %dma_wait3A = arith.constant 0 : i32
      %dma_wait3A_180 = tpu.memref_slice %arg3[%run_scoped3A_60, %add3A_59, %dma_wait3A] : memref<3x2560x125xi32, #tpu.memory_space<hbm>> -> memref<1x40x125xi32, #tpu.memory_space<hbm>>
      %dma_wait3A_181 = tpu.memref_squeeze %dma_wait3A_180 : memref<1x40x125xi32, #tpu.memory_space<hbm>> -> memref<40x125xi32, #tpu.memory_space<hbm>>
      %dma_wait3A_182 = arith.constant 0 : i32
      %dma_wait3A_183 = tpu.memref_slice %arg3[%run_scoped3A_60, %add3A_59, %dma_wait3A_182] : memref<3x2560x125xi32, #tpu.memory_space<hbm>> -> memref<1x40x125xi32, #tpu.memory_space<hbm>>
      %dma_wait3A_184 = tpu.memref_squeeze %dma_wait3A_183 : memref<1x40x125xi32, #tpu.memory_space<hbm>> -> memref<40x125xi32, #tpu.memory_space<hbm>>
      tpu.wait_dma2 semaphore(%run_scoped3A_173 : memref<!tpu.dma_semaphore, #tpu.memory_space<semaphore_mem>>) src(%dma_wait3A_184 : memref<40x125xi32, #tpu.memory_space<hbm>>) dst(%arg7 : memref<40x125xi32, #tpu.memory_space<vmem>>)
      tpu.yield
    }) : () -> ()
    %mul3A_61 = arith.constant 80 : i32
    %mul3A_62 = arith.muli %add3A, %mul3A_61 : i32
    %add3A_63 = arith.constant 0 : i32
    %add3A_64 = arith.addi %mul3A_62, %add3A_63 : i32
    %run_scoped3A_65 = arith.constant 1 : i32
    "tpu.region"() ({
      %run_scoped3A_173 = tpu.sem_alloc : memref<!tpu.dma_semaphore, #tpu.memory_space<semaphore_mem>>
      %dma_start3A_174 = arith.constant 0 : i32
      %dma_start3A_175 = tpu.memref_slice %arg4[%run_scoped3A_65, %add3A_64, %dma_start3A_174] : memref<3x2560x125xi32, #tpu.memory_space<hbm>> -> memref<1x40x125xi32, #tpu.memory_space<hbm>>
      %dma_start3A_176 = tpu.memref_squeeze %dma_start3A_175 : memref<1x40x125xi32, #tpu.memory_space<hbm>> -> memref<40x125xi32, #tpu.memory_space<hbm>>
      %dma_start3A_177 = arith.constant 0 : i32
      %dma_start3A_178 = tpu.memref_slice %arg4[%run_scoped3A_65, %add3A_64, %dma_start3A_177] : memref<3x2560x125xi32, #tpu.memory_space<hbm>> -> memref<1x40x125xi32, #tpu.memory_space<hbm>>
      %dma_start3A_179 = tpu.memref_squeeze %dma_start3A_178 : memref<1x40x125xi32, #tpu.memory_space<hbm>> -> memref<40x125xi32, #tpu.memory_space<hbm>>
      tpu.enqueue_dma source(%dma_start3A_179 : memref<40x125xi32, #tpu.memory_space<hbm>>) target(%arg8 : memref<40x125xi32, #tpu.memory_space<vmem>>) target_semaphore(%run_scoped3A_173 : memref<!tpu.dma_semaphore, #tpu.memory_space<semaphore_mem>>)
      %dma_wait3A = arith.constant 0 : i32
      %dma_wait3A_180 = tpu.memref_slice %arg4[%run_scoped3A_65, %add3A_64, %dma_wait3A] : memref<3x2560x125xi32, #tpu.memory_space<hbm>> -> memref<1x40x125xi32, #tpu.memory_space<hbm>>
      %dma_wait3A_181 = tpu.memref_squeeze %dma_wait3A_180 : memref<1x40x125xi32, #tpu.memory_space<hbm>> -> memref<40x125xi32, #tpu.memory_space<hbm>>
      %dma_wait3A_182 = arith.constant 0 : i32
      %dma_wait3A_183 = tpu.memref_slice %arg4[%run_scoped3A_65, %add3A_64, %dma_wait3A_182] : memref<3x2560x125xi32, #tpu.memory_space<hbm>> -> memref<1x40x125xi32, #tpu.memory_space<hbm>>
      %dma_wait3A_184 = tpu.memref_squeeze %dma_wait3A_183 : memref<1x40x125xi32, #tpu.memory_space<hbm>> -> memref<40x125xi32, #tpu.memory_space<hbm>>
      tpu.wait_dma2 semaphore(%run_scoped3A_173 : memref<!tpu.dma_semaphore, #tpu.memory_space<semaphore_mem>>) src(%dma_wait3A_184 : memref<40x125xi32, #tpu.memory_space<hbm>>) dst(%arg8 : memref<40x125xi32, #tpu.memory_space<vmem>>)
      tpu.yield
    }) : () -> ()
    %dma_start3A_66 = arith.constant 0 : i32
    %dma_start3A_67 = arith.constant 0 : i32
    %dma_start3A_68 = tpu.memref_slice %arg7[%dma_start3A_66, %dma_start3A_67] : memref<40x125xi32, #tpu.memory_space<vmem>> -> memref<1x125xi32, #tpu.memory_space<vmem>>
    %dma_start3A_69 = tpu.memref_squeeze %dma_start3A_68 : memref<1x125xi32, #tpu.memory_space<vmem>> -> memref<125xi32, #tpu.memory_space<vmem>>
    %dma_start3A_70 = arith.constant 0 : i32
    %dma_start3A_71 = arith.constant 0 : i32
    %dma_start3A_72 = tpu.memref_slice %arg2[%dma_start3A_70, %dma_start3A_71] : memref<30000x128xf32, #tpu.memory_space<hbm>> -> memref<30000x128xf32, #tpu.memory_space<hbm>>
    tpu.enqueue_indirect_dma source(%dma_start3A_72 : memref<30000x128xf32, #tpu.memory_space<hbm>>) target(%arg9 : memref<125x128xf32, #tpu.memory_space<vmem>>) offsets(%dma_start3A_69 : memref<125xi32, #tpu.memory_space<vmem>>) semaphore(%arg12 : memref<!tpu.dma_semaphore, #tpu.memory_space<semaphore_mem>>)
    %scan3A_73 = arith.constant 0 : i32
    %scan3A_74 = arith.constant 0 : i32
    %scan3A_75 = arith.constant 20 : i32
    %scan3A_76 = arith.addi %scan3A_74, %scan3A_75 : i32
    %scan3A_77 = arith.constant 1 : i32
    scf.for %scan3A_173 = %scan3A_74 to %scan3A_76 step %scan3A_77  : i32 {
      %mul3A_174 = arith.constant 2 : i32
      %mul3A_175 = arith.muli %mul3A_174, %scan3A_173 : i32
      %add3A_176 = arith.constant 1 : i32
      %add3A_177 = arith.addi %mul3A_175, %add3A_176 : i32
      %dma_start3A_178 = arith.constant 0 : i32
      %dma_start3A_179 = tpu.memref_slice %arg7[%add3A_177, %dma_start3A_178] : memref<40x125xi32, #tpu.memory_space<vmem>> -> memref<1x125xi32, #tpu.memory_space<vmem>>
      %dma_start3A_180 = tpu.memref_squeeze %dma_start3A_179 : memref<1x125xi32, #tpu.memory_space<vmem>> -> memref<125xi32, #tpu.memory_space<vmem>>
      %dma_start3A_181 = arith.constant 0 : i32
      %dma_start3A_182 = arith.constant 0 : i32
      %dma_start3A_183 = tpu.memref_slice %arg2[%dma_start3A_181, %dma_start3A_182] : memref<30000x128xf32, #tpu.memory_space<hbm>> -> memref<30000x128xf32, #tpu.memory_space<hbm>>
      tpu.enqueue_indirect_dma source(%dma_start3A_183 : memref<30000x128xf32, #tpu.memory_space<hbm>>) target(%arg10 : memref<125x128xf32, #tpu.memory_space<vmem>>) offsets(%dma_start3A_180 : memref<125xi32, #tpu.memory_space<vmem>>) semaphore(%arg13 : memref<!tpu.dma_semaphore, #tpu.memory_space<semaphore_mem>>)
      %dma_wait3A = arith.constant 0 : i32
      %dma_wait3A_184 = tpu.memref_slice %arg7[%mul3A_175, %dma_wait3A] : memref<40x125xi32, #tpu.memory_space<vmem>> -> memref<1x125xi32, #tpu.memory_space<vmem>>
      %dma_wait3A_185 = tpu.memref_squeeze %dma_wait3A_184 : memref<1x125xi32, #tpu.memory_space<vmem>> -> memref<125xi32, #tpu.memory_space<vmem>>
      %dma_wait3A_186 = arith.constant 0 : i32
      %dma_wait3A_187 = arith.constant 0 : i32
      %dma_wait3A_188 = tpu.memref_slice %arg2[%dma_wait3A_186, %dma_wait3A_187] : memref<30000x128xf32, #tpu.memory_space<hbm>> -> memref<30000x128xf32, #tpu.memory_space<hbm>>
      tpu.wait_indirect_dma semaphore(%arg12 : memref<!tpu.dma_semaphore, #tpu.memory_space<semaphore_mem>>) src(%dma_wait3A_188 : memref<30000x128xf32, #tpu.memory_space<hbm>>) dst(%arg9 : memref<125x128xf32, #tpu.memory_space<vmem>>)
      "tpu.region"() ({
        %run_scoped3A_204 = tpu.sem_alloc : memref<!tpu.dma_semaphore, #tpu.memory_space<semaphore_mem>>
        %dma_start3A_205 = arith.constant 0 : i32
        %dma_start3A_206 = tpu.memref_slice %arg8[%mul3A_175, %dma_start3A_205] : memref<40x125xi32, #tpu.memory_space<vmem>> -> memref<1x125xi32, #tpu.memory_space<vmem>>
        %dma_start3A_207 = tpu.memref_squeeze %dma_start3A_206 : memref<1x125xi32, #tpu.memory_space<vmem>> -> memref<125xi32, #tpu.memory_space<vmem>>
        %dma_start3A_208 = arith.constant 0 : i32
        %dma_start3A_209 = arith.constant 0 : i32
        %dma_start3A_210 = tpu.memref_slice %arg11[%dma_start3A_208, %dma_start3A_209] : memref<10240x128xf32, #tpu.memory_space<vmem_shared>> -> memref<10240x128xf32, #tpu.memory_space<vmem_shared>>
        tpu.enqueue_indirect_dma source(%arg9 : memref<125x128xf32, #tpu.memory_space<vmem>>) target(%dma_start3A_210 : memref<10240x128xf32, #tpu.memory_space<vmem_shared>>) offsets(%dma_start3A_207 : memref<125xi32, #tpu.memory_space<vmem>>) semaphore(%run_scoped3A_204 : memref<!tpu.dma_semaphore, #tpu.memory_space<semaphore_mem>>) {add = true}
        %dma_wait3A_211 = arith.constant 0 : i32
        %dma_wait3A_212 = tpu.memref_slice %arg8[%mul3A_175, %dma_wait3A_211] : memref<40x125xi32, #tpu.memory_space<vmem>> -> memref<1x125xi32, #tpu.memory_space<vmem>>
        %dma_wait3A_213 = tpu.memref_squeeze %dma_wait3A_212 : memref<1x125xi32, #tpu.memory_space<vmem>> -> memref<125xi32, #tpu.memory_space<vmem>>
        %dma_wait3A_214 = arith.constant 0 : i32
        %dma_wait3A_215 = arith.constant 0 : i32
        %dma_wait3A_216 = tpu.memref_slice %arg11[%dma_wait3A_214, %dma_wait3A_215] : memref<10240x128xf32, #tpu.memory_space<vmem_shared>> -> memref<10240x128xf32, #tpu.memory_space<vmem_shared>>
        tpu.wait_indirect_dma semaphore(%run_scoped3A_204 : memref<!tpu.dma_semaphore, #tpu.memory_space<semaphore_mem>>) src(%arg9 : memref<125x128xf32, #tpu.memory_space<vmem>>) dst(%dma_wait3A_216 : memref<10240x128xf32, #tpu.memory_space<vmem_shared>>)
        tpu.yield
      }) : () -> ()
      %lt3A_189 = arith.constant 19 : i32
      %lt3A_190 = arith.cmpi slt, %scan3A_173, %lt3A_189 : i32
      %convert_element_type3A_191 = arith.extui %lt3A_190 : i1 to i32
      %cond3A_192 = arith.constant 0 : i32
      %cond3A_193 = arith.cmpi ne, %convert_element_type3A_191, %cond3A_192 : i32
      scf.if %cond3A_193 {
        %add3A_204 = arith.constant 2 : i32
        %add3A_205 = arith.addi %mul3A_175, %add3A_204 : i32
        %dma_start3A_206 = arith.constant 0 : i32
        %dma_start3A_207 = tpu.memref_slice %arg7[%add3A_205, %dma_start3A_206] : memref<40x125xi32, #tpu.memory_space<vmem>> -> memref<1x125xi32, #tpu.memory_space<vmem>>
        %dma_start3A_208 = tpu.memref_squeeze %dma_start3A_207 : memref<1x125xi32, #tpu.memory_space<vmem>> -> memref<125xi32, #tpu.memory_space<vmem>>
        %dma_start3A_209 = arith.constant 0 : i32
        %dma_start3A_210 = arith.constant 0 : i32
        %dma_start3A_211 = tpu.memref_slice %arg2[%dma_start3A_209, %dma_start3A_210] : memref<30000x128xf32, #tpu.memory_space<hbm>> -> memref<30000x128xf32, #tpu.memory_space<hbm>>
        tpu.enqueue_indirect_dma source(%dma_start3A_211 : memref<30000x128xf32, #tpu.memory_space<hbm>>) target(%arg9 : memref<125x128xf32, #tpu.memory_space<vmem>>) offsets(%dma_start3A_208 : memref<125xi32, #tpu.memory_space<vmem>>) semaphore(%arg12 : memref<!tpu.dma_semaphore, #tpu.memory_space<semaphore_mem>>)
      } else {
      }
      %add3A_194 = arith.constant 1 : i32
      %add3A_195 = arith.addi %mul3A_175, %add3A_194 : i32
      %dma_wait3A_196 = arith.constant 0 : i32
      %dma_wait3A_197 = tpu.memref_slice %arg7[%add3A_195, %dma_wait3A_196] : memref<40x125xi32, #tpu.memory_space<vmem>> -> memref<1x125xi32, #tpu.memory_space<vmem>>
      %dma_wait3A_198 = tpu.memref_squeeze %dma_wait3A_197 : memref<1x125xi32, #tpu.memory_space<vmem>> -> memref<125xi32, #tpu.memory_space<vmem>>
      %dma_wait3A_199 = arith.constant 0 : i32
      %dma_wait3A_200 = arith.constant 0 : i32
      %dma_wait3A_201 = tpu.memref_slice %arg2[%dma_wait3A_199, %dma_wait3A_200] : memref<30000x128xf32, #tpu.memory_space<hbm>> -> memref<30000x128xf32, #tpu.memory_space<hbm>>
      tpu.wait_indirect_dma semaphore(%arg13 : memref<!tpu.dma_semaphore, #tpu.memory_space<semaphore_mem>>) src(%dma_wait3A_201 : memref<30000x128xf32, #tpu.memory_space<hbm>>) dst(%arg10 : memref<125x128xf32, #tpu.memory_space<vmem>>)
      %add3A_202 = arith.constant 1 : i32
      %add3A_203 = arith.addi %mul3A_175, %add3A_202 : i32
      "tpu.region"() ({
        %run_scoped3A_204 = tpu.sem_alloc : memref<!tpu.dma_semaphore, #tpu.memory_space<semaphore_mem>>
        %dma_start3A_205 = arith.constant 0 : i32
        %dma_start3A_206 = tpu.memref_slice %arg8[%add3A_203, %dma_start3A_205] : memref<40x125xi32, #tpu.memory_space<vmem>> -> memref<1x125xi32, #tpu.memory_space<vmem>>
        %dma_start3A_207 = tpu.memref_squeeze %dma_start3A_206 : memref<1x125xi32, #tpu.memory_space<vmem>> -> memref<125xi32, #tpu.memory_space<vmem>>
        %dma_start3A_208 = arith.constant 0 : i32
        %dma_start3A_209 = arith.constant 0 : i32
        %dma_start3A_210 = tpu.memref_slice %arg11[%dma_start3A_208, %dma_start3A_209] : memref<10240x128xf32, #tpu.memory_space<vmem_shared>> -> memref<10240x128xf32, #tpu.memory_space<vmem_shared>>
        tpu.enqueue_indirect_dma source(%arg10 : memref<125x128xf32, #tpu.memory_space<vmem>>) target(%dma_start3A_210 : memref<10240x128xf32, #tpu.memory_space<vmem_shared>>) offsets(%dma_start3A_207 : memref<125xi32, #tpu.memory_space<vmem>>) semaphore(%run_scoped3A_204 : memref<!tpu.dma_semaphore, #tpu.memory_space<semaphore_mem>>) {add = true}
        %dma_wait3A_211 = arith.constant 0 : i32
        %dma_wait3A_212 = tpu.memref_slice %arg8[%add3A_203, %dma_wait3A_211] : memref<40x125xi32, #tpu.memory_space<vmem>> -> memref<1x125xi32, #tpu.memory_space<vmem>>
        %dma_wait3A_213 = tpu.memref_squeeze %dma_wait3A_212 : memref<1x125xi32, #tpu.memory_space<vmem>> -> memref<125xi32, #tpu.memory_space<vmem>>
        %dma_wait3A_214 = arith.constant 0 : i32
        %dma_wait3A_215 = arith.constant 0 : i32
        %dma_wait3A_216 = tpu.memref_slice %arg11[%dma_wait3A_214, %dma_wait3A_215] : memref<10240x128xf32, #tpu.memory_space<vmem_shared>> -> memref<10240x128xf32, #tpu.memory_space<vmem_shared>>
        tpu.wait_indirect_dma semaphore(%run_scoped3A_204 : memref<!tpu.dma_semaphore, #tpu.memory_space<semaphore_mem>>) src(%arg10 : memref<125x128xf32, #tpu.memory_space<vmem>>) dst(%dma_wait3A_216 : memref<10240x128xf32, #tpu.memory_space<vmem_shared>>)
        tpu.yield
      }) : () -> ()
    }
    %scan3A_78 = arith.constant 20 : i32
    %mul3A_79 = arith.constant 80 : i32
    %mul3A_80 = arith.muli %add3A, %mul3A_79 : i32
    %add3A_81 = arith.constant 40 : i32
    %add3A_82 = arith.addi %mul3A_80, %add3A_81 : i32
    %run_scoped3A_83 = arith.constant 1 : i32
    "tpu.region"() ({
      %run_scoped3A_173 = tpu.sem_alloc : memref<!tpu.dma_semaphore, #tpu.memory_space<semaphore_mem>>
      %dma_start3A_174 = arith.constant 0 : i32
      %dma_start3A_175 = tpu.memref_slice %arg3[%run_scoped3A_83, %add3A_82, %dma_start3A_174] : memref<3x2560x125xi32, #tpu.memory_space<hbm>> -> memref<1x40x125xi32, #tpu.memory_space<hbm>>
      %dma_start3A_176 = tpu.memref_squeeze %dma_start3A_175 : memref<1x40x125xi32, #tpu.memory_space<hbm>> -> memref<40x125xi32, #tpu.memory_space<hbm>>
      %dma_start3A_177 = arith.constant 0 : i32
      %dma_start3A_178 = tpu.memref_slice %arg3[%run_scoped3A_83, %add3A_82, %dma_start3A_177] : memref<3x2560x125xi32, #tpu.memory_space<hbm>> -> memref<1x40x125xi32, #tpu.memory_space<hbm>>
      %dma_start3A_179 = tpu.memref_squeeze %dma_start3A_178 : memref<1x40x125xi32, #tpu.memory_space<hbm>> -> memref<40x125xi32, #tpu.memory_space<hbm>>
      tpu.enqueue_dma source(%dma_start3A_179 : memref<40x125xi32, #tpu.memory_space<hbm>>) target(%arg7 : memref<40x125xi32, #tpu.memory_space<vmem>>) target_semaphore(%run_scoped3A_173 : memref<!tpu.dma_semaphore, #tpu.memory_space<semaphore_mem>>)
      %dma_wait3A = arith.constant 0 : i32
      %dma_wait3A_180 = tpu.memref_slice %arg3[%run_scoped3A_83, %add3A_82, %dma_wait3A] : memref<3x2560x125xi32, #tpu.memory_space<hbm>> -> memref<1x40x125xi32, #tpu.memory_space<hbm>>
      %dma_wait3A_181 = tpu.memref_squeeze %dma_wait3A_180 : memref<1x40x125xi32, #tpu.memory_space<hbm>> -> memref<40x125xi32, #tpu.memory_space<hbm>>
      %dma_wait3A_182 = arith.constant 0 : i32
      %dma_wait3A_183 = tpu.memref_slice %arg3[%run_scoped3A_83, %add3A_82, %dma_wait3A_182] : memref<3x2560x125xi32, #tpu.memory_space<hbm>> -> memref<1x40x125xi32, #tpu.memory_space<hbm>>
      %dma_wait3A_184 = tpu.memref_squeeze %dma_wait3A_183 : memref<1x40x125xi32, #tpu.memory_space<hbm>> -> memref<40x125xi32, #tpu.memory_space<hbm>>
      tpu.wait_dma2 semaphore(%run_scoped3A_173 : memref<!tpu.dma_semaphore, #tpu.memory_space<semaphore_mem>>) src(%dma_wait3A_184 : memref<40x125xi32, #tpu.memory_space<hbm>>) dst(%arg7 : memref<40x125xi32, #tpu.memory_space<vmem>>)
      tpu.yield
    }) : () -> ()
    %mul3A_84 = arith.constant 80 : i32
    %mul3A_85 = arith.muli %add3A, %mul3A_84 : i32
    %add3A_86 = arith.constant 40 : i32
    %add3A_87 = arith.addi %mul3A_85, %add3A_86 : i32
    %run_scoped3A_88 = arith.constant 1 : i32
    "tpu.region"() ({
      %run_scoped3A_173 = tpu.sem_alloc : memref<!tpu.dma_semaphore, #tpu.memory_space<semaphore_mem>>
      %dma_start3A_174 = arith.constant 0 : i32
      %dma_start3A_175 = tpu.memref_slice %arg4[%run_scoped3A_88, %add3A_87, %dma_start3A_174] : memref<3x2560x125xi32, #tpu.memory_space<hbm>> -> memref<1x40x125xi32, #tpu.memory_space<hbm>>
      %dma_start3A_176 = tpu.memref_squeeze %dma_start3A_175 : memref<1x40x125xi32, #tpu.memory_space<hbm>> -> memref<40x125xi32, #tpu.memory_space<hbm>>
      %dma_start3A_177 = arith.constant 0 : i32
      %dma_start3A_178 = tpu.memref_slice %arg4[%run_scoped3A_88, %add3A_87, %dma_start3A_177] : memref<3x2560x125xi32, #tpu.memory_space<hbm>> -> memref<1x40x125xi32, #tpu.memory_space<hbm>>
      %dma_start3A_179 = tpu.memref_squeeze %dma_start3A_178 : memref<1x40x125xi32, #tpu.memory_space<hbm>> -> memref<40x125xi32, #tpu.memory_space<hbm>>
      tpu.enqueue_dma source(%dma_start3A_179 : memref<40x125xi32, #tpu.memory_space<hbm>>) target(%arg8 : memref<40x125xi32, #tpu.memory_space<vmem>>) target_semaphore(%run_scoped3A_173 : memref<!tpu.dma_semaphore, #tpu.memory_space<semaphore_mem>>)
      %dma_wait3A = arith.constant 0 : i32
      %dma_wait3A_180 = tpu.memref_slice %arg4[%run_scoped3A_88, %add3A_87, %dma_wait3A] : memref<3x2560x125xi32, #tpu.memory_space<hbm>> -> memref<1x40x125xi32, #tpu.memory_space<hbm>>
      %dma_wait3A_181 = tpu.memref_squeeze %dma_wait3A_180 : memref<1x40x125xi32, #tpu.memory_space<hbm>> -> memref<40x125xi32, #tpu.memory_space<hbm>>
      %dma_wait3A_182 = arith.constant 0 : i32
      %dma_wait3A_183 = tpu.memref_slice %arg4[%run_scoped3A_88, %add3A_87, %dma_wait3A_182] : memref<3x2560x125xi32, #tpu.memory_space<hbm>> -> memref<1x40x125xi32, #tpu.memory_space<hbm>>
      %dma_wait3A_184 = tpu.memref_squeeze %dma_wait3A_183 : memref<1x40x125xi32, #tpu.memory_space<hbm>> -> memref<40x125xi32, #tpu.memory_space<hbm>>
      tpu.wait_dma2 semaphore(%run_scoped3A_173 : memref<!tpu.dma_semaphore, #tpu.memory_space<semaphore_mem>>) src(%dma_wait3A_184 : memref<40x125xi32, #tpu.memory_space<hbm>>) dst(%arg8 : memref<40x125xi32, #tpu.memory_space<vmem>>)
      tpu.yield
    }) : () -> ()
    %dma_start3A_89 = arith.constant 0 : i32
    %dma_start3A_90 = arith.constant 0 : i32
    %dma_start3A_91 = tpu.memref_slice %arg7[%dma_start3A_89, %dma_start3A_90] : memref<40x125xi32, #tpu.memory_space<vmem>> -> memref<1x125xi32, #tpu.memory_space<vmem>>
    %dma_start3A_92 = tpu.memref_squeeze %dma_start3A_91 : memref<1x125xi32, #tpu.memory_space<vmem>> -> memref<125xi32, #tpu.memory_space<vmem>>
    %dma_start3A_93 = arith.constant 0 : i32
    %dma_start3A_94 = arith.constant 0 : i32
    %dma_start3A_95 = tpu.memref_slice %arg2[%dma_start3A_93, %dma_start3A_94] : memref<30000x128xf32, #tpu.memory_space<hbm>> -> memref<30000x128xf32, #tpu.memory_space<hbm>>
    tpu.enqueue_indirect_dma source(%dma_start3A_95 : memref<30000x128xf32, #tpu.memory_space<hbm>>) target(%arg9 : memref<125x128xf32, #tpu.memory_space<vmem>>) offsets(%dma_start3A_92 : memref<125xi32, #tpu.memory_space<vmem>>) semaphore(%arg12 : memref<!tpu.dma_semaphore, #tpu.memory_space<semaphore_mem>>)
    %scan3A_96 = arith.constant 0 : i32
    %scan3A_97 = arith.constant 0 : i32
    %scan3A_98 = arith.constant 20 : i32
    %scan3A_99 = arith.addi %scan3A_97, %scan3A_98 : i32
    %scan3A_100 = arith.constant 1 : i32
    scf.for %scan3A_173 = %scan3A_97 to %scan3A_99 step %scan3A_100  : i32 {
      %mul3A_174 = arith.constant 2 : i32
      %mul3A_175 = arith.muli %mul3A_174, %scan3A_173 : i32
      %add3A_176 = arith.constant 1 : i32
      %add3A_177 = arith.addi %mul3A_175, %add3A_176 : i32
      %dma_start3A_178 = arith.constant 0 : i32
      %dma_start3A_179 = tpu.memref_slice %arg7[%add3A_177, %dma_start3A_178] : memref<40x125xi32, #tpu.memory_space<vmem>> -> memref<1x125xi32, #tpu.memory_space<vmem>>
      %dma_start3A_180 = tpu.memref_squeeze %dma_start3A_179 : memref<1x125xi32, #tpu.memory_space<vmem>> -> memref<125xi32, #tpu.memory_space<vmem>>
      %dma_start3A_181 = arith.constant 0 : i32
      %dma_start3A_182 = arith.constant 0 : i32
      %dma_start3A_183 = tpu.memref_slice %arg2[%dma_start3A_181, %dma_start3A_182] : memref<30000x128xf32, #tpu.memory_space<hbm>> -> memref<30000x128xf32, #tpu.memory_space<hbm>>
      tpu.enqueue_indirect_dma source(%dma_start3A_183 : memref<30000x128xf32, #tpu.memory_space<hbm>>) target(%arg10 : memref<125x128xf32, #tpu.memory_space<vmem>>) offsets(%dma_start3A_180 : memref<125xi32, #tpu.memory_space<vmem>>) semaphore(%arg13 : memref<!tpu.dma_semaphore, #tpu.memory_space<semaphore_mem>>)
      %dma_wait3A = arith.constant 0 : i32
      %dma_wait3A_184 = tpu.memref_slice %arg7[%mul3A_175, %dma_wait3A] : memref<40x125xi32, #tpu.memory_space<vmem>> -> memref<1x125xi32, #tpu.memory_space<vmem>>
      %dma_wait3A_185 = tpu.memref_squeeze %dma_wait3A_184 : memref<1x125xi32, #tpu.memory_space<vmem>> -> memref<125xi32, #tpu.memory_space<vmem>>
      %dma_wait3A_186 = arith.constant 0 : i32
      %dma_wait3A_187 = arith.constant 0 : i32
      %dma_wait3A_188 = tpu.memref_slice %arg2[%dma_wait3A_186, %dma_wait3A_187] : memref<30000x128xf32, #tpu.memory_space<hbm>> -> memref<30000x128xf32, #tpu.memory_space<hbm>>
      tpu.wait_indirect_dma semaphore(%arg12 : memref<!tpu.dma_semaphore, #tpu.memory_space<semaphore_mem>>) src(%dma_wait3A_188 : memref<30000x128xf32, #tpu.memory_space<hbm>>) dst(%arg9 : memref<125x128xf32, #tpu.memory_space<vmem>>)
      "tpu.region"() ({
        %run_scoped3A_204 = tpu.sem_alloc : memref<!tpu.dma_semaphore, #tpu.memory_space<semaphore_mem>>
        %dma_start3A_205 = arith.constant 0 : i32
        %dma_start3A_206 = tpu.memref_slice %arg8[%mul3A_175, %dma_start3A_205] : memref<40x125xi32, #tpu.memory_space<vmem>> -> memref<1x125xi32, #tpu.memory_space<vmem>>
        %dma_start3A_207 = tpu.memref_squeeze %dma_start3A_206 : memref<1x125xi32, #tpu.memory_space<vmem>> -> memref<125xi32, #tpu.memory_space<vmem>>
        %dma_start3A_208 = arith.constant 0 : i32
        %dma_start3A_209 = arith.constant 0 : i32
        %dma_start3A_210 = tpu.memref_slice %arg11[%dma_start3A_208, %dma_start3A_209] : memref<10240x128xf32, #tpu.memory_space<vmem_shared>> -> memref<10240x128xf32, #tpu.memory_space<vmem_shared>>
        tpu.enqueue_indirect_dma source(%arg9 : memref<125x128xf32, #tpu.memory_space<vmem>>) target(%dma_start3A_210 : memref<10240x128xf32, #tpu.memory_space<vmem_shared>>) offsets(%dma_start3A_207 : memref<125xi32, #tpu.memory_space<vmem>>) semaphore(%run_scoped3A_204 : memref<!tpu.dma_semaphore, #tpu.memory_space<semaphore_mem>>) {add = true}
        %dma_wait3A_211 = arith.constant 0 : i32
        %dma_wait3A_212 = tpu.memref_slice %arg8[%mul3A_175, %dma_wait3A_211] : memref<40x125xi32, #tpu.memory_space<vmem>> -> memref<1x125xi32, #tpu.memory_space<vmem>>
        %dma_wait3A_213 = tpu.memref_squeeze %dma_wait3A_212 : memref<1x125xi32, #tpu.memory_space<vmem>> -> memref<125xi32, #tpu.memory_space<vmem>>
        %dma_wait3A_214 = arith.constant 0 : i32
        %dma_wait3A_215 = arith.constant 0 : i32
        %dma_wait3A_216 = tpu.memref_slice %arg11[%dma_wait3A_214, %dma_wait3A_215] : memref<10240x128xf32, #tpu.memory_space<vmem_shared>> -> memref<10240x128xf32, #tpu.memory_space<vmem_shared>>
        tpu.wait_indirect_dma semaphore(%run_scoped3A_204 : memref<!tpu.dma_semaphore, #tpu.memory_space<semaphore_mem>>) src(%arg9 : memref<125x128xf32, #tpu.memory_space<vmem>>) dst(%dma_wait3A_216 : memref<10240x128xf32, #tpu.memory_space<vmem_shared>>)
        tpu.yield
      }) : () -> ()
      %lt3A_189 = arith.constant 19 : i32
      %lt3A_190 = arith.cmpi slt, %scan3A_173, %lt3A_189 : i32
      %convert_element_type3A_191 = arith.extui %lt3A_190 : i1 to i32
      %cond3A_192 = arith.constant 0 : i32
      %cond3A_193 = arith.cmpi ne, %convert_element_type3A_191, %cond3A_192 : i32
      scf.if %cond3A_193 {
        %add3A_204 = arith.constant 2 : i32
        %add3A_205 = arith.addi %mul3A_175, %add3A_204 : i32
        %dma_start3A_206 = arith.constant 0 : i32
        %dma_start3A_207 = tpu.memref_slice %arg7[%add3A_205, %dma_start3A_206] : memref<40x125xi32, #tpu.memory_space<vmem>> -> memref<1x125xi32, #tpu.memory_space<vmem>>
        %dma_start3A_208 = tpu.memref_squeeze %dma_start3A_207 : memref<1x125xi32, #tpu.memory_space<vmem>> -> memref<125xi32, #tpu.memory_space<vmem>>
        %dma_start3A_209 = arith.constant 0 : i32
        %dma_start3A_210 = arith.constant 0 : i32
        %dma_start3A_211 = tpu.memref_slice %arg2[%dma_start3A_209, %dma_start3A_210] : memref<30000x128xf32, #tpu.memory_space<hbm>> -> memref<30000x128xf32, #tpu.memory_space<hbm>>
        tpu.enqueue_indirect_dma source(%dma_start3A_211 : memref<30000x128xf32, #tpu.memory_space<hbm>>) target(%arg9 : memref<125x128xf32, #tpu.memory_space<vmem>>) offsets(%dma_start3A_208 : memref<125xi32, #tpu.memory_space<vmem>>) semaphore(%arg12 : memref<!tpu.dma_semaphore, #tpu.memory_space<semaphore_mem>>)
      } else {
      }
      %add3A_194 = arith.constant 1 : i32
      %add3A_195 = arith.addi %mul3A_175, %add3A_194 : i32
      %dma_wait3A_196 = arith.constant 0 : i32
      %dma_wait3A_197 = tpu.memref_slice %arg7[%add3A_195, %dma_wait3A_196] : memref<40x125xi32, #tpu.memory_space<vmem>> -> memref<1x125xi32, #tpu.memory_space<vmem>>
      %dma_wait3A_198 = tpu.memref_squeeze %dma_wait3A_197 : memref<1x125xi32, #tpu.memory_space<vmem>> -> memref<125xi32, #tpu.memory_space<vmem>>
      %dma_wait3A_199 = arith.constant 0 : i32
      %dma_wait3A_200 = arith.constant 0 : i32
      %dma_wait3A_201 = tpu.memref_slice %arg2[%dma_wait3A_199, %dma_wait3A_200] : memref<30000x128xf32, #tpu.memory_space<hbm>> -> memref<30000x128xf32, #tpu.memory_space<hbm>>
      tpu.wait_indirect_dma semaphore(%arg13 : memref<!tpu.dma_semaphore, #tpu.memory_space<semaphore_mem>>) src(%dma_wait3A_201 : memref<30000x128xf32, #tpu.memory_space<hbm>>) dst(%arg10 : memref<125x128xf32, #tpu.memory_space<vmem>>)
      %add3A_202 = arith.constant 1 : i32
      %add3A_203 = arith.addi %mul3A_175, %add3A_202 : i32
      "tpu.region"() ({
        %run_scoped3A_204 = tpu.sem_alloc : memref<!tpu.dma_semaphore, #tpu.memory_space<semaphore_mem>>
        %dma_start3A_205 = arith.constant 0 : i32
        %dma_start3A_206 = tpu.memref_slice %arg8[%add3A_203, %dma_start3A_205] : memref<40x125xi32, #tpu.memory_space<vmem>> -> memref<1x125xi32, #tpu.memory_space<vmem>>
        %dma_start3A_207 = tpu.memref_squeeze %dma_start3A_206 : memref<1x125xi32, #tpu.memory_space<vmem>> -> memref<125xi32, #tpu.memory_space<vmem>>
        %dma_start3A_208 = arith.constant 0 : i32
        %dma_start3A_209 = arith.constant 0 : i32
        %dma_start3A_210 = tpu.memref_slice %arg11[%dma_start3A_208, %dma_start3A_209] : memref<10240x128xf32, #tpu.memory_space<vmem_shared>> -> memref<10240x128xf32, #tpu.memory_space<vmem_shared>>
        tpu.enqueue_indirect_dma source(%arg10 : memref<125x128xf32, #tpu.memory_space<vmem>>) target(%dma_start3A_210 : memref<10240x128xf32, #tpu.memory_space<vmem_shared>>) offsets(%dma_start3A_207 : memref<125xi32, #tpu.memory_space<vmem>>) semaphore(%run_scoped3A_204 : memref<!tpu.dma_semaphore, #tpu.memory_space<semaphore_mem>>) {add = true}
        %dma_wait3A_211 = arith.constant 0 : i32
        %dma_wait3A_212 = tpu.memref_slice %arg8[%add3A_203, %dma_wait3A_211] : memref<40x125xi32, #tpu.memory_space<vmem>> -> memref<1x125xi32, #tpu.memory_space<vmem>>
        %dma_wait3A_213 = tpu.memref_squeeze %dma_wait3A_212 : memref<1x125xi32, #tpu.memory_space<vmem>> -> memref<125xi32, #tpu.memory_space<vmem>>
        %dma_wait3A_214 = arith.constant 0 : i32
        %dma_wait3A_215 = arith.constant 0 : i32
        %dma_wait3A_216 = tpu.memref_slice %arg11[%dma_wait3A_214, %dma_wait3A_215] : memref<10240x128xf32, #tpu.memory_space<vmem_shared>> -> memref<10240x128xf32, #tpu.memory_space<vmem_shared>>
        tpu.wait_indirect_dma semaphore(%run_scoped3A_204 : memref<!tpu.dma_semaphore, #tpu.memory_space<semaphore_mem>>) src(%arg10 : memref<125x128xf32, #tpu.memory_space<vmem>>) dst(%dma_wait3A_216 : memref<10240x128xf32, #tpu.memory_space<vmem_shared>>)
        tpu.yield
      }) : () -> ()
    }
    %scan3A_101 = arith.constant 20 : i32
    %barrier3A_102 = arith.constant 0 : index
    tpu.barrier barrier_id(%barrier3A_102)
    %lt3A_103 = arith.constant 15 : i32
    %lt3A_104 = arith.cmpi slt, %arg1, %lt3A_103 : i32
    %convert_element_type3A_105 = arith.extui %lt3A_104 : i1 to i32
    %cond3A_106 = arith.constant 0 : i32
    %cond3A_107 = arith.cmpi ne, %convert_element_type3A_105, %cond3A_106 : i32
    scf.if %cond3A_107 {
      %mul3A_173 = arith.constant 640 : i32
      %mul3A_174 = arith.muli %arg1, %mul3A_173 : i32
      %mul3A_175 = arith.constant 640 : i32
      %mul3A_176 = arith.muli %arg1, %mul3A_175 : i32
      %run_scoped3A_177 = arith.constant 1 : i32
      "tpu.region"() ({
        %run_scoped3A_178 = tpu.sem_alloc : memref<!tpu.dma_semaphore, #tpu.memory_space<semaphore_mem>>
        %dma_start3A_179 = arith.constant 0 : i32
        %dma_start3A_180 = tpu.memref_slice %arg6[%arg0, %run_scoped3A_177, %mul3A_176, %dma_start3A_179] : memref<2x3x10000x128xf32, #tpu.memory_space<hbm>> -> memref<1x1x640x128xf32, #tpu.memory_space<hbm>>
        %dma_start3A_181 = tpu.memref_squeeze %dma_start3A_180 : memref<1x1x640x128xf32, #tpu.memory_space<hbm>> -> memref<640x128xf32, #tpu.memory_space<hbm>>
        %dma_start3A_182 = arith.constant 0 : i32
        %dma_start3A_183 = tpu.memref_slice %arg11[%mul3A_174, %dma_start3A_182] : memref<10240x128xf32, #tpu.memory_space<vmem_shared>> -> memref<640x128xf32, #tpu.memory_space<vmem_shared>>
        tpu.enqueue_dma source(%dma_start3A_183 : memref<640x128xf32, #tpu.memory_space<vmem_shared>>) target(%dma_start3A_181 : memref<640x128xf32, #tpu.memory_space<hbm>>) target_semaphore(%run_scoped3A_178 : memref<!tpu.dma_semaphore, #tpu.memory_space<semaphore_mem>>)
        %dma_wait3A = arith.constant 0 : i32
        %dma_wait3A_184 = tpu.memref_slice %arg6[%arg0, %run_scoped3A_177, %mul3A_176, %dma_wait3A] : memref<2x3x10000x128xf32, #tpu.memory_space<hbm>> -> memref<1x1x640x128xf32, #tpu.memory_space<hbm>>
        %dma_wait3A_185 = tpu.memref_squeeze %dma_wait3A_184 : memref<1x1x640x128xf32, #tpu.memory_space<hbm>> -> memref<640x128xf32, #tpu.memory_space<hbm>>
        %dma_wait3A_186 = arith.constant 0 : i32
        %dma_wait3A_187 = tpu.memref_slice %arg11[%mul3A_174, %dma_wait3A_186] : memref<10240x128xf32, #tpu.memory_space<vmem_shared>> -> memref<640x128xf32, #tpu.memory_space<vmem_shared>>
        tpu.wait_dma2 semaphore(%run_scoped3A_178 : memref<!tpu.dma_semaphore, #tpu.memory_space<semaphore_mem>>) src(%dma_wait3A_187 : memref<640x128xf32, #tpu.memory_space<vmem_shared>>) dst(%dma_wait3A_185 : memref<640x128xf32, #tpu.memory_space<hbm>>)
        tpu.yield
      }) : () -> ()
    } else {
    }
    %eq3A_108 = arith.constant 15 : i32
    %eq3A_109 = arith.cmpi eq, %arg1, %eq3A_108 : i32
    %convert_element_type3A_110 = arith.extui %eq3A_109 : i1 to i32
    %cond3A_111 = arith.constant 0 : i32
    %cond3A_112 = arith.cmpi ne, %convert_element_type3A_110, %cond3A_111 : i32
    scf.if %cond3A_112 {
      %run_scoped3A_173 = arith.constant 1 : i32
      "tpu.region"() ({
        %run_scoped3A_174 = tpu.sem_alloc : memref<!tpu.dma_semaphore, #tpu.memory_space<semaphore_mem>>
        %dma_start3A_175 = arith.constant 9600 : i32
        %dma_start3A_176 = arith.constant 0 : i32
        %dma_start3A_177 = tpu.memref_slice %arg6[%arg0, %run_scoped3A_173, %dma_start3A_175, %dma_start3A_176] : memref<2x3x10000x128xf32, #tpu.memory_space<hbm>> -> memref<1x1x400x128xf32, #tpu.memory_space<hbm>>
        %dma_start3A_178 = tpu.memref_squeeze %dma_start3A_177 : memref<1x1x400x128xf32, #tpu.memory_space<hbm>> -> memref<400x128xf32, #tpu.memory_space<hbm>>
        %dma_start3A_179 = arith.constant 9600 : i32
        %dma_start3A_180 = arith.constant 0 : i32
        %dma_start3A_181 = tpu.memref_slice %arg11[%dma_start3A_179, %dma_start3A_180] : memref<10240x128xf32, #tpu.memory_space<vmem_shared>> -> memref<400x128xf32, #tpu.memory_space<vmem_shared>>
        tpu.enqueue_dma source(%dma_start3A_181 : memref<400x128xf32, #tpu.memory_space<vmem_shared>>) target(%dma_start3A_178 : memref<400x128xf32, #tpu.memory_space<hbm>>) target_semaphore(%run_scoped3A_174 : memref<!tpu.dma_semaphore, #tpu.memory_space<semaphore_mem>>)
        %dma_wait3A = arith.constant 9600 : i32
        %dma_wait3A_182 = arith.constant 0 : i32
        %dma_wait3A_183 = tpu.memref_slice %arg6[%arg0, %run_scoped3A_173, %dma_wait3A, %dma_wait3A_182] : memref<2x3x10000x128xf32, #tpu.memory_space<hbm>> -> memref<1x1x400x128xf32, #tpu.memory_space<hbm>>
        %dma_wait3A_184 = tpu.memref_squeeze %dma_wait3A_183 : memref<1x1x400x128xf32, #tpu.memory_space<hbm>> -> memref<400x128xf32, #tpu.memory_space<hbm>>
        %dma_wait3A_185 = arith.constant 9600 : i32
        %dma_wait3A_186 = arith.constant 0 : i32
        %dma_wait3A_187 = tpu.memref_slice %arg11[%dma_wait3A_185, %dma_wait3A_186] : memref<10240x128xf32, #tpu.memory_space<vmem_shared>> -> memref<400x128xf32, #tpu.memory_space<vmem_shared>>
        tpu.wait_dma2 semaphore(%run_scoped3A_174 : memref<!tpu.dma_semaphore, #tpu.memory_space<semaphore_mem>>) src(%dma_wait3A_187 : memref<400x128xf32, #tpu.memory_space<vmem_shared>>) dst(%dma_wait3A_184 : memref<400x128xf32, #tpu.memory_space<hbm>>)
        tpu.yield
      }) : () -> ()
    } else {
    }
    %mul3A_113 = arith.constant 640 : i32
    %mul3A_114 = arith.muli %arg1, %mul3A_113 : i32
    "tpu.region"() ({
      %run_scoped3A_173 = tpu.sem_alloc : memref<!tpu.dma_semaphore, #tpu.memory_space<semaphore_mem>>
      %dma_start3A_174 = arith.constant 0 : i32
      %dma_start3A_175 = tpu.memref_slice %arg11[%mul3A_114, %dma_start3A_174] : memref<10240x128xf32, #tpu.memory_space<vmem_shared>> -> memref<640x128xf32, #tpu.memory_space<vmem_shared>>
      tpu.enqueue_dma source(%arg5 : memref<640x128xf32, #tpu.memory_space<hbm>>) target(%dma_start3A_175 : memref<640x128xf32, #tpu.memory_space<vmem_shared>>) target_semaphore(%run_scoped3A_173 : memref<!tpu.dma_semaphore, #tpu.memory_space<semaphore_mem>>)
      %dma_wait3A = arith.constant 0 : i32
      %dma_wait3A_176 = tpu.memref_slice %arg11[%mul3A_114, %dma_wait3A] : memref<10240x128xf32, #tpu.memory_space<vmem_shared>> -> memref<640x128xf32, #tpu.memory_space<vmem_shared>>
      tpu.wait_dma2 semaphore(%run_scoped3A_173 : memref<!tpu.dma_semaphore, #tpu.memory_space<semaphore_mem>>) src(%arg5 : memref<640x128xf32, #tpu.memory_space<hbm>>) dst(%dma_wait3A_176 : memref<640x128xf32, #tpu.memory_space<vmem_shared>>)
      tpu.yield
    }) : () -> ()
    %barrier3A_115 = arith.constant 0 : index
    tpu.barrier barrier_id(%barrier3A_115)
    %mul3A_116 = arith.constant 80 : i32
    %mul3A_117 = arith.muli %add3A, %mul3A_116 : i32
    %add3A_118 = arith.constant 0 : i32
    %add3A_119 = arith.addi %mul3A_117, %add3A_118 : i32
    %run_scoped3A_120 = arith.constant 2 : i32
    "tpu.region"() ({
      %run_scoped3A_173 = tpu.sem_alloc : memref<!tpu.dma_semaphore, #tpu.memory_space<semaphore_mem>>
      %dma_start3A_174 = arith.constant 0 : i32
      %dma_start3A_175 = tpu.memref_slice %arg3[%run_scoped3A_120, %add3A_119, %dma_start3A_174] : memref<3x2560x125xi32, #tpu.memory_space<hbm>> -> memref<1x40x125xi32, #tpu.memory_space<hbm>>
      %dma_start3A_176 = tpu.memref_squeeze %dma_start3A_175 : memref<1x40x125xi32, #tpu.memory_space<hbm>> -> memref<40x125xi32, #tpu.memory_space<hbm>>
      %dma_start3A_177 = arith.constant 0 : i32
      %dma_start3A_178 = tpu.memref_slice %arg3[%run_scoped3A_120, %add3A_119, %dma_start3A_177] : memref<3x2560x125xi32, #tpu.memory_space<hbm>> -> memref<1x40x125xi32, #tpu.memory_space<hbm>>
      %dma_start3A_179 = tpu.memref_squeeze %dma_start3A_178 : memref<1x40x125xi32, #tpu.memory_space<hbm>> -> memref<40x125xi32, #tpu.memory_space<hbm>>
      tpu.enqueue_dma source(%dma_start3A_179 : memref<40x125xi32, #tpu.memory_space<hbm>>) target(%arg7 : memref<40x125xi32, #tpu.memory_space<vmem>>) target_semaphore(%run_scoped3A_173 : memref<!tpu.dma_semaphore, #tpu.memory_space<semaphore_mem>>)
      %dma_wait3A = arith.constant 0 : i32
      %dma_wait3A_180 = tpu.memref_slice %arg3[%run_scoped3A_120, %add3A_119, %dma_wait3A] : memref<3x2560x125xi32, #tpu.memory_space<hbm>> -> memref<1x40x125xi32, #tpu.memory_space<hbm>>
      %dma_wait3A_181 = tpu.memref_squeeze %dma_wait3A_180 : memref<1x40x125xi32, #tpu.memory_space<hbm>> -> memref<40x125xi32, #tpu.memory_space<hbm>>
      %dma_wait3A_182 = arith.constant 0 : i32
      %dma_wait3A_183 = tpu.memref_slice %arg3[%run_scoped3A_120, %add3A_119, %dma_wait3A_182] : memref<3x2560x125xi32, #tpu.memory_space<hbm>> -> memref<1x40x125xi32, #tpu.memory_space<hbm>>
      %dma_wait3A_184 = tpu.memref_squeeze %dma_wait3A_183 : memref<1x40x125xi32, #tpu.memory_space<hbm>> -> memref<40x125xi32, #tpu.memory_space<hbm>>
      tpu.wait_dma2 semaphore(%run_scoped3A_173 : memref<!tpu.dma_semaphore, #tpu.memory_space<semaphore_mem>>) src(%dma_wait3A_184 : memref<40x125xi32, #tpu.memory_space<hbm>>) dst(%arg7 : memref<40x125xi32, #tpu.memory_space<vmem>>)
      tpu.yield
    }) : () -> ()
    %mul3A_121 = arith.constant 80 : i32
    %mul3A_122 = arith.muli %add3A, %mul3A_121 : i32
    %add3A_123 = arith.constant 0 : i32
    %add3A_124 = arith.addi %mul3A_122, %add3A_123 : i32
    %run_scoped3A_125 = arith.constant 2 : i32
    "tpu.region"() ({
      %run_scoped3A_173 = tpu.sem_alloc : memref<!tpu.dma_semaphore, #tpu.memory_space<semaphore_mem>>
      %dma_start3A_174 = arith.constant 0 : i32
      %dma_start3A_175 = tpu.memref_slice %arg4[%run_scoped3A_125, %add3A_124, %dma_start3A_174] : memref<3x2560x125xi32, #tpu.memory_space<hbm>> -> memref<1x40x125xi32, #tpu.memory_space<hbm>>
      %dma_start3A_176 = tpu.memref_squeeze %dma_start3A_175 : memref<1x40x125xi32, #tpu.memory_space<hbm>> -> memref<40x125xi32, #tpu.memory_space<hbm>>
      %dma_start3A_177 = arith.constant 0 : i32
      %dma_start3A_178 = tpu.memref_slice %arg4[%run_scoped3A_125, %add3A_124, %dma_start3A_177] : memref<3x2560x125xi32, #tpu.memory_space<hbm>> -> memref<1x40x125xi32, #tpu.memory_space<hbm>>
      %dma_start3A_179 = tpu.memref_squeeze %dma_start3A_178 : memref<1x40x125xi32, #tpu.memory_space<hbm>> -> memref<40x125xi32, #tpu.memory_space<hbm>>
      tpu.enqueue_dma source(%dma_start3A_179 : memref<40x125xi32, #tpu.memory_space<hbm>>) target(%arg8 : memref<40x125xi32, #tpu.memory_space<vmem>>) target_semaphore(%run_scoped3A_173 : memref<!tpu.dma_semaphore, #tpu.memory_space<semaphore_mem>>)
      %dma_wait3A = arith.constant 0 : i32
      %dma_wait3A_180 = tpu.memref_slice %arg4[%run_scoped3A_125, %add3A_124, %dma_wait3A] : memref<3x2560x125xi32, #tpu.memory_space<hbm>> -> memref<1x40x125xi32, #tpu.memory_space<hbm>>
      %dma_wait3A_181 = tpu.memref_squeeze %dma_wait3A_180 : memref<1x40x125xi32, #tpu.memory_space<hbm>> -> memref<40x125xi32, #tpu.memory_space<hbm>>
      %dma_wait3A_182 = arith.constant 0 : i32
      %dma_wait3A_183 = tpu.memref_slice %arg4[%run_scoped3A_125, %add3A_124, %dma_wait3A_182] : memref<3x2560x125xi32, #tpu.memory_space<hbm>> -> memref<1x40x125xi32, #tpu.memory_space<hbm>>
      %dma_wait3A_184 = tpu.memref_squeeze %dma_wait3A_183 : memref<1x40x125xi32, #tpu.memory_space<hbm>> -> memref<40x125xi32, #tpu.memory_space<hbm>>
      tpu.wait_dma2 semaphore(%run_scoped3A_173 : memref<!tpu.dma_semaphore, #tpu.memory_space<semaphore_mem>>) src(%dma_wait3A_184 : memref<40x125xi32, #tpu.memory_space<hbm>>) dst(%arg8 : memref<40x125xi32, #tpu.memory_space<vmem>>)
      tpu.yield
    }) : () -> ()
    %dma_start3A_126 = arith.constant 0 : i32
    %dma_start3A_127 = arith.constant 0 : i32
    %dma_start3A_128 = tpu.memref_slice %arg7[%dma_start3A_126, %dma_start3A_127] : memref<40x125xi32, #tpu.memory_space<vmem>> -> memref<1x125xi32, #tpu.memory_space<vmem>>
    %dma_start3A_129 = tpu.memref_squeeze %dma_start3A_128 : memref<1x125xi32, #tpu.memory_space<vmem>> -> memref<125xi32, #tpu.memory_space<vmem>>
    %dma_start3A_130 = arith.constant 0 : i32
    %dma_start3A_131 = arith.constant 0 : i32
    %dma_start3A_132 = tpu.memref_slice %arg2[%dma_start3A_130, %dma_start3A_131] : memref<30000x128xf32, #tpu.memory_space<hbm>> -> memref<30000x128xf32, #tpu.memory_space<hbm>>
    tpu.enqueue_indirect_dma source(%dma_start3A_132 : memref<30000x128xf32, #tpu.memory_space<hbm>>) target(%arg9 : memref<125x128xf32, #tpu.memory_space<vmem>>) offsets(%dma_start3A_129 : memref<125xi32, #tpu.memory_space<vmem>>) semaphore(%arg12 : memref<!tpu.dma_semaphore, #tpu.memory_space<semaphore_mem>>)
    %scan3A_133 = arith.constant 0 : i32
    %scan3A_134 = arith.constant 0 : i32
    %scan3A_135 = arith.constant 20 : i32
    %scan3A_136 = arith.addi %scan3A_134, %scan3A_135 : i32
    %scan3A_137 = arith.constant 1 : i32
    scf.for %scan3A_173 = %scan3A_134 to %scan3A_136 step %scan3A_137  : i32 {
      %mul3A_174 = arith.constant 2 : i32
      %mul3A_175 = arith.muli %mul3A_174, %scan3A_173 : i32
      %add3A_176 = arith.constant 1 : i32
      %add3A_177 = arith.addi %mul3A_175, %add3A_176 : i32
      %dma_start3A_178 = arith.constant 0 : i32
      %dma_start3A_179 = tpu.memref_slice %arg7[%add3A_177, %dma_start3A_178] : memref<40x125xi32, #tpu.memory_space<vmem>> -> memref<1x125xi32, #tpu.memory_space<vmem>>
      %dma_start3A_180 = tpu.memref_squeeze %dma_start3A_179 : memref<1x125xi32, #tpu.memory_space<vmem>> -> memref<125xi32, #tpu.memory_space<vmem>>
      %dma_start3A_181 = arith.constant 0 : i32
      %dma_start3A_182 = arith.constant 0 : i32
      %dma_start3A_183 = tpu.memref_slice %arg2[%dma_start3A_181, %dma_start3A_182] : memref<30000x128xf32, #tpu.memory_space<hbm>> -> memref<30000x128xf32, #tpu.memory_space<hbm>>
      tpu.enqueue_indirect_dma source(%dma_start3A_183 : memref<30000x128xf32, #tpu.memory_space<hbm>>) target(%arg10 : memref<125x128xf32, #tpu.memory_space<vmem>>) offsets(%dma_start3A_180 : memref<125xi32, #tpu.memory_space<vmem>>) semaphore(%arg13 : memref<!tpu.dma_semaphore, #tpu.memory_space<semaphore_mem>>)
      %dma_wait3A = arith.constant 0 : i32
      %dma_wait3A_184 = tpu.memref_slice %arg7[%mul3A_175, %dma_wait3A] : memref<40x125xi32, #tpu.memory_space<vmem>> -> memref<1x125xi32, #tpu.memory_space<vmem>>
      %dma_wait3A_185 = tpu.memref_squeeze %dma_wait3A_184 : memref<1x125xi32, #tpu.memory_space<vmem>> -> memref<125xi32, #tpu.memory_space<vmem>>
      %dma_wait3A_186 = arith.constant 0 : i32
      %dma_wait3A_187 = arith.constant 0 : i32
      %dma_wait3A_188 = tpu.memref_slice %arg2[%dma_wait3A_186, %dma_wait3A_187] : memref<30000x128xf32, #tpu.memory_space<hbm>> -> memref<30000x128xf32, #tpu.memory_space<hbm>>
      tpu.wait_indirect_dma semaphore(%arg12 : memref<!tpu.dma_semaphore, #tpu.memory_space<semaphore_mem>>) src(%dma_wait3A_188 : memref<30000x128xf32, #tpu.memory_space<hbm>>) dst(%arg9 : memref<125x128xf32, #tpu.memory_space<vmem>>)
      "tpu.region"() ({
        %run_scoped3A_204 = tpu.sem_alloc : memref<!tpu.dma_semaphore, #tpu.memory_space<semaphore_mem>>
        %dma_start3A_205 = arith.constant 0 : i32
        %dma_start3A_206 = tpu.memref_slice %arg8[%mul3A_175, %dma_start3A_205] : memref<40x125xi32, #tpu.memory_space<vmem>> -> memref<1x125xi32, #tpu.memory_space<vmem>>
        %dma_start3A_207 = tpu.memref_squeeze %dma_start3A_206 : memref<1x125xi32, #tpu.memory_space<vmem>> -> memref<125xi32, #tpu.memory_space<vmem>>
        %dma_start3A_208 = arith.constant 0 : i32
        %dma_start3A_209 = arith.constant 0 : i32
        %dma_start3A_210 = tpu.memref_slice %arg11[%dma_start3A_208, %dma_start3A_209] : memref<10240x128xf32, #tpu.memory_space<vmem_shared>> -> memref<10240x128xf32, #tpu.memory_space<vmem_shared>>
        tpu.enqueue_indirect_dma source(%arg9 : memref<125x128xf32, #tpu.memory_space<vmem>>) target(%dma_start3A_210 : memref<10240x128xf32, #tpu.memory_space<vmem_shared>>) offsets(%dma_start3A_207 : memref<125xi32, #tpu.memory_space<vmem>>) semaphore(%run_scoped3A_204 : memref<!tpu.dma_semaphore, #tpu.memory_space<semaphore_mem>>) {add = true}
        %dma_wait3A_211 = arith.constant 0 : i32
        %dma_wait3A_212 = tpu.memref_slice %arg8[%mul3A_175, %dma_wait3A_211] : memref<40x125xi32, #tpu.memory_space<vmem>> -> memref<1x125xi32, #tpu.memory_space<vmem>>
        %dma_wait3A_213 = tpu.memref_squeeze %dma_wait3A_212 : memref<1x125xi32, #tpu.memory_space<vmem>> -> memref<125xi32, #tpu.memory_space<vmem>>
        %dma_wait3A_214 = arith.constant 0 : i32
        %dma_wait3A_215 = arith.constant 0 : i32
        %dma_wait3A_216 = tpu.memref_slice %arg11[%dma_wait3A_214, %dma_wait3A_215] : memref<10240x128xf32, #tpu.memory_space<vmem_shared>> -> memref<10240x128xf32, #tpu.memory_space<vmem_shared>>
        tpu.wait_indirect_dma semaphore(%run_scoped3A_204 : memref<!tpu.dma_semaphore, #tpu.memory_space<semaphore_mem>>) src(%arg9 : memref<125x128xf32, #tpu.memory_space<vmem>>) dst(%dma_wait3A_216 : memref<10240x128xf32, #tpu.memory_space<vmem_shared>>)
        tpu.yield
      }) : () -> ()
      %lt3A_189 = arith.constant 19 : i32
      %lt3A_190 = arith.cmpi slt, %scan3A_173, %lt3A_189 : i32
      %convert_element_type3A_191 = arith.extui %lt3A_190 : i1 to i32
      %cond3A_192 = arith.constant 0 : i32
      %cond3A_193 = arith.cmpi ne, %convert_element_type3A_191, %cond3A_192 : i32
      scf.if %cond3A_193 {
        %add3A_204 = arith.constant 2 : i32
        %add3A_205 = arith.addi %mul3A_175, %add3A_204 : i32
        %dma_start3A_206 = arith.constant 0 : i32
        %dma_start3A_207 = tpu.memref_slice %arg7[%add3A_205, %dma_start3A_206] : memref<40x125xi32, #tpu.memory_space<vmem>> -> memref<1x125xi32, #tpu.memory_space<vmem>>
        %dma_start3A_208 = tpu.memref_squeeze %dma_start3A_207 : memref<1x125xi32, #tpu.memory_space<vmem>> -> memref<125xi32, #tpu.memory_space<vmem>>
        %dma_start3A_209 = arith.constant 0 : i32
        %dma_start3A_210 = arith.constant 0 : i32
        %dma_start3A_211 = tpu.memref_slice %arg2[%dma_start3A_209, %dma_start3A_210] : memref<30000x128xf32, #tpu.memory_space<hbm>> -> memref<30000x128xf32, #tpu.memory_space<hbm>>
        tpu.enqueue_indirect_dma source(%dma_start3A_211 : memref<30000x128xf32, #tpu.memory_space<hbm>>) target(%arg9 : memref<125x128xf32, #tpu.memory_space<vmem>>) offsets(%dma_start3A_208 : memref<125xi32, #tpu.memory_space<vmem>>) semaphore(%arg12 : memref<!tpu.dma_semaphore, #tpu.memory_space<semaphore_mem>>)
      } else {
      }
      %add3A_194 = arith.constant 1 : i32
      %add3A_195 = arith.addi %mul3A_175, %add3A_194 : i32
      %dma_wait3A_196 = arith.constant 0 : i32
      %dma_wait3A_197 = tpu.memref_slice %arg7[%add3A_195, %dma_wait3A_196] : memref<40x125xi32, #tpu.memory_space<vmem>> -> memref<1x125xi32, #tpu.memory_space<vmem>>
      %dma_wait3A_198 = tpu.memref_squeeze %dma_wait3A_197 : memref<1x125xi32, #tpu.memory_space<vmem>> -> memref<125xi32, #tpu.memory_space<vmem>>
      %dma_wait3A_199 = arith.constant 0 : i32
      %dma_wait3A_200 = arith.constant 0 : i32
      %dma_wait3A_201 = tpu.memref_slice %arg2[%dma_wait3A_199, %dma_wait3A_200] : memref<30000x128xf32, #tpu.memory_space<hbm>> -> memref<30000x128xf32, #tpu.memory_space<hbm>>
      tpu.wait_indirect_dma semaphore(%arg13 : memref<!tpu.dma_semaphore, #tpu.memory_space<semaphore_mem>>) src(%dma_wait3A_201 : memref<30000x128xf32, #tpu.memory_space<hbm>>) dst(%arg10 : memref<125x128xf32, #tpu.memory_space<vmem>>)
      %add3A_202 = arith.constant 1 : i32
      %add3A_203 = arith.addi %mul3A_175, %add3A_202 : i32
      "tpu.region"() ({
        %run_scoped3A_204 = tpu.sem_alloc : memref<!tpu.dma_semaphore, #tpu.memory_space<semaphore_mem>>
        %dma_start3A_205 = arith.constant 0 : i32
        %dma_start3A_206 = tpu.memref_slice %arg8[%add3A_203, %dma_start3A_205] : memref<40x125xi32, #tpu.memory_space<vmem>> -> memref<1x125xi32, #tpu.memory_space<vmem>>
        %dma_start3A_207 = tpu.memref_squeeze %dma_start3A_206 : memref<1x125xi32, #tpu.memory_space<vmem>> -> memref<125xi32, #tpu.memory_space<vmem>>
        %dma_start3A_208 = arith.constant 0 : i32
        %dma_start3A_209 = arith.constant 0 : i32
        %dma_start3A_210 = tpu.memref_slice %arg11[%dma_start3A_208, %dma_start3A_209] : memref<10240x128xf32, #tpu.memory_space<vmem_shared>> -> memref<10240x128xf32, #tpu.memory_space<vmem_shared>>
        tpu.enqueue_indirect_dma source(%arg10 : memref<125x128xf32, #tpu.memory_space<vmem>>) target(%dma_start3A_210 : memref<10240x128xf32, #tpu.memory_space<vmem_shared>>) offsets(%dma_start3A_207 : memref<125xi32, #tpu.memory_space<vmem>>) semaphore(%run_scoped3A_204 : memref<!tpu.dma_semaphore, #tpu.memory_space<semaphore_mem>>) {add = true}
        %dma_wait3A_211 = arith.constant 0 : i32
        %dma_wait3A_212 = tpu.memref_slice %arg8[%add3A_203, %dma_wait3A_211] : memref<40x125xi32, #tpu.memory_space<vmem>> -> memref<1x125xi32, #tpu.memory_space<vmem>>
        %dma_wait3A_213 = tpu.memref_squeeze %dma_wait3A_212 : memref<1x125xi32, #tpu.memory_space<vmem>> -> memref<125xi32, #tpu.memory_space<vmem>>
        %dma_wait3A_214 = arith.constant 0 : i32
        %dma_wait3A_215 = arith.constant 0 : i32
        %dma_wait3A_216 = tpu.memref_slice %arg11[%dma_wait3A_214, %dma_wait3A_215] : memref<10240x128xf32, #tpu.memory_space<vmem_shared>> -> memref<10240x128xf32, #tpu.memory_space<vmem_shared>>
        tpu.wait_indirect_dma semaphore(%run_scoped3A_204 : memref<!tpu.dma_semaphore, #tpu.memory_space<semaphore_mem>>) src(%arg10 : memref<125x128xf32, #tpu.memory_space<vmem>>) dst(%dma_wait3A_216 : memref<10240x128xf32, #tpu.memory_space<vmem_shared>>)
        tpu.yield
      }) : () -> ()
    }
    %scan3A_138 = arith.constant 20 : i32
    %mul3A_139 = arith.constant 80 : i32
    %mul3A_140 = arith.muli %add3A, %mul3A_139 : i32
    %add3A_141 = arith.constant 40 : i32
    %add3A_142 = arith.addi %mul3A_140, %add3A_141 : i32
    %run_scoped3A_143 = arith.constant 2 : i32
    "tpu.region"() ({
      %run_scoped3A_173 = tpu.sem_alloc : memref<!tpu.dma_semaphore, #tpu.memory_space<semaphore_mem>>
      %dma_start3A_174 = arith.constant 0 : i32
      %dma_start3A_175 = tpu.memref_slice %arg3[%run_scoped3A_143, %add3A_142, %dma_start3A_174] : memref<3x2560x125xi32, #tpu.memory_space<hbm>> -> memref<1x40x125xi32, #tpu.memory_space<hbm>>
      %dma_start3A_176 = tpu.memref_squeeze %dma_start3A_175 : memref<1x40x125xi32, #tpu.memory_space<hbm>> -> memref<40x125xi32, #tpu.memory_space<hbm>>
      %dma_start3A_177 = arith.constant 0 : i32
      %dma_start3A_178 = tpu.memref_slice %arg3[%run_scoped3A_143, %add3A_142, %dma_start3A_177] : memref<3x2560x125xi32, #tpu.memory_space<hbm>> -> memref<1x40x125xi32, #tpu.memory_space<hbm>>
      %dma_start3A_179 = tpu.memref_squeeze %dma_start3A_178 : memref<1x40x125xi32, #tpu.memory_space<hbm>> -> memref<40x125xi32, #tpu.memory_space<hbm>>
      tpu.enqueue_dma source(%dma_start3A_179 : memref<40x125xi32, #tpu.memory_space<hbm>>) target(%arg7 : memref<40x125xi32, #tpu.memory_space<vmem>>) target_semaphore(%run_scoped3A_173 : memref<!tpu.dma_semaphore, #tpu.memory_space<semaphore_mem>>)
      %dma_wait3A = arith.constant 0 : i32
      %dma_wait3A_180 = tpu.memref_slice %arg3[%run_scoped3A_143, %add3A_142, %dma_wait3A] : memref<3x2560x125xi32, #tpu.memory_space<hbm>> -> memref<1x40x125xi32, #tpu.memory_space<hbm>>
      %dma_wait3A_181 = tpu.memref_squeeze %dma_wait3A_180 : memref<1x40x125xi32, #tpu.memory_space<hbm>> -> memref<40x125xi32, #tpu.memory_space<hbm>>
      %dma_wait3A_182 = arith.constant 0 : i32
      %dma_wait3A_183 = tpu.memref_slice %arg3[%run_scoped3A_143, %add3A_142, %dma_wait3A_182] : memref<3x2560x125xi32, #tpu.memory_space<hbm>> -> memref<1x40x125xi32, #tpu.memory_space<hbm>>
      %dma_wait3A_184 = tpu.memref_squeeze %dma_wait3A_183 : memref<1x40x125xi32, #tpu.memory_space<hbm>> -> memref<40x125xi32, #tpu.memory_space<hbm>>
      tpu.wait_dma2 semaphore(%run_scoped3A_173 : memref<!tpu.dma_semaphore, #tpu.memory_space<semaphore_mem>>) src(%dma_wait3A_184 : memref<40x125xi32, #tpu.memory_space<hbm>>) dst(%arg7 : memref<40x125xi32, #tpu.memory_space<vmem>>)
      tpu.yield
    }) : () -> ()
    %mul3A_144 = arith.constant 80 : i32
    %mul3A_145 = arith.muli %add3A, %mul3A_144 : i32
    %add3A_146 = arith.constant 40 : i32
    %add3A_147 = arith.addi %mul3A_145, %add3A_146 : i32
    %run_scoped3A_148 = arith.constant 2 : i32
    "tpu.region"() ({
      %run_scoped3A_173 = tpu.sem_alloc : memref<!tpu.dma_semaphore, #tpu.memory_space<semaphore_mem>>
      %dma_start3A_174 = arith.constant 0 : i32
      %dma_start3A_175 = tpu.memref_slice %arg4[%run_scoped3A_148, %add3A_147, %dma_start3A_174] : memref<3x2560x125xi32, #tpu.memory_space<hbm>> -> memref<1x40x125xi32, #tpu.memory_space<hbm>>
      %dma_start3A_176 = tpu.memref_squeeze %dma_start3A_175 : memref<1x40x125xi32, #tpu.memory_space<hbm>> -> memref<40x125xi32, #tpu.memory_space<hbm>>
      %dma_start3A_177 = arith.constant 0 : i32
      %dma_start3A_178 = tpu.memref_slice %arg4[%run_scoped3A_148, %add3A_147, %dma_start3A_177] : memref<3x2560x125xi32, #tpu.memory_space<hbm>> -> memref<1x40x125xi32, #tpu.memory_space<hbm>>
      %dma_start3A_179 = tpu.memref_squeeze %dma_start3A_178 : memref<1x40x125xi32, #tpu.memory_space<hbm>> -> memref<40x125xi32, #tpu.memory_space<hbm>>
      tpu.enqueue_dma source(%dma_start3A_179 : memref<40x125xi32, #tpu.memory_space<hbm>>) target(%arg8 : memref<40x125xi32, #tpu.memory_space<vmem>>) target_semaphore(%run_scoped3A_173 : memref<!tpu.dma_semaphore, #tpu.memory_space<semaphore_mem>>)
      %dma_wait3A = arith.constant 0 : i32
      %dma_wait3A_180 = tpu.memref_slice %arg4[%run_scoped3A_148, %add3A_147, %dma_wait3A] : memref<3x2560x125xi32, #tpu.memory_space<hbm>> -> memref<1x40x125xi32, #tpu.memory_space<hbm>>
      %dma_wait3A_181 = tpu.memref_squeeze %dma_wait3A_180 : memref<1x40x125xi32, #tpu.memory_space<hbm>> -> memref<40x125xi32, #tpu.memory_space<hbm>>
      %dma_wait3A_182 = arith.constant 0 : i32
      %dma_wait3A_183 = tpu.memref_slice %arg4[%run_scoped3A_148, %add3A_147, %dma_wait3A_182] : memref<3x2560x125xi32, #tpu.memory_space<hbm>> -> memref<1x40x125xi32, #tpu.memory_space<hbm>>
      %dma_wait3A_184 = tpu.memref_squeeze %dma_wait3A_183 : memref<1x40x125xi32, #tpu.memory_space<hbm>> -> memref<40x125xi32, #tpu.memory_space<hbm>>
      tpu.wait_dma2 semaphore(%run_scoped3A_173 : memref<!tpu.dma_semaphore, #tpu.memory_space<semaphore_mem>>) src(%dma_wait3A_184 : memref<40x125xi32, #tpu.memory_space<hbm>>) dst(%arg8 : memref<40x125xi32, #tpu.memory_space<vmem>>)
      tpu.yield
    }) : () -> ()
    %dma_start3A_149 = arith.constant 0 : i32
    %dma_start3A_150 = arith.constant 0 : i32
    %dma_start3A_151 = tpu.memref_slice %arg7[%dma_start3A_149, %dma_start3A_150] : memref<40x125xi32, #tpu.memory_space<vmem>> -> memref<1x125xi32, #tpu.memory_space<vmem>>
    %dma_start3A_152 = tpu.memref_squeeze %dma_start3A_151 : memref<1x125xi32, #tpu.memory_space<vmem>> -> memref<125xi32, #tpu.memory_space<vmem>>
    %dma_start3A_153 = arith.constant 0 : i32
    %dma_start3A_154 = arith.constant 0 : i32
    %dma_start3A_155 = tpu.memref_slice %arg2[%dma_start3A_153, %dma_start3A_154] : memref<30000x128xf32, #tpu.memory_space<hbm>> -> memref<30000x128xf32, #tpu.memory_space<hbm>>
    tpu.enqueue_indirect_dma source(%dma_start3A_155 : memref<30000x128xf32, #tpu.memory_space<hbm>>) target(%arg9 : memref<125x128xf32, #tpu.memory_space<vmem>>) offsets(%dma_start3A_152 : memref<125xi32, #tpu.memory_space<vmem>>) semaphore(%arg12 : memref<!tpu.dma_semaphore, #tpu.memory_space<semaphore_mem>>)
    %scan3A_156 = arith.constant 0 : i32
    %scan3A_157 = arith.constant 0 : i32
    %scan3A_158 = arith.constant 20 : i32
    %scan3A_159 = arith.addi %scan3A_157, %scan3A_158 : i32
    %scan3A_160 = arith.constant 1 : i32
    scf.for %scan3A_173 = %scan3A_157 to %scan3A_159 step %scan3A_160  : i32 {
      %mul3A_174 = arith.constant 2 : i32
      %mul3A_175 = arith.muli %mul3A_174, %scan3A_173 : i32
      %add3A_176 = arith.constant 1 : i32
      %add3A_177 = arith.addi %mul3A_175, %add3A_176 : i32
      %dma_start3A_178 = arith.constant 0 : i32
      %dma_start3A_179 = tpu.memref_slice %arg7[%add3A_177, %dma_start3A_178] : memref<40x125xi32, #tpu.memory_space<vmem>> -> memref<1x125xi32, #tpu.memory_space<vmem>>
      %dma_start3A_180 = tpu.memref_squeeze %dma_start3A_179 : memref<1x125xi32, #tpu.memory_space<vmem>> -> memref<125xi32, #tpu.memory_space<vmem>>
      %dma_start3A_181 = arith.constant 0 : i32
      %dma_start3A_182 = arith.constant 0 : i32
      %dma_start3A_183 = tpu.memref_slice %arg2[%dma_start3A_181, %dma_start3A_182] : memref<30000x128xf32, #tpu.memory_space<hbm>> -> memref<30000x128xf32, #tpu.memory_space<hbm>>
      tpu.enqueue_indirect_dma source(%dma_start3A_183 : memref<30000x128xf32, #tpu.memory_space<hbm>>) target(%arg10 : memref<125x128xf32, #tpu.memory_space<vmem>>) offsets(%dma_start3A_180 : memref<125xi32, #tpu.memory_space<vmem>>) semaphore(%arg13 : memref<!tpu.dma_semaphore, #tpu.memory_space<semaphore_mem>>)
      %dma_wait3A = arith.constant 0 : i32
      %dma_wait3A_184 = tpu.memref_slice %arg7[%mul3A_175, %dma_wait3A] : memref<40x125xi32, #tpu.memory_space<vmem>> -> memref<1x125xi32, #tpu.memory_space<vmem>>
      %dma_wait3A_185 = tpu.memref_squeeze %dma_wait3A_184 : memref<1x125xi32, #tpu.memory_space<vmem>> -> memref<125xi32, #tpu.memory_space<vmem>>
      %dma_wait3A_186 = arith.constant 0 : i32
      %dma_wait3A_187 = arith.constant 0 : i32
      %dma_wait3A_188 = tpu.memref_slice %arg2[%dma_wait3A_186, %dma_wait3A_187] : memref<30000x128xf32, #tpu.memory_space<hbm>> -> memref<30000x128xf32, #tpu.memory_space<hbm>>
      tpu.wait_indirect_dma semaphore(%arg12 : memref<!tpu.dma_semaphore, #tpu.memory_space<semaphore_mem>>) src(%dma_wait3A_188 : memref<30000x128xf32, #tpu.memory_space<hbm>>) dst(%arg9 : memref<125x128xf32, #tpu.memory_space<vmem>>)
      "tpu.region"() ({
        %run_scoped3A_204 = tpu.sem_alloc : memref<!tpu.dma_semaphore, #tpu.memory_space<semaphore_mem>>
        %dma_start3A_205 = arith.constant 0 : i32
        %dma_start3A_206 = tpu.memref_slice %arg8[%mul3A_175, %dma_start3A_205] : memref<40x125xi32, #tpu.memory_space<vmem>> -> memref<1x125xi32, #tpu.memory_space<vmem>>
        %dma_start3A_207 = tpu.memref_squeeze %dma_start3A_206 : memref<1x125xi32, #tpu.memory_space<vmem>> -> memref<125xi32, #tpu.memory_space<vmem>>
        %dma_start3A_208 = arith.constant 0 : i32
        %dma_start3A_209 = arith.constant 0 : i32
        %dma_start3A_210 = tpu.memref_slice %arg11[%dma_start3A_208, %dma_start3A_209] : memref<10240x128xf32, #tpu.memory_space<vmem_shared>> -> memref<10240x128xf32, #tpu.memory_space<vmem_shared>>
        tpu.enqueue_indirect_dma source(%arg9 : memref<125x128xf32, #tpu.memory_space<vmem>>) target(%dma_start3A_210 : memref<10240x128xf32, #tpu.memory_space<vmem_shared>>) offsets(%dma_start3A_207 : memref<125xi32, #tpu.memory_space<vmem>>) semaphore(%run_scoped3A_204 : memref<!tpu.dma_semaphore, #tpu.memory_space<semaphore_mem>>) {add = true}
        %dma_wait3A_211 = arith.constant 0 : i32
        %dma_wait3A_212 = tpu.memref_slice %arg8[%mul3A_175, %dma_wait3A_211] : memref<40x125xi32, #tpu.memory_space<vmem>> -> memref<1x125xi32, #tpu.memory_space<vmem>>
        %dma_wait3A_213 = tpu.memref_squeeze %dma_wait3A_212 : memref<1x125xi32, #tpu.memory_space<vmem>> -> memref<125xi32, #tpu.memory_space<vmem>>
        %dma_wait3A_214 = arith.constant 0 : i32
        %dma_wait3A_215 = arith.constant 0 : i32
        %dma_wait3A_216 = tpu.memref_slice %arg11[%dma_wait3A_214, %dma_wait3A_215] : memref<10240x128xf32, #tpu.memory_space<vmem_shared>> -> memref<10240x128xf32, #tpu.memory_space<vmem_shared>>
        tpu.wait_indirect_dma semaphore(%run_scoped3A_204 : memref<!tpu.dma_semaphore, #tpu.memory_space<semaphore_mem>>) src(%arg9 : memref<125x128xf32, #tpu.memory_space<vmem>>) dst(%dma_wait3A_216 : memref<10240x128xf32, #tpu.memory_space<vmem_shared>>)
        tpu.yield
      }) : () -> ()
      %lt3A_189 = arith.constant 19 : i32
      %lt3A_190 = arith.cmpi slt, %scan3A_173, %lt3A_189 : i32
      %convert_element_type3A_191 = arith.extui %lt3A_190 : i1 to i32
      %cond3A_192 = arith.constant 0 : i32
      %cond3A_193 = arith.cmpi ne, %convert_element_type3A_191, %cond3A_192 : i32
      scf.if %cond3A_193 {
        %add3A_204 = arith.constant 2 : i32
        %add3A_205 = arith.addi %mul3A_175, %add3A_204 : i32
        %dma_start3A_206 = arith.constant 0 : i32
        %dma_start3A_207 = tpu.memref_slice %arg7[%add3A_205, %dma_start3A_206] : memref<40x125xi32, #tpu.memory_space<vmem>> -> memref<1x125xi32, #tpu.memory_space<vmem>>
        %dma_start3A_208 = tpu.memref_squeeze %dma_start3A_207 : memref<1x125xi32, #tpu.memory_space<vmem>> -> memref<125xi32, #tpu.memory_space<vmem>>
        %dma_start3A_209 = arith.constant 0 : i32
        %dma_start3A_210 = arith.constant 0 : i32
        %dma_start3A_211 = tpu.memref_slice %arg2[%dma_start3A_209, %dma_start3A_210] : memref<30000x128xf32, #tpu.memory_space<hbm>> -> memref<30000x128xf32, #tpu.memory_space<hbm>>
        tpu.enqueue_indirect_dma source(%dma_start3A_211 : memref<30000x128xf32, #tpu.memory_space<hbm>>) target(%arg9 : memref<125x128xf32, #tpu.memory_space<vmem>>) offsets(%dma_start3A_208 : memref<125xi32, #tpu.memory_space<vmem>>) semaphore(%arg12 : memref<!tpu.dma_semaphore, #tpu.memory_space<semaphore_mem>>)
      } else {
      }
      %add3A_194 = arith.constant 1 : i32
      %add3A_195 = arith.addi %mul3A_175, %add3A_194 : i32
      %dma_wait3A_196 = arith.constant 0 : i32
      %dma_wait3A_197 = tpu.memref_slice %arg7[%add3A_195, %dma_wait3A_196] : memref<40x125xi32, #tpu.memory_space<vmem>> -> memref<1x125xi32, #tpu.memory_space<vmem>>
      %dma_wait3A_198 = tpu.memref_squeeze %dma_wait3A_197 : memref<1x125xi32, #tpu.memory_space<vmem>> -> memref<125xi32, #tpu.memory_space<vmem>>
      %dma_wait3A_199 = arith.constant 0 : i32
      %dma_wait3A_200 = arith.constant 0 : i32
      %dma_wait3A_201 = tpu.memref_slice %arg2[%dma_wait3A_199, %dma_wait3A_200] : memref<30000x128xf32, #tpu.memory_space<hbm>> -> memref<30000x128xf32, #tpu.memory_space<hbm>>
      tpu.wait_indirect_dma semaphore(%arg13 : memref<!tpu.dma_semaphore, #tpu.memory_space<semaphore_mem>>) src(%dma_wait3A_201 : memref<30000x128xf32, #tpu.memory_space<hbm>>) dst(%arg10 : memref<125x128xf32, #tpu.memory_space<vmem>>)
      %add3A_202 = arith.constant 1 : i32
      %add3A_203 = arith.addi %mul3A_175, %add3A_202 : i32
      "tpu.region"() ({
        %run_scoped3A_204 = tpu.sem_alloc : memref<!tpu.dma_semaphore, #tpu.memory_space<semaphore_mem>>
        %dma_start3A_205 = arith.constant 0 : i32
        %dma_start3A_206 = tpu.memref_slice %arg8[%add3A_203, %dma_start3A_205] : memref<40x125xi32, #tpu.memory_space<vmem>> -> memref<1x125xi32, #tpu.memory_space<vmem>>
        %dma_start3A_207 = tpu.memref_squeeze %dma_start3A_206 : memref<1x125xi32, #tpu.memory_space<vmem>> -> memref<125xi32, #tpu.memory_space<vmem>>
        %dma_start3A_208 = arith.constant 0 : i32
        %dma_start3A_209 = arith.constant 0 : i32
        %dma_start3A_210 = tpu.memref_slice %arg11[%dma_start3A_208, %dma_start3A_209] : memref<10240x128xf32, #tpu.memory_space<vmem_shared>> -> memref<10240x128xf32, #tpu.memory_space<vmem_shared>>
        tpu.enqueue_indirect_dma source(%arg10 : memref<125x128xf32, #tpu.memory_space<vmem>>) target(%dma_start3A_210 : memref<10240x128xf32, #tpu.memory_space<vmem_shared>>) offsets(%dma_start3A_207 : memref<125xi32, #tpu.memory_space<vmem>>) semaphore(%run_scoped3A_204 : memref<!tpu.dma_semaphore, #tpu.memory_space<semaphore_mem>>) {add = true}
        %dma_wait3A_211 = arith.constant 0 : i32
        %dma_wait3A_212 = tpu.memref_slice %arg8[%add3A_203, %dma_wait3A_211] : memref<40x125xi32, #tpu.memory_space<vmem>> -> memref<1x125xi32, #tpu.memory_space<vmem>>
        %dma_wait3A_213 = tpu.memref_squeeze %dma_wait3A_212 : memref<1x125xi32, #tpu.memory_space<vmem>> -> memref<125xi32, #tpu.memory_space<vmem>>
        %dma_wait3A_214 = arith.constant 0 : i32
        %dma_wait3A_215 = arith.constant 0 : i32
        %dma_wait3A_216 = tpu.memref_slice %arg11[%dma_wait3A_214, %dma_wait3A_215] : memref<10240x128xf32, #tpu.memory_space<vmem_shared>> -> memref<10240x128xf32, #tpu.memory_space<vmem_shared>>
        tpu.wait_indirect_dma semaphore(%run_scoped3A_204 : memref<!tpu.dma_semaphore, #tpu.memory_space<semaphore_mem>>) src(%arg10 : memref<125x128xf32, #tpu.memory_space<vmem>>) dst(%dma_wait3A_216 : memref<10240x128xf32, #tpu.memory_space<vmem_shared>>)
        tpu.yield
      }) : () -> ()
    }
    %scan3A_161 = arith.constant 20 : i32
    %barrier3A_162 = arith.constant 0 : index
    tpu.barrier barrier_id(%barrier3A_162)
    %lt3A_163 = arith.constant 15 : i32
    %lt3A_164 = arith.cmpi slt, %arg1, %lt3A_163 : i32
    %convert_element_type3A_165 = arith.extui %lt3A_164 : i1 to i32
    %cond3A_166 = arith.constant 0 : i32
    %cond3A_167 = arith.cmpi ne, %convert_element_type3A_165, %cond3A_166 : i32
    scf.if %cond3A_167 {
      %mul3A_173 = arith.constant 640 : i32
      %mul3A_174 = arith.muli %arg1, %mul3A_173 : i32
      %mul3A_175 = arith.constant 640 : i32
      %mul3A_176 = arith.muli %arg1, %mul3A_175 : i32
      %run_scoped3A_177 = arith.constant 2 : i32
      "tpu.region"() ({
        %run_scoped3A_178 = tpu.sem_alloc : memref<!tpu.dma_semaphore, #tpu.memory_space<semaphore_mem>>
        %dma_start3A_179 = arith.constant 0 : i32
        %dma_start3A_180 = tpu.memref_slice %arg6[%arg0, %run_scoped3A_177, %mul3A_176, %dma_start3A_179] : memref<2x3x10000x128xf32, #tpu.memory_space<hbm>> -> memref<1x1x640x128xf32, #tpu.memory_space<hbm>>
        %dma_start3A_181 = tpu.memref_squeeze %dma_start3A_180 : memref<1x1x640x128xf32, #tpu.memory_space<hbm>> -> memref<640x128xf32, #tpu.memory_space<hbm>>
        %dma_start3A_182 = arith.constant 0 : i32
        %dma_start3A_183 = tpu.memref_slice %arg11[%mul3A_174, %dma_start3A_182] : memref<10240x128xf32, #tpu.memory_space<vmem_shared>> -> memref<640x128xf32, #tpu.memory_space<vmem_shared>>
        tpu.enqueue_dma source(%dma_start3A_183 : memref<640x128xf32, #tpu.memory_space<vmem_shared>>) target(%dma_start3A_181 : memref<640x128xf32, #tpu.memory_space<hbm>>) target_semaphore(%run_scoped3A_178 : memref<!tpu.dma_semaphore, #tpu.memory_space<semaphore_mem>>)
        %dma_wait3A = arith.constant 0 : i32
        %dma_wait3A_184 = tpu.memref_slice %arg6[%arg0, %run_scoped3A_177, %mul3A_176, %dma_wait3A] : memref<2x3x10000x128xf32, #tpu.memory_space<hbm>> -> memref<1x1x640x128xf32, #tpu.memory_space<hbm>>
        %dma_wait3A_185 = tpu.memref_squeeze %dma_wait3A_184 : memref<1x1x640x128xf32, #tpu.memory_space<hbm>> -> memref<640x128xf32, #tpu.memory_space<hbm>>
        %dma_wait3A_186 = arith.constant 0 : i32
        %dma_wait3A_187 = tpu.memref_slice %arg11[%mul3A_174, %dma_wait3A_186] : memref<10240x128xf32, #tpu.memory_space<vmem_shared>> -> memref<640x128xf32, #tpu.memory_space<vmem_shared>>
        tpu.wait_dma2 semaphore(%run_scoped3A_178 : memref<!tpu.dma_semaphore, #tpu.memory_space<semaphore_mem>>) src(%dma_wait3A_187 : memref<640x128xf32, #tpu.memory_space<vmem_shared>>) dst(%dma_wait3A_185 : memref<640x128xf32, #tpu.memory_space<hbm>>)
        tpu.yield
      }) : () -> ()
    } else {
    }
    %eq3A_168 = arith.constant 15 : i32
    %eq3A_169 = arith.cmpi eq, %arg1, %eq3A_168 : i32
    %convert_element_type3A_170 = arith.extui %eq3A_169 : i1 to i32
    %cond3A_171 = arith.constant 0 : i32
    %cond3A_172 = arith.cmpi ne, %convert_element_type3A_170, %cond3A_171 : i32
    scf.if %cond3A_172 {
      %run_scoped3A_173 = arith.constant 2 : i32
      "tpu.region"() ({
        %run_scoped3A_174 = tpu.sem_alloc : memref<!tpu.dma_semaphore, #tpu.memory_space<semaphore_mem>>
        %dma_start3A_175 = arith.constant 9600 : i32
        %dma_start3A_176 = arith.constant 0 : i32
        %dma_start3A_177 = tpu.memref_slice %arg6[%arg0, %run_scoped3A_173, %dma_start3A_175, %dma_start3A_176] : memref<2x3x10000x128xf32, #tpu.memory_space<hbm>> -> memref<1x1x400x128xf32, #tpu.memory_space<hbm>>
        %dma_start3A_178 = tpu.memref_squeeze %dma_start3A_177 : memref<1x1x400x128xf32, #tpu.memory_space<hbm>> -> memref<400x128xf32, #tpu.memory_space<hbm>>
        %dma_start3A_179 = arith.constant 9600 : i32
        %dma_start3A_180 = arith.constant 0 : i32
        %dma_start3A_181 = tpu.memref_slice %arg11[%dma_start3A_179, %dma_start3A_180] : memref<10240x128xf32, #tpu.memory_space<vmem_shared>> -> memref<400x128xf32, #tpu.memory_space<vmem_shared>>
        tpu.enqueue_dma source(%dma_start3A_181 : memref<400x128xf32, #tpu.memory_space<vmem_shared>>) target(%dma_start3A_178 : memref<400x128xf32, #tpu.memory_space<hbm>>) target_semaphore(%run_scoped3A_174 : memref<!tpu.dma_semaphore, #tpu.memory_space<semaphore_mem>>)
        %dma_wait3A = arith.constant 9600 : i32
        %dma_wait3A_182 = arith.constant 0 : i32
        %dma_wait3A_183 = tpu.memref_slice %arg6[%arg0, %run_scoped3A_173, %dma_wait3A, %dma_wait3A_182] : memref<2x3x10000x128xf32, #tpu.memory_space<hbm>> -> memref<1x1x400x128xf32, #tpu.memory_space<hbm>>
        %dma_wait3A_184 = tpu.memref_squeeze %dma_wait3A_183 : memref<1x1x400x128xf32, #tpu.memory_space<hbm>> -> memref<400x128xf32, #tpu.memory_space<hbm>>
        %dma_wait3A_185 = arith.constant 9600 : i32
        %dma_wait3A_186 = arith.constant 0 : i32
        %dma_wait3A_187 = tpu.memref_slice %arg11[%dma_wait3A_185, %dma_wait3A_186] : memref<10240x128xf32, #tpu.memory_space<vmem_shared>> -> memref<400x128xf32, #tpu.memory_space<vmem_shared>>
        tpu.wait_dma2 semaphore(%run_scoped3A_174 : memref<!tpu.dma_semaphore, #tpu.memory_space<semaphore_mem>>) src(%dma_wait3A_187 : memref<400x128xf32, #tpu.memory_space<vmem_shared>>) dst(%dma_wait3A_184 : memref<400x128xf32, #tpu.memory_space<hbm>>)
        tpu.yield
      }) : () -> ()
    } else {
    }
    return
  }
}

#map = affine_map<(d0, d1) -> (0, 0)>
#map1 = affine_map<(d0, d1) -> (0, 0, 0)>
#map2 = affine_map<(d0, d1) -> (0, 0, 0, 0)>
module attributes {stable_mosaic.version = 14 : i64} {
  func.func @_spmm_body(%arg0: i32, %arg1: i32, %arg2: memref<30000x128xf32, #tpu.memory_space<hbm>>, %arg3: memref<3x2560x125xi32, #tpu.memory_space<hbm>>, %arg4: memref<3x2560x125xi32, #tpu.memory_space<hbm>>, %arg5: memref<640x128xf32, #tpu.memory_space<hbm>>, %arg6: memref<2x3x10000x128xf32, #tpu.memory_space<hbm>>, %arg7: memref<40x125xi32, #tpu.memory_space<vmem>>, %arg8: memref<40x125xi32, #tpu.memory_space<vmem>>, %arg9: memref<125x128xf32, #tpu.memory_space<vmem>>, %arg10: memref<125x128xf32, #tpu.memory_space<vmem>>, %arg11: memref<10240x128xf32, #tpu.memory_space<vmem_shared>>, %arg12: memref<!tpu.dma_semaphore, #tpu.memory_space<semaphore_mem>>, %arg13: memref<!tpu.dma_semaphore, #tpu.memory_space<semaphore_mem>>) attributes {dimension_semantics = [#tpu.dimension_semantics<core_parallel>, #tpu.dimension_semantics<subcore_parallel>], iteration_bounds = array<i64: 2, 16>, scalar_prefetch = 0 : i64, scratch_operands = 7 : i64, tpu.core_type = #tpu.core_type<sc_vector_subcore>, window_params = [{transform_indices = #map}, {transform_indices = #map1}, {transform_indices = #map1}, {transform_indices = #map}, {transform_indices = #map2}]} {
    %mul3A = arith.constant 16 : i32
    %mul3A_0 = arith.muli %arg0, %mul3A : i32
    %add3A = arith.addi %mul3A_0, %arg1 : i32
    %mul3A_1 = arith.constant 640 : i32
    %mul3A_2 = arith.muli %arg1, %mul3A_1 : i32
    "tpu.region"() ({
      %run_scoped3A_173 = tpu.sem_alloc : memref<!tpu.dma_semaphore, #tpu.memory_space<semaphore_mem>>
      %dma_start3A_174 = arith.constant 0 : i32
      %dma_start3A_175 = tpu.memref_slice %arg11[%mul3A_2, %dma_start3A_174] : memref<10240x128xf32, #tpu.memory_space<vmem_shared>> -> memref<640x128xf32, #tpu.memory_space<vmem_shared>>
      tpu.enqueue_dma source(%arg5 : memref<640x128xf32, #tpu.memory_space<hbm>>) target(%dma_start3A_175 : memref<640x128xf32, #tpu.memory_space<vmem_shared>>) target_semaphore(%run_scoped3A_173 : memref<!tpu.dma_semaphore, #tpu.memory_space<semaphore_mem>>)
      %dma_wait3A = arith.constant 0 : i32
      %dma_wait3A_176 = tpu.memref_slice %arg11[%mul3A_2, %dma_wait3A] : memref<10240x128xf32, #tpu.memory_space<vmem_shared>> -> memref<640x128xf32, #tpu.memory_space<vmem_shared>>
      tpu.wait_dma2 semaphore(%run_scoped3A_173 : memref<!tpu.dma_semaphore, #tpu.memory_space<semaphore_mem>>) src(%arg5 : memref<640x128xf32, #tpu.memory_space<hbm>>) dst(%dma_wait3A_176 : memref<640x128xf32, #tpu.memory_space<vmem_shared>>)
      tpu.yield
    }) : () -> ()
    %barrier3A = arith.constant 0 : index
    tpu.barrier barrier_id(%barrier3A)
    %mul3A_3 = arith.constant 80 : i32
    %mul3A_4 = arith.muli %add3A, %mul3A_3 : i32
    %add3A_5 = arith.constant 0 : i32
    %add3A_6 = arith.addi %mul3A_4, %add3A_5 : i32
    %run_scoped3A = arith.constant 0 : i32
    "tpu.region"() ({
      %run_scoped3A_173 = tpu.sem_alloc : memref<!tpu.dma_semaphore, #tpu.memory_space<semaphore_mem>>
      %dma_start3A_174 = arith.constant 0 : i32
      %dma_start3A_175 = tpu.memref_slice %arg3[%run_scoped3A, %add3A_6, %dma_start3A_174] : memref<3x2560x125xi32, #tpu.memory_space<hbm>> -> memref<1x40x125xi32, #tpu.memory_space<hbm>>
      %dma_start3A_176 = tpu.memref_squeeze %dma_start3A_175 : memref<1x40x125xi32, #tpu.memory_space<hbm>> -> memref<40x125xi32, #tpu.memory_space<hbm>>
      %dma_start3A_177 = arith.constant 0 : i32
      %dma_start3A_178 = tpu.memref_slice %arg3[%run_scoped3A, %add3A_6, %dma_start3A_177] : memref<3x2560x125xi32, #tpu.memory_space<hbm>> -> memref<1x40x125xi32, #tpu.memory_space<hbm>>
      %dma_start3A_179 = tpu.memref_squeeze %dma_start3A_178 : memref<1x40x125xi32, #tpu.memory_space<hbm>> -> memref<40x125xi32, #tpu.memory_space<hbm>>
      tpu.enqueue_dma source(%dma_start3A_179 : memref<40x125xi32, #tpu.memory_space<hbm>>) target(%arg7 : memref<40x125xi32, #tpu.memory_space<vmem>>) target_semaphore(%run_scoped3A_173 : memref<!tpu.dma_semaphore, #tpu.memory_space<semaphore_mem>>)
      %dma_wait3A = arith.constant 0 : i32
      %dma_wait3A_180 = tpu.memref_slice %arg3[%run_scoped3A, %add3A_6, %dma_wait3A] : memref<3x2560x125xi32, #tpu.memory_space<hbm>> -> memref<1x40x125xi32, #tpu.memory_space<hbm>>
      %dma_wait3A_181 = tpu.memref_squeeze %dma_wait3A_180 : memref<1x40x125xi32, #tpu.memory_space<hbm>> -> memref<40x125xi32, #tpu.memory_space<hbm>>
      %dma_wait3A_182 = arith.constant 0 : i32
      %dma_wait3A_183 = tpu.memref_slice %arg3[%run_scoped3A, %add3A_6, %dma_wait3A_182] : memref<3x2560x125xi32, #tpu.memory_space<hbm>> -> memref<1x40x125xi32, #tpu.memory_space<hbm>>
      %dma_wait3A_184 = tpu.memref_squeeze %dma_wait3A_183 : memref<1x40x125xi32, #tpu.memory_space<hbm>> -> memref<40x125xi32, #tpu.memory_space<hbm>>
      tpu.wait_dma2 semaphore(%run_scoped3A_173 : memref<!tpu.dma_semaphore, #tpu.memory_space<semaphore_mem>>) src(%dma_wait3A_184 : memref<40x125xi32, #tpu.memory_space<hbm>>) dst(%arg7 : memref<40x125xi32, #tpu.memory_space<vmem>>)
      tpu.yield
    }) : () -> ()
    %mul3A_7 = arith.constant 80 : i32
    %mul3A_8 = arith.muli %add3A, %mul3A_7 : i32
    %add3A_9 = arith.constant 0 : i32
    %add3A_10 = arith.addi %mul3A_8, %add3A_9 : i32
    %run_scoped3A_11 = arith.constant 0 : i32
    "tpu.region"() ({
      %run_scoped3A_173 = tpu.sem_alloc : memref<!tpu.dma_semaphore, #tpu.memory_space<semaphore_mem>>
      %dma_start3A_174 = arith.constant 0 : i32
      %dma_start3A_175 = tpu.memref_slice %arg4[%run_scoped3A_11, %add3A_10, %dma_start3A_174] : memref<3x2560x125xi32, #tpu.memory_space<hbm>> -> memref<1x40x125xi32, #tpu.memory_space<hbm>>
      %dma_start3A_176 = tpu.memref_squeeze %dma_start3A_175 : memref<1x40x125xi32, #tpu.memory_space<hbm>> -> memref<40x125xi32, #tpu.memory_space<hbm>>
      %dma_start3A_177 = arith.constant 0 : i32
      %dma_start3A_178 = tpu.memref_slice %arg4[%run_scoped3A_11, %add3A_10, %dma_start3A_177] : memref<3x2560x125xi32, #tpu.memory_space<hbm>> -> memref<1x40x125xi32, #tpu.memory_space<hbm>>
      %dma_start3A_179 = tpu.memref_squeeze %dma_start3A_178 : memref<1x40x125xi32, #tpu.memory_space<hbm>> -> memref<40x125xi32, #tpu.memory_space<hbm>>
      tpu.enqueue_dma source(%dma_start3A_179 : memref<40x125xi32, #tpu.memory_space<hbm>>) target(%arg8 : memref<40x125xi32, #tpu.memory_space<vmem>>) target_semaphore(%run_scoped3A_173 : memref<!tpu.dma_semaphore, #tpu.memory_space<semaphore_mem>>)
      %dma_wait3A = arith.constant 0 : i32
      %dma_wait3A_180 = tpu.memref_slice %arg4[%run_scoped3A_11, %add3A_10, %dma_wait3A] : memref<3x2560x125xi32, #tpu.memory_space<hbm>> -> memref<1x40x125xi32, #tpu.memory_space<hbm>>
      %dma_wait3A_181 = tpu.memref_squeeze %dma_wait3A_180 : memref<1x40x125xi32, #tpu.memory_space<hbm>> -> memref<40x125xi32, #tpu.memory_space<hbm>>
      %dma_wait3A_182 = arith.constant 0 : i32
      %dma_wait3A_183 = tpu.memref_slice %arg4[%run_scoped3A_11, %add3A_10, %dma_wait3A_182] : memref<3x2560x125xi32, #tpu.memory_space<hbm>> -> memref<1x40x125xi32, #tpu.memory_space<hbm>>
      %dma_wait3A_184 = tpu.memref_squeeze %dma_wait3A_183 : memref<1x40x125xi32, #tpu.memory_space<hbm>> -> memref<40x125xi32, #tpu.memory_space<hbm>>
      tpu.wait_dma2 semaphore(%run_scoped3A_173 : memref<!tpu.dma_semaphore, #tpu.memory_space<semaphore_mem>>) src(%dma_wait3A_184 : memref<40x125xi32, #tpu.memory_space<hbm>>) dst(%arg8 : memref<40x125xi32, #tpu.memory_space<vmem>>)
      tpu.yield
    }) : () -> ()
    %dma_start3A = arith.constant 0 : i32
    %dma_start3A_12 = arith.constant 0 : i32
    %dma_start3A_13 = tpu.memref_slice %arg7[%dma_start3A, %dma_start3A_12] : memref<40x125xi32, #tpu.memory_space<vmem>> -> memref<1x125xi32, #tpu.memory_space<vmem>>
    %dma_start3A_14 = tpu.memref_squeeze %dma_start3A_13 : memref<1x125xi32, #tpu.memory_space<vmem>> -> memref<125xi32, #tpu.memory_space<vmem>>
    %dma_start3A_15 = arith.constant 0 : i32
    %dma_start3A_16 = arith.constant 0 : i32
    %dma_start3A_17 = tpu.memref_slice %arg2[%dma_start3A_15, %dma_start3A_16] : memref<30000x128xf32, #tpu.memory_space<hbm>> -> memref<30000x128xf32, #tpu.memory_space<hbm>>
    tpu.enqueue_indirect_dma source(%dma_start3A_17 : memref<30000x128xf32, #tpu.memory_space<hbm>>) target(%arg9 : memref<125x128xf32, #tpu.memory_space<vmem>>) offsets(%dma_start3A_14 : memref<125xi32, #tpu.memory_space<vmem>>) semaphore(%arg12 : memref<!tpu.dma_semaphore, #tpu.memory_space<semaphore_mem>>)
    %scan3A = arith.constant 0 : i32
    %scan3A_18 = arith.constant 0 : i32
    %scan3A_19 = arith.constant 20 : i32
    %scan3A_20 = arith.addi %scan3A_18, %scan3A_19 : i32
    %scan3A_21 = arith.constant 1 : i32
    scf.for %scan3A_173 = %scan3A_18 to %scan3A_20 step %scan3A_21  : i32 {
      %mul3A_174 = arith.constant 2 : i32
      %mul3A_175 = arith.muli %mul3A_174, %scan3A_173 : i32
      %add3A_176 = arith.constant 1 : i32
      %add3A_177 = arith.addi %mul3A_175, %add3A_176 : i32
      %dma_start3A_178 = arith.constant 0 : i32
      %dma_start3A_179 = tpu.memref_slice %arg7[%add3A_177, %dma_start3A_178] : memref<40x125xi32, #tpu.memory_space<vmem>> -> memref<1x125xi32, #tpu.memory_space<vmem>>
      %dma_start3A_180 = tpu.memref_squeeze %dma_start3A_179 : memref<1x125xi32, #tpu.memory_space<vmem>> -> memref<125xi32, #tpu.memory_space<vmem>>
      %dma_start3A_181 = arith.constant 0 : i32
      %dma_start3A_182 = arith.constant 0 : i32
      %dma_start3A_183 = tpu.memref_slice %arg2[%dma_start3A_181, %dma_start3A_182] : memref<30000x128xf32, #tpu.memory_space<hbm>> -> memref<30000x128xf32, #tpu.memory_space<hbm>>
      tpu.enqueue_indirect_dma source(%dma_start3A_183 : memref<30000x128xf32, #tpu.memory_space<hbm>>) target(%arg10 : memref<125x128xf32, #tpu.memory_space<vmem>>) offsets(%dma_start3A_180 : memref<125xi32, #tpu.memory_space<vmem>>) semaphore(%arg13 : memref<!tpu.dma_semaphore, #tpu.memory_space<semaphore_mem>>)
      %dma_wait3A = arith.constant 0 : i32
      %dma_wait3A_184 = tpu.memref_slice %arg7[%mul3A_175, %dma_wait3A] : memref<40x125xi32, #tpu.memory_space<vmem>> -> memref<1x125xi32, #tpu.memory_space<vmem>>
      %dma_wait3A_185 = tpu.memref_squeeze %dma_wait3A_184 : memref<1x125xi32, #tpu.memory_space<vmem>> -> memref<125xi32, #tpu.memory_space<vmem>>
      %dma_wait3A_186 = arith.constant 0 : i32
      %dma_wait3A_187 = arith.constant 0 : i32
      %dma_wait3A_188 = tpu.memref_slice %arg2[%dma_wait3A_186, %dma_wait3A_187] : memref<30000x128xf32, #tpu.memory_space<hbm>> -> memref<30000x128xf32, #tpu.memory_space<hbm>>
      tpu.wait_indirect_dma semaphore(%arg12 : memref<!tpu.dma_semaphore, #tpu.memory_space<semaphore_mem>>) src(%dma_wait3A_188 : memref<30000x128xf32, #tpu.memory_space<hbm>>) dst(%arg9 : memref<125x128xf32, #tpu.memory_space<vmem>>)
      "tpu.region"() ({
        %run_scoped3A_204 = tpu.sem_alloc : memref<!tpu.dma_semaphore, #tpu.memory_space<semaphore_mem>>
        %dma_start3A_205 = arith.constant 0 : i32
        %dma_start3A_206 = tpu.memref_slice %arg8[%mul3A_175, %dma_start3A_205] : memref<40x125xi32, #tpu.memory_space<vmem>> -> memref<1x125xi32, #tpu.memory_space<vmem>>
        %dma_start3A_207 = tpu.memref_squeeze %dma_start3A_206 : memref<1x125xi32, #tpu.memory_space<vmem>> -> memref<125xi32, #tpu.memory_space<vmem>>
        %dma_start3A_208 = arith.constant 0 : i32
        %dma_start3A_209 = arith.constant 0 : i32
        %dma_start3A_210 = tpu.memref_slice %arg11[%dma_start3A_208, %dma_start3A_209] : memref<10240x128xf32, #tpu.memory_space<vmem_shared>> -> memref<10240x128xf32, #tpu.memory_space<vmem_shared>>
        tpu.enqueue_indirect_dma source(%arg9 : memref<125x128xf32, #tpu.memory_space<vmem>>) target(%dma_start3A_210 : memref<10240x128xf32, #tpu.memory_space<vmem_shared>>) offsets(%dma_start3A_207 : memref<125xi32, #tpu.memory_space<vmem>>) semaphore(%run_scoped3A_204 : memref<!tpu.dma_semaphore, #tpu.memory_space<semaphore_mem>>) {add = true}
        %dma_wait3A_211 = arith.constant 0 : i32
        %dma_wait3A_212 = tpu.memref_slice %arg8[%mul3A_175, %dma_wait3A_211] : memref<40x125xi32, #tpu.memory_space<vmem>> -> memref<1x125xi32, #tpu.memory_space<vmem>>
        %dma_wait3A_213 = tpu.memref_squeeze %dma_wait3A_212 : memref<1x125xi32, #tpu.memory_space<vmem>> -> memref<125xi32, #tpu.memory_space<vmem>>
        %dma_wait3A_214 = arith.constant 0 : i32
        %dma_wait3A_215 = arith.constant 0 : i32
        %dma_wait3A_216 = tpu.memref_slice %arg11[%dma_wait3A_214, %dma_wait3A_215] : memref<10240x128xf32, #tpu.memory_space<vmem_shared>> -> memref<10240x128xf32, #tpu.memory_space<vmem_shared>>
        tpu.wait_indirect_dma semaphore(%run_scoped3A_204 : memref<!tpu.dma_semaphore, #tpu.memory_space<semaphore_mem>>) src(%arg9 : memref<125x128xf32, #tpu.memory_space<vmem>>) dst(%dma_wait3A_216 : memref<10240x128xf32, #tpu.memory_space<vmem_shared>>)
        tpu.yield
      }) : () -> ()
      %lt3A_189 = arith.constant 19 : i32
      %lt3A_190 = arith.cmpi slt, %scan3A_173, %lt3A_189 : i32
      %convert_element_type3A_191 = arith.extui %lt3A_190 : i1 to i32
      %cond3A_192 = arith.constant 0 : i32
      %cond3A_193 = arith.cmpi ne, %convert_element_type3A_191, %cond3A_192 : i32
      scf.if %cond3A_193 {
        %add3A_204 = arith.constant 2 : i32
        %add3A_205 = arith.addi %mul3A_175, %add3A_204 : i32
        %dma_start3A_206 = arith.constant 0 : i32
        %dma_start3A_207 = tpu.memref_slice %arg7[%add3A_205, %dma_start3A_206] : memref<40x125xi32, #tpu.memory_space<vmem>> -> memref<1x125xi32, #tpu.memory_space<vmem>>
        %dma_start3A_208 = tpu.memref_squeeze %dma_start3A_207 : memref<1x125xi32, #tpu.memory_space<vmem>> -> memref<125xi32, #tpu.memory_space<vmem>>
        %dma_start3A_209 = arith.constant 0 : i32
        %dma_start3A_210 = arith.constant 0 : i32
        %dma_start3A_211 = tpu.memref_slice %arg2[%dma_start3A_209, %dma_start3A_210] : memref<30000x128xf32, #tpu.memory_space<hbm>> -> memref<30000x128xf32, #tpu.memory_space<hbm>>
        tpu.enqueue_indirect_dma source(%dma_start3A_211 : memref<30000x128xf32, #tpu.memory_space<hbm>>) target(%arg9 : memref<125x128xf32, #tpu.memory_space<vmem>>) offsets(%dma_start3A_208 : memref<125xi32, #tpu.memory_space<vmem>>) semaphore(%arg12 : memref<!tpu.dma_semaphore, #tpu.memory_space<semaphore_mem>>)
      } else {
      }
      %add3A_194 = arith.constant 1 : i32
      %add3A_195 = arith.addi %mul3A_175, %add3A_194 : i32
      %dma_wait3A_196 = arith.constant 0 : i32
      %dma_wait3A_197 = tpu.memref_slice %arg7[%add3A_195, %dma_wait3A_196] : memref<40x125xi32, #tpu.memory_space<vmem>> -> memref<1x125xi32, #tpu.memory_space<vmem>>
      %dma_wait3A_198 = tpu.memref_squeeze %dma_wait3A_197 : memref<1x125xi32, #tpu.memory_space<vmem>> -> memref<125xi32, #tpu.memory_space<vmem>>
      %dma_wait3A_199 = arith.constant 0 : i32
      %dma_wait3A_200 = arith.constant 0 : i32
      %dma_wait3A_201 = tpu.memref_slice %arg2[%dma_wait3A_199, %dma_wait3A_200] : memref<30000x128xf32, #tpu.memory_space<hbm>> -> memref<30000x128xf32, #tpu.memory_space<hbm>>
      tpu.wait_indirect_dma semaphore(%arg13 : memref<!tpu.dma_semaphore, #tpu.memory_space<semaphore_mem>>) src(%dma_wait3A_201 : memref<30000x128xf32, #tpu.memory_space<hbm>>) dst(%arg10 : memref<125x128xf32, #tpu.memory_space<vmem>>)
      %add3A_202 = arith.constant 1 : i32
      %add3A_203 = arith.addi %mul3A_175, %add3A_202 : i32
      "tpu.region"() ({
        %run_scoped3A_204 = tpu.sem_alloc : memref<!tpu.dma_semaphore, #tpu.memory_space<semaphore_mem>>
        %dma_start3A_205 = arith.constant 0 : i32
        %dma_start3A_206 = tpu.memref_slice %arg8[%add3A_203, %dma_start3A_205] : memref<40x125xi32, #tpu.memory_space<vmem>> -> memref<1x125xi32, #tpu.memory_space<vmem>>
        %dma_start3A_207 = tpu.memref_squeeze %dma_start3A_206 : memref<1x125xi32, #tpu.memory_space<vmem>> -> memref<125xi32, #tpu.memory_space<vmem>>
        %dma_start3A_208 = arith.constant 0 : i32
        %dma_start3A_209 = arith.constant 0 : i32
        %dma_start3A_210 = tpu.memref_slice %arg11[%dma_start3A_208, %dma_start3A_209] : memref<10240x128xf32, #tpu.memory_space<vmem_shared>> -> memref<10240x128xf32, #tpu.memory_space<vmem_shared>>
        tpu.enqueue_indirect_dma source(%arg10 : memref<125x128xf32, #tpu.memory_space<vmem>>) target(%dma_start3A_210 : memref<10240x128xf32, #tpu.memory_space<vmem_shared>>) offsets(%dma_start3A_207 : memref<125xi32, #tpu.memory_space<vmem>>) semaphore(%run_scoped3A_204 : memref<!tpu.dma_semaphore, #tpu.memory_space<semaphore_mem>>) {add = true}
        %dma_wait3A_211 = arith.constant 0 : i32
        %dma_wait3A_212 = tpu.memref_slice %arg8[%add3A_203, %dma_wait3A_211] : memref<40x125xi32, #tpu.memory_space<vmem>> -> memref<1x125xi32, #tpu.memory_space<vmem>>
        %dma_wait3A_213 = tpu.memref_squeeze %dma_wait3A_212 : memref<1x125xi32, #tpu.memory_space<vmem>> -> memref<125xi32, #tpu.memory_space<vmem>>
        %dma_wait3A_214 = arith.constant 0 : i32
        %dma_wait3A_215 = arith.constant 0 : i32
        %dma_wait3A_216 = tpu.memref_slice %arg11[%dma_wait3A_214, %dma_wait3A_215] : memref<10240x128xf32, #tpu.memory_space<vmem_shared>> -> memref<10240x128xf32, #tpu.memory_space<vmem_shared>>
        tpu.wait_indirect_dma semaphore(%run_scoped3A_204 : memref<!tpu.dma_semaphore, #tpu.memory_space<semaphore_mem>>) src(%arg10 : memref<125x128xf32, #tpu.memory_space<vmem>>) dst(%dma_wait3A_216 : memref<10240x128xf32, #tpu.memory_space<vmem_shared>>)
        tpu.yield
      }) : () -> ()
    }
    %scan3A_22 = arith.constant 20 : i32
    %mul3A_23 = arith.constant 80 : i32
    %mul3A_24 = arith.muli %add3A, %mul3A_23 : i32
    %add3A_25 = arith.constant 40 : i32
    %add3A_26 = arith.addi %mul3A_24, %add3A_25 : i32
    %run_scoped3A_27 = arith.constant 0 : i32
    "tpu.region"() ({
      %run_scoped3A_173 = tpu.sem_alloc : memref<!tpu.dma_semaphore, #tpu.memory_space<semaphore_mem>>
      %dma_start3A_174 = arith.constant 0 : i32
      %dma_start3A_175 = tpu.memref_slice %arg3[%run_scoped3A_27, %add3A_26, %dma_start3A_174] : memref<3x2560x125xi32, #tpu.memory_space<hbm>> -> memref<1x40x125xi32, #tpu.memory_space<hbm>>
      %dma_start3A_176 = tpu.memref_squeeze %dma_start3A_175 : memref<1x40x125xi32, #tpu.memory_space<hbm>> -> memref<40x125xi32, #tpu.memory_space<hbm>>
      %dma_start3A_177 = arith.constant 0 : i32
      %dma_start3A_178 = tpu.memref_slice %arg3[%run_scoped3A_27, %add3A_26, %dma_start3A_177] : memref<3x2560x125xi32, #tpu.memory_space<hbm>> -> memref<1x40x125xi32, #tpu.memory_space<hbm>>
      %dma_start3A_179 = tpu.memref_squeeze %dma_start3A_178 : memref<1x40x125xi32, #tpu.memory_space<hbm>> -> memref<40x125xi32, #tpu.memory_space<hbm>>
      tpu.enqueue_dma source(%dma_start3A_179 : memref<40x125xi32, #tpu.memory_space<hbm>>) target(%arg7 : memref<40x125xi32, #tpu.memory_space<vmem>>) target_semaphore(%run_scoped3A_173 : memref<!tpu.dma_semaphore, #tpu.memory_space<semaphore_mem>>)
      %dma_wait3A = arith.constant 0 : i32
      %dma_wait3A_180 = tpu.memref_slice %arg3[%run_scoped3A_27, %add3A_26, %dma_wait3A] : memref<3x2560x125xi32, #tpu.memory_space<hbm>> -> memref<1x40x125xi32, #tpu.memory_space<hbm>>
      %dma_wait3A_181 = tpu.memref_squeeze %dma_wait3A_180 : memref<1x40x125xi32, #tpu.memory_space<hbm>> -> memref<40x125xi32, #tpu.memory_space<hbm>>
      %dma_wait3A_182 = arith.constant 0 : i32
      %dma_wait3A_183 = tpu.memref_slice %arg3[%run_scoped3A_27, %add3A_26, %dma_wait3A_182] : memref<3x2560x125xi32, #tpu.memory_space<hbm>> -> memref<1x40x125xi32, #tpu.memory_space<hbm>>
      %dma_wait3A_184 = tpu.memref_squeeze %dma_wait3A_183 : memref<1x40x125xi32, #tpu.memory_space<hbm>> -> memref<40x125xi32, #tpu.memory_space<hbm>>
      tpu.wait_dma2 semaphore(%run_scoped3A_173 : memref<!tpu.dma_semaphore, #tpu.memory_space<semaphore_mem>>) src(%dma_wait3A_184 : memref<40x125xi32, #tpu.memory_space<hbm>>) dst(%arg7 : memref<40x125xi32, #tpu.memory_space<vmem>>)
      tpu.yield
    }) : () -> ()
    %mul3A_28 = arith.constant 80 : i32
    %mul3A_29 = arith.muli %add3A, %mul3A_28 : i32
    %add3A_30 = arith.constant 40 : i32
    %add3A_31 = arith.addi %mul3A_29, %add3A_30 : i32
    %run_scoped3A_32 = arith.constant 0 : i32
    "tpu.region"() ({
      %run_scoped3A_173 = tpu.sem_alloc : memref<!tpu.dma_semaphore, #tpu.memory_space<semaphore_mem>>
      %dma_start3A_174 = arith.constant 0 : i32
      %dma_start3A_175 = tpu.memref_slice %arg4[%run_scoped3A_32, %add3A_31, %dma_start3A_174] : memref<3x2560x125xi32, #tpu.memory_space<hbm>> -> memref<1x40x125xi32, #tpu.memory_space<hbm>>
      %dma_start3A_176 = tpu.memref_squeeze %dma_start3A_175 : memref<1x40x125xi32, #tpu.memory_space<hbm>> -> memref<40x125xi32, #tpu.memory_space<hbm>>
      %dma_start3A_177 = arith.constant 0 : i32
      %dma_start3A_178 = tpu.memref_slice %arg4[%run_scoped3A_32, %add3A_31, %dma_start3A_177] : memref<3x2560x125xi32, #tpu.memory_space<hbm>> -> memref<1x40x125xi32, #tpu.memory_space<hbm>>
      %dma_start3A_179 = tpu.memref_squeeze %dma_start3A_178 : memref<1x40x125xi32, #tpu.memory_space<hbm>> -> memref<40x125xi32, #tpu.memory_space<hbm>>
      tpu.enqueue_dma source(%dma_start3A_179 : memref<40x125xi32, #tpu.memory_space<hbm>>) target(%arg8 : memref<40x125xi32, #tpu.memory_space<vmem>>) target_semaphore(%run_scoped3A_173 : memref<!tpu.dma_semaphore, #tpu.memory_space<semaphore_mem>>)
      %dma_wait3A = arith.constant 0 : i32
      %dma_wait3A_180 = tpu.memref_slice %arg4[%run_scoped3A_32, %add3A_31, %dma_wait3A] : memref<3x2560x125xi32, #tpu.memory_space<hbm>> -> memref<1x40x125xi32, #tpu.memory_space<hbm>>
      %dma_wait3A_181 = tpu.memref_squeeze %dma_wait3A_180 : memref<1x40x125xi32, #tpu.memory_space<hbm>> -> memref<40x125xi32, #tpu.memory_space<hbm>>
      %dma_wait3A_182 = arith.constant 0 : i32
      %dma_wait3A_183 = tpu.memref_slice %arg4[%run_scoped3A_32, %add3A_31, %dma_wait3A_182] : memref<3x2560x125xi32, #tpu.memory_space<hbm>> -> memref<1x40x125xi32, #tpu.memory_space<hbm>>
      %dma_wait3A_184 = tpu.memref_squeeze %dma_wait3A_183 : memref<1x40x125xi32, #tpu.memory_space<hbm>> -> memref<40x125xi32, #tpu.memory_space<hbm>>
      tpu.wait_dma2 semaphore(%run_scoped3A_173 : memref<!tpu.dma_semaphore, #tpu.memory_space<semaphore_mem>>) src(%dma_wait3A_184 : memref<40x125xi32, #tpu.memory_space<hbm>>) dst(%arg8 : memref<40x125xi32, #tpu.memory_space<vmem>>)
      tpu.yield
    }) : () -> ()
    %dma_start3A_33 = arith.constant 0 : i32
    %dma_start3A_34 = arith.constant 0 : i32
    %dma_start3A_35 = tpu.memref_slice %arg7[%dma_start3A_33, %dma_start3A_34] : memref<40x125xi32, #tpu.memory_space<vmem>> -> memref<1x125xi32, #tpu.memory_space<vmem>>
    %dma_start3A_36 = tpu.memref_squeeze %dma_start3A_35 : memref<1x125xi32, #tpu.memory_space<vmem>> -> memref<125xi32, #tpu.memory_space<vmem>>
    %dma_start3A_37 = arith.constant 0 : i32
    %dma_start3A_38 = arith.constant 0 : i32
    %dma_start3A_39 = tpu.memref_slice %arg2[%dma_start3A_37, %dma_start3A_38] : memref<30000x128xf32, #tpu.memory_space<hbm>> -> memref<30000x128xf32, #tpu.memory_space<hbm>>
    tpu.enqueue_indirect_dma source(%dma_start3A_39 : memref<30000x128xf32, #tpu.memory_space<hbm>>) target(%arg9 : memref<125x128xf32, #tpu.memory_space<vmem>>) offsets(%dma_start3A_36 : memref<125xi32, #tpu.memory_space<vmem>>) semaphore(%arg12 : memref<!tpu.dma_semaphore, #tpu.memory_space<semaphore_mem>>)
    %scan3A_40 = arith.constant 0 : i32
    %scan3A_41 = arith.constant 0 : i32
    %scan3A_42 = arith.constant 20 : i32
    %scan3A_43 = arith.addi %scan3A_41, %scan3A_42 : i32
    %scan3A_44 = arith.constant 1 : i32
    scf.for %scan3A_173 = %scan3A_41 to %scan3A_43 step %scan3A_44  : i32 {
      %mul3A_174 = arith.constant 2 : i32
      %mul3A_175 = arith.muli %mul3A_174, %scan3A_173 : i32
      %add3A_176 = arith.constant 1 : i32
      %add3A_177 = arith.addi %mul3A_175, %add3A_176 : i32
      %dma_start3A_178 = arith.constant 0 : i32
      %dma_start3A_179 = tpu.memref_slice %arg7[%add3A_177, %dma_start3A_178] : memref<40x125xi32, #tpu.memory_space<vmem>> -> memref<1x125xi32, #tpu.memory_space<vmem>>
      %dma_start3A_180 = tpu.memref_squeeze %dma_start3A_179 : memref<1x125xi32, #tpu.memory_space<vmem>> -> memref<125xi32, #tpu.memory_space<vmem>>
      %dma_start3A_181 = arith.constant 0 : i32
      %dma_start3A_182 = arith.constant 0 : i32
      %dma_start3A_183 = tpu.memref_slice %arg2[%dma_start3A_181, %dma_start3A_182] : memref<30000x128xf32, #tpu.memory_space<hbm>> -> memref<30000x128xf32, #tpu.memory_space<hbm>>
      tpu.enqueue_indirect_dma source(%dma_start3A_183 : memref<30000x128xf32, #tpu.memory_space<hbm>>) target(%arg10 : memref<125x128xf32, #tpu.memory_space<vmem>>) offsets(%dma_start3A_180 : memref<125xi32, #tpu.memory_space<vmem>>) semaphore(%arg13 : memref<!tpu.dma_semaphore, #tpu.memory_space<semaphore_mem>>)
      %dma_wait3A = arith.constant 0 : i32
      %dma_wait3A_184 = tpu.memref_slice %arg7[%mul3A_175, %dma_wait3A] : memref<40x125xi32, #tpu.memory_space<vmem>> -> memref<1x125xi32, #tpu.memory_space<vmem>>
      %dma_wait3A_185 = tpu.memref_squeeze %dma_wait3A_184 : memref<1x125xi32, #tpu.memory_space<vmem>> -> memref<125xi32, #tpu.memory_space<vmem>>
      %dma_wait3A_186 = arith.constant 0 : i32
      %dma_wait3A_187 = arith.constant 0 : i32
      %dma_wait3A_188 = tpu.memref_slice %arg2[%dma_wait3A_186, %dma_wait3A_187] : memref<30000x128xf32, #tpu.memory_space<hbm>> -> memref<30000x128xf32, #tpu.memory_space<hbm>>
      tpu.wait_indirect_dma semaphore(%arg12 : memref<!tpu.dma_semaphore, #tpu.memory_space<semaphore_mem>>) src(%dma_wait3A_188 : memref<30000x128xf32, #tpu.memory_space<hbm>>) dst(%arg9 : memref<125x128xf32, #tpu.memory_space<vmem>>)
      "tpu.region"() ({
        %run_scoped3A_204 = tpu.sem_alloc : memref<!tpu.dma_semaphore, #tpu.memory_space<semaphore_mem>>
        %dma_start3A_205 = arith.constant 0 : i32
        %dma_start3A_206 = tpu.memref_slice %arg8[%mul3A_175, %dma_start3A_205] : memref<40x125xi32, #tpu.memory_space<vmem>> -> memref<1x125xi32, #tpu.memory_space<vmem>>
        %dma_start3A_207 = tpu.memref_squeeze %dma_start3A_206 : memref<1x125xi32, #tpu.memory_space<vmem>> -> memref<125xi32, #tpu.memory_space<vmem>>
        %dma_start3A_208 = arith.constant 0 : i32
        %dma_start3A_209 = arith.constant 0 : i32
        %dma_start3A_210 = tpu.memref_slice %arg11[%dma_start3A_208, %dma_start3A_209] : memref<10240x128xf32, #tpu.memory_space<vmem_shared>> -> memref<10240x128xf32, #tpu.memory_space<vmem_shared>>
        tpu.enqueue_indirect_dma source(%arg9 : memref<125x128xf32, #tpu.memory_space<vmem>>) target(%dma_start3A_210 : memref<10240x128xf32, #tpu.memory_space<vmem_shared>>) offsets(%dma_start3A_207 : memref<125xi32, #tpu.memory_space<vmem>>) semaphore(%run_scoped3A_204 : memref<!tpu.dma_semaphore, #tpu.memory_space<semaphore_mem>>) {add = true}
        %dma_wait3A_211 = arith.constant 0 : i32
        %dma_wait3A_212 = tpu.memref_slice %arg8[%mul3A_175, %dma_wait3A_211] : memref<40x125xi32, #tpu.memory_space<vmem>> -> memref<1x125xi32, #tpu.memory_space<vmem>>
        %dma_wait3A_213 = tpu.memref_squeeze %dma_wait3A_212 : memref<1x125xi32, #tpu.memory_space<vmem>> -> memref<125xi32, #tpu.memory_space<vmem>>
        %dma_wait3A_214 = arith.constant 0 : i32
        %dma_wait3A_215 = arith.constant 0 : i32
        %dma_wait3A_216 = tpu.memref_slice %arg11[%dma_wait3A_214, %dma_wait3A_215] : memref<10240x128xf32, #tpu.memory_space<vmem_shared>> -> memref<10240x128xf32, #tpu.memory_space<vmem_shared>>
        tpu.wait_indirect_dma semaphore(%run_scoped3A_204 : memref<!tpu.dma_semaphore, #tpu.memory_space<semaphore_mem>>) src(%arg9 : memref<125x128xf32, #tpu.memory_space<vmem>>) dst(%dma_wait3A_216 : memref<10240x128xf32, #tpu.memory_space<vmem_shared>>)
        tpu.yield
      }) : () -> ()
      %lt3A_189 = arith.constant 19 : i32
      %lt3A_190 = arith.cmpi slt, %scan3A_173, %lt3A_189 : i32
      %convert_element_type3A_191 = arith.extui %lt3A_190 : i1 to i32
      %cond3A_192 = arith.constant 0 : i32
      %cond3A_193 = arith.cmpi ne, %convert_element_type3A_191, %cond3A_192 : i32
      scf.if %cond3A_193 {
        %add3A_204 = arith.constant 2 : i32
        %add3A_205 = arith.addi %mul3A_175, %add3A_204 : i32
        %dma_start3A_206 = arith.constant 0 : i32
        %dma_start3A_207 = tpu.memref_slice %arg7[%add3A_205, %dma_start3A_206] : memref<40x125xi32, #tpu.memory_space<vmem>> -> memref<1x125xi32, #tpu.memory_space<vmem>>
        %dma_start3A_208 = tpu.memref_squeeze %dma_start3A_207 : memref<1x125xi32, #tpu.memory_space<vmem>> -> memref<125xi32, #tpu.memory_space<vmem>>
        %dma_start3A_209 = arith.constant 0 : i32
        %dma_start3A_210 = arith.constant 0 : i32
        %dma_start3A_211 = tpu.memref_slice %arg2[%dma_start3A_209, %dma_start3A_210] : memref<30000x128xf32, #tpu.memory_space<hbm>> -> memref<30000x128xf32, #tpu.memory_space<hbm>>
        tpu.enqueue_indirect_dma source(%dma_start3A_211 : memref<30000x128xf32, #tpu.memory_space<hbm>>) target(%arg9 : memref<125x128xf32, #tpu.memory_space<vmem>>) offsets(%dma_start3A_208 : memref<125xi32, #tpu.memory_space<vmem>>) semaphore(%arg12 : memref<!tpu.dma_semaphore, #tpu.memory_space<semaphore_mem>>)
      } else {
      }
      %add3A_194 = arith.constant 1 : i32
      %add3A_195 = arith.addi %mul3A_175, %add3A_194 : i32
      %dma_wait3A_196 = arith.constant 0 : i32
      %dma_wait3A_197 = tpu.memref_slice %arg7[%add3A_195, %dma_wait3A_196] : memref<40x125xi32, #tpu.memory_space<vmem>> -> memref<1x125xi32, #tpu.memory_space<vmem>>
      %dma_wait3A_198 = tpu.memref_squeeze %dma_wait3A_197 : memref<1x125xi32, #tpu.memory_space<vmem>> -> memref<125xi32, #tpu.memory_space<vmem>>
      %dma_wait3A_199 = arith.constant 0 : i32
      %dma_wait3A_200 = arith.constant 0 : i32
      %dma_wait3A_201 = tpu.memref_slice %arg2[%dma_wait3A_199, %dma_wait3A_200] : memref<30000x128xf32, #tpu.memory_space<hbm>> -> memref<30000x128xf32, #tpu.memory_space<hbm>>
      tpu.wait_indirect_dma semaphore(%arg13 : memref<!tpu.dma_semaphore, #tpu.memory_space<semaphore_mem>>) src(%dma_wait3A_201 : memref<30000x128xf32, #tpu.memory_space<hbm>>) dst(%arg10 : memref<125x128xf32, #tpu.memory_space<vmem>>)
      %add3A_202 = arith.constant 1 : i32
      %add3A_203 = arith.addi %mul3A_175, %add3A_202 : i32
      "tpu.region"() ({
        %run_scoped3A_204 = tpu.sem_alloc : memref<!tpu.dma_semaphore, #tpu.memory_space<semaphore_mem>>
        %dma_start3A_205 = arith.constant 0 : i32
        %dma_start3A_206 = tpu.memref_slice %arg8[%add3A_203, %dma_start3A_205] : memref<40x125xi32, #tpu.memory_space<vmem>> -> memref<1x125xi32, #tpu.memory_space<vmem>>
        %dma_start3A_207 = tpu.memref_squeeze %dma_start3A_206 : memref<1x125xi32, #tpu.memory_space<vmem>> -> memref<125xi32, #tpu.memory_space<vmem>>
        %dma_start3A_208 = arith.constant 0 : i32
        %dma_start3A_209 = arith.constant 0 : i32
        %dma_start3A_210 = tpu.memref_slice %arg11[%dma_start3A_208, %dma_start3A_209] : memref<10240x128xf32, #tpu.memory_space<vmem_shared>> -> memref<10240x128xf32, #tpu.memory_space<vmem_shared>>
        tpu.enqueue_indirect_dma source(%arg10 : memref<125x128xf32, #tpu.memory_space<vmem>>) target(%dma_start3A_210 : memref<10240x128xf32, #tpu.memory_space<vmem_shared>>) offsets(%dma_start3A_207 : memref<125xi32, #tpu.memory_space<vmem>>) semaphore(%run_scoped3A_204 : memref<!tpu.dma_semaphore, #tpu.memory_space<semaphore_mem>>) {add = true}
        %dma_wait3A_211 = arith.constant 0 : i32
        %dma_wait3A_212 = tpu.memref_slice %arg8[%add3A_203, %dma_wait3A_211] : memref<40x125xi32, #tpu.memory_space<vmem>> -> memref<1x125xi32, #tpu.memory_space<vmem>>
        %dma_wait3A_213 = tpu.memref_squeeze %dma_wait3A_212 : memref<1x125xi32, #tpu.memory_space<vmem>> -> memref<125xi32, #tpu.memory_space<vmem>>
        %dma_wait3A_214 = arith.constant 0 : i32
        %dma_wait3A_215 = arith.constant 0 : i32
        %dma_wait3A_216 = tpu.memref_slice %arg11[%dma_wait3A_214, %dma_wait3A_215] : memref<10240x128xf32, #tpu.memory_space<vmem_shared>> -> memref<10240x128xf32, #tpu.memory_space<vmem_shared>>
        tpu.wait_indirect_dma semaphore(%run_scoped3A_204 : memref<!tpu.dma_semaphore, #tpu.memory_space<semaphore_mem>>) src(%arg10 : memref<125x128xf32, #tpu.memory_space<vmem>>) dst(%dma_wait3A_216 : memref<10240x128xf32, #tpu.memory_space<vmem_shared>>)
        tpu.yield
      }) : () -> ()
    }
    %scan3A_45 = arith.constant 20 : i32
    %barrier3A_46 = arith.constant 0 : index
    tpu.barrier barrier_id(%barrier3A_46)
    %lt3A = arith.constant 15 : i32
    %lt3A_47 = arith.cmpi slt, %arg1, %lt3A : i32
    %convert_element_type3A = arith.extui %lt3A_47 : i1 to i32
    %cond3A = arith.constant 0 : i32
    %cond3A_48 = arith.cmpi ne, %convert_element_type3A, %cond3A : i32
    scf.if %cond3A_48 {
      %mul3A_173 = arith.constant 640 : i32
      %mul3A_174 = arith.muli %arg1, %mul3A_173 : i32
      %mul3A_175 = arith.constant 640 : i32
      %mul3A_176 = arith.muli %arg1, %mul3A_175 : i32
      %run_scoped3A_177 = arith.constant 0 : i32
      "tpu.region"() ({
        %run_scoped3A_178 = tpu.sem_alloc : memref<!tpu.dma_semaphore, #tpu.memory_space<semaphore_mem>>
        %dma_start3A_179 = arith.constant 0 : i32
        %dma_start3A_180 = tpu.memref_slice %arg6[%arg0, %run_scoped3A_177, %mul3A_176, %dma_start3A_179] : memref<2x3x10000x128xf32, #tpu.memory_space<hbm>> -> memref<1x1x640x128xf32, #tpu.memory_space<hbm>>
        %dma_start3A_181 = tpu.memref_squeeze %dma_start3A_180 : memref<1x1x640x128xf32, #tpu.memory_space<hbm>> -> memref<640x128xf32, #tpu.memory_space<hbm>>
        %dma_start3A_182 = arith.constant 0 : i32
        %dma_start3A_183 = tpu.memref_slice %arg11[%mul3A_174, %dma_start3A_182] : memref<10240x128xf32, #tpu.memory_space<vmem_shared>> -> memref<640x128xf32, #tpu.memory_space<vmem_shared>>
        tpu.enqueue_dma source(%dma_start3A_183 : memref<640x128xf32, #tpu.memory_space<vmem_shared>>) target(%dma_start3A_181 : memref<640x128xf32, #tpu.memory_space<hbm>>) target_semaphore(%run_scoped3A_178 : memref<!tpu.dma_semaphore, #tpu.memory_space<semaphore_mem>>)
        %dma_wait3A = arith.constant 0 : i32
        %dma_wait3A_184 = tpu.memref_slice %arg6[%arg0, %run_scoped3A_177, %mul3A_176, %dma_wait3A] : memref<2x3x10000x128xf32, #tpu.memory_space<hbm>> -> memref<1x1x640x128xf32, #tpu.memory_space<hbm>>
        %dma_wait3A_185 = tpu.memref_squeeze %dma_wait3A_184 : memref<1x1x640x128xf32, #tpu.memory_space<hbm>> -> memref<640x128xf32, #tpu.memory_space<hbm>>
        %dma_wait3A_186 = arith.constant 0 : i32
        %dma_wait3A_187 = tpu.memref_slice %arg11[%mul3A_174, %dma_wait3A_186] : memref<10240x128xf32, #tpu.memory_space<vmem_shared>> -> memref<640x128xf32, #tpu.memory_space<vmem_shared>>
        tpu.wait_dma2 semaphore(%run_scoped3A_178 : memref<!tpu.dma_semaphore, #tpu.memory_space<semaphore_mem>>) src(%dma_wait3A_187 : memref<640x128xf32, #tpu.memory_space<vmem_shared>>) dst(%dma_wait3A_185 : memref<640x128xf32, #tpu.memory_space<hbm>>)
        tpu.yield
      }) : () -> ()
    } else {
    }
    %eq3A = arith.constant 15 : i32
    %eq3A_49 = arith.cmpi eq, %arg1, %eq3A : i32
    %convert_element_type3A_50 = arith.extui %eq3A_49 : i1 to i32
    %cond3A_51 = arith.constant 0 : i32
    %cond3A_52 = arith.cmpi ne, %convert_element_type3A_50, %cond3A_51 : i32
    scf.if %cond3A_52 {
      %run_scoped3A_173 = arith.constant 0 : i32
      "tpu.region"() ({
        %run_scoped3A_174 = tpu.sem_alloc : memref<!tpu.dma_semaphore, #tpu.memory_space<semaphore_mem>>
        %dma_start3A_175 = arith.constant 9600 : i32
        %dma_start3A_176 = arith.constant 0 : i32
        %dma_start3A_177 = tpu.memref_slice %arg6[%arg0, %run_scoped3A_173, %dma_start3A_175, %dma_start3A_176] : memref<2x3x10000x128xf32, #tpu.memory_space<hbm>> -> memref<1x1x400x128xf32, #tpu.memory_space<hbm>>
        %dma_start3A_178 = tpu.memref_squeeze %dma_start3A_177 : memref<1x1x400x128xf32, #tpu.memory_space<hbm>> -> memref<400x128xf32, #tpu.memory_space<hbm>>
        %dma_start3A_179 = arith.constant 9600 : i32
        %dma_start3A_180 = arith.constant 0 : i32
        %dma_start3A_181 = tpu.memref_slice %arg11[%dma_start3A_179, %dma_start3A_180] : memref<10240x128xf32, #tpu.memory_space<vmem_shared>> -> memref<400x128xf32, #tpu.memory_space<vmem_shared>>
        tpu.enqueue_dma source(%dma_start3A_181 : memref<400x128xf32, #tpu.memory_space<vmem_shared>>) target(%dma_start3A_178 : memref<400x128xf32, #tpu.memory_space<hbm>>) target_semaphore(%run_scoped3A_174 : memref<!tpu.dma_semaphore, #tpu.memory_space<semaphore_mem>>)
        %dma_wait3A = arith.constant 9600 : i32
        %dma_wait3A_182 = arith.constant 0 : i32
        %dma_wait3A_183 = tpu.memref_slice %arg6[%arg0, %run_scoped3A_173, %dma_wait3A, %dma_wait3A_182] : memref<2x3x10000x128xf32, #tpu.memory_space<hbm>> -> memref<1x1x400x128xf32, #tpu.memory_space<hbm>>
        %dma_wait3A_184 = tpu.memref_squeeze %dma_wait3A_183 : memref<1x1x400x128xf32, #tpu.memory_space<hbm>> -> memref<400x128xf32, #tpu.memory_space<hbm>>
        %dma_wait3A_185 = arith.constant 9600 : i32
        %dma_wait3A_186 = arith.constant 0 : i32
        %dma_wait3A_187 = tpu.memref_slice %arg11[%dma_wait3A_185, %dma_wait3A_186] : memref<10240x128xf32, #tpu.memory_space<vmem_shared>> -> memref<400x128xf32, #tpu.memory_space<vmem_shared>>
        tpu.wait_dma2 semaphore(%run_scoped3A_174 : memref<!tpu.dma_semaphore, #tpu.memory_space<semaphore_mem>>) src(%dma_wait3A_187 : memref<400x128xf32, #tpu.memory_space<vmem_shared>>) dst(%dma_wait3A_184 : memref<400x128xf32, #tpu.memory_space<hbm>>)
        tpu.yield
      }) : () -> ()
    } else {
    }
    %mul3A_53 = arith.constant 640 : i32
    %mul3A_54 = arith.muli %arg1, %mul3A_53 : i32
    "tpu.region"() ({
      %run_scoped3A_173 = tpu.sem_alloc : memref<!tpu.dma_semaphore, #tpu.memory_space<semaphore_mem>>
      %dma_start3A_174 = arith.constant 0 : i32
      %dma_start3A_175 = tpu.memref_slice %arg11[%mul3A_54, %dma_start3A_174] : memref<10240x128xf32, #tpu.memory_space<vmem_shared>> -> memref<640x128xf32, #tpu.memory_space<vmem_shared>>
      tpu.enqueue_dma source(%arg5 : memref<640x128xf32, #tpu.memory_space<hbm>>) target(%dma_start3A_175 : memref<640x128xf32, #tpu.memory_space<vmem_shared>>) target_semaphore(%run_scoped3A_173 : memref<!tpu.dma_semaphore, #tpu.memory_space<semaphore_mem>>)
      %dma_wait3A = arith.constant 0 : i32
      %dma_wait3A_176 = tpu.memref_slice %arg11[%mul3A_54, %dma_wait3A] : memref<10240x128xf32, #tpu.memory_space<vmem_shared>> -> memref<640x128xf32, #tpu.memory_space<vmem_shared>>
      tpu.wait_dma2 semaphore(%run_scoped3A_173 : memref<!tpu.dma_semaphore, #tpu.memory_space<semaphore_mem>>) src(%arg5 : memref<640x128xf32, #tpu.memory_space<hbm>>) dst(%dma_wait3A_176 : memref<640x128xf32, #tpu.memory_space<vmem_shared>>)
      tpu.yield
    }) : () -> ()
    %barrier3A_55 = arith.constant 0 : index
    tpu.barrier barrier_id(%barrier3A_55)
    %mul3A_56 = arith.constant 80 : i32
    %mul3A_57 = arith.muli %add3A, %mul3A_56 : i32
    %add3A_58 = arith.constant 0 : i32
    %add3A_59 = arith.addi %mul3A_57, %add3A_58 : i32
    %run_scoped3A_60 = arith.constant 1 : i32
    "tpu.region"() ({
      %run_scoped3A_173 = tpu.sem_alloc : memref<!tpu.dma_semaphore, #tpu.memory_space<semaphore_mem>>
      %dma_start3A_174 = arith.constant 0 : i32
      %dma_start3A_175 = tpu.memref_slice %arg3[%run_scoped3A_60, %add3A_59, %dma_start3A_174] : memref<3x2560x125xi32, #tpu.memory_space<hbm>> -> memref<1x40x125xi32, #tpu.memory_space<hbm>>
      %dma_start3A_176 = tpu.memref_squeeze %dma_start3A_175 : memref<1x40x125xi32, #tpu.memory_space<hbm>> -> memref<40x125xi32, #tpu.memory_space<hbm>>
      %dma_start3A_177 = arith.constant 0 : i32
      %dma_start3A_178 = tpu.memref_slice %arg3[%run_scoped3A_60, %add3A_59, %dma_start3A_177] : memref<3x2560x125xi32, #tpu.memory_space<hbm>> -> memref<1x40x125xi32, #tpu.memory_space<hbm>>
      %dma_start3A_179 = tpu.memref_squeeze %dma_start3A_178 : memref<1x40x125xi32, #tpu.memory_space<hbm>> -> memref<40x125xi32, #tpu.memory_space<hbm>>
      tpu.enqueue_dma source(%dma_start3A_179 : memref<40x125xi32, #tpu.memory_space<hbm>>) target(%arg7 : memref<40x125xi32, #tpu.memory_space<vmem>>) target_semaphore(%run_scoped3A_173 : memref<!tpu.dma_semaphore, #tpu.memory_space<semaphore_mem>>)
      %dma_wait3A = arith.constant 0 : i32
      %dma_wait3A_180 = tpu.memref_slice %arg3[%run_scoped3A_60, %add3A_59, %dma_wait3A] : memref<3x2560x125xi32, #tpu.memory_space<hbm>> -> memref<1x40x125xi32, #tpu.memory_space<hbm>>
      %dma_wait3A_181 = tpu.memref_squeeze %dma_wait3A_180 : memref<1x40x125xi32, #tpu.memory_space<hbm>> -> memref<40x125xi32, #tpu.memory_space<hbm>>
      %dma_wait3A_182 = arith.constant 0 : i32
      %dma_wait3A_183 = tpu.memref_slice %arg3[%run_scoped3A_60, %add3A_59, %dma_wait3A_182] : memref<3x2560x125xi32, #tpu.memory_space<hbm>> -> memref<1x40x125xi32, #tpu.memory_space<hbm>>
      %dma_wait3A_184 = tpu.memref_squeeze %dma_wait3A_183 : memref<1x40x125xi32, #tpu.memory_space<hbm>> -> memref<40x125xi32, #tpu.memory_space<hbm>>
      tpu.wait_dma2 semaphore(%run_scoped3A_173 : memref<!tpu.dma_semaphore, #tpu.memory_space<semaphore_mem>>) src(%dma_wait3A_184 : memref<40x125xi32, #tpu.memory_space<hbm>>) dst(%arg7 : memref<40x125xi32, #tpu.memory_space<vmem>>)
      tpu.yield
    }) : () -> ()
    %mul3A_61 = arith.constant 80 : i32
    %mul3A_62 = arith.muli %add3A, %mul3A_61 : i32
    %add3A_63 = arith.constant 0 : i32
    %add3A_64 = arith.addi %mul3A_62, %add3A_63 : i32
    %run_scoped3A_65 = arith.constant 1 : i32
    "tpu.region"() ({
      %run_scoped3A_173 = tpu.sem_alloc : memref<!tpu.dma_semaphore, #tpu.memory_space<semaphore_mem>>
      %dma_start3A_174 = arith.constant 0 : i32
      %dma_start3A_175 = tpu.memref_slice %arg4[%run_scoped3A_65, %add3A_64, %dma_start3A_174] : memref<3x2560x125xi32, #tpu.memory_space<hbm>> -> memref<1x40x125xi32, #tpu.memory_space<hbm>>
      %dma_start3A_176 = tpu.memref_squeeze %dma_start3A_175 : memref<1x40x125xi32, #tpu.memory_space<hbm>> -> memref<40x125xi32, #tpu.memory_space<hbm>>
      %dma_start3A_177 = arith.constant 0 : i32
      %dma_start3A_178 = tpu.memref_slice %arg4[%run_scoped3A_65, %add3A_64, %dma_start3A_177] : memref<3x2560x125xi32, #tpu.memory_space<hbm>> -> memref<1x40x125xi32, #tpu.memory_space<hbm>>
      %dma_start3A_179 = tpu.memref_squeeze %dma_start3A_178 : memref<1x40x125xi32, #tpu.memory_space<hbm>> -> memref<40x125xi32, #tpu.memory_space<hbm>>
      tpu.enqueue_dma source(%dma_start3A_179 : memref<40x125xi32, #tpu.memory_space<hbm>>) target(%arg8 : memref<40x125xi32, #tpu.memory_space<vmem>>) target_semaphore(%run_scoped3A_173 : memref<!tpu.dma_semaphore, #tpu.memory_space<semaphore_mem>>)
      %dma_wait3A = arith.constant 0 : i32
      %dma_wait3A_180 = tpu.memref_slice %arg4[%run_scoped3A_65, %add3A_64, %dma_wait3A] : memref<3x2560x125xi32, #tpu.memory_space<hbm>> -> memref<1x40x125xi32, #tpu.memory_space<hbm>>
      %dma_wait3A_181 = tpu.memref_squeeze %dma_wait3A_180 : memref<1x40x125xi32, #tpu.memory_space<hbm>> -> memref<40x125xi32, #tpu.memory_space<hbm>>
      %dma_wait3A_182 = arith.constant 0 : i32
      %dma_wait3A_183 = tpu.memref_slice %arg4[%run_scoped3A_65, %add3A_64, %dma_wait3A_182] : memref<3x2560x125xi32, #tpu.memory_space<hbm>> -> memref<1x40x125xi32, #tpu.memory_space<hbm>>
      %dma_wait3A_184 = tpu.memref_squeeze %dma_wait3A_183 : memref<1x40x125xi32, #tpu.memory_space<hbm>> -> memref<40x125xi32, #tpu.memory_space<hbm>>
      tpu.wait_dma2 semaphore(%run_scoped3A_173 : memref<!tpu.dma_semaphore, #tpu.memory_space<semaphore_mem>>) src(%dma_wait3A_184 : memref<40x125xi32, #tpu.memory_space<hbm>>) dst(%arg8 : memref<40x125xi32, #tpu.memory_space<vmem>>)
      tpu.yield
    }) : () -> ()
    %dma_start3A_66 = arith.constant 0 : i32
    %dma_start3A_67 = arith.constant 0 : i32
    %dma_start3A_68 = tpu.memref_slice %arg7[%dma_start3A_66, %dma_start3A_67] : memref<40x125xi32, #tpu.memory_space<vmem>> -> memref<1x125xi32, #tpu.memory_space<vmem>>
    %dma_start3A_69 = tpu.memref_squeeze %dma_start3A_68 : memref<1x125xi32, #tpu.memory_space<vmem>> -> memref<125xi32, #tpu.memory_space<vmem>>
    %dma_start3A_70 = arith.constant 0 : i32
    %dma_start3A_71 = arith.constant 0 : i32
    %dma_start3A_72 = tpu.memref_slice %arg2[%dma_start3A_70, %dma_start3A_71] : memref<30000x128xf32, #tpu.memory_space<hbm>> -> memref<30000x128xf32, #tpu.memory_space<hbm>>
    tpu.enqueue_indirect_dma source(%dma_start3A_72 : memref<30000x128xf32, #tpu.memory_space<hbm>>) target(%arg9 : memref<125x128xf32, #tpu.memory_space<vmem>>) offsets(%dma_start3A_69 : memref<125xi32, #tpu.memory_space<vmem>>) semaphore(%arg12 : memref<!tpu.dma_semaphore, #tpu.memory_space<semaphore_mem>>)
    %scan3A_73 = arith.constant 0 : i32
    %scan3A_74 = arith.constant 0 : i32
    %scan3A_75 = arith.constant 20 : i32
    %scan3A_76 = arith.addi %scan3A_74, %scan3A_75 : i32
    %scan3A_77 = arith.constant 1 : i32
    scf.for %scan3A_173 = %scan3A_74 to %scan3A_76 step %scan3A_77  : i32 {
      %mul3A_174 = arith.constant 2 : i32
      %mul3A_175 = arith.muli %mul3A_174, %scan3A_173 : i32
      %add3A_176 = arith.constant 1 : i32
      %add3A_177 = arith.addi %mul3A_175, %add3A_176 : i32
      %dma_start3A_178 = arith.constant 0 : i32
      %dma_start3A_179 = tpu.memref_slice %arg7[%add3A_177, %dma_start3A_178] : memref<40x125xi32, #tpu.memory_space<vmem>> -> memref<1x125xi32, #tpu.memory_space<vmem>>
      %dma_start3A_180 = tpu.memref_squeeze %dma_start3A_179 : memref<1x125xi32, #tpu.memory_space<vmem>> -> memref<125xi32, #tpu.memory_space<vmem>>
      %dma_start3A_181 = arith.constant 0 : i32
      %dma_start3A_182 = arith.constant 0 : i32
      %dma_start3A_183 = tpu.memref_slice %arg2[%dma_start3A_181, %dma_start3A_182] : memref<30000x128xf32, #tpu.memory_space<hbm>> -> memref<30000x128xf32, #tpu.memory_space<hbm>>
      tpu.enqueue_indirect_dma source(%dma_start3A_183 : memref<30000x128xf32, #tpu.memory_space<hbm>>) target(%arg10 : memref<125x128xf32, #tpu.memory_space<vmem>>) offsets(%dma_start3A_180 : memref<125xi32, #tpu.memory_space<vmem>>) semaphore(%arg13 : memref<!tpu.dma_semaphore, #tpu.memory_space<semaphore_mem>>)
      %dma_wait3A = arith.constant 0 : i32
      %dma_wait3A_184 = tpu.memref_slice %arg7[%mul3A_175, %dma_wait3A] : memref<40x125xi32, #tpu.memory_space<vmem>> -> memref<1x125xi32, #tpu.memory_space<vmem>>
      %dma_wait3A_185 = tpu.memref_squeeze %dma_wait3A_184 : memref<1x125xi32, #tpu.memory_space<vmem>> -> memref<125xi32, #tpu.memory_space<vmem>>
      %dma_wait3A_186 = arith.constant 0 : i32
      %dma_wait3A_187 = arith.constant 0 : i32
      %dma_wait3A_188 = tpu.memref_slice %arg2[%dma_wait3A_186, %dma_wait3A_187] : memref<30000x128xf32, #tpu.memory_space<hbm>> -> memref<30000x128xf32, #tpu.memory_space<hbm>>
      tpu.wait_indirect_dma semaphore(%arg12 : memref<!tpu.dma_semaphore, #tpu.memory_space<semaphore_mem>>) src(%dma_wait3A_188 : memref<30000x128xf32, #tpu.memory_space<hbm>>) dst(%arg9 : memref<125x128xf32, #tpu.memory_space<vmem>>)
      "tpu.region"() ({
        %run_scoped3A_204 = tpu.sem_alloc : memref<!tpu.dma_semaphore, #tpu.memory_space<semaphore_mem>>
        %dma_start3A_205 = arith.constant 0 : i32
        %dma_start3A_206 = tpu.memref_slice %arg8[%mul3A_175, %dma_start3A_205] : memref<40x125xi32, #tpu.memory_space<vmem>> -> memref<1x125xi32, #tpu.memory_space<vmem>>
        %dma_start3A_207 = tpu.memref_squeeze %dma_start3A_206 : memref<1x125xi32, #tpu.memory_space<vmem>> -> memref<125xi32, #tpu.memory_space<vmem>>
        %dma_start3A_208 = arith.constant 0 : i32
        %dma_start3A_209 = arith.constant 0 : i32
        %dma_start3A_210 = tpu.memref_slice %arg11[%dma_start3A_208, %dma_start3A_209] : memref<10240x128xf32, #tpu.memory_space<vmem_shared>> -> memref<10240x128xf32, #tpu.memory_space<vmem_shared>>
        tpu.enqueue_indirect_dma source(%arg9 : memref<125x128xf32, #tpu.memory_space<vmem>>) target(%dma_start3A_210 : memref<10240x128xf32, #tpu.memory_space<vmem_shared>>) offsets(%dma_start3A_207 : memref<125xi32, #tpu.memory_space<vmem>>) semaphore(%run_scoped3A_204 : memref<!tpu.dma_semaphore, #tpu.memory_space<semaphore_mem>>) {add = true}
        %dma_wait3A_211 = arith.constant 0 : i32
        %dma_wait3A_212 = tpu.memref_slice %arg8[%mul3A_175, %dma_wait3A_211] : memref<40x125xi32, #tpu.memory_space<vmem>> -> memref<1x125xi32, #tpu.memory_space<vmem>>
        %dma_wait3A_213 = tpu.memref_squeeze %dma_wait3A_212 : memref<1x125xi32, #tpu.memory_space<vmem>> -> memref<125xi32, #tpu.memory_space<vmem>>
        %dma_wait3A_214 = arith.constant 0 : i32
        %dma_wait3A_215 = arith.constant 0 : i32
        %dma_wait3A_216 = tpu.memref_slice %arg11[%dma_wait3A_214, %dma_wait3A_215] : memref<10240x128xf32, #tpu.memory_space<vmem_shared>> -> memref<10240x128xf32, #tpu.memory_space<vmem_shared>>
        tpu.wait_indirect_dma semaphore(%run_scoped3A_204 : memref<!tpu.dma_semaphore, #tpu.memory_space<semaphore_mem>>) src(%arg9 : memref<125x128xf32, #tpu.memory_space<vmem>>) dst(%dma_wait3A_216 : memref<10240x128xf32, #tpu.memory_space<vmem_shared>>)
        tpu.yield
      }) : () -> ()
      %lt3A_189 = arith.constant 19 : i32
      %lt3A_190 = arith.cmpi slt, %scan3A_173, %lt3A_189 : i32
      %convert_element_type3A_191 = arith.extui %lt3A_190 : i1 to i32
      %cond3A_192 = arith.constant 0 : i32
      %cond3A_193 = arith.cmpi ne, %convert_element_type3A_191, %cond3A_192 : i32
      scf.if %cond3A_193 {
        %add3A_204 = arith.constant 2 : i32
        %add3A_205 = arith.addi %mul3A_175, %add3A_204 : i32
        %dma_start3A_206 = arith.constant 0 : i32
        %dma_start3A_207 = tpu.memref_slice %arg7[%add3A_205, %dma_start3A_206] : memref<40x125xi32, #tpu.memory_space<vmem>> -> memref<1x125xi32, #tpu.memory_space<vmem>>
        %dma_start3A_208 = tpu.memref_squeeze %dma_start3A_207 : memref<1x125xi32, #tpu.memory_space<vmem>> -> memref<125xi32, #tpu.memory_space<vmem>>
        %dma_start3A_209 = arith.constant 0 : i32
        %dma_start3A_210 = arith.constant 0 : i32
        %dma_start3A_211 = tpu.memref_slice %arg2[%dma_start3A_209, %dma_start3A_210] : memref<30000x128xf32, #tpu.memory_space<hbm>> -> memref<30000x128xf32, #tpu.memory_space<hbm>>
        tpu.enqueue_indirect_dma source(%dma_start3A_211 : memref<30000x128xf32, #tpu.memory_space<hbm>>) target(%arg9 : memref<125x128xf32, #tpu.memory_space<vmem>>) offsets(%dma_start3A_208 : memref<125xi32, #tpu.memory_space<vmem>>) semaphore(%arg12 : memref<!tpu.dma_semaphore, #tpu.memory_space<semaphore_mem>>)
      } else {
      }
      %add3A_194 = arith.constant 1 : i32
      %add3A_195 = arith.addi %mul3A_175, %add3A_194 : i32
      %dma_wait3A_196 = arith.constant 0 : i32
      %dma_wait3A_197 = tpu.memref_slice %arg7[%add3A_195, %dma_wait3A_196] : memref<40x125xi32, #tpu.memory_space<vmem>> -> memref<1x125xi32, #tpu.memory_space<vmem>>
      %dma_wait3A_198 = tpu.memref_squeeze %dma_wait3A_197 : memref<1x125xi32, #tpu.memory_space<vmem>> -> memref<125xi32, #tpu.memory_space<vmem>>
      %dma_wait3A_199 = arith.constant 0 : i32
      %dma_wait3A_200 = arith.constant 0 : i32
      %dma_wait3A_201 = tpu.memref_slice %arg2[%dma_wait3A_199, %dma_wait3A_200] : memref<30000x128xf32, #tpu.memory_space<hbm>> -> memref<30000x128xf32, #tpu.memory_space<hbm>>
      tpu.wait_indirect_dma semaphore(%arg13 : memref<!tpu.dma_semaphore, #tpu.memory_space<semaphore_mem>>) src(%dma_wait3A_201 : memref<30000x128xf32, #tpu.memory_space<hbm>>) dst(%arg10 : memref<125x128xf32, #tpu.memory_space<vmem>>)
      %add3A_202 = arith.constant 1 : i32
      %add3A_203 = arith.addi %mul3A_175, %add3A_202 : i32
      "tpu.region"() ({
        %run_scoped3A_204 = tpu.sem_alloc : memref<!tpu.dma_semaphore, #tpu.memory_space<semaphore_mem>>
        %dma_start3A_205 = arith.constant 0 : i32
        %dma_start3A_206 = tpu.memref_slice %arg8[%add3A_203, %dma_start3A_205] : memref<40x125xi32, #tpu.memory_space<vmem>> -> memref<1x125xi32, #tpu.memory_space<vmem>>
        %dma_start3A_207 = tpu.memref_squeeze %dma_start3A_206 : memref<1x125xi32, #tpu.memory_space<vmem>> -> memref<125xi32, #tpu.memory_space<vmem>>
        %dma_start3A_208 = arith.constant 0 : i32
        %dma_start3A_209 = arith.constant 0 : i32
        %dma_start3A_210 = tpu.memref_slice %arg11[%dma_start3A_208, %dma_start3A_209] : memref<10240x128xf32, #tpu.memory_space<vmem_shared>> -> memref<10240x128xf32, #tpu.memory_space<vmem_shared>>
        tpu.enqueue_indirect_dma source(%arg10 : memref<125x128xf32, #tpu.memory_space<vmem>>) target(%dma_start3A_210 : memref<10240x128xf32, #tpu.memory_space<vmem_shared>>) offsets(%dma_start3A_207 : memref<125xi32, #tpu.memory_space<vmem>>) semaphore(%run_scoped3A_204 : memref<!tpu.dma_semaphore, #tpu.memory_space<semaphore_mem>>) {add = true}
        %dma_wait3A_211 = arith.constant 0 : i32
        %dma_wait3A_212 = tpu.memref_slice %arg8[%add3A_203, %dma_wait3A_211] : memref<40x125xi32, #tpu.memory_space<vmem>> -> memref<1x125xi32, #tpu.memory_space<vmem>>
        %dma_wait3A_213 = tpu.memref_squeeze %dma_wait3A_212 : memref<1x125xi32, #tpu.memory_space<vmem>> -> memref<125xi32, #tpu.memory_space<vmem>>
        %dma_wait3A_214 = arith.constant 0 : i32
        %dma_wait3A_215 = arith.constant 0 : i32
        %dma_wait3A_216 = tpu.memref_slice %arg11[%dma_wait3A_214, %dma_wait3A_215] : memref<10240x128xf32, #tpu.memory_space<vmem_shared>> -> memref<10240x128xf32, #tpu.memory_space<vmem_shared>>
        tpu.wait_indirect_dma semaphore(%run_scoped3A_204 : memref<!tpu.dma_semaphore, #tpu.memory_space<semaphore_mem>>) src(%arg10 : memref<125x128xf32, #tpu.memory_space<vmem>>) dst(%dma_wait3A_216 : memref<10240x128xf32, #tpu.memory_space<vmem_shared>>)
        tpu.yield
      }) : () -> ()
    }
    %scan3A_78 = arith.constant 20 : i32
    %mul3A_79 = arith.constant 80 : i32
    %mul3A_80 = arith.muli %add3A, %mul3A_79 : i32
    %add3A_81 = arith.constant 40 : i32
    %add3A_82 = arith.addi %mul3A_80, %add3A_81 : i32
    %run_scoped3A_83 = arith.constant 1 : i32
    "tpu.region"() ({
      %run_scoped3A_173 = tpu.sem_alloc : memref<!tpu.dma_semaphore, #tpu.memory_space<semaphore_mem>>
      %dma_start3A_174 = arith.constant 0 : i32
      %dma_start3A_175 = tpu.memref_slice %arg3[%run_scoped3A_83, %add3A_82, %dma_start3A_174] : memref<3x2560x125xi32, #tpu.memory_space<hbm>> -> memref<1x40x125xi32, #tpu.memory_space<hbm>>
      %dma_start3A_176 = tpu.memref_squeeze %dma_start3A_175 : memref<1x40x125xi32, #tpu.memory_space<hbm>> -> memref<40x125xi32, #tpu.memory_space<hbm>>
      %dma_start3A_177 = arith.constant 0 : i32
      %dma_start3A_178 = tpu.memref_slice %arg3[%run_scoped3A_83, %add3A_82, %dma_start3A_177] : memref<3x2560x125xi32, #tpu.memory_space<hbm>> -> memref<1x40x125xi32, #tpu.memory_space<hbm>>
      %dma_start3A_179 = tpu.memref_squeeze %dma_start3A_178 : memref<1x40x125xi32, #tpu.memory_space<hbm>> -> memref<40x125xi32, #tpu.memory_space<hbm>>
      tpu.enqueue_dma source(%dma_start3A_179 : memref<40x125xi32, #tpu.memory_space<hbm>>) target(%arg7 : memref<40x125xi32, #tpu.memory_space<vmem>>) target_semaphore(%run_scoped3A_173 : memref<!tpu.dma_semaphore, #tpu.memory_space<semaphore_mem>>)
      %dma_wait3A = arith.constant 0 : i32
      %dma_wait3A_180 = tpu.memref_slice %arg3[%run_scoped3A_83, %add3A_82, %dma_wait3A] : memref<3x2560x125xi32, #tpu.memory_space<hbm>> -> memref<1x40x125xi32, #tpu.memory_space<hbm>>
      %dma_wait3A_181 = tpu.memref_squeeze %dma_wait3A_180 : memref<1x40x125xi32, #tpu.memory_space<hbm>> -> memref<40x125xi32, #tpu.memory_space<hbm>>
      %dma_wait3A_182 = arith.constant 0 : i32
      %dma_wait3A_183 = tpu.memref_slice %arg3[%run_scoped3A_83, %add3A_82, %dma_wait3A_182] : memref<3x2560x125xi32, #tpu.memory_space<hbm>> -> memref<1x40x125xi32, #tpu.memory_space<hbm>>
      %dma_wait3A_184 = tpu.memref_squeeze %dma_wait3A_183 : memref<1x40x125xi32, #tpu.memory_space<hbm>> -> memref<40x125xi32, #tpu.memory_space<hbm>>
      tpu.wait_dma2 semaphore(%run_scoped3A_173 : memref<!tpu.dma_semaphore, #tpu.memory_space<semaphore_mem>>) src(%dma_wait3A_184 : memref<40x125xi32, #tpu.memory_space<hbm>>) dst(%arg7 : memref<40x125xi32, #tpu.memory_space<vmem>>)
      tpu.yield
    }) : () -> ()
    %mul3A_84 = arith.constant 80 : i32
    %mul3A_85 = arith.muli %add3A, %mul3A_84 : i32
    %add3A_86 = arith.constant 40 : i32
    %add3A_87 = arith.addi %mul3A_85, %add3A_86 : i32
    %run_scoped3A_88 = arith.constant 1 : i32
    "tpu.region"() ({
      %run_scoped3A_173 = tpu.sem_alloc : memref<!tpu.dma_semaphore, #tpu.memory_space<semaphore_mem>>
      %dma_start3A_174 = arith.constant 0 : i32
      %dma_start3A_175 = tpu.memref_slice %arg4[%run_scoped3A_88, %add3A_87, %dma_start3A_174] : memref<3x2560x125xi32, #tpu.memory_space<hbm>> -> memref<1x40x125xi32, #tpu.memory_space<hbm>>
      %dma_start3A_176 = tpu.memref_squeeze %dma_start3A_175 : memref<1x40x125xi32, #tpu.memory_space<hbm>> -> memref<40x125xi32, #tpu.memory_space<hbm>>
      %dma_start3A_177 = arith.constant 0 : i32
      %dma_start3A_178 = tpu.memref_slice %arg4[%run_scoped3A_88, %add3A_87, %dma_start3A_177] : memref<3x2560x125xi32, #tpu.memory_space<hbm>> -> memref<1x40x125xi32, #tpu.memory_space<hbm>>
      %dma_start3A_179 = tpu.memref_squeeze %dma_start3A_178 : memref<1x40x125xi32, #tpu.memory_space<hbm>> -> memref<40x125xi32, #tpu.memory_space<hbm>>
      tpu.enqueue_dma source(%dma_start3A_179 : memref<40x125xi32, #tpu.memory_space<hbm>>) target(%arg8 : memref<40x125xi32, #tpu.memory_space<vmem>>) target_semaphore(%run_scoped3A_173 : memref<!tpu.dma_semaphore, #tpu.memory_space<semaphore_mem>>)
      %dma_wait3A = arith.constant 0 : i32
      %dma_wait3A_180 = tpu.memref_slice %arg4[%run_scoped3A_88, %add3A_87, %dma_wait3A] : memref<3x2560x125xi32, #tpu.memory_space<hbm>> -> memref<1x40x125xi32, #tpu.memory_space<hbm>>
      %dma_wait3A_181 = tpu.memref_squeeze %dma_wait3A_180 : memref<1x40x125xi32, #tpu.memory_space<hbm>> -> memref<40x125xi32, #tpu.memory_space<hbm>>
      %dma_wait3A_182 = arith.constant 0 : i32
      %dma_wait3A_183 = tpu.memref_slice %arg4[%run_scoped3A_88, %add3A_87, %dma_wait3A_182] : memref<3x2560x125xi32, #tpu.memory_space<hbm>> -> memref<1x40x125xi32, #tpu.memory_space<hbm>>
      %dma_wait3A_184 = tpu.memref_squeeze %dma_wait3A_183 : memref<1x40x125xi32, #tpu.memory_space<hbm>> -> memref<40x125xi32, #tpu.memory_space<hbm>>
      tpu.wait_dma2 semaphore(%run_scoped3A_173 : memref<!tpu.dma_semaphore, #tpu.memory_space<semaphore_mem>>) src(%dma_wait3A_184 : memref<40x125xi32, #tpu.memory_space<hbm>>) dst(%arg8 : memref<40x125xi32, #tpu.memory_space<vmem>>)
      tpu.yield
    }) : () -> ()
    %dma_start3A_89 = arith.constant 0 : i32
    %dma_start3A_90 = arith.constant 0 : i32
    %dma_start3A_91 = tpu.memref_slice %arg7[%dma_start3A_89, %dma_start3A_90] : memref<40x125xi32, #tpu.memory_space<vmem>> -> memref<1x125xi32, #tpu.memory_space<vmem>>
    %dma_start3A_92 = tpu.memref_squeeze %dma_start3A_91 : memref<1x125xi32, #tpu.memory_space<vmem>> -> memref<125xi32, #tpu.memory_space<vmem>>
    %dma_start3A_93 = arith.constant 0 : i32
    %dma_start3A_94 = arith.constant 0 : i32
    %dma_start3A_95 = tpu.memref_slice %arg2[%dma_start3A_93, %dma_start3A_94] : memref<30000x128xf32, #tpu.memory_space<hbm>> -> memref<30000x128xf32, #tpu.memory_space<hbm>>
    tpu.enqueue_indirect_dma source(%dma_start3A_95 : memref<30000x128xf32, #tpu.memory_space<hbm>>) target(%arg9 : memref<125x128xf32, #tpu.memory_space<vmem>>) offsets(%dma_start3A_92 : memref<125xi32, #tpu.memory_space<vmem>>) semaphore(%arg12 : memref<!tpu.dma_semaphore, #tpu.memory_space<semaphore_mem>>)
    %scan3A_96 = arith.constant 0 : i32
    %scan3A_97 = arith.constant 0 : i32
    %scan3A_98 = arith.constant 20 : i32
    %scan3A_99 = arith.addi %scan3A_97, %scan3A_98 : i32
    %scan3A_100 = arith.constant 1 : i32
    scf.for %scan3A_173 = %scan3A_97 to %scan3A_99 step %scan3A_100  : i32 {
      %mul3A_174 = arith.constant 2 : i32
      %mul3A_175 = arith.muli %mul3A_174, %scan3A_173 : i32
      %add3A_176 = arith.constant 1 : i32
      %add3A_177 = arith.addi %mul3A_175, %add3A_176 : i32
      %dma_start3A_178 = arith.constant 0 : i32
      %dma_start3A_179 = tpu.memref_slice %arg7[%add3A_177, %dma_start3A_178] : memref<40x125xi32, #tpu.memory_space<vmem>> -> memref<1x125xi32, #tpu.memory_space<vmem>>
      %dma_start3A_180 = tpu.memref_squeeze %dma_start3A_179 : memref<1x125xi32, #tpu.memory_space<vmem>> -> memref<125xi32, #tpu.memory_space<vmem>>
      %dma_start3A_181 = arith.constant 0 : i32
      %dma_start3A_182 = arith.constant 0 : i32
      %dma_start3A_183 = tpu.memref_slice %arg2[%dma_start3A_181, %dma_start3A_182] : memref<30000x128xf32, #tpu.memory_space<hbm>> -> memref<30000x128xf32, #tpu.memory_space<hbm>>
      tpu.enqueue_indirect_dma source(%dma_start3A_183 : memref<30000x128xf32, #tpu.memory_space<hbm>>) target(%arg10 : memref<125x128xf32, #tpu.memory_space<vmem>>) offsets(%dma_start3A_180 : memref<125xi32, #tpu.memory_space<vmem>>) semaphore(%arg13 : memref<!tpu.dma_semaphore, #tpu.memory_space<semaphore_mem>>)
      %dma_wait3A = arith.constant 0 : i32
      %dma_wait3A_184 = tpu.memref_slice %arg7[%mul3A_175, %dma_wait3A] : memref<40x125xi32, #tpu.memory_space<vmem>> -> memref<1x125xi32, #tpu.memory_space<vmem>>
      %dma_wait3A_185 = tpu.memref_squeeze %dma_wait3A_184 : memref<1x125xi32, #tpu.memory_space<vmem>> -> memref<125xi32, #tpu.memory_space<vmem>>
      %dma_wait3A_186 = arith.constant 0 : i32
      %dma_wait3A_187 = arith.constant 0 : i32
      %dma_wait3A_188 = tpu.memref_slice %arg2[%dma_wait3A_186, %dma_wait3A_187] : memref<30000x128xf32, #tpu.memory_space<hbm>> -> memref<30000x128xf32, #tpu.memory_space<hbm>>
      tpu.wait_indirect_dma semaphore(%arg12 : memref<!tpu.dma_semaphore, #tpu.memory_space<semaphore_mem>>) src(%dma_wait3A_188 : memref<30000x128xf32, #tpu.memory_space<hbm>>) dst(%arg9 : memref<125x128xf32, #tpu.memory_space<vmem>>)
      "tpu.region"() ({
        %run_scoped3A_204 = tpu.sem_alloc : memref<!tpu.dma_semaphore, #tpu.memory_space<semaphore_mem>>
        %dma_start3A_205 = arith.constant 0 : i32
        %dma_start3A_206 = tpu.memref_slice %arg8[%mul3A_175, %dma_start3A_205] : memref<40x125xi32, #tpu.memory_space<vmem>> -> memref<1x125xi32, #tpu.memory_space<vmem>>
        %dma_start3A_207 = tpu.memref_squeeze %dma_start3A_206 : memref<1x125xi32, #tpu.memory_space<vmem>> -> memref<125xi32, #tpu.memory_space<vmem>>
        %dma_start3A_208 = arith.constant 0 : i32
        %dma_start3A_209 = arith.constant 0 : i32
        %dma_start3A_210 = tpu.memref_slice %arg11[%dma_start3A_208, %dma_start3A_209] : memref<10240x128xf32, #tpu.memory_space<vmem_shared>> -> memref<10240x128xf32, #tpu.memory_space<vmem_shared>>
        tpu.enqueue_indirect_dma source(%arg9 : memref<125x128xf32, #tpu.memory_space<vmem>>) target(%dma_start3A_210 : memref<10240x128xf32, #tpu.memory_space<vmem_shared>>) offsets(%dma_start3A_207 : memref<125xi32, #tpu.memory_space<vmem>>) semaphore(%run_scoped3A_204 : memref<!tpu.dma_semaphore, #tpu.memory_space<semaphore_mem>>) {add = true}
        %dma_wait3A_211 = arith.constant 0 : i32
        %dma_wait3A_212 = tpu.memref_slice %arg8[%mul3A_175, %dma_wait3A_211] : memref<40x125xi32, #tpu.memory_space<vmem>> -> memref<1x125xi32, #tpu.memory_space<vmem>>
        %dma_wait3A_213 = tpu.memref_squeeze %dma_wait3A_212 : memref<1x125xi32, #tpu.memory_space<vmem>> -> memref<125xi32, #tpu.memory_space<vmem>>
        %dma_wait3A_214 = arith.constant 0 : i32
        %dma_wait3A_215 = arith.constant 0 : i32
        %dma_wait3A_216 = tpu.memref_slice %arg11[%dma_wait3A_214, %dma_wait3A_215] : memref<10240x128xf32, #tpu.memory_space<vmem_shared>> -> memref<10240x128xf32, #tpu.memory_space<vmem_shared>>
        tpu.wait_indirect_dma semaphore(%run_scoped3A_204 : memref<!tpu.dma_semaphore, #tpu.memory_space<semaphore_mem>>) src(%arg9 : memref<125x128xf32, #tpu.memory_space<vmem>>) dst(%dma_wait3A_216 : memref<10240x128xf32, #tpu.memory_space<vmem_shared>>)
        tpu.yield
      }) : () -> ()
      %lt3A_189 = arith.constant 19 : i32
      %lt3A_190 = arith.cmpi slt, %scan3A_173, %lt3A_189 : i32
      %convert_element_type3A_191 = arith.extui %lt3A_190 : i1 to i32
      %cond3A_192 = arith.constant 0 : i32
      %cond3A_193 = arith.cmpi ne, %convert_element_type3A_191, %cond3A_192 : i32
      scf.if %cond3A_193 {
        %add3A_204 = arith.constant 2 : i32
        %add3A_205 = arith.addi %mul3A_175, %add3A_204 : i32
        %dma_start3A_206 = arith.constant 0 : i32
        %dma_start3A_207 = tpu.memref_slice %arg7[%add3A_205, %dma_start3A_206] : memref<40x125xi32, #tpu.memory_space<vmem>> -> memref<1x125xi32, #tpu.memory_space<vmem>>
        %dma_start3A_208 = tpu.memref_squeeze %dma_start3A_207 : memref<1x125xi32, #tpu.memory_space<vmem>> -> memref<125xi32, #tpu.memory_space<vmem>>
        %dma_start3A_209 = arith.constant 0 : i32
        %dma_start3A_210 = arith.constant 0 : i32
        %dma_start3A_211 = tpu.memref_slice %arg2[%dma_start3A_209, %dma_start3A_210] : memref<30000x128xf32, #tpu.memory_space<hbm>> -> memref<30000x128xf32, #tpu.memory_space<hbm>>
        tpu.enqueue_indirect_dma source(%dma_start3A_211 : memref<30000x128xf32, #tpu.memory_space<hbm>>) target(%arg9 : memref<125x128xf32, #tpu.memory_space<vmem>>) offsets(%dma_start3A_208 : memref<125xi32, #tpu.memory_space<vmem>>) semaphore(%arg12 : memref<!tpu.dma_semaphore, #tpu.memory_space<semaphore_mem>>)
      } else {
      }
      %add3A_194 = arith.constant 1 : i32
      %add3A_195 = arith.addi %mul3A_175, %add3A_194 : i32
      %dma_wait3A_196 = arith.constant 0 : i32
      %dma_wait3A_197 = tpu.memref_slice %arg7[%add3A_195, %dma_wait3A_196] : memref<40x125xi32, #tpu.memory_space<vmem>> -> memref<1x125xi32, #tpu.memory_space<vmem>>
      %dma_wait3A_198 = tpu.memref_squeeze %dma_wait3A_197 : memref<1x125xi32, #tpu.memory_space<vmem>> -> memref<125xi32, #tpu.memory_space<vmem>>
      %dma_wait3A_199 = arith.constant 0 : i32
      %dma_wait3A_200 = arith.constant 0 : i32
      %dma_wait3A_201 = tpu.memref_slice %arg2[%dma_wait3A_199, %dma_wait3A_200] : memref<30000x128xf32, #tpu.memory_space<hbm>> -> memref<30000x128xf32, #tpu.memory_space<hbm>>
      tpu.wait_indirect_dma semaphore(%arg13 : memref<!tpu.dma_semaphore, #tpu.memory_space<semaphore_mem>>) src(%dma_wait3A_201 : memref<30000x128xf32, #tpu.memory_space<hbm>>) dst(%arg10 : memref<125x128xf32, #tpu.memory_space<vmem>>)
      %add3A_202 = arith.constant 1 : i32
      %add3A_203 = arith.addi %mul3A_175, %add3A_202 : i32
      "tpu.region"() ({
        %run_scoped3A_204 = tpu.sem_alloc : memref<!tpu.dma_semaphore, #tpu.memory_space<semaphore_mem>>
        %dma_start3A_205 = arith.constant 0 : i32
        %dma_start3A_206 = tpu.memref_slice %arg8[%add3A_203, %dma_start3A_205] : memref<40x125xi32, #tpu.memory_space<vmem>> -> memref<1x125xi32, #tpu.memory_space<vmem>>
        %dma_start3A_207 = tpu.memref_squeeze %dma_start3A_206 : memref<1x125xi32, #tpu.memory_space<vmem>> -> memref<125xi32, #tpu.memory_space<vmem>>
        %dma_start3A_208 = arith.constant 0 : i32
        %dma_start3A_209 = arith.constant 0 : i32
        %dma_start3A_210 = tpu.memref_slice %arg11[%dma_start3A_208, %dma_start3A_209] : memref<10240x128xf32, #tpu.memory_space<vmem_shared>> -> memref<10240x128xf32, #tpu.memory_space<vmem_shared>>
        tpu.enqueue_indirect_dma source(%arg10 : memref<125x128xf32, #tpu.memory_space<vmem>>) target(%dma_start3A_210 : memref<10240x128xf32, #tpu.memory_space<vmem_shared>>) offsets(%dma_start3A_207 : memref<125xi32, #tpu.memory_space<vmem>>) semaphore(%run_scoped3A_204 : memref<!tpu.dma_semaphore, #tpu.memory_space<semaphore_mem>>) {add = true}
        %dma_wait3A_211 = arith.constant 0 : i32
        %dma_wait3A_212 = tpu.memref_slice %arg8[%add3A_203, %dma_wait3A_211] : memref<40x125xi32, #tpu.memory_space<vmem>> -> memref<1x125xi32, #tpu.memory_space<vmem>>
        %dma_wait3A_213 = tpu.memref_squeeze %dma_wait3A_212 : memref<1x125xi32, #tpu.memory_space<vmem>> -> memref<125xi32, #tpu.memory_space<vmem>>
        %dma_wait3A_214 = arith.constant 0 : i32
        %dma_wait3A_215 = arith.constant 0 : i32
        %dma_wait3A_216 = tpu.memref_slice %arg11[%dma_wait3A_214, %dma_wait3A_215] : memref<10240x128xf32, #tpu.memory_space<vmem_shared>> -> memref<10240x128xf32, #tpu.memory_space<vmem_shared>>
        tpu.wait_indirect_dma semaphore(%run_scoped3A_204 : memref<!tpu.dma_semaphore, #tpu.memory_space<semaphore_mem>>) src(%arg10 : memref<125x128xf32, #tpu.memory_space<vmem>>) dst(%dma_wait3A_216 : memref<10240x128xf32, #tpu.memory_space<vmem_shared>>)
        tpu.yield
      }) : () -> ()
    }
    %scan3A_101 = arith.constant 20 : i32
    %barrier3A_102 = arith.constant 0 : index
    tpu.barrier barrier_id(%barrier3A_102)
    %lt3A_103 = arith.constant 15 : i32
    %lt3A_104 = arith.cmpi slt, %arg1, %lt3A_103 : i32
    %convert_element_type3A_105 = arith.extui %lt3A_104 : i1 to i32
    %cond3A_106 = arith.constant 0 : i32
    %cond3A_107 = arith.cmpi ne, %convert_element_type3A_105, %cond3A_106 : i32
    scf.if %cond3A_107 {
      %mul3A_173 = arith.constant 640 : i32
      %mul3A_174 = arith.muli %arg1, %mul3A_173 : i32
      %mul3A_175 = arith.constant 640 : i32
      %mul3A_176 = arith.muli %arg1, %mul3A_175 : i32
      %run_scoped3A_177 = arith.constant 1 : i32
      "tpu.region"() ({
        %run_scoped3A_178 = tpu.sem_alloc : memref<!tpu.dma_semaphore, #tpu.memory_space<semaphore_mem>>
        %dma_start3A_179 = arith.constant 0 : i32
        %dma_start3A_180 = tpu.memref_slice %arg6[%arg0, %run_scoped3A_177, %mul3A_176, %dma_start3A_179] : memref<2x3x10000x128xf32, #tpu.memory_space<hbm>> -> memref<1x1x640x128xf32, #tpu.memory_space<hbm>>
        %dma_start3A_181 = tpu.memref_squeeze %dma_start3A_180 : memref<1x1x640x128xf32, #tpu.memory_space<hbm>> -> memref<640x128xf32, #tpu.memory_space<hbm>>
        %dma_start3A_182 = arith.constant 0 : i32
        %dma_start3A_183 = tpu.memref_slice %arg11[%mul3A_174, %dma_start3A_182] : memref<10240x128xf32, #tpu.memory_space<vmem_shared>> -> memref<640x128xf32, #tpu.memory_space<vmem_shared>>
        tpu.enqueue_dma source(%dma_start3A_183 : memref<640x128xf32, #tpu.memory_space<vmem_shared>>) target(%dma_start3A_181 : memref<640x128xf32, #tpu.memory_space<hbm>>) target_semaphore(%run_scoped3A_178 : memref<!tpu.dma_semaphore, #tpu.memory_space<semaphore_mem>>)
        %dma_wait3A = arith.constant 0 : i32
        %dma_wait3A_184 = tpu.memref_slice %arg6[%arg0, %run_scoped3A_177, %mul3A_176, %dma_wait3A] : memref<2x3x10000x128xf32, #tpu.memory_space<hbm>> -> memref<1x1x640x128xf32, #tpu.memory_space<hbm>>
        %dma_wait3A_185 = tpu.memref_squeeze %dma_wait3A_184 : memref<1x1x640x128xf32, #tpu.memory_space<hbm>> -> memref<640x128xf32, #tpu.memory_space<hbm>>
        %dma_wait3A_186 = arith.constant 0 : i32
        %dma_wait3A_187 = tpu.memref_slice %arg11[%mul3A_174, %dma_wait3A_186] : memref<10240x128xf32, #tpu.memory_space<vmem_shared>> -> memref<640x128xf32, #tpu.memory_space<vmem_shared>>
        tpu.wait_dma2 semaphore(%run_scoped3A_178 : memref<!tpu.dma_semaphore, #tpu.memory_space<semaphore_mem>>) src(%dma_wait3A_187 : memref<640x128xf32, #tpu.memory_space<vmem_shared>>) dst(%dma_wait3A_185 : memref<640x128xf32, #tpu.memory_space<hbm>>)
        tpu.yield
      }) : () -> ()
    } else {
    }
    %eq3A_108 = arith.constant 15 : i32
    %eq3A_109 = arith.cmpi eq, %arg1, %eq3A_108 : i32
    %convert_element_type3A_110 = arith.extui %eq3A_109 : i1 to i32
    %cond3A_111 = arith.constant 0 : i32
    %cond3A_112 = arith.cmpi ne, %convert_element_type3A_110, %cond3A_111 : i32
    scf.if %cond3A_112 {
      %run_scoped3A_173 = arith.constant 1 : i32
      "tpu.region"() ({
        %run_scoped3A_174 = tpu.sem_alloc : memref<!tpu.dma_semaphore, #tpu.memory_space<semaphore_mem>>
        %dma_start3A_175 = arith.constant 9600 : i32
        %dma_start3A_176 = arith.constant 0 : i32
        %dma_start3A_177 = tpu.memref_slice %arg6[%arg0, %run_scoped3A_173, %dma_start3A_175, %dma_start3A_176] : memref<2x3x10000x128xf32, #tpu.memory_space<hbm>> -> memref<1x1x400x128xf32, #tpu.memory_space<hbm>>
        %dma_start3A_178 = tpu.memref_squeeze %dma_start3A_177 : memref<1x1x400x128xf32, #tpu.memory_space<hbm>> -> memref<400x128xf32, #tpu.memory_space<hbm>>
        %dma_start3A_179 = arith.constant 9600 : i32
        %dma_start3A_180 = arith.constant 0 : i32
        %dma_start3A_181 = tpu.memref_slice %arg11[%dma_start3A_179, %dma_start3A_180] : memref<10240x128xf32, #tpu.memory_space<vmem_shared>> -> memref<400x128xf32, #tpu.memory_space<vmem_shared>>
        tpu.enqueue_dma source(%dma_start3A_181 : memref<400x128xf32, #tpu.memory_space<vmem_shared>>) target(%dma_start3A_178 : memref<400x128xf32, #tpu.memory_space<hbm>>) target_semaphore(%run_scoped3A_174 : memref<!tpu.dma_semaphore, #tpu.memory_space<semaphore_mem>>)
        %dma_wait3A = arith.constant 9600 : i32
        %dma_wait3A_182 = arith.constant 0 : i32
        %dma_wait3A_183 = tpu.memref_slice %arg6[%arg0, %run_scoped3A_173, %dma_wait3A, %dma_wait3A_182] : memref<2x3x10000x128xf32, #tpu.memory_space<hbm>> -> memref<1x1x400x128xf32, #tpu.memory_space<hbm>>
        %dma_wait3A_184 = tpu.memref_squeeze %dma_wait3A_183 : memref<1x1x400x128xf32, #tpu.memory_space<hbm>> -> memref<400x128xf32, #tpu.memory_space<hbm>>
        %dma_wait3A_185 = arith.constant 9600 : i32
        %dma_wait3A_186 = arith.constant 0 : i32
        %dma_wait3A_187 = tpu.memref_slice %arg11[%dma_wait3A_185, %dma_wait3A_186] : memref<10240x128xf32, #tpu.memory_space<vmem_shared>> -> memref<400x128xf32, #tpu.memory_space<vmem_shared>>
        tpu.wait_dma2 semaphore(%run_scoped3A_174 : memref<!tpu.dma_semaphore, #tpu.memory_space<semaphore_mem>>) src(%dma_wait3A_187 : memref<400x128xf32, #tpu.memory_space<vmem_shared>>) dst(%dma_wait3A_184 : memref<400x128xf32, #tpu.memory_space<hbm>>)
        tpu.yield
      }) : () -> ()
    } else {
    }
    %mul3A_113 = arith.constant 640 : i32
    %mul3A_114 = arith.muli %arg1, %mul3A_113 : i32
    "tpu.region"() ({
      %run_scoped3A_173 = tpu.sem_alloc : memref<!tpu.dma_semaphore, #tpu.memory_space<semaphore_mem>>
      %dma_start3A_174 = arith.constant 0 : i32
      %dma_start3A_175 = tpu.memref_slice %arg11[%mul3A_114, %dma_start3A_174] : memref<10240x128xf32, #tpu.memory_space<vmem_shared>> -> memref<640x128xf32, #tpu.memory_space<vmem_shared>>
      tpu.enqueue_dma source(%arg5 : memref<640x128xf32, #tpu.memory_space<hbm>>) target(%dma_start3A_175 : memref<640x128xf32, #tpu.memory_space<vmem_shared>>) target_semaphore(%run_scoped3A_173 : memref<!tpu.dma_semaphore, #tpu.memory_space<semaphore_mem>>)
      %dma_wait3A = arith.constant 0 : i32
      %dma_wait3A_176 = tpu.memref_slice %arg11[%mul3A_114, %dma_wait3A] : memref<10240x128xf32, #tpu.memory_space<vmem_shared>> -> memref<640x128xf32, #tpu.memory_space<vmem_shared>>
      tpu.wait_dma2 semaphore(%run_scoped3A_173 : memref<!tpu.dma_semaphore, #tpu.memory_space<semaphore_mem>>) src(%arg5 : memref<640x128xf32, #tpu.memory_space<hbm>>) dst(%dma_wait3A_176 : memref<640x128xf32, #tpu.memory_space<vmem_shared>>)
      tpu.yield
    }) : () -> ()
    %barrier3A_115 = arith.constant 0 : index
    tpu.barrier barrier_id(%barrier3A_115)
    %mul3A_116 = arith.constant 80 : i32
    %mul3A_117 = arith.muli %add3A, %mul3A_116 : i32
    %add3A_118 = arith.constant 0 : i32
    %add3A_119 = arith.addi %mul3A_117, %add3A_118 : i32
    %run_scoped3A_120 = arith.constant 2 : i32
    "tpu.region"() ({
      %run_scoped3A_173 = tpu.sem_alloc : memref<!tpu.dma_semaphore, #tpu.memory_space<semaphore_mem>>
      %dma_start3A_174 = arith.constant 0 : i32
      %dma_start3A_175 = tpu.memref_slice %arg3[%run_scoped3A_120, %add3A_119, %dma_start3A_174] : memref<3x2560x125xi32, #tpu.memory_space<hbm>> -> memref<1x40x125xi32, #tpu.memory_space<hbm>>
      %dma_start3A_176 = tpu.memref_squeeze %dma_start3A_175 : memref<1x40x125xi32, #tpu.memory_space<hbm>> -> memref<40x125xi32, #tpu.memory_space<hbm>>
      %dma_start3A_177 = arith.constant 0 : i32
      %dma_start3A_178 = tpu.memref_slice %arg3[%run_scoped3A_120, %add3A_119, %dma_start3A_177] : memref<3x2560x125xi32, #tpu.memory_space<hbm>> -> memref<1x40x125xi32, #tpu.memory_space<hbm>>
      %dma_start3A_179 = tpu.memref_squeeze %dma_start3A_178 : memref<1x40x125xi32, #tpu.memory_space<hbm>> -> memref<40x125xi32, #tpu.memory_space<hbm>>
      tpu.enqueue_dma source(%dma_start3A_179 : memref<40x125xi32, #tpu.memory_space<hbm>>) target(%arg7 : memref<40x125xi32, #tpu.memory_space<vmem>>) target_semaphore(%run_scoped3A_173 : memref<!tpu.dma_semaphore, #tpu.memory_space<semaphore_mem>>)
      %dma_wait3A = arith.constant 0 : i32
      %dma_wait3A_180 = tpu.memref_slice %arg3[%run_scoped3A_120, %add3A_119, %dma_wait3A] : memref<3x2560x125xi32, #tpu.memory_space<hbm>> -> memref<1x40x125xi32, #tpu.memory_space<hbm>>
      %dma_wait3A_181 = tpu.memref_squeeze %dma_wait3A_180 : memref<1x40x125xi32, #tpu.memory_space<hbm>> -> memref<40x125xi32, #tpu.memory_space<hbm>>
      %dma_wait3A_182 = arith.constant 0 : i32
      %dma_wait3A_183 = tpu.memref_slice %arg3[%run_scoped3A_120, %add3A_119, %dma_wait3A_182] : memref<3x2560x125xi32, #tpu.memory_space<hbm>> -> memref<1x40x125xi32, #tpu.memory_space<hbm>>
      %dma_wait3A_184 = tpu.memref_squeeze %dma_wait3A_183 : memref<1x40x125xi32, #tpu.memory_space<hbm>> -> memref<40x125xi32, #tpu.memory_space<hbm>>
      tpu.wait_dma2 semaphore(%run_scoped3A_173 : memref<!tpu.dma_semaphore, #tpu.memory_space<semaphore_mem>>) src(%dma_wait3A_184 : memref<40x125xi32, #tpu.memory_space<hbm>>) dst(%arg7 : memref<40x125xi32, #tpu.memory_space<vmem>>)
      tpu.yield
    }) : () -> ()
    %mul3A_121 = arith.constant 80 : i32
    %mul3A_122 = arith.muli %add3A, %mul3A_121 : i32
    %add3A_123 = arith.constant 0 : i32
    %add3A_124 = arith.addi %mul3A_122, %add3A_123 : i32
    %run_scoped3A_125 = arith.constant 2 : i32
    "tpu.region"() ({
      %run_scoped3A_173 = tpu.sem_alloc : memref<!tpu.dma_semaphore, #tpu.memory_space<semaphore_mem>>
      %dma_start3A_174 = arith.constant 0 : i32
      %dma_start3A_175 = tpu.memref_slice %arg4[%run_scoped3A_125, %add3A_124, %dma_start3A_174] : memref<3x2560x125xi32, #tpu.memory_space<hbm>> -> memref<1x40x125xi32, #tpu.memory_space<hbm>>
      %dma_start3A_176 = tpu.memref_squeeze %dma_start3A_175 : memref<1x40x125xi32, #tpu.memory_space<hbm>> -> memref<40x125xi32, #tpu.memory_space<hbm>>
      %dma_start3A_177 = arith.constant 0 : i32
      %dma_start3A_178 = tpu.memref_slice %arg4[%run_scoped3A_125, %add3A_124, %dma_start3A_177] : memref<3x2560x125xi32, #tpu.memory_space<hbm>> -> memref<1x40x125xi32, #tpu.memory_space<hbm>>
      %dma_start3A_179 = tpu.memref_squeeze %dma_start3A_178 : memref<1x40x125xi32, #tpu.memory_space<hbm>> -> memref<40x125xi32, #tpu.memory_space<hbm>>
      tpu.enqueue_dma source(%dma_start3A_179 : memref<40x125xi32, #tpu.memory_space<hbm>>) target(%arg8 : memref<40x125xi32, #tpu.memory_space<vmem>>) target_semaphore(%run_scoped3A_173 : memref<!tpu.dma_semaphore, #tpu.memory_space<semaphore_mem>>)
      %dma_wait3A = arith.constant 0 : i32
      %dma_wait3A_180 = tpu.memref_slice %arg4[%run_scoped3A_125, %add3A_124, %dma_wait3A] : memref<3x2560x125xi32, #tpu.memory_space<hbm>> -> memref<1x40x125xi32, #tpu.memory_space<hbm>>
      %dma_wait3A_181 = tpu.memref_squeeze %dma_wait3A_180 : memref<1x40x125xi32, #tpu.memory_space<hbm>> -> memref<40x125xi32, #tpu.memory_space<hbm>>
      %dma_wait3A_182 = arith.constant 0 : i32
      %dma_wait3A_183 = tpu.memref_slice %arg4[%run_scoped3A_125, %add3A_124, %dma_wait3A_182] : memref<3x2560x125xi32, #tpu.memory_space<hbm>> -> memref<1x40x125xi32, #tpu.memory_space<hbm>>
      %dma_wait3A_184 = tpu.memref_squeeze %dma_wait3A_183 : memref<1x40x125xi32, #tpu.memory_space<hbm>> -> memref<40x125xi32, #tpu.memory_space<hbm>>
      tpu.wait_dma2 semaphore(%run_scoped3A_173 : memref<!tpu.dma_semaphore, #tpu.memory_space<semaphore_mem>>) src(%dma_wait3A_184 : memref<40x125xi32, #tpu.memory_space<hbm>>) dst(%arg8 : memref<40x125xi32, #tpu.memory_space<vmem>>)
      tpu.yield
    }) : () -> ()
    %dma_start3A_126 = arith.constant 0 : i32
    %dma_start3A_127 = arith.constant 0 : i32
    %dma_start3A_128 = tpu.memref_slice %arg7[%dma_start3A_126, %dma_start3A_127] : memref<40x125xi32, #tpu.memory_space<vmem>> -> memref<1x125xi32, #tpu.memory_space<vmem>>
    %dma_start3A_129 = tpu.memref_squeeze %dma_start3A_128 : memref<1x125xi32, #tpu.memory_space<vmem>> -> memref<125xi32, #tpu.memory_space<vmem>>
    %dma_start3A_130 = arith.constant 0 : i32
    %dma_start3A_131 = arith.constant 0 : i32
    %dma_start3A_132 = tpu.memref_slice %arg2[%dma_start3A_130, %dma_start3A_131] : memref<30000x128xf32, #tpu.memory_space<hbm>> -> memref<30000x128xf32, #tpu.memory_space<hbm>>
    tpu.enqueue_indirect_dma source(%dma_start3A_132 : memref<30000x128xf32, #tpu.memory_space<hbm>>) target(%arg9 : memref<125x128xf32, #tpu.memory_space<vmem>>) offsets(%dma_start3A_129 : memref<125xi32, #tpu.memory_space<vmem>>) semaphore(%arg12 : memref<!tpu.dma_semaphore, #tpu.memory_space<semaphore_mem>>)
    %scan3A_133 = arith.constant 0 : i32
    %scan3A_134 = arith.constant 0 : i32
    %scan3A_135 = arith.constant 20 : i32
    %scan3A_136 = arith.addi %scan3A_134, %scan3A_135 : i32
    %scan3A_137 = arith.constant 1 : i32
    scf.for %scan3A_173 = %scan3A_134 to %scan3A_136 step %scan3A_137  : i32 {
      %mul3A_174 = arith.constant 2 : i32
      %mul3A_175 = arith.muli %mul3A_174, %scan3A_173 : i32
      %add3A_176 = arith.constant 1 : i32
      %add3A_177 = arith.addi %mul3A_175, %add3A_176 : i32
      %dma_start3A_178 = arith.constant 0 : i32
      %dma_start3A_179 = tpu.memref_slice %arg7[%add3A_177, %dma_start3A_178] : memref<40x125xi32, #tpu.memory_space<vmem>> -> memref<1x125xi32, #tpu.memory_space<vmem>>
      %dma_start3A_180 = tpu.memref_squeeze %dma_start3A_179 : memref<1x125xi32, #tpu.memory_space<vmem>> -> memref<125xi32, #tpu.memory_space<vmem>>
      %dma_start3A_181 = arith.constant 0 : i32
      %dma_start3A_182 = arith.constant 0 : i32
      %dma_start3A_183 = tpu.memref_slice %arg2[%dma_start3A_181, %dma_start3A_182] : memref<30000x128xf32, #tpu.memory_space<hbm>> -> memref<30000x128xf32, #tpu.memory_space<hbm>>
      tpu.enqueue_indirect_dma source(%dma_start3A_183 : memref<30000x128xf32, #tpu.memory_space<hbm>>) target(%arg10 : memref<125x128xf32, #tpu.memory_space<vmem>>) offsets(%dma_start3A_180 : memref<125xi32, #tpu.memory_space<vmem>>) semaphore(%arg13 : memref<!tpu.dma_semaphore, #tpu.memory_space<semaphore_mem>>)
      %dma_wait3A = arith.constant 0 : i32
      %dma_wait3A_184 = tpu.memref_slice %arg7[%mul3A_175, %dma_wait3A] : memref<40x125xi32, #tpu.memory_space<vmem>> -> memref<1x125xi32, #tpu.memory_space<vmem>>
      %dma_wait3A_185 = tpu.memref_squeeze %dma_wait3A_184 : memref<1x125xi32, #tpu.memory_space<vmem>> -> memref<125xi32, #tpu.memory_space<vmem>>
      %dma_wait3A_186 = arith.constant 0 : i32
      %dma_wait3A_187 = arith.constant 0 : i32
      %dma_wait3A_188 = tpu.memref_slice %arg2[%dma_wait3A_186, %dma_wait3A_187] : memref<30000x128xf32, #tpu.memory_space<hbm>> -> memref<30000x128xf32, #tpu.memory_space<hbm>>
      tpu.wait_indirect_dma semaphore(%arg12 : memref<!tpu.dma_semaphore, #tpu.memory_space<semaphore_mem>>) src(%dma_wait3A_188 : memref<30000x128xf32, #tpu.memory_space<hbm>>) dst(%arg9 : memref<125x128xf32, #tpu.memory_space<vmem>>)
      "tpu.region"() ({
        %run_scoped3A_204 = tpu.sem_alloc : memref<!tpu.dma_semaphore, #tpu.memory_space<semaphore_mem>>
        %dma_start3A_205 = arith.constant 0 : i32
        %dma_start3A_206 = tpu.memref_slice %arg8[%mul3A_175, %dma_start3A_205] : memref<40x125xi32, #tpu.memory_space<vmem>> -> memref<1x125xi32, #tpu.memory_space<vmem>>
        %dma_start3A_207 = tpu.memref_squeeze %dma_start3A_206 : memref<1x125xi32, #tpu.memory_space<vmem>> -> memref<125xi32, #tpu.memory_space<vmem>>
        %dma_start3A_208 = arith.constant 0 : i32
        %dma_start3A_209 = arith.constant 0 : i32
        %dma_start3A_210 = tpu.memref_slice %arg11[%dma_start3A_208, %dma_start3A_209] : memref<10240x128xf32, #tpu.memory_space<vmem_shared>> -> memref<10240x128xf32, #tpu.memory_space<vmem_shared>>
        tpu.enqueue_indirect_dma source(%arg9 : memref<125x128xf32, #tpu.memory_space<vmem>>) target(%dma_start3A_210 : memref<10240x128xf32, #tpu.memory_space<vmem_shared>>) offsets(%dma_start3A_207 : memref<125xi32, #tpu.memory_space<vmem>>) semaphore(%run_scoped3A_204 : memref<!tpu.dma_semaphore, #tpu.memory_space<semaphore_mem>>) {add = true}
        %dma_wait3A_211 = arith.constant 0 : i32
        %dma_wait3A_212 = tpu.memref_slice %arg8[%mul3A_175, %dma_wait3A_211] : memref<40x125xi32, #tpu.memory_space<vmem>> -> memref<1x125xi32, #tpu.memory_space<vmem>>
        %dma_wait3A_213 = tpu.memref_squeeze %dma_wait3A_212 : memref<1x125xi32, #tpu.memory_space<vmem>> -> memref<125xi32, #tpu.memory_space<vmem>>
        %dma_wait3A_214 = arith.constant 0 : i32
        %dma_wait3A_215 = arith.constant 0 : i32
        %dma_wait3A_216 = tpu.memref_slice %arg11[%dma_wait3A_214, %dma_wait3A_215] : memref<10240x128xf32, #tpu.memory_space<vmem_shared>> -> memref<10240x128xf32, #tpu.memory_space<vmem_shared>>
        tpu.wait_indirect_dma semaphore(%run_scoped3A_204 : memref<!tpu.dma_semaphore, #tpu.memory_space<semaphore_mem>>) src(%arg9 : memref<125x128xf32, #tpu.memory_space<vmem>>) dst(%dma_wait3A_216 : memref<10240x128xf32, #tpu.memory_space<vmem_shared>>)
        tpu.yield
      }) : () -> ()
      %lt3A_189 = arith.constant 19 : i32
      %lt3A_190 = arith.cmpi slt, %scan3A_173, %lt3A_189 : i32
      %convert_element_type3A_191 = arith.extui %lt3A_190 : i1 to i32
      %cond3A_192 = arith.constant 0 : i32
      %cond3A_193 = arith.cmpi ne, %convert_element_type3A_191, %cond3A_192 : i32
      scf.if %cond3A_193 {
        %add3A_204 = arith.constant 2 : i32
        %add3A_205 = arith.addi %mul3A_175, %add3A_204 : i32
        %dma_start3A_206 = arith.constant 0 : i32
        %dma_start3A_207 = tpu.memref_slice %arg7[%add3A_205, %dma_start3A_206] : memref<40x125xi32, #tpu.memory_space<vmem>> -> memref<1x125xi32, #tpu.memory_space<vmem>>
        %dma_start3A_208 = tpu.memref_squeeze %dma_start3A_207 : memref<1x125xi32, #tpu.memory_space<vmem>> -> memref<125xi32, #tpu.memory_space<vmem>>
        %dma_start3A_209 = arith.constant 0 : i32
        %dma_start3A_210 = arith.constant 0 : i32
        %dma_start3A_211 = tpu.memref_slice %arg2[%dma_start3A_209, %dma_start3A_210] : memref<30000x128xf32, #tpu.memory_space<hbm>> -> memref<30000x128xf32, #tpu.memory_space<hbm>>
        tpu.enqueue_indirect_dma source(%dma_start3A_211 : memref<30000x128xf32, #tpu.memory_space<hbm>>) target(%arg9 : memref<125x128xf32, #tpu.memory_space<vmem>>) offsets(%dma_start3A_208 : memref<125xi32, #tpu.memory_space<vmem>>) semaphore(%arg12 : memref<!tpu.dma_semaphore, #tpu.memory_space<semaphore_mem>>)
      } else {
      }
      %add3A_194 = arith.constant 1 : i32
      %add3A_195 = arith.addi %mul3A_175, %add3A_194 : i32
      %dma_wait3A_196 = arith.constant 0 : i32
      %dma_wait3A_197 = tpu.memref_slice %arg7[%add3A_195, %dma_wait3A_196] : memref<40x125xi32, #tpu.memory_space<vmem>> -> memref<1x125xi32, #tpu.memory_space<vmem>>
      %dma_wait3A_198 = tpu.memref_squeeze %dma_wait3A_197 : memref<1x125xi32, #tpu.memory_space<vmem>> -> memref<125xi32, #tpu.memory_space<vmem>>
      %dma_wait3A_199 = arith.constant 0 : i32
      %dma_wait3A_200 = arith.constant 0 : i32
      %dma_wait3A_201 = tpu.memref_slice %arg2[%dma_wait3A_199, %dma_wait3A_200] : memref<30000x128xf32, #tpu.memory_space<hbm>> -> memref<30000x128xf32, #tpu.memory_space<hbm>>
      tpu.wait_indirect_dma semaphore(%arg13 : memref<!tpu.dma_semaphore, #tpu.memory_space<semaphore_mem>>) src(%dma_wait3A_201 : memref<30000x128xf32, #tpu.memory_space<hbm>>) dst(%arg10 : memref<125x128xf32, #tpu.memory_space<vmem>>)
      %add3A_202 = arith.constant 1 : i32
      %add3A_203 = arith.addi %mul3A_175, %add3A_202 : i32
      "tpu.region"() ({
        %run_scoped3A_204 = tpu.sem_alloc : memref<!tpu.dma_semaphore, #tpu.memory_space<semaphore_mem>>
        %dma_start3A_205 = arith.constant 0 : i32
        %dma_start3A_206 = tpu.memref_slice %arg8[%add3A_203, %dma_start3A_205] : memref<40x125xi32, #tpu.memory_space<vmem>> -> memref<1x125xi32, #tpu.memory_space<vmem>>
        %dma_start3A_207 = tpu.memref_squeeze %dma_start3A_206 : memref<1x125xi32, #tpu.memory_space<vmem>> -> memref<125xi32, #tpu.memory_space<vmem>>
        %dma_start3A_208 = arith.constant 0 : i32
        %dma_start3A_209 = arith.constant 0 : i32
        %dma_start3A_210 = tpu.memref_slice %arg11[%dma_start3A_208, %dma_start3A_209] : memref<10240x128xf32, #tpu.memory_space<vmem_shared>> -> memref<10240x128xf32, #tpu.memory_space<vmem_shared>>
        tpu.enqueue_indirect_dma source(%arg10 : memref<125x128xf32, #tpu.memory_space<vmem>>) target(%dma_start3A_210 : memref<10240x128xf32, #tpu.memory_space<vmem_shared>>) offsets(%dma_start3A_207 : memref<125xi32, #tpu.memory_space<vmem>>) semaphore(%run_scoped3A_204 : memref<!tpu.dma_semaphore, #tpu.memory_space<semaphore_mem>>) {add = true}
        %dma_wait3A_211 = arith.constant 0 : i32
        %dma_wait3A_212 = tpu.memref_slice %arg8[%add3A_203, %dma_wait3A_211] : memref<40x125xi32, #tpu.memory_space<vmem>> -> memref<1x125xi32, #tpu.memory_space<vmem>>
        %dma_wait3A_213 = tpu.memref_squeeze %dma_wait3A_212 : memref<1x125xi32, #tpu.memory_space<vmem>> -> memref<125xi32, #tpu.memory_space<vmem>>
        %dma_wait3A_214 = arith.constant 0 : i32
        %dma_wait3A_215 = arith.constant 0 : i32
        %dma_wait3A_216 = tpu.memref_slice %arg11[%dma_wait3A_214, %dma_wait3A_215] : memref<10240x128xf32, #tpu.memory_space<vmem_shared>> -> memref<10240x128xf32, #tpu.memory_space<vmem_shared>>
        tpu.wait_indirect_dma semaphore(%run_scoped3A_204 : memref<!tpu.dma_semaphore, #tpu.memory_space<semaphore_mem>>) src(%arg10 : memref<125x128xf32, #tpu.memory_space<vmem>>) dst(%dma_wait3A_216 : memref<10240x128xf32, #tpu.memory_space<vmem_shared>>)
        tpu.yield
      }) : () -> ()
    }
    %scan3A_138 = arith.constant 20 : i32
    %mul3A_139 = arith.constant 80 : i32
    %mul3A_140 = arith.muli %add3A, %mul3A_139 : i32
    %add3A_141 = arith.constant 40 : i32
    %add3A_142 = arith.addi %mul3A_140, %add3A_141 : i32
    %run_scoped3A_143 = arith.constant 2 : i32
    "tpu.region"() ({
      %run_scoped3A_173 = tpu.sem_alloc : memref<!tpu.dma_semaphore, #tpu.memory_space<semaphore_mem>>
      %dma_start3A_174 = arith.constant 0 : i32
      %dma_start3A_175 = tpu.memref_slice %arg3[%run_scoped3A_143, %add3A_142, %dma_start3A_174] : memref<3x2560x125xi32, #tpu.memory_space<hbm>> -> memref<1x40x125xi32, #tpu.memory_space<hbm>>
      %dma_start3A_176 = tpu.memref_squeeze %dma_start3A_175 : memref<1x40x125xi32, #tpu.memory_space<hbm>> -> memref<40x125xi32, #tpu.memory_space<hbm>>
      %dma_start3A_177 = arith.constant 0 : i32
      %dma_start3A_178 = tpu.memref_slice %arg3[%run_scoped3A_143, %add3A_142, %dma_start3A_177] : memref<3x2560x125xi32, #tpu.memory_space<hbm>> -> memref<1x40x125xi32, #tpu.memory_space<hbm>>
      %dma_start3A_179 = tpu.memref_squeeze %dma_start3A_178 : memref<1x40x125xi32, #tpu.memory_space<hbm>> -> memref<40x125xi32, #tpu.memory_space<hbm>>
      tpu.enqueue_dma source(%dma_start3A_179 : memref<40x125xi32, #tpu.memory_space<hbm>>) target(%arg7 : memref<40x125xi32, #tpu.memory_space<vmem>>) target_semaphore(%run_scoped3A_173 : memref<!tpu.dma_semaphore, #tpu.memory_space<semaphore_mem>>)
      %dma_wait3A = arith.constant 0 : i32
      %dma_wait3A_180 = tpu.memref_slice %arg3[%run_scoped3A_143, %add3A_142, %dma_wait3A] : memref<3x2560x125xi32, #tpu.memory_space<hbm>> -> memref<1x40x125xi32, #tpu.memory_space<hbm>>
      %dma_wait3A_181 = tpu.memref_squeeze %dma_wait3A_180 : memref<1x40x125xi32, #tpu.memory_space<hbm>> -> memref<40x125xi32, #tpu.memory_space<hbm>>
      %dma_wait3A_182 = arith.constant 0 : i32
      %dma_wait3A_183 = tpu.memref_slice %arg3[%run_scoped3A_143, %add3A_142, %dma_wait3A_182] : memref<3x2560x125xi32, #tpu.memory_space<hbm>> -> memref<1x40x125xi32, #tpu.memory_space<hbm>>
      %dma_wait3A_184 = tpu.memref_squeeze %dma_wait3A_183 : memref<1x40x125xi32, #tpu.memory_space<hbm>> -> memref<40x125xi32, #tpu.memory_space<hbm>>
      tpu.wait_dma2 semaphore(%run_scoped3A_173 : memref<!tpu.dma_semaphore, #tpu.memory_space<semaphore_mem>>) src(%dma_wait3A_184 : memref<40x125xi32, #tpu.memory_space<hbm>>) dst(%arg7 : memref<40x125xi32, #tpu.memory_space<vmem>>)
      tpu.yield
    }) : () -> ()
    %mul3A_144 = arith.constant 80 : i32
    %mul3A_145 = arith.muli %add3A, %mul3A_144 : i32
    %add3A_146 = arith.constant 40 : i32
    %add3A_147 = arith.addi %mul3A_145, %add3A_146 : i32
    %run_scoped3A_148 = arith.constant 2 : i32
    "tpu.region"() ({
      %run_scoped3A_173 = tpu.sem_alloc : memref<!tpu.dma_semaphore, #tpu.memory_space<semaphore_mem>>
      %dma_start3A_174 = arith.constant 0 : i32
      %dma_start3A_175 = tpu.memref_slice %arg4[%run_scoped3A_148, %add3A_147, %dma_start3A_174] : memref<3x2560x125xi32, #tpu.memory_space<hbm>> -> memref<1x40x125xi32, #tpu.memory_space<hbm>>
      %dma_start3A_176 = tpu.memref_squeeze %dma_start3A_175 : memref<1x40x125xi32, #tpu.memory_space<hbm>> -> memref<40x125xi32, #tpu.memory_space<hbm>>
      %dma_start3A_177 = arith.constant 0 : i32
      %dma_start3A_178 = tpu.memref_slice %arg4[%run_scoped3A_148, %add3A_147, %dma_start3A_177] : memref<3x2560x125xi32, #tpu.memory_space<hbm>> -> memref<1x40x125xi32, #tpu.memory_space<hbm>>
      %dma_start3A_179 = tpu.memref_squeeze %dma_start3A_178 : memref<1x40x125xi32, #tpu.memory_space<hbm>> -> memref<40x125xi32, #tpu.memory_space<hbm>>
      tpu.enqueue_dma source(%dma_start3A_179 : memref<40x125xi32, #tpu.memory_space<hbm>>) target(%arg8 : memref<40x125xi32, #tpu.memory_space<vmem>>) target_semaphore(%run_scoped3A_173 : memref<!tpu.dma_semaphore, #tpu.memory_space<semaphore_mem>>)
      %dma_wait3A = arith.constant 0 : i32
      %dma_wait3A_180 = tpu.memref_slice %arg4[%run_scoped3A_148, %add3A_147, %dma_wait3A] : memref<3x2560x125xi32, #tpu.memory_space<hbm>> -> memref<1x40x125xi32, #tpu.memory_space<hbm>>
      %dma_wait3A_181 = tpu.memref_squeeze %dma_wait3A_180 : memref<1x40x125xi32, #tpu.memory_space<hbm>> -> memref<40x125xi32, #tpu.memory_space<hbm>>
      %dma_wait3A_182 = arith.constant 0 : i32
      %dma_wait3A_183 = tpu.memref_slice %arg4[%run_scoped3A_148, %add3A_147, %dma_wait3A_182] : memref<3x2560x125xi32, #tpu.memory_space<hbm>> -> memref<1x40x125xi32, #tpu.memory_space<hbm>>
      %dma_wait3A_184 = tpu.memref_squeeze %dma_wait3A_183 : memref<1x40x125xi32, #tpu.memory_space<hbm>> -> memref<40x125xi32, #tpu.memory_space<hbm>>
      tpu.wait_dma2 semaphore(%run_scoped3A_173 : memref<!tpu.dma_semaphore, #tpu.memory_space<semaphore_mem>>) src(%dma_wait3A_184 : memref<40x125xi32, #tpu.memory_space<hbm>>) dst(%arg8 : memref<40x125xi32, #tpu.memory_space<vmem>>)
      tpu.yield
    }) : () -> ()
    %dma_start3A_149 = arith.constant 0 : i32
    %dma_start3A_150 = arith.constant 0 : i32
    %dma_start3A_151 = tpu.memref_slice %arg7[%dma_start3A_149, %dma_start3A_150] : memref<40x125xi32, #tpu.memory_space<vmem>> -> memref<1x125xi32, #tpu.memory_space<vmem>>
    %dma_start3A_152 = tpu.memref_squeeze %dma_start3A_151 : memref<1x125xi32, #tpu.memory_space<vmem>> -> memref<125xi32, #tpu.memory_space<vmem>>
    %dma_start3A_153 = arith.constant 0 : i32
    %dma_start3A_154 = arith.constant 0 : i32
    %dma_start3A_155 = tpu.memref_slice %arg2[%dma_start3A_153, %dma_start3A_154] : memref<30000x128xf32, #tpu.memory_space<hbm>> -> memref<30000x128xf32, #tpu.memory_space<hbm>>
    tpu.enqueue_indirect_dma source(%dma_start3A_155 : memref<30000x128xf32, #tpu.memory_space<hbm>>) target(%arg9 : memref<125x128xf32, #tpu.memory_space<vmem>>) offsets(%dma_start3A_152 : memref<125xi32, #tpu.memory_space<vmem>>) semaphore(%arg12 : memref<!tpu.dma_semaphore, #tpu.memory_space<semaphore_mem>>)
    %scan3A_156 = arith.constant 0 : i32
    %scan3A_157 = arith.constant 0 : i32
    %scan3A_158 = arith.constant 20 : i32
    %scan3A_159 = arith.addi %scan3A_157, %scan3A_158 : i32
    %scan3A_160 = arith.constant 1 : i32
    scf.for %scan3A_173 = %scan3A_157 to %scan3A_159 step %scan3A_160  : i32 {
      %mul3A_174 = arith.constant 2 : i32
      %mul3A_175 = arith.muli %mul3A_174, %scan3A_173 : i32
      %add3A_176 = arith.constant 1 : i32
      %add3A_177 = arith.addi %mul3A_175, %add3A_176 : i32
      %dma_start3A_178 = arith.constant 0 : i32
      %dma_start3A_179 = tpu.memref_slice %arg7[%add3A_177, %dma_start3A_178] : memref<40x125xi32, #tpu.memory_space<vmem>> -> memref<1x125xi32, #tpu.memory_space<vmem>>
      %dma_start3A_180 = tpu.memref_squeeze %dma_start3A_179 : memref<1x125xi32, #tpu.memory_space<vmem>> -> memref<125xi32, #tpu.memory_space<vmem>>
      %dma_start3A_181 = arith.constant 0 : i32
      %dma_start3A_182 = arith.constant 0 : i32
      %dma_start3A_183 = tpu.memref_slice %arg2[%dma_start3A_181, %dma_start3A_182] : memref<30000x128xf32, #tpu.memory_space<hbm>> -> memref<30000x128xf32, #tpu.memory_space<hbm>>
      tpu.enqueue_indirect_dma source(%dma_start3A_183 : memref<30000x128xf32, #tpu.memory_space<hbm>>) target(%arg10 : memref<125x128xf32, #tpu.memory_space<vmem>>) offsets(%dma_start3A_180 : memref<125xi32, #tpu.memory_space<vmem>>) semaphore(%arg13 : memref<!tpu.dma_semaphore, #tpu.memory_space<semaphore_mem>>)
      %dma_wait3A = arith.constant 0 : i32
      %dma_wait3A_184 = tpu.memref_slice %arg7[%mul3A_175, %dma_wait3A] : memref<40x125xi32, #tpu.memory_space<vmem>> -> memref<1x125xi32, #tpu.memory_space<vmem>>
      %dma_wait3A_185 = tpu.memref_squeeze %dma_wait3A_184 : memref<1x125xi32, #tpu.memory_space<vmem>> -> memref<125xi32, #tpu.memory_space<vmem>>
      %dma_wait3A_186 = arith.constant 0 : i32
      %dma_wait3A_187 = arith.constant 0 : i32
      %dma_wait3A_188 = tpu.memref_slice %arg2[%dma_wait3A_186, %dma_wait3A_187] : memref<30000x128xf32, #tpu.memory_space<hbm>> -> memref<30000x128xf32, #tpu.memory_space<hbm>>
      tpu.wait_indirect_dma semaphore(%arg12 : memref<!tpu.dma_semaphore, #tpu.memory_space<semaphore_mem>>) src(%dma_wait3A_188 : memref<30000x128xf32, #tpu.memory_space<hbm>>) dst(%arg9 : memref<125x128xf32, #tpu.memory_space<vmem>>)
      "tpu.region"() ({
        %run_scoped3A_204 = tpu.sem_alloc : memref<!tpu.dma_semaphore, #tpu.memory_space<semaphore_mem>>
        %dma_start3A_205 = arith.constant 0 : i32
        %dma_start3A_206 = tpu.memref_slice %arg8[%mul3A_175, %dma_start3A_205] : memref<40x125xi32, #tpu.memory_space<vmem>> -> memref<1x125xi32, #tpu.memory_space<vmem>>
        %dma_start3A_207 = tpu.memref_squeeze %dma_start3A_206 : memref<1x125xi32, #tpu.memory_space<vmem>> -> memref<125xi32, #tpu.memory_space<vmem>>
        %dma_start3A_208 = arith.constant 0 : i32
        %dma_start3A_209 = arith.constant 0 : i32
        %dma_start3A_210 = tpu.memref_slice %arg11[%dma_start3A_208, %dma_start3A_209] : memref<10240x128xf32, #tpu.memory_space<vmem_shared>> -> memref<10240x128xf32, #tpu.memory_space<vmem_shared>>
        tpu.enqueue_indirect_dma source(%arg9 : memref<125x128xf32, #tpu.memory_space<vmem>>) target(%dma_start3A_210 : memref<10240x128xf32, #tpu.memory_space<vmem_shared>>) offsets(%dma_start3A_207 : memref<125xi32, #tpu.memory_space<vmem>>) semaphore(%run_scoped3A_204 : memref<!tpu.dma_semaphore, #tpu.memory_space<semaphore_mem>>) {add = true}
        %dma_wait3A_211 = arith.constant 0 : i32
        %dma_wait3A_212 = tpu.memref_slice %arg8[%mul3A_175, %dma_wait3A_211] : memref<40x125xi32, #tpu.memory_space<vmem>> -> memref<1x125xi32, #tpu.memory_space<vmem>>
        %dma_wait3A_213 = tpu.memref_squeeze %dma_wait3A_212 : memref<1x125xi32, #tpu.memory_space<vmem>> -> memref<125xi32, #tpu.memory_space<vmem>>
        %dma_wait3A_214 = arith.constant 0 : i32
        %dma_wait3A_215 = arith.constant 0 : i32
        %dma_wait3A_216 = tpu.memref_slice %arg11[%dma_wait3A_214, %dma_wait3A_215] : memref<10240x128xf32, #tpu.memory_space<vmem_shared>> -> memref<10240x128xf32, #tpu.memory_space<vmem_shared>>
        tpu.wait_indirect_dma semaphore(%run_scoped3A_204 : memref<!tpu.dma_semaphore, #tpu.memory_space<semaphore_mem>>) src(%arg9 : memref<125x128xf32, #tpu.memory_space<vmem>>) dst(%dma_wait3A_216 : memref<10240x128xf32, #tpu.memory_space<vmem_shared>>)
        tpu.yield
      }) : () -> ()
      %lt3A_189 = arith.constant 19 : i32
      %lt3A_190 = arith.cmpi slt, %scan3A_173, %lt3A_189 : i32
      %convert_element_type3A_191 = arith.extui %lt3A_190 : i1 to i32
      %cond3A_192 = arith.constant 0 : i32
      %cond3A_193 = arith.cmpi ne, %convert_element_type3A_191, %cond3A_192 : i32
      scf.if %cond3A_193 {
        %add3A_204 = arith.constant 2 : i32
        %add3A_205 = arith.addi %mul3A_175, %add3A_204 : i32
        %dma_start3A_206 = arith.constant 0 : i32
        %dma_start3A_207 = tpu.memref_slice %arg7[%add3A_205, %dma_start3A_206] : memref<40x125xi32, #tpu.memory_space<vmem>> -> memref<1x125xi32, #tpu.memory_space<vmem>>
        %dma_start3A_208 = tpu.memref_squeeze %dma_start3A_207 : memref<1x125xi32, #tpu.memory_space<vmem>> -> memref<125xi32, #tpu.memory_space<vmem>>
        %dma_start3A_209 = arith.constant 0 : i32
        %dma_start3A_210 = arith.constant 0 : i32
        %dma_start3A_211 = tpu.memref_slice %arg2[%dma_start3A_209, %dma_start3A_210] : memref<30000x128xf32, #tpu.memory_space<hbm>> -> memref<30000x128xf32, #tpu.memory_space<hbm>>
        tpu.enqueue_indirect_dma source(%dma_start3A_211 : memref<30000x128xf32, #tpu.memory_space<hbm>>) target(%arg9 : memref<125x128xf32, #tpu.memory_space<vmem>>) offsets(%dma_start3A_208 : memref<125xi32, #tpu.memory_space<vmem>>) semaphore(%arg12 : memref<!tpu.dma_semaphore, #tpu.memory_space<semaphore_mem>>)
      } else {
      }
      %add3A_194 = arith.constant 1 : i32
      %add3A_195 = arith.addi %mul3A_175, %add3A_194 : i32
      %dma_wait3A_196 = arith.constant 0 : i32
      %dma_wait3A_197 = tpu.memref_slice %arg7[%add3A_195, %dma_wait3A_196] : memref<40x125xi32, #tpu.memory_space<vmem>> -> memref<1x125xi32, #tpu.memory_space<vmem>>
      %dma_wait3A_198 = tpu.memref_squeeze %dma_wait3A_197 : memref<1x125xi32, #tpu.memory_space<vmem>> -> memref<125xi32, #tpu.memory_space<vmem>>
      %dma_wait3A_199 = arith.constant 0 : i32
      %dma_wait3A_200 = arith.constant 0 : i32
      %dma_wait3A_201 = tpu.memref_slice %arg2[%dma_wait3A_199, %dma_wait3A_200] : memref<30000x128xf32, #tpu.memory_space<hbm>> -> memref<30000x128xf32, #tpu.memory_space<hbm>>
      tpu.wait_indirect_dma semaphore(%arg13 : memref<!tpu.dma_semaphore, #tpu.memory_space<semaphore_mem>>) src(%dma_wait3A_201 : memref<30000x128xf32, #tpu.memory_space<hbm>>) dst(%arg10 : memref<125x128xf32, #tpu.memory_space<vmem>>)
      %add3A_202 = arith.constant 1 : i32
      %add3A_203 = arith.addi %mul3A_175, %add3A_202 : i32
      "tpu.region"() ({
        %run_scoped3A_204 = tpu.sem_alloc : memref<!tpu.dma_semaphore, #tpu.memory_space<semaphore_mem>>
        %dma_start3A_205 = arith.constant 0 : i32
        %dma_start3A_206 = tpu.memref_slice %arg8[%add3A_203, %dma_start3A_205] : memref<40x125xi32, #tpu.memory_space<vmem>> -> memref<1x125xi32, #tpu.memory_space<vmem>>
        %dma_start3A_207 = tpu.memref_squeeze %dma_start3A_206 : memref<1x125xi32, #tpu.memory_space<vmem>> -> memref<125xi32, #tpu.memory_space<vmem>>
        %dma_start3A_208 = arith.constant 0 : i32
        %dma_start3A_209 = arith.constant 0 : i32
        %dma_start3A_210 = tpu.memref_slice %arg11[%dma_start3A_208, %dma_start3A_209] : memref<10240x128xf32, #tpu.memory_space<vmem_shared>> -> memref<10240x128xf32, #tpu.memory_space<vmem_shared>>
        tpu.enqueue_indirect_dma source(%arg10 : memref<125x128xf32, #tpu.memory_space<vmem>>) target(%dma_start3A_210 : memref<10240x128xf32, #tpu.memory_space<vmem_shared>>) offsets(%dma_start3A_207 : memref<125xi32, #tpu.memory_space<vmem>>) semaphore(%run_scoped3A_204 : memref<!tpu.dma_semaphore, #tpu.memory_space<semaphore_mem>>) {add = true}
        %dma_wait3A_211 = arith.constant 0 : i32
        %dma_wait3A_212 = tpu.memref_slice %arg8[%add3A_203, %dma_wait3A_211] : memref<40x125xi32, #tpu.memory_space<vmem>> -> memref<1x125xi32, #tpu.memory_space<vmem>>
        %dma_wait3A_213 = tpu.memref_squeeze %dma_wait3A_212 : memref<1x125xi32, #tpu.memory_space<vmem>> -> memref<125xi32, #tpu.memory_space<vmem>>
        %dma_wait3A_214 = arith.constant 0 : i32
        %dma_wait3A_215 = arith.constant 0 : i32
        %dma_wait3A_216 = tpu.memref_slice %arg11[%dma_wait3A_214, %dma_wait3A_215] : memref<10240x128xf32, #tpu.memory_space<vmem_shared>> -> memref<10240x128xf32, #tpu.memory_space<vmem_shared>>
        tpu.wait_indirect_dma semaphore(%run_scoped3A_204 : memref<!tpu.dma_semaphore, #tpu.memory_space<semaphore_mem>>) src(%arg10 : memref<125x128xf32, #tpu.memory_space<vmem>>) dst(%dma_wait3A_216 : memref<10240x128xf32, #tpu.memory_space<vmem_shared>>)
        tpu.yield
      }) : () -> ()
    }
    %scan3A_161 = arith.constant 20 : i32
    %barrier3A_162 = arith.constant 0 : index
    tpu.barrier barrier_id(%barrier3A_162)
    %lt3A_163 = arith.constant 15 : i32
    %lt3A_164 = arith.cmpi slt, %arg1, %lt3A_163 : i32
    %convert_element_type3A_165 = arith.extui %lt3A_164 : i1 to i32
    %cond3A_166 = arith.constant 0 : i32
    %cond3A_167 = arith.cmpi ne, %convert_element_type3A_165, %cond3A_166 : i32
    scf.if %cond3A_167 {
      %mul3A_173 = arith.constant 640 : i32
      %mul3A_174 = arith.muli %arg1, %mul3A_173 : i32
      %mul3A_175 = arith.constant 640 : i32
      %mul3A_176 = arith.muli %arg1, %mul3A_175 : i32
      %run_scoped3A_177 = arith.constant 2 : i32
      "tpu.region"() ({
        %run_scoped3A_178 = tpu.sem_alloc : memref<!tpu.dma_semaphore, #tpu.memory_space<semaphore_mem>>
        %dma_start3A_179 = arith.constant 0 : i32
        %dma_start3A_180 = tpu.memref_slice %arg6[%arg0, %run_scoped3A_177, %mul3A_176, %dma_start3A_179] : memref<2x3x10000x128xf32, #tpu.memory_space<hbm>> -> memref<1x1x640x128xf32, #tpu.memory_space<hbm>>
        %dma_start3A_181 = tpu.memref_squeeze %dma_start3A_180 : memref<1x1x640x128xf32, #tpu.memory_space<hbm>> -> memref<640x128xf32, #tpu.memory_space<hbm>>
        %dma_start3A_182 = arith.constant 0 : i32
        %dma_start3A_183 = tpu.memref_slice %arg11[%mul3A_174, %dma_start3A_182] : memref<10240x128xf32, #tpu.memory_space<vmem_shared>> -> memref<640x128xf32, #tpu.memory_space<vmem_shared>>
        tpu.enqueue_dma source(%dma_start3A_183 : memref<640x128xf32, #tpu.memory_space<vmem_shared>>) target(%dma_start3A_181 : memref<640x128xf32, #tpu.memory_space<hbm>>) target_semaphore(%run_scoped3A_178 : memref<!tpu.dma_semaphore, #tpu.memory_space<semaphore_mem>>)
        %dma_wait3A = arith.constant 0 : i32
        %dma_wait3A_184 = tpu.memref_slice %arg6[%arg0, %run_scoped3A_177, %mul3A_176, %dma_wait3A] : memref<2x3x10000x128xf32, #tpu.memory_space<hbm>> -> memref<1x1x640x128xf32, #tpu.memory_space<hbm>>
        %dma_wait3A_185 = tpu.memref_squeeze %dma_wait3A_184 : memref<1x1x640x128xf32, #tpu.memory_space<hbm>> -> memref<640x128xf32, #tpu.memory_space<hbm>>
        %dma_wait3A_186 = arith.constant 0 : i32
        %dma_wait3A_187 = tpu.memref_slice %arg11[%mul3A_174, %dma_wait3A_186] : memref<10240x128xf32, #tpu.memory_space<vmem_shared>> -> memref<640x128xf32, #tpu.memory_space<vmem_shared>>
        tpu.wait_dma2 semaphore(%run_scoped3A_178 : memref<!tpu.dma_semaphore, #tpu.memory_space<semaphore_mem>>) src(%dma_wait3A_187 : memref<640x128xf32, #tpu.memory_space<vmem_shared>>) dst(%dma_wait3A_185 : memref<640x128xf32, #tpu.memory_space<hbm>>)
        tpu.yield
      }) : () -> ()
    } else {
    }
    %eq3A_168 = arith.constant 15 : i32
    %eq3A_169 = arith.cmpi eq, %arg1, %eq3A_168 : i32
    %convert_element_type3A_170 = arith.extui %eq3A_169 : i1 to i32
    %cond3A_171 = arith.constant 0 : i32
    %cond3A_172 = arith.cmpi ne, %convert_element_type3A_170, %cond3A_171 : i32
    scf.if %cond3A_172 {
      %run_scoped3A_173 = arith.constant 2 : i32
      "tpu.region"() ({
        %run_scoped3A_174 = tpu.sem_alloc : memref<!tpu.dma_semaphore, #tpu.memory_space<semaphore_mem>>
        %dma_start3A_175 = arith.constant 9600 : i32
        %dma_start3A_176 = arith.constant 0 : i32
        %dma_start3A_177 = tpu.memref_slice %arg6[%arg0, %run_scoped3A_173, %dma_start3A_175, %dma_start3A_176] : memref<2x3x10000x128xf32, #tpu.memory_space<hbm>> -> memref<1x1x400x128xf32, #tpu.memory_space<hbm>>
        %dma_start3A_178 = tpu.memref_squeeze %dma_start3A_177 : memref<1x1x400x128xf32, #tpu.memory_space<hbm>> -> memref<400x128xf32, #tpu.memory_space<hbm>>
        %dma_start3A_179 = arith.constant 9600 : i32
        %dma_start3A_180 = arith.constant 0 : i32
        %dma_start3A_181 = tpu.memref_slice %arg11[%dma_start3A_179, %dma_start3A_180] : memref<10240x128xf32, #tpu.memory_space<vmem_shared>> -> memref<400x128xf32, #tpu.memory_space<vmem_shared>>
        tpu.enqueue_dma source(%dma_start3A_181 : memref<400x128xf32, #tpu.memory_space<vmem_shared>>) target(%dma_start3A_178 : memref<400x128xf32, #tpu.memory_space<hbm>>) target_semaphore(%run_scoped3A_174 : memref<!tpu.dma_semaphore, #tpu.memory_space<semaphore_mem>>)
        %dma_wait3A = arith.constant 9600 : i32
        %dma_wait3A_182 = arith.constant 0 : i32
        %dma_wait3A_183 = tpu.memref_slice %arg6[%arg0, %run_scoped3A_173, %dma_wait3A, %dma_wait3A_182] : memref<2x3x10000x128xf32, #tpu.memory_space<hbm>> -> memref<1x1x400x128xf32, #tpu.memory_space<hbm>>
        %dma_wait3A_184 = tpu.memref_squeeze %dma_wait3A_183 : memref<1x1x400x128xf32, #tpu.memory_space<hbm>> -> memref<400x128xf32, #tpu.memory_space<hbm>>
        %dma_wait3A_185 = arith.constant 9600 : i32
        %dma_wait3A_186 = arith.constant 0 : i32
        %dma_wait3A_187 = tpu.memref_slice %arg11[%dma_wait3A_185, %dma_wait3A_186] : memref<10240x128xf32, #tpu.memory_space<vmem_shared>> -> memref<400x128xf32, #tpu.memory_space<vmem_shared>>
        tpu.wait_dma2 semaphore(%run_scoped3A_174 : memref<!tpu.dma_semaphore, #tpu.memory_space<semaphore_mem>>) src(%dma_wait3A_187 : memref<400x128xf32, #tpu.memory_space<vmem_shared>>) dst(%dma_wait3A_184 : memref<400x128xf32, #tpu.memory_space<hbm>>)
        tpu.yield
      }) : () -> ()
    } else {
    }
    return
  }
}

module attributes {stable_mosaic.version = 14 : i64} {
  func.func @_phi_gc0_body(%arg0: i32, %arg1: memref<1200x128xf32, #tpu.memory_space<vmem>>, %arg2: memref<128x128xf32, #tpu.memory_space<vmem>>, %arg3: memref<1x128xf32, #tpu.memory_space<vmem>>, %arg4: memref<128x128xf32, #tpu.memory_space<vmem>>, %arg5: memref<1200x128xf32, #tpu.memory_space<vmem>>) attributes {dimension_semantics = [#tpu.dimension_semantics<arbitrary>], iteration_bounds = array<i64: 25>, scalar_prefetch = 0 : i64, scratch_operands = 0 : i64, tpu.core_type = #tpu.core_type<tc>, window_params = [{transform_indices = @transform_0, window_bounds = array<i64: 1200, 128>}, {pipeline_mode = #tpu.pipeline_mode<synchronous>, transform_indices = @transform_1, window_bounds = array<i64: 128, 128>}, {pipeline_mode = #tpu.pipeline_mode<synchronous>, transform_indices = @transform_2, window_bounds = array<i64: 1, 128>}, {pipeline_mode = #tpu.pipeline_mode<synchronous>, transform_indices = @transform_3, window_bounds = array<i64: 128, 128>}, {transform_indices = @transform_4, window_bounds = array<i64: 1200, 128>}]} {
    %get3A = arith.constant 0 : index
    %get3A_0 = arith.constant 0 : index
    %get3A_1 = vector.load %arg1[%get3A, %get3A_0] : memref<1200x128xf32, #tpu.memory_space<vmem>>, vector<1200x128xf32>
    %get3A_2 = arith.constant 0 : index
    %get3A_3 = arith.constant 0 : index
    %get3A_4 = vector.load %arg2[%get3A_2, %get3A_3] : memref<128x128xf32, #tpu.memory_space<vmem>>, vector<128x128xf32>
    %dot_general3A = arith.constant dense<0.000000e+00> : vector<1200x128xf32>
    %dot_general3A_5 = tpu.matmul %get3A_1, %get3A_4, %dot_general3A {dimension_numbers = #tpu.dot_dimension_numbers<[1], [0], [0], [1], [0, 0, 1, 1], [], []>, transpose_lhs_hint = false} : vector<1200x128xf32>, vector<128x128xf32>, vector<1200x128xf32> -> vector<1200x128xf32>
    %get3A_6 = arith.constant 0 : index
    %get3A_7 = arith.constant 0 : index
    %get3A_8 = vector.load %arg3[%get3A_6, %get3A_7] : memref<1x128xf32, #tpu.memory_space<vmem>>, vector<1x128xf32>
    %add3A = vector.broadcast %get3A_8 : vector<1x128xf32> to vector<1200x128xf32>
    %add3A_9 = arith.addf %dot_general3A_5, %add3A : vector<1200x128xf32>
    %max3A = arith.constant 0.000000e+00 : f32
    %max3A_10 = vector.broadcast %max3A : f32 to vector<1200x128xf32>
    %max3A_11 = arith.maximumf %add3A_9, %max3A_10 : vector<1200x128xf32>
    %get3A_12 = arith.constant 0 : index
    %get3A_13 = arith.constant 0 : index
    %get3A_14 = vector.load %arg4[%get3A_12, %get3A_13] : memref<128x128xf32, #tpu.memory_space<vmem>>, vector<128x128xf32>
    %dot_general3A_15 = arith.constant dense<0.000000e+00> : vector<1200x128xf32>
    %dot_general3A_16 = tpu.matmul %max3A_11, %get3A_14, %dot_general3A_15 {dimension_numbers = #tpu.dot_dimension_numbers<[1], [0], [0], [1], [0, 0, 1, 1], [], []>, transpose_lhs_hint = false} : vector<1200x128xf32>, vector<128x128xf32>, vector<1200x128xf32> -> vector<1200x128xf32>
    %swap3A = arith.constant 0 : index
    %swap3A_17 = arith.constant 0 : index
    %swap3A_18 = vector.load %arg5[%swap3A, %swap3A_17] : memref<1200x128xf32, #tpu.memory_space<vmem>>, vector<1200x128xf32>
    tpu.vector_store %arg5[%swap3A, %swap3A_17], %dot_general3A_16 {strides = array<i32>} : memref<1200x128xf32, #tpu.memory_space<vmem>>, vector<1200x128xf32>,
    return
  }
  func.func @transform_0(%arg0: i32) -> (i32, i32) {
    %c0_i32 = arith.constant 0 : i32
    %c0_i32_0 = arith.constant 0 : i32
    return %arg0, %c0_i32 : i32, i32
  }
  func.func @transform_1(%arg0: i32) -> (i32, i32) {
    %c0_i32 = arith.constant 0 : i32
    %c0_i32_0 = arith.constant 0 : i32
    %c0_i32_1 = arith.constant 0 : i32
    return %c0_i32, %c0_i32_0 : i32, i32
  }
  func.func @transform_2(%arg0: i32) -> (i32, i32) {
    %c0_i32 = arith.constant 0 : i32
    %c0_i32_0 = arith.constant 0 : i32
    %c0_i32_1 = arith.constant 0 : i32
    return %c0_i32, %c0_i32_0 : i32, i32
  }
  func.func @transform_3(%arg0: i32) -> (i32, i32) {
    %c0_i32 = arith.constant 0 : i32
    %c0_i32_0 = arith.constant 0 : i32
    %c0_i32_1 = arith.constant 0 : i32
    return %c0_i32, %c0_i32_0 : i32, i32
  }
  func.func @transform_4(%arg0: i32) -> (i32, i32) {
    %c0_i32 = arith.constant 0 : i32
    %c0_i32_0 = arith.constant 0 : i32
    return %arg0, %c0_i32 : i32, i32
  }
}

module attributes {stable_mosaic.version = 14 : i64} {
  func.func @_gc1_body(%arg0: i32, %arg1: memref<2x1x1000x128xf32, #tpu.memory_space<vmem>>, %arg2: memref<1x128xf32, #tpu.memory_space<vmem>>, %arg3: memref<128x128xf32, #tpu.memory_space<vmem>>, %arg4: memref<1000x128xf32, #tpu.memory_space<vmem>>) attributes {dimension_semantics = [#tpu.dimension_semantics<arbitrary>], iteration_bounds = array<i64: 30>, scalar_prefetch = 0 : i64, scratch_operands = 0 : i64, tpu.core_type = #tpu.core_type<tc>, window_params = [{transform_indices = @transform_0, window_bounds = array<i64: 2, 1, 1000, 128>}, {pipeline_mode = #tpu.pipeline_mode<synchronous>, transform_indices = @transform_1, window_bounds = array<i64: 1, 128>}, {pipeline_mode = #tpu.pipeline_mode<synchronous>, transform_indices = @transform_2, window_bounds = array<i64: 128, 128>}, {transform_indices = @transform_3, window_bounds = array<i64: 1000, 128>}]} {
    %get3A = arith.constant 0 : index
    %get3A_0 = arith.constant 0 : index
    %get3A_1 = arith.constant 0 : index
    %get3A_2 = arith.constant 0 : index
    %get3A_3 = vector.load %arg1[%get3A, %get3A_0, %get3A_1, %get3A_2] : memref<2x1x1000x128xf32, #tpu.memory_space<vmem>>, vector<1x1x1000x128xf32>
    %get3A_4 = vector.shape_cast %get3A_3 : vector<1x1x1000x128xf32> to vector<1000x128xf32>
    %get3A_5 = arith.constant 1 : index
    %get3A_6 = arith.constant 0 : index
    %get3A_7 = arith.constant 0 : index
    %get3A_8 = arith.constant 0 : index
    %get3A_9 = vector.load %arg1[%get3A_5, %get3A_6, %get3A_7, %get3A_8] : memref<2x1x1000x128xf32, #tpu.memory_space<vmem>>, vector<1x1x1000x128xf32>
    %get3A_10 = vector.shape_cast %get3A_9 : vector<1x1x1000x128xf32> to vector<1000x128xf32>
    %add3A = arith.addf %get3A_4, %get3A_10 : vector<1000x128xf32>
    %get3A_11 = arith.constant 0 : index
    %get3A_12 = arith.constant 0 : index
    %get3A_13 = vector.load %arg2[%get3A_11, %get3A_12] : memref<1x128xf32, #tpu.memory_space<vmem>>, vector<1x128xf32>
    %add3A_14 = vector.broadcast %get3A_13 : vector<1x128xf32> to vector<1000x128xf32>
    %add3A_15 = arith.addf %add3A, %add3A_14 : vector<1000x128xf32>
    %max3A = arith.constant 0.000000e+00 : f32
    %max3A_16 = vector.broadcast %max3A : f32 to vector<1000x128xf32>
    %max3A_17 = arith.maximumf %add3A_15, %max3A_16 : vector<1000x128xf32>
    %get3A_18 = arith.constant 0 : index
    %get3A_19 = arith.constant 0 : index
    %get3A_20 = vector.load %arg3[%get3A_18, %get3A_19] : memref<128x128xf32, #tpu.memory_space<vmem>>, vector<128x128xf32>
    %dot_general3A = arith.constant dense<0.000000e+00> : vector<1000x128xf32>
    %dot_general3A_21 = tpu.matmul %max3A_17, %get3A_20, %dot_general3A {dimension_numbers = #tpu.dot_dimension_numbers<[1], [0], [0], [1], [0, 0, 1, 1], [], []>, transpose_lhs_hint = false} : vector<1000x128xf32>, vector<128x128xf32>, vector<1000x128xf32> -> vector<1000x128xf32>
    %swap3A = arith.constant 0 : index
    %swap3A_22 = arith.constant 0 : index
    %swap3A_23 = vector.load %arg4[%swap3A, %swap3A_22] : memref<1000x128xf32, #tpu.memory_space<vmem>>, vector<1000x128xf32>
    tpu.vector_store %arg4[%swap3A, %swap3A_22], %dot_general3A_21 {strides = array<i32>} : memref<1000x128xf32, #tpu.memory_space<vmem>>, vector<1000x128xf32>,
    return
  }
  func.func @transform_0(%arg0: i32) -> (i32, i32, i32, i32) {
    %jit3A = arith.constant 10 : i32
    %div3A = arith.divsi %arg0, %jit3A : i32
    %sign3A = arith.constant 0 : i32
    %sign3A_0 = arith.cmpi sgt, %arg0, %sign3A : i32
    %sign3A_1 = arith.extui %sign3A_0 : i1 to i32
    %sign3A_2 = arith.constant 0 : i32
    %sign3A_3 = arith.cmpi slt, %arg0, %sign3A_2 : i32
    %sign3A_4 = arith.extui %sign3A_3 : i1 to i32
    %sign3A_5 = arith.subi %sign3A_1, %sign3A_4 : i32
    %sign3A_6 = arith.constant 0 : i32
    %sign3A_7 = arith.cmpi sgt, %jit3A, %sign3A_6 : i32
    %sign3A_8 = arith.extui %sign3A_7 : i1 to i32
    %sign3A_9 = arith.constant 0 : i32
    %sign3A_10 = arith.cmpi slt, %jit3A, %sign3A_9 : i32
    %sign3A_11 = arith.extui %sign3A_10 : i1 to i32
    %sign3A_12 = arith.subi %sign3A_8, %sign3A_11 : i32
    %ne3A = arith.cmpi ne, %sign3A_5, %sign3A_12 : i32
    %rem3A = arith.remsi %arg0, %jit3A : i32
    %ne3A_13 = arith.constant 0 : i32
    %ne3A_14 = arith.cmpi ne, %rem3A, %ne3A_13 : i32
    %and3A = arith.andi %ne3A, %ne3A_14 : i1
    %sub3A = arith.constant 1 : i32
    %sub3A_15 = arith.subi %div3A, %sub3A : i32
    %select_n3A = arith.select %and3A, %sub3A_15, %div3A : i32
    %jit3A_16 = arith.constant 10 : i32
    %eq3A = arith.constant 0 : i32
    %eq3A_17 = arith.cmpi eq, %jit3A_16, %eq3A : i32
    %jit3A_18 = arith.constant 1 : i32
    %select_n3A_19 = arith.select %eq3A_17, %jit3A_18, %jit3A_16 : i32
    %rem3A_20 = arith.remsi %arg0, %select_n3A_19 : i32
    %ne3A_21 = arith.constant 0 : i32
    %ne3A_22 = arith.cmpi ne, %rem3A_20, %ne3A_21 : i32
    %lt3A = arith.constant 0 : i32
    %lt3A_23 = arith.cmpi slt, %rem3A_20, %lt3A : i32
    %lt3A_24 = arith.constant 0 : i32
    %lt3A_25 = arith.cmpi slt, %select_n3A_19, %lt3A_24 : i32
    %ne3A_26 = arith.xori %lt3A_23, %lt3A_25 : i1
    %and3A_27 = arith.andi %ne3A_26, %ne3A_22 : i1
    %add3A = arith.addi %rem3A_20, %select_n3A_19 : i32
    %select_n3A_28 = arith.select %and3A_27, %add3A, %rem3A_20 : i32
    %c0_i32 = arith.constant 0 : i32
    %c0_i32_29 = arith.constant 0 : i32
    %c0_i32_30 = arith.constant 0 : i32
    return %c0_i32, %select_n3A, %select_n3A_28, %c0_i32_29 : i32, i32, i32, i32
  }
  func.func @transform_1(%arg0: i32) -> (i32, i32) {
    %c0_i32 = arith.constant 0 : i32
    %c0_i32_0 = arith.constant 0 : i32
    %c0_i32_1 = arith.constant 0 : i32
    return %c0_i32, %c0_i32_0 : i32, i32
  }
  func.func @transform_2(%arg0: i32) -> (i32, i32) {
    %c0_i32 = arith.constant 0 : i32
    %c0_i32_0 = arith.constant 0 : i32
    %c0_i32_1 = arith.constant 0 : i32
    return %c0_i32, %c0_i32_0 : i32, i32
  }
  func.func @transform_3(%arg0: i32) -> (i32, i32) {
    %c0_i32 = arith.constant 0 : i32
    %c0_i32_0 = arith.constant 0 : i32
    return %arg0, %c0_i32 : i32, i32
  }
}

module attributes {stable_mosaic.version = 14 : i64} {
  func.func @_recur_body(%arg0: i32, %arg1: memref<2x3x1000x128xf32, #tpu.memory_space<vmem>>, %arg2: memref<1x3x1000xi32, #tpu.memory_space<vmem>>, %arg3: memref<1x128xf32, #tpu.memory_space<vmem>>, %arg4: memref<256x128xf32, #tpu.memory_space<vmem>>, %arg5: memref<1x128xf32, #tpu.memory_space<vmem>>, %arg6: memref<128x128xf32, #tpu.memory_space<vmem>>, %arg7: memref<1x128xf32, #tpu.memory_space<vmem>>, %arg8: memref<128x128xf32, #tpu.memory_space<vmem>>, %arg9: memref<1x128xf32, #tpu.memory_space<vmem>>, %arg10: memref<128x1xf32, #tpu.memory_space<vmem>>, %arg11: memref<1x1xf32, #tpu.memory_space<vmem>>, %arg12: memref<128x1xf32, #tpu.memory_space<vmem>>, %arg13: memref<1x1xf32, #tpu.memory_space<vmem>>, %arg14: memref<128x100xf32, #tpu.memory_space<vmem>>, %arg15: memref<1x100xf32, #tpu.memory_space<vmem>>, %arg16: memref<1x100xf32, #tpu.memory_space<vmem>>, %arg17: memref<1x100xf32, #tpu.memory_space<vmem>>, %arg18: memref<1x100xf32, #tpu.memory_space<vmem>>, %arg19: memref<1x100xf32, #tpu.memory_space<vmem>>, %arg20: memref<100x2xf32, #tpu.memory_space<vmem>>, %arg21: memref<1x2xf32, #tpu.memory_space<vmem>>, %arg22: memref<129x384xf32, #tpu.memory_space<vmem>>, %arg23: memref<1x384xf32, #tpu.memory_space<vmem>>, %arg24: memref<128x384xf32, #tpu.memory_space<vmem>>, %arg25: memref<1x384xf32, #tpu.memory_space<vmem>>, %arg26: memref<1x3x1000xf32, #tpu.memory_space<vmem>>, %arg27: memref<1x3x1000xf32, #tpu.memory_space<vmem>>, %arg28: memref<3x1000x128xf32, #tpu.memory_space<vmem>>, %arg29: memref<1x3x1000xf32, #tpu.memory_space<vmem>>, %arg30: memref<1x3x1000xf32, #tpu.memory_space<vmem>>, %arg31: memref<1000x128xf32, #tpu.memory_space<vmem>>) attributes {dimension_semantics = [#tpu.dimension_semantics<arbitrary>], iteration_bounds = array<i64: 10>, scalar_prefetch = 0 : i64, scratch_operands = 0 : i64, tpu.core_type = #tpu.core_type<tc>, window_params = [{transform_indices = @transform_0, window_bounds = array<i64: 2, 3, 1000, 128>}, {transform_indices = @transform_1, window_bounds = array<i64: 1, 3, 1000>}, {pipeline_mode = #tpu.pipeline_mode<synchronous>, transform_indices = @transform_2, window_bounds = array<i64: 1, 128>}, {pipeline_mode = #tpu.pipeline_mode<synchronous>, transform_indices = @transform_3, window_bounds = array<i64: 256, 128>}, {pipeline_mode = #tpu.pipeline_mode<synchronous>, transform_indices = @transform_4, window_bounds = array<i64: 1, 128>}, {pipeline_mode = #tpu.pipeline_mode<synchronous>, transform_indices = @transform_5, window_bounds = array<i64: 128, 128>}, {pipeline_mode = #tpu.pipeline_mode<synchronous>, transform_indices = @transform_6, window_bounds = array<i64: 1, 128>}, {pipeline_mode = #tpu.pipeline_mode<synchronous>, transform_indices = @transform_7, window_bounds = array<i64: 128, 128>}, {pipeline_mode = #tpu.pipeline_mode<synchronous>, transform_indices = @transform_8, window_bounds = array<i64: 1, 128>}, {pipeline_mode = #tpu.pipeline_mode<synchronous>, transform_indices = @transform_9, window_bounds = array<i64: 128, 1>}, {pipeline_mode = #tpu.pipeline_mode<synchronous>, transform_indices = @transform_10, window_bounds = array<i64: 1, 1>}, {pipeline_mode = #tpu.pipeline_mode<synchronous>, transform_indices = @transform_11, window_bounds = array<i64: 128, 1>}, {pipeline_mode = #tpu.pipeline_mode<synchronous>, transform_indices = @transform_12, window_bounds = array<i64: 1, 1>}, {pipeline_mode = #tpu.pipeline_mode<synchronous>, transform_indices = @transform_13, window_bounds = array<i64: 128, 100>}, {pipeline_mode = #tpu.pipeline_mode<synchronous>, transform_indices = @transform_14, window_bounds = array<i64: 1, 100>}, {pipeline_mode = #tpu.pipeline_mode<synchronous>, transform_indices = @transform_15, window_bounds = array<i64: 1, 100>}, {pipeline_mode = #tpu.pipeline_mode<synchronous>, transform_indices = @transform_16, window_bounds = array<i64: 1, 100>}, {pipeline_mode = #tpu.pipeline_mode<synchronous>, transform_indices = @transform_17, window_bounds = array<i64: 1, 100>}, {pipeline_mode = #tpu.pipeline_mode<synchronous>, transform_indices = @transform_18, window_bounds = array<i64: 1, 100>}, {pipeline_mode = #tpu.pipeline_mode<synchronous>, transform_indices = @transform_19, window_bounds = array<i64: 100, 2>}, {pipeline_mode = #tpu.pipeline_mode<synchronous>, transform_indices = @transform_20, window_bounds = array<i64: 1, 2>}, {pipeline_mode = #tpu.pipeline_mode<synchronous>, transform_indices = @transform_21, window_bounds = array<i64: 129, 384>}, {pipeline_mode = #tpu.pipeline_mode<synchronous>, transform_indices = @transform_22, window_bounds = array<i64: 1, 384>}, {pipeline_mode = #tpu.pipeline_mode<synchronous>, transform_indices = @transform_23, window_bounds = array<i64: 128, 384>}, {pipeline_mode = #tpu.pipeline_mode<synchronous>, transform_indices = @transform_24, window_bounds = array<i64: 1, 384>}, {transform_indices = @transform_25, window_bounds = array<i64: 1, 3, 1000>}, {transform_indices = @transform_26, window_bounds = array<i64: 1, 3, 1000>}, {transform_indices = @transform_27, window_bounds = array<i64: 3, 1000, 128>}, {transform_indices = @transform_28, window_bounds = array<i64: 1, 3, 1000>}, {transform_indices = @transform_29, window_bounds = array<i64: 1, 3, 1000>}, {transform_indices = @transform_30, window_bounds = array<i64: 1000, 128>}]} {
    %broadcast_in_dim3A = arith.constant 0.000000e+00 : f32
    %broadcast_in_dim3A_0 = vector.broadcast %broadcast_in_dim3A : f32 to vector<1000x128xf32>
    %get3A = arith.constant 0 : index
    %get3A_1 = arith.constant 0 : index
    %get3A_2 = vector.load %arg4[%get3A, %get3A_1] : memref<256x128xf32, #tpu.memory_space<vmem>>, vector<256x128xf32>
    %slice3A = vector.extract_strided_slice %get3A_2 {offsets = [0, 0], sizes = [128, 128], strides = [1, 1]} : vector<256x128xf32> to vector<128x128xf32>
    %get3A_3 = arith.constant 0 : index
    %get3A_4 = arith.constant 0 : index
    %get3A_5 = vector.load %arg4[%get3A_3, %get3A_4] : memref<256x128xf32, #tpu.memory_space<vmem>>, vector<256x128xf32>
    %slice3A_6 = vector.extract_strided_slice %get3A_5 {offsets = [128, 0], sizes = [128, 128], strides = [1, 1]} : vector<256x128xf32> to vector<128x128xf32>
    %get3A_7 = arith.constant 0 : index
    %get3A_8 = arith.constant 0 : index
    %get3A_9 = vector.load %arg22[%get3A_7, %get3A_8] : memref<129x384xf32, #tpu.memory_space<vmem>>, vector<129x384xf32>
    %slice3A_10 = vector.extract_strided_slice %get3A_9 {offsets = [0, 0], sizes = [128, 384], strides = [1, 1]} : vector<129x384xf32> to vector<128x384xf32>
    %get3A_11 = arith.constant 0 : index
    %get3A_12 = arith.constant 0 : index
    %get3A_13 = vector.load %arg22[%get3A_11, %get3A_12] : memref<129x384xf32, #tpu.memory_space<vmem>>, vector<129x384xf32>
    %slice3A_14 = vector.extract_strided_slice %get3A_13 {offsets = [128, 0], sizes = [1, 384], strides = [1, 1]} : vector<129x384xf32> to vector<1x384xf32>
    %squeeze3A = vector.shape_cast %slice3A_14 : vector<1x384xf32> to vector<384xf32>
    %get3A_15 = arith.constant 0 : index
    %get3A_16 = arith.constant 0 : index
    %get3A_17 = vector.load %arg24[%get3A_15, %get3A_16] : memref<128x384xf32, #tpu.memory_space<vmem>>, vector<128x384xf32>
    %get3A_18 = arith.constant 0 : index
    %get3A_19 = arith.constant 0 : index
    %get3A_20 = vector.load %arg19[%get3A_18, %get3A_19] : memref<1x100xf32, #tpu.memory_space<vmem>>, vector<1x100xf32>
    %add3A = arith.constant 9.99999974E-6 : f32
    %add3A_21 = vector.broadcast %add3A : f32 to vector<1x100xf32>
    %add3A_22 = arith.addf %get3A_20, %add3A_21 : vector<1x100xf32>
    %rsqrt3A = math.rsqrt %add3A_22 : vector<1x100xf32>
    %get3A_23 = arith.constant 0 : index
    %get3A_24 = arith.constant 0 : index
    %get3A_25 = arith.constant 0 : index
    %get3A_26 = arith.constant 0 : index
    %get3A_27 = vector.load %arg1[%get3A_23, %get3A_24, %get3A_25, %get3A_26] : memref<2x3x1000x128xf32, #tpu.memory_space<vmem>>, vector<1x1x1000x128xf32>
    %get3A_28 = vector.shape_cast %get3A_27 : vector<1x1x1000x128xf32> to vector<1000x128xf32>
    %get3A_29 = arith.constant 1 : index
    %get3A_30 = arith.constant 0 : index
    %get3A_31 = arith.constant 0 : index
    %get3A_32 = arith.constant 0 : index
    %get3A_33 = vector.load %arg1[%get3A_29, %get3A_30, %get3A_31, %get3A_32] : memref<2x3x1000x128xf32, #tpu.memory_space<vmem>>, vector<1x1x1000x128xf32>
    %get3A_34 = vector.shape_cast %get3A_33 : vector<1x1x1000x128xf32> to vector<1000x128xf32>
    %add3A_35 = arith.addf %get3A_28, %get3A_34 : vector<1000x128xf32>
    %get3A_36 = arith.constant 0 : index
    %get3A_37 = arith.constant 0 : index
    %get3A_38 = vector.load %arg3[%get3A_36, %get3A_37] : memref<1x128xf32, #tpu.memory_space<vmem>>, vector<1x128xf32>
    %add3A_39 = vector.broadcast %get3A_38 : vector<1x128xf32> to vector<1000x128xf32>
    %add3A_40 = arith.addf %add3A_35, %add3A_39 : vector<1000x128xf32>
    %max3A = arith.constant 0.000000e+00 : f32
    %max3A_41 = vector.broadcast %max3A : f32 to vector<1000x128xf32>
    %max3A_42 = arith.maximumf %add3A_40, %max3A_41 : vector<1000x128xf32>
    %dot_general3A = arith.constant dense<0.000000e+00> : vector<1000x128xf32>
    %dot_general3A_43 = tpu.matmul %broadcast_in_dim3A_0, %slice3A, %dot_general3A {dimension_numbers = #tpu.dot_dimension_numbers<[1], [0], [0], [1], [0, 0, 1, 1], [], []>, transpose_lhs_hint = false} : vector<1000x128xf32>, vector<128x128xf32>, vector<1000x128xf32> -> vector<1000x128xf32>
    %dot_general3A_44 = arith.constant dense<0.000000e+00> : vector<1000x128xf32>
    %dot_general3A_45 = tpu.matmul %max3A_42, %slice3A_6, %dot_general3A_44 {dimension_numbers = #tpu.dot_dimension_numbers<[1], [0], [0], [1], [0, 0, 1, 1], [], []>, transpose_lhs_hint = false} : vector<1000x128xf32>, vector<128x128xf32>, vector<1000x128xf32> -> vector<1000x128xf32>
    %add3A_46 = arith.addf %dot_general3A_43, %dot_general3A_45 : vector<1000x128xf32>
    %get3A_47 = arith.constant 0 : index
    %get3A_48 = arith.constant 0 : index
    %get3A_49 = vector.load %arg5[%get3A_47, %get3A_48] : memref<1x128xf32, #tpu.memory_space<vmem>>, vector<1x128xf32>
    %add3A_50 = vector.broadcast %get3A_49 : vector<1x128xf32> to vector<1000x128xf32>
    %add3A_51 = arith.addf %add3A_46, %add3A_50 : vector<1000x128xf32>
    %max3A_52 = arith.constant 0.000000e+00 : f32
    %max3A_53 = vector.broadcast %max3A_52 : f32 to vector<1000x128xf32>
    %max3A_54 = arith.maximumf %add3A_51, %max3A_53 : vector<1000x128xf32>
    %get3A_55 = arith.constant 0 : index
    %get3A_56 = arith.constant 0 : index
    %get3A_57 = arith.constant 0 : index
    %get3A_58 = vector.load %arg2[%get3A_55, %get3A_56, %get3A_57] : memref<1x3x1000xi32, #tpu.memory_space<vmem>>, vector<1x1x1000xi32>
    %get3A_59 = vector.shape_cast %get3A_58 : vector<1x1x1000xi32> to vector<1000xi32>
    %convert_element_type3A = arith.sitofp %get3A_59 : vector<1000xi32> to vector<1000xf32>
    %dot_general3A_60 = arith.constant dense<0.000000e+00> : vector<1000x384xf32>
    %dot_general3A_61 = tpu.matmul %max3A_54, %slice3A_10, %dot_general3A_60 {dimension_numbers = #tpu.dot_dimension_numbers<[1], [0], [0], [1], [0, 0, 1, 1], [], []>, transpose_lhs_hint = false} : vector<1000x128xf32>, vector<128x384xf32>, vector<1000x384xf32> -> vector<1000x384xf32>
    %broadcast_in_dim3A_62 = vector.shape_cast %convert_element_type3A : vector<1000xf32> to vector<1000x1xf32>
    %broadcast_in_dim3A_63 = vector.shape_cast %squeeze3A : vector<384xf32> to vector<1x384xf32>
    %mul3A = vector.broadcast %broadcast_in_dim3A_62 : vector<1000x1xf32> to vector<1000x384xf32>
    %mul3A_64 = vector.broadcast %broadcast_in_dim3A_63 : vector<1x384xf32> to vector<1000x384xf32>
    %mul3A_65 = arith.mulf %mul3A, %mul3A_64 : vector<1000x384xf32>
    %add3A_66 = arith.addf %dot_general3A_61, %mul3A_65 : vector<1000x384xf32>
    %get3A_67 = arith.constant 0 : index
    %get3A_68 = arith.constant 0 : index
    %get3A_69 = vector.load %arg23[%get3A_67, %get3A_68] : memref<1x384xf32, #tpu.memory_space<vmem>>, vector<1x384xf32>
    %add3A_70 = vector.broadcast %get3A_69 : vector<1x384xf32> to vector<1000x384xf32>
    %add3A_71 = arith.addf %add3A_66, %add3A_70 : vector<1000x384xf32>
    %dot_general3A_72 = arith.constant dense<0.000000e+00> : vector<1000x384xf32>
    %dot_general3A_73 = tpu.matmul %broadcast_in_dim3A_0, %get3A_17, %dot_general3A_72 {dimension_numbers = #tpu.dot_dimension_numbers<[1], [0], [0], [1], [0, 0, 1, 1], [], []>, transpose_lhs_hint = false} : vector<1000x128xf32>, vector<128x384xf32>, vector<1000x384xf32> -> vector<1000x384xf32>
    %get3A_74 = arith.constant 0 : index
    %get3A_75 = arith.constant 0 : index
    %get3A_76 = vector.load %arg25[%get3A_74, %get3A_75] : memref<1x384xf32, #tpu.memory_space<vmem>>, vector<1x384xf32>
    %add3A_77 = vector.broadcast %get3A_76 : vector<1x384xf32> to vector<1000x384xf32>
    %add3A_78 = arith.addf %dot_general3A_73, %add3A_77 : vector<1000x384xf32>
    %slice3A_79 = vector.extract_strided_slice %add3A_71 {offsets = [0, 0], sizes = [1000, 128], strides = [1, 1]} : vector<1000x384xf32> to vector<1000x128xf32>
    %slice3A_80 = vector.extract_strided_slice %add3A_71 {offsets = [0, 128], sizes = [1000, 128], strides = [1, 1]} : vector<1000x384xf32> to vector<1000x128xf32>
    %slice3A_81 = vector.extract_strided_slice %add3A_71 {offsets = [0, 256], sizes = [1000, 128], strides = [1, 1]} : vector<1000x384xf32> to vector<1000x128xf32>
    %slice3A_82 = vector.extract_strided_slice %add3A_78 {offsets = [0, 0], sizes = [1000, 128], strides = [1, 1]} : vector<1000x384xf32> to vector<1000x128xf32>
    %slice3A_83 = vector.extract_strided_slice %add3A_78 {offsets = [0, 128], sizes = [1000, 128], strides = [1, 1]} : vector<1000x384xf32> to vector<1000x128xf32>
    %slice3A_84 = vector.extract_strided_slice %add3A_78 {offsets = [0, 256], sizes = [1000, 128], strides = [1, 1]} : vector<1000x384xf32> to vector<1000x128xf32>
    %add3A_85 = arith.addf %slice3A_79, %slice3A_82 : vector<1000x128xf32>
    %logistic3A = arith.negf %add3A_85 : vector<1000x128xf32>
    %logistic3A_86 = math.exp %logistic3A : vector<1000x128xf32>
    %logistic3A_87 = arith.constant 1.000000e+00 : f32
    %logistic3A_88 = vector.broadcast %logistic3A_87 : f32 to vector<1000x128xf32>
    %logistic3A_89 = arith.addf %logistic3A_88, %logistic3A_86 : vector<1000x128xf32>
    %logistic3A_90 = arith.divf %logistic3A_88, %logistic3A_89 : vector<1000x128xf32>
    %add3A_91 = arith.addf %slice3A_80, %slice3A_83 : vector<1000x128xf32>
    %logistic3A_92 = arith.negf %add3A_91 : vector<1000x128xf32>
    %logistic3A_93 = math.exp %logistic3A_92 : vector<1000x128xf32>
    %logistic3A_94 = arith.constant 1.000000e+00 : f32
    %logistic3A_95 = vector.broadcast %logistic3A_94 : f32 to vector<1000x128xf32>
    %logistic3A_96 = arith.addf %logistic3A_95, %logistic3A_93 : vector<1000x128xf32>
    %logistic3A_97 = arith.divf %logistic3A_95, %logistic3A_96 : vector<1000x128xf32>
    %mul3A_98 = arith.mulf %logistic3A_90, %slice3A_84 : vector<1000x128xf32>
    %add3A_99 = arith.addf %slice3A_81, %mul3A_98 : vector<1000x128xf32>
    %tanh3A = math.tanh %add3A_99 : vector<1000x128xf32>
    %sub3A = arith.constant 1.000000e+00 : f32
    %sub3A_100 = vector.broadcast %sub3A : f32 to vector<1000x128xf32>
    %sub3A_101 = arith.subf %sub3A_100, %logistic3A_97 : vector<1000x128xf32>
    %mul3A_102 = arith.mulf %sub3A_101, %tanh3A : vector<1000x128xf32>
    %mul3A_103 = arith.mulf %logistic3A_97, %broadcast_in_dim3A_0 : vector<1000x128xf32>
    %add3A_104 = arith.addf %mul3A_102, %mul3A_103 : vector<1000x128xf32>
    %get3A_105 = arith.constant 0 : index
    %get3A_106 = arith.constant 0 : index
    %get3A_107 = vector.load %arg6[%get3A_105, %get3A_106] : memref<128x128xf32, #tpu.memory_space<vmem>>, vector<128x128xf32>
    %dot_general3A_108 = arith.constant dense<0.000000e+00> : vector<1000x128xf32>
    %dot_general3A_109 = tpu.matmul %max3A_54, %get3A_107, %dot_general3A_108 {dimension_numbers = #tpu.dot_dimension_numbers<[1], [0], [0], [1], [0, 0, 1, 1], [], []>, transpose_lhs_hint = false} : vector<1000x128xf32>, vector<128x128xf32>, vector<1000x128xf32> -> vector<1000x128xf32>
    %get3A_110 = arith.constant 0 : index
    %get3A_111 = arith.constant 0 : index
    %get3A_112 = vector.load %arg7[%get3A_110, %get3A_111] : memref<1x128xf32, #tpu.memory_space<vmem>>, vector<1x128xf32>
    %add3A_113 = vector.broadcast %get3A_112 : vector<1x128xf32> to vector<1000x128xf32>
    %add3A_114 = arith.addf %dot_general3A_109, %add3A_113 : vector<1000x128xf32>
    %max3A_115 = arith.constant 0.000000e+00 : f32
    %max3A_116 = vector.broadcast %max3A_115 : f32 to vector<1000x128xf32>
    %max3A_117 = arith.maximumf %add3A_114, %max3A_116 : vector<1000x128xf32>
    %get3A_118 = arith.constant 0 : index
    %get3A_119 = arith.constant 0 : index
    %get3A_120 = vector.load %arg8[%get3A_118, %get3A_119] : memref<128x128xf32, #tpu.memory_space<vmem>>, vector<128x128xf32>
    %dot_general3A_121 = arith.constant dense<0.000000e+00> : vector<1000x128xf32>
    %dot_general3A_122 = tpu.matmul %max3A_54, %get3A_120, %dot_general3A_121 {dimension_numbers = #tpu.dot_dimension_numbers<[1], [0], [0], [1], [0, 0, 1, 1], [], []>, transpose_lhs_hint = false} : vector<1000x128xf32>, vector<128x128xf32>, vector<1000x128xf32> -> vector<1000x128xf32>
    %get3A_123 = arith.constant 0 : index
    %get3A_124 = arith.constant 0 : index
    %get3A_125 = vector.load %arg9[%get3A_123, %get3A_124] : memref<1x128xf32, #tpu.memory_space<vmem>>, vector<1x128xf32>
    %add3A_126 = vector.broadcast %get3A_125 : vector<1x128xf32> to vector<1000x128xf32>
    %add3A_127 = arith.addf %dot_general3A_122, %add3A_126 : vector<1000x128xf32>
    %max3A_128 = arith.constant 0.000000e+00 : f32
    %max3A_129 = vector.broadcast %max3A_128 : f32 to vector<1000x128xf32>
    %max3A_130 = arith.maximumf %add3A_127, %max3A_129 : vector<1000x128xf32>
    %get3A_131 = arith.constant 0 : index
    %get3A_132 = arith.constant 0 : index
    %get3A_133 = vector.load %arg10[%get3A_131, %get3A_132] : memref<128x1xf32, #tpu.memory_space<vmem>>, vector<128x1xf32>
    %dot_general3A_134 = arith.constant dense<0.000000e+00> : vector<1000x1xf32>
    %dot_general3A_135 = tpu.matmul %max3A_117, %get3A_133, %dot_general3A_134 {dimension_numbers = #tpu.dot_dimension_numbers<[1], [0], [0], [1], [0, 0, 1, 1], [], []>, transpose_lhs_hint = false} : vector<1000x128xf32>, vector<128x1xf32>, vector<1000x1xf32> -> vector<1000x1xf32>
    %squeeze3A_136 = vector.shape_cast %dot_general3A_135 : vector<1000x1xf32> to vector<1000xf32>
    %get3A_137 = arith.constant 0 : index
    %get3A_138 = arith.constant 0 : index
    %get3A_139 = vector.load %arg11[%get3A_137, %get3A_138] : memref<1x1xf32, #tpu.memory_space<vmem>>, vector<1x1xf32>
    %get3A_140 = vector.extract %get3A_139[0, 0] : f32 from vector<1x1xf32>
    %add3A_141 = vector.broadcast %get3A_140 : f32 to vector<1000xf32>
    %add3A_142 = arith.addf %squeeze3A_136, %add3A_141 : vector<1000xf32>
    %get3A_143 = arith.constant 0 : index
    %get3A_144 = arith.constant 0 : index
    %get3A_145 = vector.load %arg12[%get3A_143, %get3A_144] : memref<128x1xf32, #tpu.memory_space<vmem>>, vector<128x1xf32>
    %dot_general3A_146 = arith.constant dense<0.000000e+00> : vector<1000x1xf32>
    %dot_general3A_147 = tpu.matmul %max3A_130, %get3A_145, %dot_general3A_146 {dimension_numbers = #tpu.dot_dimension_numbers<[1], [0], [0], [1], [0, 0, 1, 1], [], []>, transpose_lhs_hint = false} : vector<1000x128xf32>, vector<128x1xf32>, vector<1000x1xf32> -> vector<1000x1xf32>
    %squeeze3A_148 = vector.shape_cast %dot_general3A_147 : vector<1000x1xf32> to vector<1000xf32>
    %get3A_149 = arith.constant 0 : index
    %get3A_150 = arith.constant 0 : index
    %get3A_151 = vector.load %arg13[%get3A_149, %get3A_150] : memref<1x1xf32, #tpu.memory_space<vmem>>, vector<1x1xf32>
    %get3A_152 = vector.extract %get3A_151[0, 0] : f32 from vector<1x1xf32>
    %add3A_153 = vector.broadcast %get3A_152 : f32 to vector<1000xf32>
    %add3A_154 = arith.addf %squeeze3A_148, %add3A_153 : vector<1000xf32>
    %get3A_155 = arith.constant 0 : index
    %get3A_156 = arith.constant 0 : index
    %get3A_157 = vector.load %arg14[%get3A_155, %get3A_156] : memref<128x100xf32, #tpu.memory_space<vmem>>, vector<128x100xf32>
    %dot_general3A_158 = arith.constant dense<0.000000e+00> : vector<1000x100xf32>
    %dot_general3A_159 = tpu.matmul %max3A_54, %get3A_157, %dot_general3A_158 {dimension_numbers = #tpu.dot_dimension_numbers<[1], [0], [0], [1], [0, 0, 1, 1], [], []>, transpose_lhs_hint = false} : vector<1000x128xf32>, vector<128x100xf32>, vector<1000x100xf32> -> vector<1000x100xf32>
    %get3A_160 = arith.constant 0 : index
    %get3A_161 = arith.constant 0 : index
    %get3A_162 = vector.load %arg15[%get3A_160, %get3A_161] : memref<1x100xf32, #tpu.memory_space<vmem>>, vector<1x100xf32>
    %add3A_163 = vector.broadcast %get3A_162 : vector<1x100xf32> to vector<1000x100xf32>
    %add3A_164 = arith.addf %dot_general3A_159, %add3A_163 : vector<1000x100xf32>
    %get3A_165 = arith.constant 0 : index
    %get3A_166 = arith.constant 0 : index
    %get3A_167 = vector.load %arg18[%get3A_165, %get3A_166] : memref<1x100xf32, #tpu.memory_space<vmem>>, vector<1x100xf32>
    %sub3A_168 = vector.broadcast %get3A_167 : vector<1x100xf32> to vector<1000x100xf32>
    %sub3A_169 = arith.subf %add3A_164, %sub3A_168 : vector<1000x100xf32>
    %mul3A_170 = vector.broadcast %rsqrt3A : vector<1x100xf32> to vector<1000x100xf32>
    %mul3A_171 = arith.mulf %sub3A_169, %mul3A_170 : vector<1000x100xf32>
    %get3A_172 = arith.constant 0 : index
    %get3A_173 = arith.constant 0 : index
    %get3A_174 = vector.load %arg16[%get3A_172, %get3A_173] : memref<1x100xf32, #tpu.memory_space<vmem>>, vector<1x100xf32>
    %mul3A_175 = vector.broadcast %get3A_174 : vector<1x100xf32> to vector<1000x100xf32>
    %mul3A_176 = arith.mulf %mul3A_171, %mul3A_175 : vector<1000x100xf32>
    %get3A_177 = arith.constant 0 : index
    %get3A_178 = arith.constant 0 : index
    %get3A_179 = vector.load %arg17[%get3A_177, %get3A_178] : memref<1x100xf32, #tpu.memory_space<vmem>>, vector<1x100xf32>
    %add3A_180 = vector.broadcast %get3A_179 : vector<1x100xf32> to vector<1000x100xf32>
    %add3A_181 = arith.addf %mul3A_176, %add3A_180 : vector<1000x100xf32>
    %logistic3A_182 = arith.negf %add3A_181 : vector<1000x100xf32>
    %logistic3A_183 = math.exp %logistic3A_182 : vector<1000x100xf32>
    %logistic3A_184 = arith.constant 1.000000e+00 : f32
    %logistic3A_185 = vector.broadcast %logistic3A_184 : f32 to vector<1000x100xf32>
    %logistic3A_186 = arith.addf %logistic3A_185, %logistic3A_183 : vector<1000x100xf32>
    %logistic3A_187 = arith.divf %logistic3A_185, %logistic3A_186 : vector<1000x100xf32>
    %get3A_188 = arith.constant 0 : index
    %get3A_189 = arith.constant 0 : index
    %get3A_190 = vector.load %arg20[%get3A_188, %get3A_189] : memref<100x2xf32, #tpu.memory_space<vmem>>, vector<100x2xf32>
    %slice3A_191 = vector.extract_strided_slice %get3A_190 {offsets = [0, 0], sizes = [100, 1], strides = [1, 1]} : vector<100x2xf32> to vector<100x1xf32>
    %squeeze3A_192 = vector.shape_cast %slice3A_191 : vector<100x1xf32> to vector<100xf32>
    %broadcast_in_dim3A_193 = vector.shape_cast %squeeze3A_192 : vector<100xf32> to vector<1x100xf32>
    %mul3A_194 = vector.broadcast %broadcast_in_dim3A_193 : vector<1x100xf32> to vector<1000x100xf32>
    %mul3A_195 = arith.mulf %logistic3A_187, %mul3A_194 : vector<1000x100xf32>
    %reduce_sum3A = arith.constant dense<0.000000e+00> : vector<1000xf32>
    %reduce_sum3A_196 = vector.multi_reduction <add>, %mul3A_195, %reduce_sum3A [1] : vector<1000x100xf32> to vector<1000xf32>
    %get3A_197 = arith.constant 0 : index
    %get3A_198 = arith.constant 0 : index
    %get3A_199 = vector.load %arg21[%get3A_197, %get3A_198] : memref<1x2xf32, #tpu.memory_space<vmem>>, vector<1x1xf32>
    %get3A_200 = vector.extract %get3A_199[0, 0] : f32 from vector<1x1xf32>
    %add3A_201 = vector.broadcast %get3A_200 : f32 to vector<1000xf32>
    %add3A_202 = arith.addf %reduce_sum3A_196, %add3A_201 : vector<1000xf32>
    %get3A_203 = arith.constant 0 : index
    %get3A_204 = arith.constant 0 : index
    %get3A_205 = vector.load %arg20[%get3A_203, %get3A_204] : memref<100x2xf32, #tpu.memory_space<vmem>>, vector<100x2xf32>
    %slice3A_206 = vector.extract_strided_slice %get3A_205 {offsets = [0, 1], sizes = [100, 1], strides = [1, 1]} : vector<100x2xf32> to vector<100x1xf32>
    %squeeze3A_207 = vector.shape_cast %slice3A_206 : vector<100x1xf32> to vector<100xf32>
    %broadcast_in_dim3A_208 = vector.shape_cast %squeeze3A_207 : vector<100xf32> to vector<1x100xf32>
    %mul3A_209 = vector.broadcast %broadcast_in_dim3A_208 : vector<1x100xf32> to vector<1000x100xf32>
    %mul3A_210 = arith.mulf %logistic3A_187, %mul3A_209 : vector<1000x100xf32>
    %reduce_sum3A_211 = arith.constant dense<0.000000e+00> : vector<1000xf32>
    %reduce_sum3A_212 = vector.multi_reduction <add>, %mul3A_210, %reduce_sum3A_211 [1] : vector<1000x100xf32> to vector<1000xf32>
    %get3A_213 = arith.constant 0 : index
    %get3A_214 = arith.constant 1 : index
    %get3A_215 = vector.load %arg21[%get3A_213, %get3A_214] : memref<1x2xf32, #tpu.memory_space<vmem>>, vector<1x1xf32>
    %get3A_216 = vector.extract %get3A_215[0, 0] : f32 from vector<1x1xf32>
    %add3A_217 = vector.broadcast %get3A_216 : f32 to vector<1000xf32>
    %add3A_218 = arith.addf %reduce_sum3A_212, %add3A_217 : vector<1000xf32>
    %max3A_219 = arith.maximumf %add3A_202, %add3A_218 : vector<1000xf32>
    %sub3A_220 = arith.subf %add3A_202, %max3A_219 : vector<1000xf32>
    %exp3A = math.exp %sub3A_220 : vector<1000xf32>
    %sub3A_221 = arith.subf %add3A_218, %max3A_219 : vector<1000xf32>
    %exp3A_222 = math.exp %sub3A_221 : vector<1000xf32>
    %add3A_223 = arith.addf %exp3A, %exp3A_222 : vector<1000xf32>
    %swap3A = arith.constant 0 : index
    %swap3A_224 = arith.constant 0 : index
    %swap3A_225 = arith.constant 0 : index
    %swap3A_226 = vector.load %arg26[%swap3A, %swap3A_224, %swap3A_225] : memref<1x3x1000xf32, #tpu.memory_space<vmem>>, vector<1x1x1000xf32>
    %swap3A_227 = vector.shape_cast %swap3A_226 : vector<1x1x1000xf32> to vector<1000xf32>
    %swap3A_228 = vector.shape_cast %add3A_154 : vector<1000xf32> to vector<1x1x1000xf32>
    tpu.vector_store %arg26[%swap3A, %swap3A_224, %swap3A_225], %swap3A_228 {strides = array<i32>} : memref<1x3x1000xf32, #tpu.memory_space<vmem>>, vector<1x1x1000xf32>,
    %swap3A_229 = arith.constant 0 : index
    %swap3A_230 = arith.constant 0 : index
    %swap3A_231 = arith.constant 0 : index
    %swap3A_232 = vector.load %arg27[%swap3A_229, %swap3A_230, %swap3A_231] : memref<1x3x1000xf32, #tpu.memory_space<vmem>>, vector<1x1x1000xf32>
    %swap3A_233 = vector.shape_cast %swap3A_232 : vector<1x1x1000xf32> to vector<1000xf32>
    %swap3A_234 = vector.shape_cast %add3A_142 : vector<1000xf32> to vector<1x1x1000xf32>
    tpu.vector_store %arg27[%swap3A_229, %swap3A_230, %swap3A_231], %swap3A_234 {strides = array<i32>} : memref<1x3x1000xf32, #tpu.memory_space<vmem>>, vector<1x1x1000xf32>,
    %swap3A_235 = arith.constant 0 : index
    %swap3A_236 = arith.constant 0 : index
    %swap3A_237 = arith.constant 0 : index
    %swap3A_238 = vector.load %arg28[%swap3A_235, %swap3A_236, %swap3A_237] : memref<3x1000x128xf32, #tpu.memory_space<vmem>>, vector<1x1000x128xf32>
    %swap3A_239 = vector.shape_cast %swap3A_238 : vector<1x1000x128xf32> to vector<1000x128xf32>
    %swap3A_240 = vector.shape_cast %max3A_54 : vector<1000x128xf32> to vector<1x1000x128xf32>
    tpu.vector_store %arg28[%swap3A_235, %swap3A_236, %swap3A_237], %swap3A_240 {strides = array<i32>} : memref<3x1000x128xf32, #tpu.memory_space<vmem>>, vector<1x1000x128xf32>,
    %div3A = arith.divf %exp3A, %add3A_223 : vector<1000xf32>
    %swap3A_241 = arith.constant 0 : index
    %swap3A_242 = arith.constant 0 : index
    %swap3A_243 = arith.constant 0 : index
    %swap3A_244 = vector.load %arg29[%swap3A_241, %swap3A_242, %swap3A_243] : memref<1x3x1000xf32, #tpu.memory_space<vmem>>, vector<1x1x1000xf32>
    %swap3A_245 = vector.shape_cast %swap3A_244 : vector<1x1x1000xf32> to vector<1000xf32>
    %swap3A_246 = vector.shape_cast %div3A : vector<1000xf32> to vector<1x1x1000xf32>
    tpu.vector_store %arg29[%swap3A_241, %swap3A_242, %swap3A_243], %swap3A_246 {strides = array<i32>} : memref<1x3x1000xf32, #tpu.memory_space<vmem>>, vector<1x1x1000xf32>,
    %div3A_247 = arith.divf %exp3A_222, %add3A_223 : vector<1000xf32>
    %swap3A_248 = arith.constant 0 : index
    %swap3A_249 = arith.constant 0 : index
    %swap3A_250 = arith.constant 0 : index
    %swap3A_251 = vector.load %arg30[%swap3A_248, %swap3A_249, %swap3A_250] : memref<1x3x1000xf32, #tpu.memory_space<vmem>>, vector<1x1x1000xf32>
    %swap3A_252 = vector.shape_cast %swap3A_251 : vector<1x1x1000xf32> to vector<1000xf32>
    %swap3A_253 = vector.shape_cast %div3A_247 : vector<1000xf32> to vector<1x1x1000xf32>
    tpu.vector_store %arg30[%swap3A_248, %swap3A_249, %swap3A_250], %swap3A_253 {strides = array<i32>} : memref<1x3x1000xf32, #tpu.memory_space<vmem>>, vector<1x1x1000xf32>,
    %get3A_254 = arith.constant 0 : index
    %get3A_255 = arith.constant 1 : index
    %get3A_256 = arith.constant 0 : index
    %get3A_257 = arith.constant 0 : index
    %get3A_258 = vector.load %arg1[%get3A_254, %get3A_255, %get3A_256, %get3A_257] : memref<2x3x1000x128xf32, #tpu.memory_space<vmem>>, vector<1x1x1000x128xf32>
    %get3A_259 = vector.shape_cast %get3A_258 : vector<1x1x1000x128xf32> to vector<1000x128xf32>
    %get3A_260 = arith.constant 1 : index
    %get3A_261 = arith.constant 1 : index
    %get3A_262 = arith.constant 0 : index
    %get3A_263 = arith.constant 0 : index
    %get3A_264 = vector.load %arg1[%get3A_260, %get3A_261, %get3A_262, %get3A_263] : memref<2x3x1000x128xf32, #tpu.memory_space<vmem>>, vector<1x1x1000x128xf32>
    %get3A_265 = vector.shape_cast %get3A_264 : vector<1x1x1000x128xf32> to vector<1000x128xf32>
    %add3A_266 = arith.addf %get3A_259, %get3A_265 : vector<1000x128xf32>
    %get3A_267 = arith.constant 0 : index
    %get3A_268 = arith.constant 0 : index
    %get3A_269 = vector.load %arg3[%get3A_267, %get3A_268] : memref<1x128xf32, #tpu.memory_space<vmem>>, vector<1x128xf32>
    %add3A_270 = vector.broadcast %get3A_269 : vector<1x128xf32> to vector<1000x128xf32>
    %add3A_271 = arith.addf %add3A_266, %add3A_270 : vector<1000x128xf32>
    %max3A_272 = arith.constant 0.000000e+00 : f32
    %max3A_273 = vector.broadcast %max3A_272 : f32 to vector<1000x128xf32>
    %max3A_274 = arith.maximumf %add3A_271, %max3A_273 : vector<1000x128xf32>
    %dot_general3A_275 = arith.constant dense<0.000000e+00> : vector<1000x128xf32>
    %dot_general3A_276 = tpu.matmul %add3A_104, %slice3A, %dot_general3A_275 {dimension_numbers = #tpu.dot_dimension_numbers<[1], [0], [0], [1], [0, 0, 1, 1], [], []>, transpose_lhs_hint = false} : vector<1000x128xf32>, vector<128x128xf32>, vector<1000x128xf32> -> vector<1000x128xf32>
    %dot_general3A_277 = arith.constant dense<0.000000e+00> : vector<1000x128xf32>
    %dot_general3A_278 = tpu.matmul %max3A_274, %slice3A_6, %dot_general3A_277 {dimension_numbers = #tpu.dot_dimension_numbers<[1], [0], [0], [1], [0, 0, 1, 1], [], []>, transpose_lhs_hint = false} : vector<1000x128xf32>, vector<128x128xf32>, vector<1000x128xf32> -> vector<1000x128xf32>
    %add3A_279 = arith.addf %dot_general3A_276, %dot_general3A_278 : vector<1000x128xf32>
    %get3A_280 = arith.constant 0 : index
    %get3A_281 = arith.constant 0 : index
    %get3A_282 = vector.load %arg5[%get3A_280, %get3A_281] : memref<1x128xf32, #tpu.memory_space<vmem>>, vector<1x128xf32>
    %add3A_283 = vector.broadcast %get3A_282 : vector<1x128xf32> to vector<1000x128xf32>
    %add3A_284 = arith.addf %add3A_279, %add3A_283 : vector<1000x128xf32>
    %max3A_285 = arith.constant 0.000000e+00 : f32
    %max3A_286 = vector.broadcast %max3A_285 : f32 to vector<1000x128xf32>
    %max3A_287 = arith.maximumf %add3A_284, %max3A_286 : vector<1000x128xf32>
    %get3A_288 = arith.constant 0 : index
    %get3A_289 = arith.constant 1 : index
    %get3A_290 = arith.constant 0 : index
    %get3A_291 = vector.load %arg2[%get3A_288, %get3A_289, %get3A_290] : memref<1x3x1000xi32, #tpu.memory_space<vmem>>, vector<1x1x1000xi32>
    %get3A_292 = vector.shape_cast %get3A_291 : vector<1x1x1000xi32> to vector<1000xi32>
    %convert_element_type3A_293 = arith.sitofp %get3A_292 : vector<1000xi32> to vector<1000xf32>
    %dot_general3A_294 = arith.constant dense<0.000000e+00> : vector<1000x384xf32>
    %dot_general3A_295 = tpu.matmul %max3A_287, %slice3A_10, %dot_general3A_294 {dimension_numbers = #tpu.dot_dimension_numbers<[1], [0], [0], [1], [0, 0, 1, 1], [], []>, transpose_lhs_hint = false} : vector<1000x128xf32>, vector<128x384xf32>, vector<1000x384xf32> -> vector<1000x384xf32>
    %broadcast_in_dim3A_296 = vector.shape_cast %convert_element_type3A_293 : vector<1000xf32> to vector<1000x1xf32>
    %broadcast_in_dim3A_297 = vector.shape_cast %squeeze3A : vector<384xf32> to vector<1x384xf32>
    %mul3A_298 = vector.broadcast %broadcast_in_dim3A_296 : vector<1000x1xf32> to vector<1000x384xf32>
    %mul3A_299 = vector.broadcast %broadcast_in_dim3A_297 : vector<1x384xf32> to vector<1000x384xf32>
    %mul3A_300 = arith.mulf %mul3A_298, %mul3A_299 : vector<1000x384xf32>
    %add3A_301 = arith.addf %dot_general3A_295, %mul3A_300 : vector<1000x384xf32>
    %get3A_302 = arith.constant 0 : index
    %get3A_303 = arith.constant 0 : index
    %get3A_304 = vector.load %arg23[%get3A_302, %get3A_303] : memref<1x384xf32, #tpu.memory_space<vmem>>, vector<1x384xf32>
    %add3A_305 = vector.broadcast %get3A_304 : vector<1x384xf32> to vector<1000x384xf32>
    %add3A_306 = arith.addf %add3A_301, %add3A_305 : vector<1000x384xf32>
    %dot_general3A_307 = arith.constant dense<0.000000e+00> : vector<1000x384xf32>
    %dot_general3A_308 = tpu.matmul %add3A_104, %get3A_17, %dot_general3A_307 {dimension_numbers = #tpu.dot_dimension_numbers<[1], [0], [0], [1], [0, 0, 1, 1], [], []>, transpose_lhs_hint = false} : vector<1000x128xf32>, vector<128x384xf32>, vector<1000x384xf32> -> vector<1000x384xf32>
    %get3A_309 = arith.constant 0 : index
    %get3A_310 = arith.constant 0 : index
    %get3A_311 = vector.load %arg25[%get3A_309, %get3A_310] : memref<1x384xf32, #tpu.memory_space<vmem>>, vector<1x384xf32>
    %add3A_312 = vector.broadcast %get3A_311 : vector<1x384xf32> to vector<1000x384xf32>
    %add3A_313 = arith.addf %dot_general3A_308, %add3A_312 : vector<1000x384xf32>
    %slice3A_314 = vector.extract_strided_slice %add3A_306 {offsets = [0, 0], sizes = [1000, 128], strides = [1, 1]} : vector<1000x384xf32> to vector<1000x128xf32>
    %slice3A_315 = vector.extract_strided_slice %add3A_306 {offsets = [0, 128], sizes = [1000, 128], strides = [1, 1]} : vector<1000x384xf32> to vector<1000x128xf32>
    %slice3A_316 = vector.extract_strided_slice %add3A_306 {offsets = [0, 256], sizes = [1000, 128], strides = [1, 1]} : vector<1000x384xf32> to vector<1000x128xf32>
    %slice3A_317 = vector.extract_strided_slice %add3A_313 {offsets = [0, 0], sizes = [1000, 128], strides = [1, 1]} : vector<1000x384xf32> to vector<1000x128xf32>
    %slice3A_318 = vector.extract_strided_slice %add3A_313 {offsets = [0, 128], sizes = [1000, 128], strides = [1, 1]} : vector<1000x384xf32> to vector<1000x128xf32>
    %slice3A_319 = vector.extract_strided_slice %add3A_313 {offsets = [0, 256], sizes = [1000, 128], strides = [1, 1]} : vector<1000x384xf32> to vector<1000x128xf32>
    %add3A_320 = arith.addf %slice3A_314, %slice3A_317 : vector<1000x128xf32>
    %logistic3A_321 = arith.negf %add3A_320 : vector<1000x128xf32>
    %logistic3A_322 = math.exp %logistic3A_321 : vector<1000x128xf32>
    %logistic3A_323 = arith.constant 1.000000e+00 : f32
    %logistic3A_324 = vector.broadcast %logistic3A_323 : f32 to vector<1000x128xf32>
    %logistic3A_325 = arith.addf %logistic3A_324, %logistic3A_322 : vector<1000x128xf32>
    %logistic3A_326 = arith.divf %logistic3A_324, %logistic3A_325 : vector<1000x128xf32>
    %add3A_327 = arith.addf %slice3A_315, %slice3A_318 : vector<1000x128xf32>
    %logistic3A_328 = arith.negf %add3A_327 : vector<1000x128xf32>
    %logistic3A_329 = math.exp %logistic3A_328 : vector<1000x128xf32>
    %logistic3A_330 = arith.constant 1.000000e+00 : f32
    %logistic3A_331 = vector.broadcast %logistic3A_330 : f32 to vector<1000x128xf32>
    %logistic3A_332 = arith.addf %logistic3A_331, %logistic3A_329 : vector<1000x128xf32>
    %logistic3A_333 = arith.divf %logistic3A_331, %logistic3A_332 : vector<1000x128xf32>
    %mul3A_334 = arith.mulf %logistic3A_326, %slice3A_319 : vector<1000x128xf32>
    %add3A_335 = arith.addf %slice3A_316, %mul3A_334 : vector<1000x128xf32>
    %tanh3A_336 = math.tanh %add3A_335 : vector<1000x128xf32>
    %sub3A_337 = arith.constant 1.000000e+00 : f32
    %sub3A_338 = vector.broadcast %sub3A_337 : f32 to vector<1000x128xf32>
    %sub3A_339 = arith.subf %sub3A_338, %logistic3A_333 : vector<1000x128xf32>
    %mul3A_340 = arith.mulf %sub3A_339, %tanh3A_336 : vector<1000x128xf32>
    %mul3A_341 = arith.mulf %logistic3A_333, %add3A_104 : vector<1000x128xf32>
    %add3A_342 = arith.addf %mul3A_340, %mul3A_341 : vector<1000x128xf32>
    %get3A_343 = arith.constant 0 : index
    %get3A_344 = arith.constant 0 : index
    %get3A_345 = vector.load %arg6[%get3A_343, %get3A_344] : memref<128x128xf32, #tpu.memory_space<vmem>>, vector<128x128xf32>
    %dot_general3A_346 = arith.constant dense<0.000000e+00> : vector<1000x128xf32>
    %dot_general3A_347 = tpu.matmul %max3A_287, %get3A_345, %dot_general3A_346 {dimension_numbers = #tpu.dot_dimension_numbers<[1], [0], [0], [1], [0, 0, 1, 1], [], []>, transpose_lhs_hint = false} : vector<1000x128xf32>, vector<128x128xf32>, vector<1000x128xf32> -> vector<1000x128xf32>
    %get3A_348 = arith.constant 0 : index
    %get3A_349 = arith.constant 0 : index
    %get3A_350 = vector.load %arg7[%get3A_348, %get3A_349] : memref<1x128xf32, #tpu.memory_space<vmem>>, vector<1x128xf32>
    %add3A_351 = vector.broadcast %get3A_350 : vector<1x128xf32> to vector<1000x128xf32>
    %add3A_352 = arith.addf %dot_general3A_347, %add3A_351 : vector<1000x128xf32>
    %max3A_353 = arith.constant 0.000000e+00 : f32
    %max3A_354 = vector.broadcast %max3A_353 : f32 to vector<1000x128xf32>
    %max3A_355 = arith.maximumf %add3A_352, %max3A_354 : vector<1000x128xf32>
    %get3A_356 = arith.constant 0 : index
    %get3A_357 = arith.constant 0 : index
    %get3A_358 = vector.load %arg8[%get3A_356, %get3A_357] : memref<128x128xf32, #tpu.memory_space<vmem>>, vector<128x128xf32>
    %dot_general3A_359 = arith.constant dense<0.000000e+00> : vector<1000x128xf32>
    %dot_general3A_360 = tpu.matmul %max3A_287, %get3A_358, %dot_general3A_359 {dimension_numbers = #tpu.dot_dimension_numbers<[1], [0], [0], [1], [0, 0, 1, 1], [], []>, transpose_lhs_hint = false} : vector<1000x128xf32>, vector<128x128xf32>, vector<1000x128xf32> -> vector<1000x128xf32>
    %get3A_361 = arith.constant 0 : index
    %get3A_362 = arith.constant 0 : index
    %get3A_363 = vector.load %arg9[%get3A_361, %get3A_362] : memref<1x128xf32, #tpu.memory_space<vmem>>, vector<1x128xf32>
    %add3A_364 = vector.broadcast %get3A_363 : vector<1x128xf32> to vector<1000x128xf32>
    %add3A_365 = arith.addf %dot_general3A_360, %add3A_364 : vector<1000x128xf32>
    %max3A_366 = arith.constant 0.000000e+00 : f32
    %max3A_367 = vector.broadcast %max3A_366 : f32 to vector<1000x128xf32>
    %max3A_368 = arith.maximumf %add3A_365, %max3A_367 : vector<1000x128xf32>
    %get3A_369 = arith.constant 0 : index
    %get3A_370 = arith.constant 0 : index
    %get3A_371 = vector.load %arg10[%get3A_369, %get3A_370] : memref<128x1xf32, #tpu.memory_space<vmem>>, vector<128x1xf32>
    %dot_general3A_372 = arith.constant dense<0.000000e+00> : vector<1000x1xf32>
    %dot_general3A_373 = tpu.matmul %max3A_355, %get3A_371, %dot_general3A_372 {dimension_numbers = #tpu.dot_dimension_numbers<[1], [0], [0], [1], [0, 0, 1, 1], [], []>, transpose_lhs_hint = false} : vector<1000x128xf32>, vector<128x1xf32>, vector<1000x1xf32> -> vector<1000x1xf32>
    %squeeze3A_374 = vector.shape_cast %dot_general3A_373 : vector<1000x1xf32> to vector<1000xf32>
    %get3A_375 = arith.constant 0 : index
    %get3A_376 = arith.constant 0 : index
    %get3A_377 = vector.load %arg11[%get3A_375, %get3A_376] : memref<1x1xf32, #tpu.memory_space<vmem>>, vector<1x1xf32>
    %get3A_378 = vector.extract %get3A_377[0, 0] : f32 from vector<1x1xf32>
    %add3A_379 = vector.broadcast %get3A_378 : f32 to vector<1000xf32>
    %add3A_380 = arith.addf %squeeze3A_374, %add3A_379 : vector<1000xf32>
    %get3A_381 = arith.constant 0 : index
    %get3A_382 = arith.constant 0 : index
    %get3A_383 = vector.load %arg12[%get3A_381, %get3A_382] : memref<128x1xf32, #tpu.memory_space<vmem>>, vector<128x1xf32>
    %dot_general3A_384 = arith.constant dense<0.000000e+00> : vector<1000x1xf32>
    %dot_general3A_385 = tpu.matmul %max3A_368, %get3A_383, %dot_general3A_384 {dimension_numbers = #tpu.dot_dimension_numbers<[1], [0], [0], [1], [0, 0, 1, 1], [], []>, transpose_lhs_hint = false} : vector<1000x128xf32>, vector<128x1xf32>, vector<1000x1xf32> -> vector<1000x1xf32>
    %squeeze3A_386 = vector.shape_cast %dot_general3A_385 : vector<1000x1xf32> to vector<1000xf32>
    %get3A_387 = arith.constant 0 : index
    %get3A_388 = arith.constant 0 : index
    %get3A_389 = vector.load %arg13[%get3A_387, %get3A_388] : memref<1x1xf32, #tpu.memory_space<vmem>>, vector<1x1xf32>
    %get3A_390 = vector.extract %get3A_389[0, 0] : f32 from vector<1x1xf32>
    %add3A_391 = vector.broadcast %get3A_390 : f32 to vector<1000xf32>
    %add3A_392 = arith.addf %squeeze3A_386, %add3A_391 : vector<1000xf32>
    %get3A_393 = arith.constant 0 : index
    %get3A_394 = arith.constant 0 : index
    %get3A_395 = vector.load %arg14[%get3A_393, %get3A_394] : memref<128x100xf32, #tpu.memory_space<vmem>>, vector<128x100xf32>
    %dot_general3A_396 = arith.constant dense<0.000000e+00> : vector<1000x100xf32>
    %dot_general3A_397 = tpu.matmul %max3A_287, %get3A_395, %dot_general3A_396 {dimension_numbers = #tpu.dot_dimension_numbers<[1], [0], [0], [1], [0, 0, 1, 1], [], []>, transpose_lhs_hint = false} : vector<1000x128xf32>, vector<128x100xf32>, vector<1000x100xf32> -> vector<1000x100xf32>
    %get3A_398 = arith.constant 0 : index
    %get3A_399 = arith.constant 0 : index
    %get3A_400 = vector.load %arg15[%get3A_398, %get3A_399] : memref<1x100xf32, #tpu.memory_space<vmem>>, vector<1x100xf32>
    %add3A_401 = vector.broadcast %get3A_400 : vector<1x100xf32> to vector<1000x100xf32>
    %add3A_402 = arith.addf %dot_general3A_397, %add3A_401 : vector<1000x100xf32>
    %get3A_403 = arith.constant 0 : index
    %get3A_404 = arith.constant 0 : index
    %get3A_405 = vector.load %arg18[%get3A_403, %get3A_404] : memref<1x100xf32, #tpu.memory_space<vmem>>, vector<1x100xf32>
    %sub3A_406 = vector.broadcast %get3A_405 : vector<1x100xf32> to vector<1000x100xf32>
    %sub3A_407 = arith.subf %add3A_402, %sub3A_406 : vector<1000x100xf32>
    %mul3A_408 = vector.broadcast %rsqrt3A : vector<1x100xf32> to vector<1000x100xf32>
    %mul3A_409 = arith.mulf %sub3A_407, %mul3A_408 : vector<1000x100xf32>
    %get3A_410 = arith.constant 0 : index
    %get3A_411 = arith.constant 0 : index
    %get3A_412 = vector.load %arg16[%get3A_410, %get3A_411] : memref<1x100xf32, #tpu.memory_space<vmem>>, vector<1x100xf32>
    %mul3A_413 = vector.broadcast %get3A_412 : vector<1x100xf32> to vector<1000x100xf32>
    %mul3A_414 = arith.mulf %mul3A_409, %mul3A_413 : vector<1000x100xf32>
    %get3A_415 = arith.constant 0 : index
    %get3A_416 = arith.constant 0 : index
    %get3A_417 = vector.load %arg17[%get3A_415, %get3A_416] : memref<1x100xf32, #tpu.memory_space<vmem>>, vector<1x100xf32>
    %add3A_418 = vector.broadcast %get3A_417 : vector<1x100xf32> to vector<1000x100xf32>
    %add3A_419 = arith.addf %mul3A_414, %add3A_418 : vector<1000x100xf32>
    %logistic3A_420 = arith.negf %add3A_419 : vector<1000x100xf32>
    %logistic3A_421 = math.exp %logistic3A_420 : vector<1000x100xf32>
    %logistic3A_422 = arith.constant 1.000000e+00 : f32
    %logistic3A_423 = vector.broadcast %logistic3A_422 : f32 to vector<1000x100xf32>
    %logistic3A_424 = arith.addf %logistic3A_423, %logistic3A_421 : vector<1000x100xf32>
    %logistic3A_425 = arith.divf %logistic3A_423, %logistic3A_424 : vector<1000x100xf32>
    %get3A_426 = arith.constant 0 : index
    %get3A_427 = arith.constant 0 : index
    %get3A_428 = vector.load %arg20[%get3A_426, %get3A_427] : memref<100x2xf32, #tpu.memory_space<vmem>>, vector<100x2xf32>
    %slice3A_429 = vector.extract_strided_slice %get3A_428 {offsets = [0, 0], sizes = [100, 1], strides = [1, 1]} : vector<100x2xf32> to vector<100x1xf32>
    %squeeze3A_430 = vector.shape_cast %slice3A_429 : vector<100x1xf32> to vector<100xf32>
    %broadcast_in_dim3A_431 = vector.shape_cast %squeeze3A_430 : vector<100xf32> to vector<1x100xf32>
    %mul3A_432 = vector.broadcast %broadcast_in_dim3A_431 : vector<1x100xf32> to vector<1000x100xf32>
    %mul3A_433 = arith.mulf %logistic3A_425, %mul3A_432 : vector<1000x100xf32>
    %reduce_sum3A_434 = arith.constant dense<0.000000e+00> : vector<1000xf32>
    %reduce_sum3A_435 = vector.multi_reduction <add>, %mul3A_433, %reduce_sum3A_434 [1] : vector<1000x100xf32> to vector<1000xf32>
    %get3A_436 = arith.constant 0 : index
    %get3A_437 = arith.constant 0 : index
    %get3A_438 = vector.load %arg21[%get3A_436, %get3A_437] : memref<1x2xf32, #tpu.memory_space<vmem>>, vector<1x1xf32>
    %get3A_439 = vector.extract %get3A_438[0, 0] : f32 from vector<1x1xf32>
    %add3A_440 = vector.broadcast %get3A_439 : f32 to vector<1000xf32>
    %add3A_441 = arith.addf %reduce_sum3A_435, %add3A_440 : vector<1000xf32>
    %get3A_442 = arith.constant 0 : index
    %get3A_443 = arith.constant 0 : index
    %get3A_444 = vector.load %arg20[%get3A_442, %get3A_443] : memref<100x2xf32, #tpu.memory_space<vmem>>, vector<100x2xf32>
    %slice3A_445 = vector.extract_strided_slice %get3A_444 {offsets = [0, 1], sizes = [100, 1], strides = [1, 1]} : vector<100x2xf32> to vector<100x1xf32>
    %squeeze3A_446 = vector.shape_cast %slice3A_445 : vector<100x1xf32> to vector<100xf32>
    %broadcast_in_dim3A_447 = vector.shape_cast %squeeze3A_446 : vector<100xf32> to vector<1x100xf32>
    %mul3A_448 = vector.broadcast %broadcast_in_dim3A_447 : vector<1x100xf32> to vector<1000x100xf32>
    %mul3A_449 = arith.mulf %logistic3A_425, %mul3A_448 : vector<1000x100xf32>
    %reduce_sum3A_450 = arith.constant dense<0.000000e+00> : vector<1000xf32>
    %reduce_sum3A_451 = vector.multi_reduction <add>, %mul3A_449, %reduce_sum3A_450 [1] : vector<1000x100xf32> to vector<1000xf32>
    %get3A_452 = arith.constant 0 : index
    %get3A_453 = arith.constant 1 : index
    %get3A_454 = vector.load %arg21[%get3A_452, %get3A_453] : memref<1x2xf32, #tpu.memory_space<vmem>>, vector<1x1xf32>
    %get3A_455 = vector.extract %get3A_454[0, 0] : f32 from vector<1x1xf32>
    %add3A_456 = vector.broadcast %get3A_455 : f32 to vector<1000xf32>
    %add3A_457 = arith.addf %reduce_sum3A_451, %add3A_456 : vector<1000xf32>
    %max3A_458 = arith.maximumf %add3A_441, %add3A_457 : vector<1000xf32>
    %sub3A_459 = arith.subf %add3A_441, %max3A_458 : vector<1000xf32>
    %exp3A_460 = math.exp %sub3A_459 : vector<1000xf32>
    %sub3A_461 = arith.subf %add3A_457, %max3A_458 : vector<1000xf32>
    %exp3A_462 = math.exp %sub3A_461 : vector<1000xf32>
    %add3A_463 = arith.addf %exp3A_460, %exp3A_462 : vector<1000xf32>
    %swap3A_464 = arith.constant 0 : index
    %swap3A_465 = arith.constant 1 : index
    %swap3A_466 = arith.constant 0 : index
    %swap3A_467 = vector.load %arg26[%swap3A_464, %swap3A_465, %swap3A_466] : memref<1x3x1000xf32, #tpu.memory_space<vmem>>, vector<1x1x1000xf32>
    %swap3A_468 = vector.shape_cast %swap3A_467 : vector<1x1x1000xf32> to vector<1000xf32>
    %swap3A_469 = vector.shape_cast %add3A_392 : vector<1000xf32> to vector<1x1x1000xf32>
    tpu.vector_store %arg26[%swap3A_464, %swap3A_465, %swap3A_466], %swap3A_469 {strides = array<i32>} : memref<1x3x1000xf32, #tpu.memory_space<vmem>>, vector<1x1x1000xf32>,
    %swap3A_470 = arith.constant 0 : index
    %swap3A_471 = arith.constant 1 : index
    %swap3A_472 = arith.constant 0 : index
    %swap3A_473 = vector.load %arg27[%swap3A_470, %swap3A_471, %swap3A_472] : memref<1x3x1000xf32, #tpu.memory_space<vmem>>, vector<1x1x1000xf32>
    %swap3A_474 = vector.shape_cast %swap3A_473 : vector<1x1x1000xf32> to vector<1000xf32>
    %swap3A_475 = vector.shape_cast %add3A_380 : vector<1000xf32> to vector<1x1x1000xf32>
    tpu.vector_store %arg27[%swap3A_470, %swap3A_471, %swap3A_472], %swap3A_475 {strides = array<i32>} : memref<1x3x1000xf32, #tpu.memory_space<vmem>>, vector<1x1x1000xf32>,
    %swap3A_476 = arith.constant 1 : index
    %swap3A_477 = arith.constant 0 : index
    %swap3A_478 = arith.constant 0 : index
    %swap3A_479 = vector.load %arg28[%swap3A_476, %swap3A_477, %swap3A_478] : memref<3x1000x128xf32, #tpu.memory_space<vmem>>, vector<1x1000x128xf32>
    %swap3A_480 = vector.shape_cast %swap3A_479 : vector<1x1000x128xf32> to vector<1000x128xf32>
    %swap3A_481 = vector.shape_cast %max3A_287 : vector<1000x128xf32> to vector<1x1000x128xf32>
    tpu.vector_store %arg28[%swap3A_476, %swap3A_477, %swap3A_478], %swap3A_481 {strides = array<i32>} : memref<3x1000x128xf32, #tpu.memory_space<vmem>>, vector<1x1000x128xf32>,
    %div3A_482 = arith.divf %exp3A_460, %add3A_463 : vector<1000xf32>
    %swap3A_483 = arith.constant 0 : index
    %swap3A_484 = arith.constant 1 : index
    %swap3A_485 = arith.constant 0 : index
    %swap3A_486 = vector.load %arg29[%swap3A_483, %swap3A_484, %swap3A_485] : memref<1x3x1000xf32, #tpu.memory_space<vmem>>, vector<1x1x1000xf32>
    %swap3A_487 = vector.shape_cast %swap3A_486 : vector<1x1x1000xf32> to vector<1000xf32>
    %swap3A_488 = vector.shape_cast %div3A_482 : vector<1000xf32> to vector<1x1x1000xf32>
    tpu.vector_store %arg29[%swap3A_483, %swap3A_484, %swap3A_485], %swap3A_488 {strides = array<i32>} : memref<1x3x1000xf32, #tpu.memory_space<vmem>>, vector<1x1x1000xf32>,
    %div3A_489 = arith.divf %exp3A_462, %add3A_463 : vector<1000xf32>
    %swap3A_490 = arith.constant 0 : index
    %swap3A_491 = arith.constant 1 : index
    %swap3A_492 = arith.constant 0 : index
    %swap3A_493 = vector.load %arg30[%swap3A_490, %swap3A_491, %swap3A_492] : memref<1x3x1000xf32, #tpu.memory_space<vmem>>, vector<1x1x1000xf32>
    %swap3A_494 = vector.shape_cast %swap3A_493 : vector<1x1x1000xf32> to vector<1000xf32>
    %swap3A_495 = vector.shape_cast %div3A_489 : vector<1000xf32> to vector<1x1x1000xf32>
    tpu.vector_store %arg30[%swap3A_490, %swap3A_491, %swap3A_492], %swap3A_495 {strides = array<i32>} : memref<1x3x1000xf32, #tpu.memory_space<vmem>>, vector<1x1x1000xf32>,
    %get3A_496 = arith.constant 0 : index
    %get3A_497 = arith.constant 2 : index
    %get3A_498 = arith.constant 0 : index
    %get3A_499 = arith.constant 0 : index
    %get3A_500 = vector.load %arg1[%get3A_496, %get3A_497, %get3A_498, %get3A_499] : memref<2x3x1000x128xf32, #tpu.memory_space<vmem>>, vector<1x1x1000x128xf32>
    %get3A_501 = vector.shape_cast %get3A_500 : vector<1x1x1000x128xf32> to vector<1000x128xf32>
    %get3A_502 = arith.constant 1 : index
    %get3A_503 = arith.constant 2 : index
    %get3A_504 = arith.constant 0 : index
    %get3A_505 = arith.constant 0 : index
    %get3A_506 = vector.load %arg1[%get3A_502, %get3A_503, %get3A_504, %get3A_505] : memref<2x3x1000x128xf32, #tpu.memory_space<vmem>>, vector<1x1x1000x128xf32>
    %get3A_507 = vector.shape_cast %get3A_506 : vector<1x1x1000x128xf32> to vector<1000x128xf32>
    %add3A_508 = arith.addf %get3A_501, %get3A_507 : vector<1000x128xf32>
    %get3A_509 = arith.constant 0 : index
    %get3A_510 = arith.constant 0 : index
    %get3A_511 = vector.load %arg3[%get3A_509, %get3A_510] : memref<1x128xf32, #tpu.memory_space<vmem>>, vector<1x128xf32>
    %add3A_512 = vector.broadcast %get3A_511 : vector<1x128xf32> to vector<1000x128xf32>
    %add3A_513 = arith.addf %add3A_508, %add3A_512 : vector<1000x128xf32>
    %max3A_514 = arith.constant 0.000000e+00 : f32
    %max3A_515 = vector.broadcast %max3A_514 : f32 to vector<1000x128xf32>
    %max3A_516 = arith.maximumf %add3A_513, %max3A_515 : vector<1000x128xf32>
    %dot_general3A_517 = arith.constant dense<0.000000e+00> : vector<1000x128xf32>
    %dot_general3A_518 = tpu.matmul %add3A_342, %slice3A, %dot_general3A_517 {dimension_numbers = #tpu.dot_dimension_numbers<[1], [0], [0], [1], [0, 0, 1, 1], [], []>, transpose_lhs_hint = false} : vector<1000x128xf32>, vector<128x128xf32>, vector<1000x128xf32> -> vector<1000x128xf32>
    %dot_general3A_519 = arith.constant dense<0.000000e+00> : vector<1000x128xf32>
    %dot_general3A_520 = tpu.matmul %max3A_516, %slice3A_6, %dot_general3A_519 {dimension_numbers = #tpu.dot_dimension_numbers<[1], [0], [0], [1], [0, 0, 1, 1], [], []>, transpose_lhs_hint = false} : vector<1000x128xf32>, vector<128x128xf32>, vector<1000x128xf32> -> vector<1000x128xf32>
    %add3A_521 = arith.addf %dot_general3A_518, %dot_general3A_520 : vector<1000x128xf32>
    %get3A_522 = arith.constant 0 : index
    %get3A_523 = arith.constant 0 : index
    %get3A_524 = vector.load %arg5[%get3A_522, %get3A_523] : memref<1x128xf32, #tpu.memory_space<vmem>>, vector<1x128xf32>
    %add3A_525 = vector.broadcast %get3A_524 : vector<1x128xf32> to vector<1000x128xf32>
    %add3A_526 = arith.addf %add3A_521, %add3A_525 : vector<1000x128xf32>
    %max3A_527 = arith.constant 0.000000e+00 : f32
    %max3A_528 = vector.broadcast %max3A_527 : f32 to vector<1000x128xf32>
    %max3A_529 = arith.maximumf %add3A_526, %max3A_528 : vector<1000x128xf32>
    %get3A_530 = arith.constant 0 : index
    %get3A_531 = arith.constant 2 : index
    %get3A_532 = arith.constant 0 : index
    %get3A_533 = vector.load %arg2[%get3A_530, %get3A_531, %get3A_532] : memref<1x3x1000xi32, #tpu.memory_space<vmem>>, vector<1x1x1000xi32>
    %get3A_534 = vector.shape_cast %get3A_533 : vector<1x1x1000xi32> to vector<1000xi32>
    %convert_element_type3A_535 = arith.sitofp %get3A_534 : vector<1000xi32> to vector<1000xf32>
    %dot_general3A_536 = arith.constant dense<0.000000e+00> : vector<1000x384xf32>
    %dot_general3A_537 = tpu.matmul %max3A_529, %slice3A_10, %dot_general3A_536 {dimension_numbers = #tpu.dot_dimension_numbers<[1], [0], [0], [1], [0, 0, 1, 1], [], []>, transpose_lhs_hint = false} : vector<1000x128xf32>, vector<128x384xf32>, vector<1000x384xf32> -> vector<1000x384xf32>
    %broadcast_in_dim3A_538 = vector.shape_cast %convert_element_type3A_535 : vector<1000xf32> to vector<1000x1xf32>
    %broadcast_in_dim3A_539 = vector.shape_cast %squeeze3A : vector<384xf32> to vector<1x384xf32>
    %mul3A_540 = vector.broadcast %broadcast_in_dim3A_538 : vector<1000x1xf32> to vector<1000x384xf32>
    %mul3A_541 = vector.broadcast %broadcast_in_dim3A_539 : vector<1x384xf32> to vector<1000x384xf32>
    %mul3A_542 = arith.mulf %mul3A_540, %mul3A_541 : vector<1000x384xf32>
    %add3A_543 = arith.addf %dot_general3A_537, %mul3A_542 : vector<1000x384xf32>
    %get3A_544 = arith.constant 0 : index
    %get3A_545 = arith.constant 0 : index
    %get3A_546 = vector.load %arg23[%get3A_544, %get3A_545] : memref<1x384xf32, #tpu.memory_space<vmem>>, vector<1x384xf32>
    %add3A_547 = vector.broadcast %get3A_546 : vector<1x384xf32> to vector<1000x384xf32>
    %add3A_548 = arith.addf %add3A_543, %add3A_547 : vector<1000x384xf32>
    %dot_general3A_549 = arith.constant dense<0.000000e+00> : vector<1000x384xf32>
    %dot_general3A_550 = tpu.matmul %add3A_342, %get3A_17, %dot_general3A_549 {dimension_numbers = #tpu.dot_dimension_numbers<[1], [0], [0], [1], [0, 0, 1, 1], [], []>, transpose_lhs_hint = false} : vector<1000x128xf32>, vector<128x384xf32>, vector<1000x384xf32> -> vector<1000x384xf32>
    %get3A_551 = arith.constant 0 : index
    %get3A_552 = arith.constant 0 : index
    %get3A_553 = vector.load %arg25[%get3A_551, %get3A_552] : memref<1x384xf32, #tpu.memory_space<vmem>>, vector<1x384xf32>
    %add3A_554 = vector.broadcast %get3A_553 : vector<1x384xf32> to vector<1000x384xf32>
    %add3A_555 = arith.addf %dot_general3A_550, %add3A_554 : vector<1000x384xf32>
    %slice3A_556 = vector.extract_strided_slice %add3A_548 {offsets = [0, 0], sizes = [1000, 128], strides = [1, 1]} : vector<1000x384xf32> to vector<1000x128xf32>
    %slice3A_557 = vector.extract_strided_slice %add3A_548 {offsets = [0, 128], sizes = [1000, 128], strides = [1, 1]} : vector<1000x384xf32> to vector<1000x128xf32>
    %slice3A_558 = vector.extract_strided_slice %add3A_548 {offsets = [0, 256], sizes = [1000, 128], strides = [1, 1]} : vector<1000x384xf32> to vector<1000x128xf32>
    %slice3A_559 = vector.extract_strided_slice %add3A_555 {offsets = [0, 0], sizes = [1000, 128], strides = [1, 1]} : vector<1000x384xf32> to vector<1000x128xf32>
    %slice3A_560 = vector.extract_strided_slice %add3A_555 {offsets = [0, 128], sizes = [1000, 128], strides = [1, 1]} : vector<1000x384xf32> to vector<1000x128xf32>
    %slice3A_561 = vector.extract_strided_slice %add3A_555 {offsets = [0, 256], sizes = [1000, 128], strides = [1, 1]} : vector<1000x384xf32> to vector<1000x128xf32>
    %add3A_562 = arith.addf %slice3A_556, %slice3A_559 : vector<1000x128xf32>
    %logistic3A_563 = arith.negf %add3A_562 : vector<1000x128xf32>
    %logistic3A_564 = math.exp %logistic3A_563 : vector<1000x128xf32>
    %logistic3A_565 = arith.constant 1.000000e+00 : f32
    %logistic3A_566 = vector.broadcast %logistic3A_565 : f32 to vector<1000x128xf32>
    %logistic3A_567 = arith.addf %logistic3A_566, %logistic3A_564 : vector<1000x128xf32>
    %logistic3A_568 = arith.divf %logistic3A_566, %logistic3A_567 : vector<1000x128xf32>
    %add3A_569 = arith.addf %slice3A_557, %slice3A_560 : vector<1000x128xf32>
    %logistic3A_570 = arith.negf %add3A_569 : vector<1000x128xf32>
    %logistic3A_571 = math.exp %logistic3A_570 : vector<1000x128xf32>
    %logistic3A_572 = arith.constant 1.000000e+00 : f32
    %logistic3A_573 = vector.broadcast %logistic3A_572 : f32 to vector<1000x128xf32>
    %logistic3A_574 = arith.addf %logistic3A_573, %logistic3A_571 : vector<1000x128xf32>
    %logistic3A_575 = arith.divf %logistic3A_573, %logistic3A_574 : vector<1000x128xf32>
    %mul3A_576 = arith.mulf %logistic3A_568, %slice3A_561 : vector<1000x128xf32>
    %add3A_577 = arith.addf %slice3A_558, %mul3A_576 : vector<1000x128xf32>
    %tanh3A_578 = math.tanh %add3A_577 : vector<1000x128xf32>
    %sub3A_579 = arith.constant 1.000000e+00 : f32
    %sub3A_580 = vector.broadcast %sub3A_579 : f32 to vector<1000x128xf32>
    %sub3A_581 = arith.subf %sub3A_580, %logistic3A_575 : vector<1000x128xf32>
    %mul3A_582 = arith.mulf %sub3A_581, %tanh3A_578 : vector<1000x128xf32>
    %mul3A_583 = arith.mulf %logistic3A_575, %add3A_342 : vector<1000x128xf32>
    %add3A_584 = arith.addf %mul3A_582, %mul3A_583 : vector<1000x128xf32>
    %get3A_585 = arith.constant 0 : index
    %get3A_586 = arith.constant 0 : index
    %get3A_587 = vector.load %arg6[%get3A_585, %get3A_586] : memref<128x128xf32, #tpu.memory_space<vmem>>, vector<128x128xf32>
    %dot_general3A_588 = arith.constant dense<0.000000e+00> : vector<1000x128xf32>
    %dot_general3A_589 = tpu.matmul %max3A_529, %get3A_587, %dot_general3A_588 {dimension_numbers = #tpu.dot_dimension_numbers<[1], [0], [0], [1], [0, 0, 1, 1], [], []>, transpose_lhs_hint = false} : vector<1000x128xf32>, vector<128x128xf32>, vector<1000x128xf32> -> vector<1000x128xf32>
    %get3A_590 = arith.constant 0 : index
    %get3A_591 = arith.constant 0 : index
    %get3A_592 = vector.load %arg7[%get3A_590, %get3A_591] : memref<1x128xf32, #tpu.memory_space<vmem>>, vector<1x128xf32>
    %add3A_593 = vector.broadcast %get3A_592 : vector<1x128xf32> to vector<1000x128xf32>
    %add3A_594 = arith.addf %dot_general3A_589, %add3A_593 : vector<1000x128xf32>
    %max3A_595 = arith.constant 0.000000e+00 : f32
    %max3A_596 = vector.broadcast %max3A_595 : f32 to vector<1000x128xf32>
    %max3A_597 = arith.maximumf %add3A_594, %max3A_596 : vector<1000x128xf32>
    %get3A_598 = arith.constant 0 : index
    %get3A_599 = arith.constant 0 : index
    %get3A_600 = vector.load %arg8[%get3A_598, %get3A_599] : memref<128x128xf32, #tpu.memory_space<vmem>>, vector<128x128xf32>
    %dot_general3A_601 = arith.constant dense<0.000000e+00> : vector<1000x128xf32>
    %dot_general3A_602 = tpu.matmul %max3A_529, %get3A_600, %dot_general3A_601 {dimension_numbers = #tpu.dot_dimension_numbers<[1], [0], [0], [1], [0, 0, 1, 1], [], []>, transpose_lhs_hint = false} : vector<1000x128xf32>, vector<128x128xf32>, vector<1000x128xf32> -> vector<1000x128xf32>
    %get3A_603 = arith.constant 0 : index
    %get3A_604 = arith.constant 0 : index
    %get3A_605 = vector.load %arg9[%get3A_603, %get3A_604] : memref<1x128xf32, #tpu.memory_space<vmem>>, vector<1x128xf32>
    %add3A_606 = vector.broadcast %get3A_605 : vector<1x128xf32> to vector<1000x128xf32>
    %add3A_607 = arith.addf %dot_general3A_602, %add3A_606 : vector<1000x128xf32>
    %max3A_608 = arith.constant 0.000000e+00 : f32
    %max3A_609 = vector.broadcast %max3A_608 : f32 to vector<1000x128xf32>
    %max3A_610 = arith.maximumf %add3A_607, %max3A_609 : vector<1000x128xf32>
    %get3A_611 = arith.constant 0 : index
    %get3A_612 = arith.constant 0 : index
    %get3A_613 = vector.load %arg10[%get3A_611, %get3A_612] : memref<128x1xf32, #tpu.memory_space<vmem>>, vector<128x1xf32>
    %dot_general3A_614 = arith.constant dense<0.000000e+00> : vector<1000x1xf32>
    %dot_general3A_615 = tpu.matmul %max3A_597, %get3A_613, %dot_general3A_614 {dimension_numbers = #tpu.dot_dimension_numbers<[1], [0], [0], [1], [0, 0, 1, 1], [], []>, transpose_lhs_hint = false} : vector<1000x128xf32>, vector<128x1xf32>, vector<1000x1xf32> -> vector<1000x1xf32>
    %squeeze3A_616 = vector.shape_cast %dot_general3A_615 : vector<1000x1xf32> to vector<1000xf32>
    %get3A_617 = arith.constant 0 : index
    %get3A_618 = arith.constant 0 : index
    %get3A_619 = vector.load %arg11[%get3A_617, %get3A_618] : memref<1x1xf32, #tpu.memory_space<vmem>>, vector<1x1xf32>
    %get3A_620 = vector.extract %get3A_619[0, 0] : f32 from vector<1x1xf32>
    %add3A_621 = vector.broadcast %get3A_620 : f32 to vector<1000xf32>
    %add3A_622 = arith.addf %squeeze3A_616, %add3A_621 : vector<1000xf32>
    %get3A_623 = arith.constant 0 : index
    %get3A_624 = arith.constant 0 : index
    %get3A_625 = vector.load %arg12[%get3A_623, %get3A_624] : memref<128x1xf32, #tpu.memory_space<vmem>>, vector<128x1xf32>
    %dot_general3A_626 = arith.constant dense<0.000000e+00> : vector<1000x1xf32>
    %dot_general3A_627 = tpu.matmul %max3A_610, %get3A_625, %dot_general3A_626 {dimension_numbers = #tpu.dot_dimension_numbers<[1], [0], [0], [1], [0, 0, 1, 1], [], []>, transpose_lhs_hint = false} : vector<1000x128xf32>, vector<128x1xf32>, vector<1000x1xf32> -> vector<1000x1xf32>
    %squeeze3A_628 = vector.shape_cast %dot_general3A_627 : vector<1000x1xf32> to vector<1000xf32>
    %get3A_629 = arith.constant 0 : index
    %get3A_630 = arith.constant 0 : index
    %get3A_631 = vector.load %arg13[%get3A_629, %get3A_630] : memref<1x1xf32, #tpu.memory_space<vmem>>, vector<1x1xf32>
    %get3A_632 = vector.extract %get3A_631[0, 0] : f32 from vector<1x1xf32>
    %add3A_633 = vector.broadcast %get3A_632 : f32 to vector<1000xf32>
    %add3A_634 = arith.addf %squeeze3A_628, %add3A_633 : vector<1000xf32>
    %get3A_635 = arith.constant 0 : index
    %get3A_636 = arith.constant 0 : index
    %get3A_637 = vector.load %arg14[%get3A_635, %get3A_636] : memref<128x100xf32, #tpu.memory_space<vmem>>, vector<128x100xf32>
    %dot_general3A_638 = arith.constant dense<0.000000e+00> : vector<1000x100xf32>
    %dot_general3A_639 = tpu.matmul %max3A_529, %get3A_637, %dot_general3A_638 {dimension_numbers = #tpu.dot_dimension_numbers<[1], [0], [0], [1], [0, 0, 1, 1], [], []>, transpose_lhs_hint = false} : vector<1000x128xf32>, vector<128x100xf32>, vector<1000x100xf32> -> vector<1000x100xf32>
    %get3A_640 = arith.constant 0 : index
    %get3A_641 = arith.constant 0 : index
    %get3A_642 = vector.load %arg15[%get3A_640, %get3A_641] : memref<1x100xf32, #tpu.memory_space<vmem>>, vector<1x100xf32>
    %add3A_643 = vector.broadcast %get3A_642 : vector<1x100xf32> to vector<1000x100xf32>
    %add3A_644 = arith.addf %dot_general3A_639, %add3A_643 : vector<1000x100xf32>
    %get3A_645 = arith.constant 0 : index
    %get3A_646 = arith.constant 0 : index
    %get3A_647 = vector.load %arg18[%get3A_645, %get3A_646] : memref<1x100xf32, #tpu.memory_space<vmem>>, vector<1x100xf32>
    %sub3A_648 = vector.broadcast %get3A_647 : vector<1x100xf32> to vector<1000x100xf32>
    %sub3A_649 = arith.subf %add3A_644, %sub3A_648 : vector<1000x100xf32>
    %mul3A_650 = vector.broadcast %rsqrt3A : vector<1x100xf32> to vector<1000x100xf32>
    %mul3A_651 = arith.mulf %sub3A_649, %mul3A_650 : vector<1000x100xf32>
    %get3A_652 = arith.constant 0 : index
    %get3A_653 = arith.constant 0 : index
    %get3A_654 = vector.load %arg16[%get3A_652, %get3A_653] : memref<1x100xf32, #tpu.memory_space<vmem>>, vector<1x100xf32>
    %mul3A_655 = vector.broadcast %get3A_654 : vector<1x100xf32> to vector<1000x100xf32>
    %mul3A_656 = arith.mulf %mul3A_651, %mul3A_655 : vector<1000x100xf32>
    %get3A_657 = arith.constant 0 : index
    %get3A_658 = arith.constant 0 : index
    %get3A_659 = vector.load %arg17[%get3A_657, %get3A_658] : memref<1x100xf32, #tpu.memory_space<vmem>>, vector<1x100xf32>
    %add3A_660 = vector.broadcast %get3A_659 : vector<1x100xf32> to vector<1000x100xf32>
    %add3A_661 = arith.addf %mul3A_656, %add3A_660 : vector<1000x100xf32>
    %logistic3A_662 = arith.negf %add3A_661 : vector<1000x100xf32>
    %logistic3A_663 = math.exp %logistic3A_662 : vector<1000x100xf32>
    %logistic3A_664 = arith.constant 1.000000e+00 : f32
    %logistic3A_665 = vector.broadcast %logistic3A_664 : f32 to vector<1000x100xf32>
    %logistic3A_666 = arith.addf %logistic3A_665, %logistic3A_663 : vector<1000x100xf32>
    %logistic3A_667 = arith.divf %logistic3A_665, %logistic3A_666 : vector<1000x100xf32>
    %get3A_668 = arith.constant 0 : index
    %get3A_669 = arith.constant 0 : index
    %get3A_670 = vector.load %arg20[%get3A_668, %get3A_669] : memref<100x2xf32, #tpu.memory_space<vmem>>, vector<100x2xf32>
    %slice3A_671 = vector.extract_strided_slice %get3A_670 {offsets = [0, 0], sizes = [100, 1], strides = [1, 1]} : vector<100x2xf32> to vector<100x1xf32>
    %squeeze3A_672 = vector.shape_cast %slice3A_671 : vector<100x1xf32> to vector<100xf32>
    %broadcast_in_dim3A_673 = vector.shape_cast %squeeze3A_672 : vector<100xf32> to vector<1x100xf32>
    %mul3A_674 = vector.broadcast %broadcast_in_dim3A_673 : vector<1x100xf32> to vector<1000x100xf32>
    %mul3A_675 = arith.mulf %logistic3A_667, %mul3A_674 : vector<1000x100xf32>
    %reduce_sum3A_676 = arith.constant dense<0.000000e+00> : vector<1000xf32>
    %reduce_sum3A_677 = vector.multi_reduction <add>, %mul3A_675, %reduce_sum3A_676 [1] : vector<1000x100xf32> to vector<1000xf32>
    %get3A_678 = arith.constant 0 : index
    %get3A_679 = arith.constant 0 : index
    %get3A_680 = vector.load %arg21[%get3A_678, %get3A_679] : memref<1x2xf32, #tpu.memory_space<vmem>>, vector<1x1xf32>
    %get3A_681 = vector.extract %get3A_680[0, 0] : f32 from vector<1x1xf32>
    %add3A_682 = vector.broadcast %get3A_681 : f32 to vector<1000xf32>
    %add3A_683 = arith.addf %reduce_sum3A_677, %add3A_682 : vector<1000xf32>
    %get3A_684 = arith.constant 0 : index
    %get3A_685 = arith.constant 0 : index
    %get3A_686 = vector.load %arg20[%get3A_684, %get3A_685] : memref<100x2xf32, #tpu.memory_space<vmem>>, vector<100x2xf32>
    %slice3A_687 = vector.extract_strided_slice %get3A_686 {offsets = [0, 1], sizes = [100, 1], strides = [1, 1]} : vector<100x2xf32> to vector<100x1xf32>
    %squeeze3A_688 = vector.shape_cast %slice3A_687 : vector<100x1xf32> to vector<100xf32>
    %broadcast_in_dim3A_689 = vector.shape_cast %squeeze3A_688 : vector<100xf32> to vector<1x100xf32>
    %mul3A_690 = vector.broadcast %broadcast_in_dim3A_689 : vector<1x100xf32> to vector<1000x100xf32>
    %mul3A_691 = arith.mulf %logistic3A_667, %mul3A_690 : vector<1000x100xf32>
    %reduce_sum3A_692 = arith.constant dense<0.000000e+00> : vector<1000xf32>
    %reduce_sum3A_693 = vector.multi_reduction <add>, %mul3A_691, %reduce_sum3A_692 [1] : vector<1000x100xf32> to vector<1000xf32>
    %get3A_694 = arith.constant 0 : index
    %get3A_695 = arith.constant 1 : index
    %get3A_696 = vector.load %arg21[%get3A_694, %get3A_695] : memref<1x2xf32, #tpu.memory_space<vmem>>, vector<1x1xf32>
    %get3A_697 = vector.extract %get3A_696[0, 0] : f32 from vector<1x1xf32>
    %add3A_698 = vector.broadcast %get3A_697 : f32 to vector<1000xf32>
    %add3A_699 = arith.addf %reduce_sum3A_693, %add3A_698 : vector<1000xf32>
    %max3A_700 = arith.maximumf %add3A_683, %add3A_699 : vector<1000xf32>
    %sub3A_701 = arith.subf %add3A_683, %max3A_700 : vector<1000xf32>
    %exp3A_702 = math.exp %sub3A_701 : vector<1000xf32>
    %sub3A_703 = arith.subf %add3A_699, %max3A_700 : vector<1000xf32>
    %exp3A_704 = math.exp %sub3A_703 : vector<1000xf32>
    %add3A_705 = arith.addf %exp3A_702, %exp3A_704 : vector<1000xf32>
    %swap3A_706 = arith.constant 0 : index
    %swap3A_707 = arith.constant 2 : index
    %swap3A_708 = arith.constant 0 : index
    %swap3A_709 = vector.load %arg26[%swap3A_706, %swap3A_707, %swap3A_708] : memref<1x3x1000xf32, #tpu.memory_space<vmem>>, vector<1x1x1000xf32>
    %swap3A_710 = vector.shape_cast %swap3A_709 : vector<1x1x1000xf32> to vector<1000xf32>
    %swap3A_711 = vector.shape_cast %add3A_634 : vector<1000xf32> to vector<1x1x1000xf32>
    tpu.vector_store %arg26[%swap3A_706, %swap3A_707, %swap3A_708], %swap3A_711 {strides = array<i32>} : memref<1x3x1000xf32, #tpu.memory_space<vmem>>, vector<1x1x1000xf32>,
    %swap3A_712 = arith.constant 0 : index
    %swap3A_713 = arith.constant 2 : index
    %swap3A_714 = arith.constant 0 : index
    %swap3A_715 = vector.load %arg27[%swap3A_712, %swap3A_713, %swap3A_714] : memref<1x3x1000xf32, #tpu.memory_space<vmem>>, vector<1x1x1000xf32>
    %swap3A_716 = vector.shape_cast %swap3A_715 : vector<1x1x1000xf32> to vector<1000xf32>
    %swap3A_717 = vector.shape_cast %add3A_622 : vector<1000xf32> to vector<1x1x1000xf32>
    tpu.vector_store %arg27[%swap3A_712, %swap3A_713, %swap3A_714], %swap3A_717 {strides = array<i32>} : memref<1x3x1000xf32, #tpu.memory_space<vmem>>, vector<1x1x1000xf32>,
    %swap3A_718 = arith.constant 2 : index
    %swap3A_719 = arith.constant 0 : index
    %swap3A_720 = arith.constant 0 : index
    %swap3A_721 = vector.load %arg28[%swap3A_718, %swap3A_719, %swap3A_720] : memref<3x1000x128xf32, #tpu.memory_space<vmem>>, vector<1x1000x128xf32>
    %swap3A_722 = vector.shape_cast %swap3A_721 : vector<1x1000x128xf32> to vector<1000x128xf32>
    %swap3A_723 = vector.shape_cast %max3A_529 : vector<1000x128xf32> to vector<1x1000x128xf32>
    tpu.vector_store %arg28[%swap3A_718, %swap3A_719, %swap3A_720], %swap3A_723 {strides = array<i32>} : memref<3x1000x128xf32, #tpu.memory_space<vmem>>, vector<1x1000x128xf32>,
    %div3A_724 = arith.divf %exp3A_702, %add3A_705 : vector<1000xf32>
    %swap3A_725 = arith.constant 0 : index
    %swap3A_726 = arith.constant 2 : index
    %swap3A_727 = arith.constant 0 : index
    %swap3A_728 = vector.load %arg29[%swap3A_725, %swap3A_726, %swap3A_727] : memref<1x3x1000xf32, #tpu.memory_space<vmem>>, vector<1x1x1000xf32>
    %swap3A_729 = vector.shape_cast %swap3A_728 : vector<1x1x1000xf32> to vector<1000xf32>
    %swap3A_730 = vector.shape_cast %div3A_724 : vector<1000xf32> to vector<1x1x1000xf32>
    tpu.vector_store %arg29[%swap3A_725, %swap3A_726, %swap3A_727], %swap3A_730 {strides = array<i32>} : memref<1x3x1000xf32, #tpu.memory_space<vmem>>, vector<1x1x1000xf32>,
    %div3A_731 = arith.divf %exp3A_704, %add3A_705 : vector<1000xf32>
    %swap3A_732 = arith.constant 0 : index
    %swap3A_733 = arith.constant 2 : index
    %swap3A_734 = arith.constant 0 : index
    %swap3A_735 = vector.load %arg30[%swap3A_732, %swap3A_733, %swap3A_734] : memref<1x3x1000xf32, #tpu.memory_space<vmem>>, vector<1x1x1000xf32>
    %swap3A_736 = vector.shape_cast %swap3A_735 : vector<1x1x1000xf32> to vector<1000xf32>
    %swap3A_737 = vector.shape_cast %div3A_731 : vector<1000xf32> to vector<1x1x1000xf32>
    tpu.vector_store %arg30[%swap3A_732, %swap3A_733, %swap3A_734], %swap3A_737 {strides = array<i32>} : memref<1x3x1000xf32, #tpu.memory_space<vmem>>, vector<1x1x1000xf32>,
    %swap3A_738 = arith.constant 0 : index
    %swap3A_739 = arith.constant 0 : index
    %swap3A_740 = vector.load %arg31[%swap3A_738, %swap3A_739] : memref<1000x128xf32, #tpu.memory_space<vmem>>, vector<1000x128xf32>
    tpu.vector_store %arg31[%swap3A_738, %swap3A_739], %add3A_584 {strides = array<i32>} : memref<1000x128xf32, #tpu.memory_space<vmem>>, vector<1000x128xf32>,
    return
  }
  func.func @transform_0(%arg0: i32) -> (i32, i32, i32, i32) {
    %c0_i32 = arith.constant 0 : i32
    %c0_i32_0 = arith.constant 0 : i32
    %c0_i32_1 = arith.constant 0 : i32
    %c0_i32_2 = arith.constant 0 : i32
    return %c0_i32, %c0_i32_0, %arg0, %c0_i32_1 : i32, i32, i32, i32
  }
  func.func @transform_1(%arg0: i32) -> (i32, i32, i32) {
    %c0_i32 = arith.constant 0 : i32
    %c0_i32_0 = arith.constant 0 : i32
    %c0_i32_1 = arith.constant 0 : i32
    return %arg0, %c0_i32, %c0_i32_0 : i32, i32, i32
  }
  func.func @transform_2(%arg0: i32) -> (i32, i32) {
    %c0_i32 = arith.constant 0 : i32
    %c0_i32_0 = arith.constant 0 : i32
    %c0_i32_1 = arith.constant 0 : i32
    return %c0_i32, %c0_i32_0 : i32, i32
  }
  func.func @transform_3(%arg0: i32) -> (i32, i32) {
    %c0_i32 = arith.constant 0 : i32
    %c0_i32_0 = arith.constant 0 : i32
    %c0_i32_1 = arith.constant 0 : i32
    return %c0_i32, %c0_i32_0 : i32, i32
  }
  func.func @transform_4(%arg0: i32) -> (i32, i32) {
    %c0_i32 = arith.constant 0 : i32
    %c0_i32_0 = arith.constant 0 : i32
    %c0_i32_1 = arith.constant 0 : i32
    return %c0_i32, %c0_i32_0 : i32, i32
  }
  func.func @transform_5(%arg0: i32) -> (i32, i32) {
    %c0_i32 = arith.constant 0 : i32
    %c0_i32_0 = arith.constant 0 : i32
    %c0_i32_1 = arith.constant 0 : i32
    return %c0_i32, %c0_i32_0 : i32, i32
  }
  func.func @transform_6(%arg0: i32) -> (i32, i32) {
    %c0_i32 = arith.constant 0 : i32
    %c0_i32_0 = arith.constant 0 : i32
    %c0_i32_1 = arith.constant 0 : i32
    return %c0_i32, %c0_i32_0 : i32, i32
  }
  func.func @transform_7(%arg0: i32) -> (i32, i32) {
    %c0_i32 = arith.constant 0 : i32
    %c0_i32_0 = arith.constant 0 : i32
    %c0_i32_1 = arith.constant 0 : i32
    return %c0_i32, %c0_i32_0 : i32, i32
  }
  func.func @transform_8(%arg0: i32) -> (i32, i32) {
    %c0_i32 = arith.constant 0 : i32
    %c0_i32_0 = arith.constant 0 : i32
    %c0_i32_1 = arith.constant 0 : i32
    return %c0_i32, %c0_i32_0 : i32, i32
  }
  func.func @transform_9(%arg0: i32) -> (i32, i32) {
    %c0_i32 = arith.constant 0 : i32
    %c0_i32_0 = arith.constant 0 : i32
    %c0_i32_1 = arith.constant 0 : i32
    return %c0_i32, %c0_i32_0 : i32, i32
  }
  func.func @transform_10(%arg0: i32) -> (i32, i32) {
    %c0_i32 = arith.constant 0 : i32
    %c0_i32_0 = arith.constant 0 : i32
    %c0_i32_1 = arith.constant 0 : i32
    return %c0_i32, %c0_i32_0 : i32, i32
  }
  func.func @transform_11(%arg0: i32) -> (i32, i32) {
    %c0_i32 = arith.constant 0 : i32
    %c0_i32_0 = arith.constant 0 : i32
    %c0_i32_1 = arith.constant 0 : i32
    return %c0_i32, %c0_i32_0 : i32, i32
  }
  func.func @transform_12(%arg0: i32) -> (i32, i32) {
    %c0_i32 = arith.constant 0 : i32
    %c0_i32_0 = arith.constant 0 : i32
    %c0_i32_1 = arith.constant 0 : i32
    return %c0_i32, %c0_i32_0 : i32, i32
  }
  func.func @transform_13(%arg0: i32) -> (i32, i32) {
    %c0_i32 = arith.constant 0 : i32
    %c0_i32_0 = arith.constant 0 : i32
    %c0_i32_1 = arith.constant 0 : i32
    return %c0_i32, %c0_i32_0 : i32, i32
  }
  func.func @transform_14(%arg0: i32) -> (i32, i32) {
    %c0_i32 = arith.constant 0 : i32
    %c0_i32_0 = arith.constant 0 : i32
    %c0_i32_1 = arith.constant 0 : i32
    return %c0_i32, %c0_i32_0 : i32, i32
  }
  func.func @transform_15(%arg0: i32) -> (i32, i32) {
    %c0_i32 = arith.constant 0 : i32
    %c0_i32_0 = arith.constant 0 : i32
    %c0_i32_1 = arith.constant 0 : i32
    return %c0_i32, %c0_i32_0 : i32, i32
  }
  func.func @transform_16(%arg0: i32) -> (i32, i32) {
    %c0_i32 = arith.constant 0 : i32
    %c0_i32_0 = arith.constant 0 : i32
    %c0_i32_1 = arith.constant 0 : i32
    return %c0_i32, %c0_i32_0 : i32, i32
  }
  func.func @transform_17(%arg0: i32) -> (i32, i32) {
    %c0_i32 = arith.constant 0 : i32
    %c0_i32_0 = arith.constant 0 : i32
    %c0_i32_1 = arith.constant 0 : i32
    return %c0_i32, %c0_i32_0 : i32, i32
  }
  func.func @transform_18(%arg0: i32) -> (i32, i32) {
    %c0_i32 = arith.constant 0 : i32
    %c0_i32_0 = arith.constant 0 : i32
    %c0_i32_1 = arith.constant 0 : i32
    return %c0_i32, %c0_i32_0 : i32, i32
  }
  func.func @transform_19(%arg0: i32) -> (i32, i32) {
    %c0_i32 = arith.constant 0 : i32
    %c0_i32_0 = arith.constant 0 : i32
    %c0_i32_1 = arith.constant 0 : i32
    return %c0_i32, %c0_i32_0 : i32, i32
  }
  func.func @transform_20(%arg0: i32) -> (i32, i32) {
    %c0_i32 = arith.constant 0 : i32
    %c0_i32_0 = arith.constant 0 : i32
    %c0_i32_1 = arith.constant 0 : i32
    return %c0_i32, %c0_i32_0 : i32, i32
  }
  func.func @transform_21(%arg0: i32) -> (i32, i32) {
    %c0_i32 = arith.constant 0 : i32
    %c0_i32_0 = arith.constant 0 : i32
    %c0_i32_1 = arith.constant 0 : i32
    return %c0_i32, %c0_i32_0 : i32, i32
  }
  func.func @transform_22(%arg0: i32) -> (i32, i32) {
    %c0_i32 = arith.constant 0 : i32
    %c0_i32_0 = arith.constant 0 : i32
    %c0_i32_1 = arith.constant 0 : i32
    return %c0_i32, %c0_i32_0 : i32, i32
  }
  func.func @transform_23(%arg0: i32) -> (i32, i32) {
    %c0_i32 = arith.constant 0 : i32
    %c0_i32_0 = arith.constant 0 : i32
    %c0_i32_1 = arith.constant 0 : i32
    return %c0_i32, %c0_i32_0 : i32, i32
  }
  func.func @transform_24(%arg0: i32) -> (i32, i32) {
    %c0_i32 = arith.constant 0 : i32
    %c0_i32_0 = arith.constant 0 : i32
    %c0_i32_1 = arith.constant 0 : i32
    return %c0_i32, %c0_i32_0 : i32, i32
  }
  func.func @transform_25(%arg0: i32) -> (i32, i32, i32) {
    %c0_i32 = arith.constant 0 : i32
    %c0_i32_0 = arith.constant 0 : i32
    %c0_i32_1 = arith.constant 0 : i32
    return %arg0, %c0_i32, %c0_i32_0 : i32, i32, i32
  }
  func.func @transform_26(%arg0: i32) -> (i32, i32, i32) {
    %c0_i32 = arith.constant 0 : i32
    %c0_i32_0 = arith.constant 0 : i32
    %c0_i32_1 = arith.constant 0 : i32
    return %arg0, %c0_i32, %c0_i32_0 : i32, i32, i32
  }
  func.func @transform_27(%arg0: i32) -> (i32, i32, i32) {
    %c0_i32 = arith.constant 0 : i32
    %c0_i32_0 = arith.constant 0 : i32
    %c0_i32_1 = arith.constant 0 : i32
    return %c0_i32, %arg0, %c0_i32_0 : i32, i32, i32
  }
  func.func @transform_28(%arg0: i32) -> (i32, i32, i32) {
    %c0_i32 = arith.constant 0 : i32
    %c0_i32_0 = arith.constant 0 : i32
    %c0_i32_1 = arith.constant 0 : i32
    return %arg0, %c0_i32, %c0_i32_0 : i32, i32, i32
  }
  func.func @transform_29(%arg0: i32) -> (i32, i32, i32) {
    %c0_i32 = arith.constant 0 : i32
    %c0_i32_0 = arith.constant 0 : i32
    %c0_i32_1 = arith.constant 0 : i32
    return %arg0, %c0_i32, %c0_i32_0 : i32, i32, i32
  }
  func.func @transform_30(%arg0: i32) -> (i32, i32) {
    %c0_i32 = arith.constant 0 : i32
    %c0_i32_0 = arith.constant 0 : i32
    return %arg0, %c0_i32 : i32, i32
  }
}

</mosaic_0001>

<sc_bundles>
// kernel: kernel.10.cloned.1.call-start
scs
__scs_entry_jumppad:
0x0: {  	(pc) =	sbr.rel $0x88, $3  }
0x1: {  	(tag) =	ssettag $0x0;
	lr =	simm.s32 $0x1  }
0x2: {  	[smem:$0x3F84] =	sst lr;
	_ =	strace $0xD0000000  }
0x3: {  	_ = 	snop  }
0x4: {  	_ = 	snop  }
0x5: {  	_ = 	snop  }
0x6: {  	_ = 	snop  }
0x7: {  	_ = 	snop  }
__scs_overlays_trampoline_lowered:
0x8: {  	[smem:$0x3F93] =	sst s0  }
0x9: {  	[smem:$0x3F94] =	sst s1  }
0xa: {  	[smem:$0x3F95] =	sst s2  }
0xb: {  	[smem:$0x3F96] =	sst s3  }
0xc: {  	[smem:$0x3F97] =	sst s4  }
0xd: {  	[smem:$0x3F98] =	sst s5  }
0xe: {  	[smem:$0x3F99] =	sst s6  }
0xf: {  	[smem:$0x3F9A] =	sst s7  }
0x10: {  	[smem:$0x3F9B] =	sst s8  }
0x11: {  	[smem:$0x3F9C] =	sst s9;
	s0 =	simm.s32 @!p0 $0x0  }
0x12: {  	s1 =	sld [smem:$0x3F82];
	s0 =	simm.s32 @p0 $0x1  }
0x13: {  	[smem:$0x3F9D] =	sst s0;
	s0 =	simm.s32 @!p1 $0x0  }
0x14: {  	s2 =	sld [smem:$0x3F81];
	s0 =	simm.s32 @p1 $0x1  }
0x15: {  	[smem:$0x3F9E] =	sst s0;
	s0 =	simm.s32 @!p2 $0x0  }
0x16: {  	s3 =	sld [smem:$0x3FDB];
	s0 =	simm.s32 @p2 $0x1  }
0x17: {  	s4 =	simm.s32 $0x1BF5;
	[smem:$0x3FA0] =	sst s0  }
0x18: {  	s0 =	sld [smem:$0x3F83];
	_ =	swait.ge [sflag:s4], $0x0  }
0x19: {  	s7 =	sld [smem:$0x3F84]  }
0x1a: {  	s8 =	sadd.s32 $0xFFFFE003, lr  }
0x1b: {  	s9 =	sadd.s32 $0xFFFFFEF7, lr;
	s5 =	simm.s32 $0xFFFFFFFF;
	p2 =	slt.u32 s8, $0xFFFFF086  }
0x1c: {  	p1 =	slt.u32 s9, $0xF7A;
	s5 =	simm.s32 @!p2 $0x0  }
0x1d: {  	s5 =	simm.s32 @p1 $0x1;
	p0 =	seq.s32 s7, s2  }
0x1e: {  	s7 =	smul.u32 @!p0 $0xF7A, s2;
	p2 =	seq.s32 @!p0 s5, $0x0  }
0x1f: {  	s9 =	smul.u32 $0xF7A, s1;
	s8 =	simm.s32 @!p0 $0x1BF5;
	p2 =	por !p2, p0  }
0x20: {  	[sflag:s8] =	ssyncset.s32 @!p0 $0xFFFFF086;
	s6 =	sadd.s32 @!p0 s3, s7;
	s7 =	simm.s32 @!p0 $0x108  }
0x21: {  	s3 =	sadd.s32 s3, s9;
	s6 =	sadd.s32 @!p0 $0x88, s6;
	s7 =	simm.s32 @p2 $0x1082  }
0x22: {  	[simem:s7], [sflag:s8] =	dma.local @!p0 [hbm:s6], $0xF7A  }
0x23: {  	s9 =	sor.u32 $0xD0000000, s2;
	s6 =	simm.s32 $0x108;
	_ =	swait.ge @!p0 [sflag:s8], $0x0  }
0x24: {  	s3 =	sadd.s32 $0x88, s3;
	s6 =	simm.s32 @!p1 $0x1082;
	[sflag:s4] =	ssyncset.s32 $0xFFFFF086  }
0x25: {  	[simem:s6], [sflag:s4] =	dma.local [hbm:s3], $0xF7A  }
0x26: {  	[smem:$0x3F84] =	sst s1;
	(tag) =	ssettag s2;
	_ =	strace s9  }
0x27: {  	s1 =	sld [smem:$0x3F94]  }
0x28: {  	s2 =	sld [smem:$0x3F95]  }
0x29: {  	s4 =	sld [smem:$0x3F97]  }
0x2a: {  	p0 =	seq.s32 s5, $0x0;
	s5 =	sld [smem:$0x3F98]  }
0x2b: {  	s6 =	sld [smem:$0x3F99]  }
0x2c: {  	s7 =	sld [smem:$0x3F9A]  }
0x2d: {  	s3 =	simm.s32 $0x108;
	s8 =	sld [smem:$0x3F9B]  }
0x2e: {  	s3 =	simm.s32 @!p0 $0x1082;
	s9 =	sld [smem:$0x3F9C]  }
0x2f: {  	lr =	sadd.s32 s0, s3;
	s0 =	sld [smem:$0x3F93]  }
0x30: {  	s3 =	sld [smem:$0x3F96]  }
0x31: {  	[smem:$0x3F9F] =	sst s10  }
0x32: {  	s10 =	sld [smem:$0x3F9D];
	_ =	sdelay $0x3  }
0x33: {  	p0 =	seq.s32 s10, $0x1;
	s10 =	sld [smem:$0x3F9F];
	_ =	sdelay $0x3  }
0x34: {  	[smem:$0x3F9F] =	sst s10  }
0x35: {  	s10 =	sld [smem:$0x3F9E];
	_ =	sdelay $0x3  }
0x36: {  	p1 =	seq.s32 s10, $0x1;
	s10 =	sld [smem:$0x3F9F];
	_ =	sdelay $0x3  }
0x37: {  	[smem:$0x3F9F] =	sst s10  }
0x38: {  	s10 =	sld [smem:$0x3FA0]  }
0x39: {  	_ = 	snop;
	(pc) =	sbr.ind lr, $3  }
0x3a: {  	_ = 	snop  }
0x3b: {  	_ = 	snop  }
0x3c: {  	p2 =	seq.s32 s10, $0x1;
	s10 =	sld [smem:$0x3F9F]  }
0x3d: {  	_ =	shalt  }
0x3e: {  	_ =	shalt  }
0x3f: {  	_ =	shalt  }
0x40: {  	_ =	shalt  }
0x41: {  	_ =	shalt  }
0x42: {  	_ =	shalt  }
0x43: {  	_ =	shalt  }
0x44: {  	_ =	shalt  }
0x45: {  	_ =	shalt  }
0x46: {  	_ =	shalt  }
0x47: {  	_ =	shalt  }
0x48: {  	_ =	shalt  }
0x49: {  	_ =	shalt  }
0x4a: {  	_ =	shalt  }
0x4b: {  	_ =	shalt  }
0x4c: {  	_ =	shalt  }
0x4d: {  	_ =	shalt  }
0x4e: {  	_ =	shalt  }
0x4f: {  	_ =	shalt  }
0x50: {  	_ =	shalt  }
0x51: {  	_ =	shalt  }
0x52: {  	_ =	shalt  }
0x53: {  	_ =	shalt  }
0x54: {  	_ =	shalt  }
0x55: {  	_ =	shalt  }
0x56: {  	_ =	shalt  }
0x57: {  	_ =	shalt  }
0x58: {  	_ =	shalt  }
0x59: {  	_ =	shalt  }
0x5a: {  	_ =	shalt  }
0x5b: {  	_ =	shalt  }
0x5c: {  	_ =	shalt  }
0x5d: {  	_ =	shalt  }
0x5e: {  	_ =	shalt  }
0x5f: {  	_ =	shalt  }
0x60: {  	_ =	shalt  }
0x61: {  	_ =	shalt  }
0x62: {  	_ =	shalt  }
0x63: {  	_ =	shalt  }
0x64: {  	_ =	shalt  }
0x65: {  	_ =	shalt  }
0x66: {  	_ =	shalt  }
0x67: {  	_ =	shalt  }
0x68: {  	_ =	shalt  }
0x69: {  	_ =	shalt  }
0x6a: {  	_ =	shalt  }
0x6b: {  	_ =	shalt  }
0x6c: {  	_ =	shalt  }
0x6d: {  	_ =	shalt  }
0x6e: {  	_ =	shalt  }
0x6f: {  	_ =	shalt  }
0x70: {  	_ =	shalt  }
0x71: {  	_ =	shalt  }
0x72: {  	_ =	shalt  }
0x73: {  	_ =	shalt  }
0x74: {  	_ =	shalt  }
0x75: {  	_ =	shalt  }
0x76: {  	_ =	shalt  }
0x77: {  	_ =	shalt  }
0x78: {  	_ =	shalt  }
0x79: {  	_ =	shalt  }
0x7a: {  	_ =	shalt  }
0x7b: {  	_ =	shalt  }
0x7c: {  	_ =	shalt  }
0x7d: {  	_ =	shalt  }
0x7e: {  	_ =	shalt  }
0x7f: {  	_ =	shalt  }
0x80: {  	_ =	shalt  }
0x81: {  	_ =	shalt  }
0x82: {  	_ =	shalt  }
0x83: {  	_ =	shalt  }
0x84: {  	_ =	shalt  }
0x85: {  	_ =	shalt  }
0x86: {  	_ =	shalt  }
0x87: {  	_ =	shalt  }
.Lfunc_end0:
.L_simem_size_0:
called_computation.1_lowered:
.L_overlay_start_0:
0x88: {  	s2 =	sld [smem:$0x3FD9]  }
0x89: {  	s3 =	sld [smem:$0x3FFE];
	_ =	sdelay $0x1  }
0x8a: {  	s1 =	srdreg.scid  }
0x8b: {  	s0 =	sand.u32 $0x1, s1  }
0x8c: {  	s14 =	sshll.u32 s0, $0xA;
	s2 =	sadd.s32 s3, s2  }
0x8d: {  	s2 =	sadd.s32 s2, s14  }
0x8e: {  	[smem:$0x3FAB] =	sst s2  }
0x8f: {  	_ = 	snop  }
0x90: {  	s2 =	sld [smem:$0x3FD0];
	_ =	sdelay $0x2  }
0x91: {  	s15 =	simm.s32 $0xA;
	s4 =	simm.s32 $0x10  }
0x92: {  	[smem:s4], [sflag:s15] =	dma.local [hbm:s2], $0x1  }
0x93: {  	_ =	swait.eq [sflag:s15], $0x1  }
0x94: {  	[sflag:s15] =	ssyncset.done $0x0  }
0x95: {  	s16 =	sld [smem:$0x12];
	[sflag:s15] =	ssyncadd.s32 $0xFFFFFFFF  }
0x96: {  	s17 =	sld [smem:$0x14];
	(tm) =	ssettm $0x1  }
0x97: {  	s18 =	sld [smem:$0x3FFB];
	_ =	sdelay $0x3  }
0x98: {  	_ =	strace s18  }
0x99: {  	s4 =	sld [smem:$0x3FFC];
	_ =	sdelay $0x3  }
0x9a: {  	_ =	strace s4  }
0x9b: {  	s4 =	sld [smem:$0x3FFD];
	_ =	sdelay $0x3  }
0x9c: {  	_ =	strace s4  }
0x9d: {  	_ =	strace $0x8FFFFFFF  }
0x9e: {  	s19 =	sld [smem:$0x3FDB];
	_ =	sdelay $0x1  }
0x9f: {  	s5 =	simm.s32 $_scs_section_size  }
0xa0: {  	s6 =	simm.s32 $_size__tile_overlayer_lowered;
	s7 =	simm.s32 $_tile_overlayer_lowered  }
0xa1: {  	s22 =	simm.s32 $0x1BFF;
	s21 =	sshll.u32 s7, $0x1;
	s4 =	sadd.s32 s5, s19  }
0xa2: {  	s8 =	simm.s32 $0x0;
	s20 =	sshll.u32 s6, $0x1;
	s6 =	sadd.s32 s21, s4  }
0xa3: {  	[timem:s8], [sflag:s22] =	dma.local [hbm:s6], s20  }
0xa4: {  	_ =	swait.ge [sflag:s22], s20  }
0xa5: {  	s5 =	ssub.s32 $0x0, s20;
	[sflag:s22] =	ssyncset.done $0x0  }
0xa6: {  	[sflag:s22] =	ssyncadd.s32 s5;
	_ =	sdelay $0x1  }
0xa7: {  	s23 =	simm.s32 $0x1B8B  }
0xa8: {  	_ =	swait.ge [sflag:s23], $0x1  }
0xa9: {  	[sflag:s23] =	ssyncset.done $0x0  }
0xaa: {  	s25 =	simm.s32 $0x1B8E;
	s24 =	sld [smem:$0x3FFE];
	[sflag:s23] =	ssyncadd.s32 $0xFFFFFFFF  }
0xab: {  	s26 =	simm.s32 $execute0_lowered;
	[smem:$0x3FD2] =	sst s25  }
0xac: {  	s6 =	sshll.u32 s26, $0x1;
	_ =	strace $0x80000049;
	[dreg:$0x1] =	wrdreg $0xFFFFFFFF  }
0xad: {  	s28 =	simm.s32 $_size_execute0_lowered;
	s4 =	sadd.s32 s4, s6;
	[dreg:$0x0] =	wrdreg $0x0  }
0xae: {  	s6 =	sshll.u32 s28, $0x1;
	[dreg:$0x2] =	wrdreg s4  }
0xaf: {  	[dreg:$0x3] =	wrdreg s6  }
0xb0: {  	[dreg:$0x4] =	wrdreg $0xC0  }
0xb1: {  	_ =	task [dreg:s8], $0x5FFFF  }
0xb2: {  	[dreg:$0x1] =	wrdreg $0xFFFFFFFF  }
0xb3: {  	[dreg:$0x0] =	wrdreg $0x60  }
0xb4: {  	[dreg:$0x2] =	wrdreg s16  }
0xb5: {  	[dreg:$0x3] =	wrdreg s17  }
0xb6: {  	[dreg:$0x4] =	wrdreg s24  }
0xb7: {  	[dreg:$0x5] =	wrdreg $0xA8000  }
0xb8: {  	[dreg:$0x6] =	wrdreg $0x9  }
0xb9: {  	_ =	task.clear_ibuf [dreg:s8], $0x7FFFF;
	_ =	strace $0x90000049  }
0xba: {  	s29 =	simm.s32 $0x9;
	_ =	strace $0x8000004B  }
0xbb: {  	_ =	swait.ge [sflag:s29], $0x1  }
0xbc: {  	[sflag:s29] =	ssyncadd.s32 $0xFFFFFFFF  }
0xbd: {  	_ =	strace $0x9000004B  }
0xbe: {  	_ =	sfence  }
0xbf: {  	s30 =	sld [smem:$0x0];
	_ =	sdelay $0x2  }
0xc0: {  	s31 =	sshll.u32 s1, $0xD;
	s1 =	sshrl.u32 s1, $0x2  }
0xc1: {  	s3 =	sand.u32 $0x4000, s31;
	s1 =	sadd.s32 s1, s30  }
0xc2: {  	s0 =	sor.u32 s3, s0;
	s1 =	sshll.u32 s1, $0x11  }
0xc3: {  	s0 =	sor.u32 s1, s0  }
0xc4: {  	s0 =	sadd.s32 $0x8F2B, s0  }
0xc5: {  	[sflag:s0] =	ssyncadd.remote.s32 $0x1  }
0xc6: {  	_ =	sfence.sel $0xFFFF  }
0xc7: {  	[dreg:$0x0] =	wrdreg $0xFFFFFFFF;
	(pc) =	sbr.abs _section_cstart, $3  }
0xc8: {  	[dreg:$0x1] =	wrdreg $0xFFFFFFFF  }
0xc9: {  	_ =	task.clear_ibuf [dreg:s8], $0x2FFFF;
	_ =	strace $0x9FFFFFFF  }
0xca: {  	(tm) =	ssettm $0x7FFFFFFF  }
0xcb: {  	_ =	shalt  }
tec
execute0_lowered:
.L_overlay_start_1:
0x0: {  	(tag) =	ssettag $0x1  }
0x1: {  	s1 =	rddreg [dreg:$0x0]  }
0x2: {  	s0 =	rddreg [dreg:$0x1]  }
0x3: {  	s4 =	rddreg [dreg:$0x2]  }
0x4: {  	s2 =	rddreg [dreg:$0x3]  }
0x5: {  	s3 =	simm.s32 $0x0;
	s5 =	srdreg.scid;
	s14 =	stileid.u32  }
0x6: {  	s29 =	simm.s32 $0x3;
	s30 =	simm.s32 $0x1400;
	s31 =	simm.s32 $0x7D  }
0x7: {  	[smem:$0x7FF] =	sst s3;
	s8 =	sadd.s32 $0x3C00, s4;
	s7 =	sand.u32 $0x1, s5  }
0x8: {  	s5 =	sadd.s32 $0x21C00, s4;
	s9 =	smul.u32 $0x50000, s14;
	s4 =	sadd.s32 $0x24400, s4  }
0x9: {  	s24 =	sshll.u32 s14, $0x6;
	s26 =	smul.u32 $0x14000, s14;
	s18 =	sadd.s32 $0x12C000, s2  }
0xa: {  	_ =	strace $0x8000004A;
	s6 =	sshll.u32 s7, $0x4;
	s23 =	smul.u32 $0x3A9800, s7  }
0xb: {  	s10 =	ssub.s32 $0x2, s7;
	s6 =	sor.u32 s14, s6;
	s9 =	sshrl.u32 s9, $0x2  }
0xc: {  	s12 =	smul.u32 $0x2800, s6;
	s6 =	sadd.s32 s9, s2;
	s9 =	sshrl.u32 s23, $0x3  }
0xd: {  	s7 =	sor.u32 $0x1C03, s24;
	[dreg:$0xa] =	wrdreg s18;
	s9 =	sadd.s32 s4, s9  }
0xe: {  	s11 =	sshrl.u32 s10, $0x1;
	s25 =	sshrl.u32 s12, $0x3;
	s17 =	sadd.s32 $0x25800, s9  }
0xf: {  	s12 =	sadd.s32 s26, s23;
	s13 =	sadd.s32 s0, s25;
	[dreg:$0x9] =	wrdreg s17  }
0x10: {  	s15 =	sadd.s32 s8, s25;
	s16 =	sadd.s32 $0x280, s25;
	[dreg:$0x5] =	wrdreg s13  }
0x11: {  	s12 =	sshrl.u32 s12, $0x3;
	[dreg:$0x6] =	wrdreg s15;
	s15 =	sadd.s32 s0, s16  }
0x12: {  	s19 =	sadd.s32 $0xA000, s25;
	s13 =	sadd.s32 s8, s16;
	[dreg:$0x7] =	wrdreg s15  }
0x13: {  	s20 =	sadd.s32 $0xA280, s25;
	s21 =	sadd.s32 s0, s19;
	[dreg:$0x8] =	wrdreg s13  }
0x14: {  	s12 =	sadd.s32 s4, s12;
	s4 =	sadd.s32 s8, s19;
	[dreg:$0xb] =	wrdreg s21  }
0x15: {  	s10 =	ssub.s32 s10, s11;
	s22 =	sadd.s32 s0, s20;
	[dreg:$0xc] =	wrdreg s4  }
0x16: {  	s24 =	sadd.s32 $0x14000, s25;
	s23 =	sadd.s32 s8, s20;
	[dreg:$0xd] =	wrdreg s22  }
0x17: {  	s11 =	sadd.s32 $0x14280, s25;
	s25 =	sadd.s32 s0, s24;
	[dreg:$0xe] =	wrdreg s23  }
0x18: {  	p0 =	seq.s32 s14, $0xF;
	s0 =	sadd.s32 s0, s11;
	[dreg:$0xf] =	wrdreg s25  }
0x19: {  	s14 =	simm.s32 $0x0;
	s26 =	sadd.s32 s8, s11;
	[dreg:$0x11] =	wrdreg s0  }
0x1a: {  	s11 =	simm.s32 $0x2700;
	s4 =	sadd.s32 s8, s24;
	[dreg:$0x12] =	wrdreg s26  }
0x1b: {  	s23 =	sadd.s32 $0x4C900, s9;
	s24 =	sadd.s32 $0x73A00, s9;
	s25 =	smax.u32 s10, $0x1  }
0x1c: {  	s26 =	sadd.s32 $0x27100, s12;
	s28 =	sadd.s32 $0x4E200, s12;
	s0 =	simm.s32 $0x2800  }
0x1d: {  	s8 =	simm.s32 $0x1;
	s9 =	simm.s32 $0x2;
	s10 =	simm.s32 $0x1380  }
0x1e: {  	s13 =	simm.s32 $0x2780;
	[dreg:$0x10] =	wrdreg s4;
	s4 =	simm.s32 $0x6800  }
.LBB2_1:
0x1f: {  	s15 =	sshrl.u32 s6, $0x3  }
0x20: {  	[spmem:s15], [sflag:s7] =	dma.local [hbm:s5], $0x2800  }
0x21: {  	_ =	swait.ge [sflag:s29], $0x2800  }
0x22: {  	[sflag:s29] =	ssyncset.done $0x0  }
0x23: {  	[sflag:s29] =	ssyncadd.s32 $0xFFFFD800  }
0x24: {  	[bflag:$0x0] =	sbarrier.arrive $0xFFFF  }
0x25: {  	s16 =	rddreg [dreg:$0x5]  }
0x26: {  	[tilespmem:s3], [sflag:$0x3] =	stream.linear.gather [hbm4b:s16+s3], $0x1400, $0x38;
	[tilespmem:$0x1E800] =	vst v63  }
0x27: {  	_ =	swait.ge [sflag:s29], $0x1400  }
0x28: {  	[sflag:s29] =	ssyncset.done $0x0  }
0x29: {  	s18 =	rddreg [dreg:$0x6];
	[sflag:s29] =	ssyncadd.s32 $0xFFFFEC00  }
0x2a: {  	[tilespmem:s30], [sflag:$0x3] =	stream.linear.gather [hbm4b:s18+s3], $0x1400, $0x38;
	[tilespmem:$0x1E800] =	vst v63  }
0x2b: {  	_ =	swait.ge [sflag:s29], $0x1400  }
0x2c: {  	[sflag:s29] =	ssyncset.done $0x0  }
0x2d: {  	[sflag:s29] =	ssyncadd.s32 $0xFFFFEC00  }
0x2e: {  	[tilespmem:s0], [sflag:$0x1] =	stream.indirect.gather [hbm4b:s1+s31], $0x80, s3, s31, $0xb8;
	[tilespmem:$0x1E800] =	vst v63  }
0x2f: {  	s19 =	simm.s32 $0x80  }
0x30: {  	[tilespmem:s4], [sflag:$0x2] =	stream.indirect.gather [hbm4b:s1+s31], $0x80, s19, s31, $0xb8;
	[tilespmem:$0x1E800] =	vst v63  }
0x31: {  	_ =	swait.ge [sflag:s8], $0x3E80  }
0x32: {  	[sflag:s8] =	ssyncset.done $0x0  }
0x33: {  	s20 =	simm.s32 $0x1400;
	[sflag:s8] =	ssyncadd.s32 $0xFFFFC180  }
0x34: {  	[spmem:s2] =	stream.indirect.scatter.add.f32 [tilespmem:s0], [sflag:$0x3], $0x80, s20, s31, $0xb8;
	[tilespmem:$0x1E800] =	vst v63  }
0x35: {  	_ =	swait.ge [sflag:s29], $0x3E80  }
0x36: {  	[sflag:s29] =	ssyncset.done $0x0  }
0x37: {  	s21 =	simm.s32 $0x100;
	[sflag:s29] =	ssyncadd.s32 $0xFFFFC180  }
0x38: {  	[tilespmem:s0], [sflag:$0x1] =	stream.indirect.gather [hbm4b:s1+s31], $0x80, s21, s31, $0xb8;
	[tilespmem:$0x1E800] =	vst v63  }
0x39: {  	_ =	swait.ge [sflag:s9], $0x3E80  }
0x3a: {  	[sflag:s9] =	ssyncset.done $0x0  }
0x3b: {  	s22 =	simm.s32 $0x1480;
	[sflag:s9] =	ssyncadd.s32 $0xFFFFC180  }
0x3c: {  	[spmem:s2] =	stream.indirect.scatter.add.f32 [tilespmem:s4], [sflag:$0x3], $0x80, s22, s31, $0xb8;
	[tilespmem:$0x1E800] =	vst v63  }
0x3d: {  	_ =	swait.ge [sflag:s29], $0x3E80  }
0x3e: {  	s17 =	simm.s32 $0x800;
	s16 =	simm.s32 $0x100;
	[sflag:s29] =	ssyncset.done $0x0  }
.LBB2_2:
0x3f: {  	s18 =	sadd.s32 $0x80, s16  }
0x40: {  	[sflag:s29] =	ssyncadd.s32 $0xFFFFC180;
	s19 =	smov.u32 s17;
	s20 =	sadd.s32 $0x400, s17  }
0x41: {  	[tilespmem:s4], [sflag:$0x2] =	stream.indirect.gather [hbm4b:s1+s31], $0x80, s18, s31, $0xb8;
	[tilespmem:$0x1E800] =	vst v63  }
0x42: {  	p1 =	sne.s32 s17, $0x4800;
	_ =	swait.ge [sflag:s8], $0x3E80  }
0x43: {  	[sflag:s8] =	ssyncset.done $0x0  }
0x44: {  	s17 =	sadd.s32 $0x1400, s16;
	[sflag:s8] =	ssyncadd.s32 $0xFFFFC180  }
0x45: {  	[spmem:s2] =	stream.indirect.scatter.add.f32 [tilespmem:s0], [sflag:$0x3], $0x80, s17, s31, $0xb8;
	[tilespmem:$0x1E800] =	vst v63  }
0x46: {  	_ =	swait.ge [sflag:s29], $0x3E80  }
0x47: {  	[sflag:s29] =	ssyncset.done $0x0  }
0x48: {  	s17 =	sadd.s32 $0x100, s16;
	[sflag:s29] =	ssyncadd.s32 $0xFFFFC180  }
0x49: {  	[tilespmem:s0], [sflag:$0x1] =	stream.indirect.gather [hbm4b:s1+s31], $0x80, s17, s31, $0xb8;
	[tilespmem:$0x1E800] =	vst v63  }
0x4a: {  	_ =	swait.ge [sflag:s9], $0x3E80  }
.Ltmp0:
0x4b: {  	[sflag:s9] =	ssyncset.done $0x0;
	(pc) =	sbr.rel @p1 .LBB2_2-.Ltmp0, $4  }
0x4c: {  	s16 =	sadd.s32 $0x1480, s16;
	[sflag:s9] =	ssyncadd.s32 $0xFFFFC180  }
0x4d: {  	[spmem:s2] =	stream.indirect.scatter.add.f32 [tilespmem:s4], [sflag:$0x3], $0x80, s16, s31, $0xb8;
	[tilespmem:$0x1E800] =	vst v63  }
0x4e: {  	_ =	swait.ge [sflag:s29], $0x3E80  }
0x4f: {  	s17 =	smov.u32 s20;
	s16 =	sshra.s32 s19, $0x2;
	[sflag:s29] =	ssyncset.done $0x0  }
0x50: {  	s17 =	sadd.s32 $0x80, s16;
	[sflag:s29] =	ssyncadd.s32 $0xFFFFC180  }
0x51: {  	[tilespmem:s4], [sflag:$0x2] =	stream.indirect.gather [hbm4b:s1+s31], $0x80, s17, s31, $0xb8;
	[tilespmem:$0x1E800] =	vst v63  }
0x52: {  	_ =	swait.ge [sflag:s8], $0x3E80  }
0x53: {  	[sflag:s8] =	ssyncset.done $0x0  }
0x54: {  	s18 =	sadd.s32 $0x1400, s16;
	[sflag:s8] =	ssyncadd.s32 $0xFFFFC180  }
0x55: {  	[spmem:s2] =	stream.indirect.scatter.add.f32 [tilespmem:s0], [sflag:$0x3], $0x80, s18, s31, $0xb8;
	[tilespmem:$0x1E800] =	vst v63  }
0x56: {  	_ =	swait.ge [sflag:s29], $0x3E80  }
0x57: {  	[sflag:s29] =	ssyncset.done $0x0  }
0x58: {  	s19 =	sadd.s32 $0x100, s16;
	[sflag:s29] =	ssyncadd.s32 $0xFFFFC180  }
0x59: {  	[tilespmem:s0], [sflag:$0x1] =	stream.indirect.gather [hbm4b:s1+s31], $0x80, s19, s31, $0xb8;
	[tilespmem:$0x1E800] =	vst v63  }
0x5a: {  	_ =	swait.ge [sflag:s9], $0x3E80  }
0x5b: {  	[sflag:s9] =	ssyncset.done $0x0  }
0x5c: {  	s20 =	sadd.s32 $0x1480, s16;
	[sflag:s9] =	ssyncadd.s32 $0xFFFFC180  }
0x5d: {  	[spmem:s2] =	stream.indirect.scatter.add.f32 [tilespmem:s4], [sflag:$0x3], $0x80, s20, s31, $0xb8;
	[tilespmem:$0x1E800] =	vst v63  }
0x5e: {  	_ =	swait.ge [sflag:s29], $0x3E80  }
0x5f: {  	[sflag:s29] =	ssyncset.done $0x0  }
0x60: {  	[sflag:s29] =	ssyncadd.s32 $0xFFFFC180  }
0x61: {  	[tilespmem:s4], [sflag:$0x2] =	stream.indirect.gather [hbm4b:s1+s31], $0x80, s10, s31, $0xb8;
	[tilespmem:$0x1E800] =	vst v63  }
0x62: {  	_ =	swait.ge [sflag:s8], $0x3E80  }
0x63: {  	[sflag:s8] =	ssyncset.done $0x0  }
0x64: {  	[sflag:s8] =	ssyncadd.s32 $0xFFFFC180  }
0x65: {  	[spmem:s2] =	stream.indirect.scatter.add.f32 [tilespmem:s0], [sflag:$0x3], $0x80, s11, s31, $0xb8;
	[tilespmem:$0x1E800] =	vst v63  }
0x66: {  	_ =	swait.ge [sflag:s29], $0x3E80  }
0x67: {  	[sflag:s29] =	ssyncset.done $0x0  }
0x68: {  	[sflag:s29] =	ssyncadd.s32 $0xFFFFC180  }
0x69: {  	_ =	swait.ge [sflag:s9], $0x3E80  }
0x6a: {  	[sflag:s9] =	ssyncset.done $0x0  }
0x6b: {  	[sflag:s9] =	ssyncadd.s32 $0xFFFFC180  }
0x6c: {  	[spmem:s2] =	stream.indirect.scatter.add.f32 [tilespmem:s4], [sflag:$0x3], $0x80, s13, s31, $0xb8;
	[tilespmem:$0x1E800] =	vst v63  }
0x6d: {  	_ =	swait.ge [sflag:s29], $0x3E80  }
0x6e: {  	[sflag:s29] =	ssyncset.done $0x0  }
0x6f: {  	s21 =	simm.s32 $0x0;
	s22 =	rddreg [dreg:$0x7];
	[sflag:s29] =	ssyncadd.s32 $0xFFFFC180  }
0x70: {  	[tilespmem:s21], [sflag:$0x3] =	stream.linear.gather [hbm4b:s22+s21], $0x1400, $0x38;
	[tilespmem:$0x1E800] =	vst v63  }
0x71: {  	_ =	swait.ge [sflag:s29], $0x1400  }
0x72: {  	[sflag:s29] =	ssyncset.done $0x0  }
0x73: {  	s18 =	rddreg [dreg:$0x8];
	[sflag:s29] =	ssyncadd.s32 $0xFFFFEC00  }
0x74: {  	[tilespmem:s30], [sflag:$0x3] =	stream.linear.gather [hbm4b:s18+s21], $0x1400, $0x38;
	[tilespmem:$0x1E800] =	vst v63  }
0x75: {  	_ =	swait.ge [sflag:s29], $0x1400  }
0x76: {  	[sflag:s29] =	ssyncset.done $0x0  }
0x77: {  	[sflag:s29] =	ssyncadd.s32 $0xFFFFEC00  }
0x78: {  	[tilespmem:s0], [sflag:$0x1] =	stream.indirect.gather [hbm4b:s1+s31], $0x80, s21, s31, $0xb8;
	[tilespmem:$0x1E800] =	vst v63  }
0x79: {  	s19 =	simm.s32 $0x80  }
0x7a: {  	[tilespmem:s4], [sflag:$0x2] =	stream.indirect.gather [hbm4b:s1+s31], $0x80, s19, s31, $0xb8;
	[tilespmem:$0x1E800] =	vst v63  }
0x7b: {  	_ =	swait.ge [sflag:s8], $0x3E80  }
0x7c: {  	[sflag:s8] =	ssyncset.done $0x0  }
0x7d: {  	s20 =	simm.s32 $0x1400;
	[sflag:s8] =	ssyncadd.s32 $0xFFFFC180  }
0x7e: {  	[spmem:s2] =	stream.indirect.scatter.add.f32 [tilespmem:s0], [sflag:$0x3], $0x80, s20, s31, $0xb8;
	[tilespmem:$0x1E800] =	vst v63  }
0x7f: {  	_ =	swait.ge [sflag:s29], $0x3E80  }
0x80: {  	[sflag:s29] =	ssyncset.done $0x0  }
0x81: {  	s21 =	simm.s32 $0x100;
	[sflag:s29] =	ssyncadd.s32 $0xFFFFC180  }
0x82: {  	[tilespmem:s0], [sflag:$0x1] =	stream.indirect.gather [hbm4b:s1+s31], $0x80, s21, s31, $0xb8;
	[tilespmem:$0x1E800] =	vst v63  }
0x83: {  	_ =	swait.ge [sflag:s9], $0x3E80  }
0x84: {  	[sflag:s9] =	ssyncset.done $0x0  }
0x85: {  	s22 =	simm.s32 $0x1480;
	[sflag:s9] =	ssyncadd.s32 $0xFFFFC180  }
0x86: {  	[spmem:s2] =	stream.indirect.scatter.add.f32 [tilespmem:s4], [sflag:$0x3], $0x80, s22, s31, $0xb8;
	[tilespmem:$0x1E800] =	vst v63  }
0x87: {  	_ =	swait.ge [sflag:s29], $0x3E80  }
0x88: {  	s16 =	simm.s32 $0x100;
	s17 =	simm.s32 $0x800;
	[sflag:s29] =	ssyncset.done $0x0  }
.LBB2_4:
0x89: {  	s18 =	sadd.s32 $0x80, s16  }
0x8a: {  	[sflag:s29] =	ssyncadd.s32 $0xFFFFC180;
	s19 =	smov.u32 s17;
	s20 =	sadd.s32 $0x400, s17  }
0x8b: {  	[tilespmem:s4], [sflag:$0x2] =	stream.indirect.gather [hbm4b:s1+s31], $0x80, s18, s31, $0xb8;
	[tilespmem:$0x1E800] =	vst v63  }
0x8c: {  	p1 =	sne.s32 s17, $0x4800;
	_ =	swait.ge [sflag:s8], $0x3E80  }
0x8d: {  	[sflag:s8] =	ssyncset.done $0x0  }
0x8e: {  	s17 =	sadd.s32 $0x1400, s16;
	[sflag:s8] =	ssyncadd.s32 $0xFFFFC180  }
0x8f: {  	[spmem:s2] =	stream.indirect.scatter.add.f32 [tilespmem:s0], [sflag:$0x3], $0x80, s17, s31, $0xb8;
	[tilespmem:$0x1E800] =	vst v63  }
0x90: {  	_ =	swait.ge [sflag:s29], $0x3E80  }
0x91: {  	[sflag:s29] =	ssyncset.done $0x0  }
0x92: {  	s17 =	sadd.s32 $0x100, s16;
	[sflag:s29] =	ssyncadd.s32 $0xFFFFC180  }
0x93: {  	[tilespmem:s0], [sflag:$0x1] =	stream.indirect.gather [hbm4b:s1+s31], $0x80, s17, s31, $0xb8;
	[tilespmem:$0x1E800] =	vst v63  }
0x94: {  	_ =	swait.ge [sflag:s9], $0x3E80  }
.Ltmp1:
0x95: {  	[sflag:s9] =	ssyncset.done $0x0;
	(pc) =	sbr.rel @p1 .LBB2_4-.Ltmp1, $4  }
0x96: {  	s16 =	sadd.s32 $0x1480, s16;
	[sflag:s9] =	ssyncadd.s32 $0xFFFFC180  }
0x97: {  	[spmem:s2] =	stream.indirect.scatter.add.f32 [tilespmem:s4], [sflag:$0x3], $0x80, s16, s31, $0xb8;
	[tilespmem:$0x1E800] =	vst v63  }
0x98: {  	_ =	swait.ge [sflag:s29], $0x3E80  }
0x99: {  	s17 =	smov.u32 s20;
	s16 =	sshra.s32 s19, $0x2;
	[sflag:s29] =	ssyncset.done $0x0  }
0x9a: {  	s17 =	sadd.s32 $0x80, s16;
	[sflag:s29] =	ssyncadd.s32 $0xFFFFC180  }
0x9b: {  	[tilespmem:s4], [sflag:$0x2] =	stream.indirect.gather [hbm4b:s1+s31], $0x80, s17, s31, $0xb8;
	[tilespmem:$0x1E800] =	vst v63  }
0x9c: {  	_ =	swait.ge [sflag:s8], $0x3E80  }
0x9d: {  	[sflag:s8] =	ssyncset.done $0x0  }
0x9e: {  	s18 =	sadd.s32 $0x1400, s16;
	[sflag:s8] =	ssyncadd.s32 $0xFFFFC180  }
0x9f: {  	[spmem:s2] =	stream.indirect.scatter.add.f32 [tilespmem:s0], [sflag:$0x3], $0x80, s18, s31, $0xb8;
	[tilespmem:$0x1E800] =	vst v63  }
0xa0: {  	_ =	swait.ge [sflag:s29], $0x3E80  }
0xa1: {  	[sflag:s29] =	ssyncset.done $0x0  }
0xa2: {  	s19 =	sadd.s32 $0x100, s16;
	[sflag:s29] =	ssyncadd.s32 $0xFFFFC180  }
0xa3: {  	[tilespmem:s0], [sflag:$0x1] =	stream.indirect.gather [hbm4b:s1+s31], $0x80, s19, s31, $0xb8;
	[tilespmem:$0x1E800] =	vst v63  }
0xa4: {  	_ =	swait.ge [sflag:s9], $0x3E80  }
0xa5: {  	[sflag:s9] =	ssyncset.done $0x0  }
0xa6: {  	s20 =	sadd.s32 $0x1480, s16;
	[sflag:s9] =	ssyncadd.s32 $0xFFFFC180  }
0xa7: {  	[spmem:s2] =	stream.indirect.scatter.add.f32 [tilespmem:s4], [sflag:$0x3], $0x80, s20, s31, $0xb8;
	[tilespmem:$0x1E800] =	vst v63  }
0xa8: {  	_ =	swait.ge [sflag:s29], $0x3E80  }
0xa9: {  	[sflag:s29] =	ssyncset.done $0x0  }
0xaa: {  	[sflag:s29] =	ssyncadd.s32 $0xFFFFC180  }
0xab: {  	[tilespmem:s4], [sflag:$0x2] =	stream.indirect.gather [hbm4b:s1+s31], $0x80, s10, s31, $0xb8;
	[tilespmem:$0x1E800] =	vst v63  }
0xac: {  	_ =	swait.ge [sflag:s8], $0x3E80  }
0xad: {  	[sflag:s8] =	ssyncset.done $0x0  }
0xae: {  	[sflag:s8] =	ssyncadd.s32 $0xFFFFC180  }
0xaf: {  	[spmem:s2] =	stream.indirect.scatter.add.f32 [tilespmem:s0], [sflag:$0x3], $0x80, s11, s31, $0xb8;
	[tilespmem:$0x1E800] =	vst v63  }
0xb0: {  	_ =	swait.ge [sflag:s29], $0x3E80  }
0xb1: {  	[sflag:s29] =	ssyncset.done $0x0  }
0xb2: {  	[sflag:s29] =	ssyncadd.s32 $0xFFFFC180  }
0xb3: {  	_ =	swait.ge [sflag:s9], $0x3E80  }
0xb4: {  	[sflag:s9] =	ssyncset.done $0x0  }
0xb5: {  	[sflag:s9] =	ssyncadd.s32 $0xFFFFC180  }
0xb6: {  	[spmem:s2] =	stream.indirect.scatter.add.f32 [tilespmem:s4], [sflag:$0x3], $0x80, s13, s31, $0xb8;
	[tilespmem:$0x1E800] =	vst v63  }
0xb7: {  	_ =	swait.ge [sflag:s29], $0x3E80  }
0xb8: {  	[sflag:s29] =	ssyncset.done $0x0  }
0xb9: {  	[sflag:s29] =	ssyncadd.s32 $0xFFFFC180  }
0xba: {  	[bflag:$0x0] =	sbarrier.arrive $0xFFFF  }
0xbb: {  	s16 =	rddreg [dreg:$0xa]  }
0xbc: {  	s17 =	rddreg [dreg:$0x9];
	s16 =	sshrl.u32 @p0 s16, $0x3  }
0xbd: {  	[hbm:s17], [sflag:s7] =	dma.local @p0 [spmem:s16], $0x1900  }
0xbe: {  	s17 =	simm.s32 @p0 $0x3  }
0xbf: {  	_ =	swait.ge @p0 [sflag:s17], $0x1900  }
0xc0: {  	[sflag:s17] =	ssyncset.done @p0 $0x0  }
0xc1: {  	s18 =	simm.s32 @!p0 $0x3;
	[sflag:s17] =	ssyncadd.s32 @p0 $0xFFFFE700;
	s17 =	sshrl.u32 @!p0 s6, $0x3  }
0xc2: {  	[hbm:s12], [sflag:s7] =	dma.local @!p0 [spmem:s17], $0x2800  }
0xc3: {  	_ =	swait.ge @!p0 [sflag:s18], $0x2800  }
0xc4: {  	[sflag:s18] =	ssyncset.done @!p0 $0x0  }
0xc5: {  	[sflag:s18] =	ssyncadd.s32 @!p0 $0xFFFFD800  }
0xc6: {  	[spmem:s15], [sflag:s7] =	dma.local [hbm:s5], $0x2800  }
0xc7: {  	_ =	swait.ge [sflag:s29], $0x2800  }
0xc8: {  	[sflag:s29] =	ssyncset.done $0x0  }
0xc9: {  	[sflag:s29] =	ssyncadd.s32 $0xFFFFD800  }
0xca: {  	[bflag:$0x0] =	sbarrier.arrive $0xFFFF  }
0xcb: {  	s21 =	simm.s32 $0x0;
	s19 =	rddreg [dreg:$0xb]  }
0xcc: {  	[tilespmem:s21], [sflag:$0x3] =	stream.linear.gather [hbm4b:s19+s21], $0x1400, $0x38;
	[tilespmem:$0x1E800] =	vst v63  }
0xcd: {  	_ =	swait.ge [sflag:s29], $0x1400  }
0xce: {  	[sflag:s29] =	ssyncset.done $0x0  }
0xcf: {  	s22 =	rddreg [dreg:$0xc];
	[sflag:s29] =	ssyncadd.s32 $0xFFFFEC00  }
0xd0: {  	[tilespmem:s30], [sflag:$0x3] =	stream.linear.gather [hbm4b:s22+s21], $0x1400, $0x38;
	[tilespmem:$0x1E800] =	vst v63  }
0xd1: {  	_ =	swait.ge [sflag:s29], $0x1400  }
0xd2: {  	[sflag:s29] =	ssyncset.done $0x0  }
0xd3: {  	[sflag:s29] =	ssyncadd.s32 $0xFFFFEC00  }
0xd4: {  	[tilespmem:s0], [sflag:$0x1] =	stream.indirect.gather [hbm4b:s1+s31], $0x80, s21, s31, $0xb8;
	[tilespmem:$0x1E800] =	vst v63  }
0xd5: {  	s19 =	simm.s32 $0x80  }
0xd6: {  	[tilespmem:s4], [sflag:$0x2] =	stream.indirect.gather [hbm4b:s1+s31], $0x80, s19, s31, $0xb8;
	[tilespmem:$0x1E800] =	vst v63  }
0xd7: {  	_ =	swait.ge [sflag:s8], $0x3E80  }
0xd8: {  	[sflag:s8] =	ssyncset.done $0x0  }
0xd9: {  	s20 =	simm.s32 $0x1400;
	[sflag:s8] =	ssyncadd.s32 $0xFFFFC180  }
0xda: {  	[spmem:s2] =	stream.indirect.scatter.add.f32 [tilespmem:s0], [sflag:$0x3], $0x80, s20, s31, $0xb8;
	[tilespmem:$0x1E800] =	vst v63  }
0xdb: {  	_ =	swait.ge [sflag:s29], $0x3E80  }
0xdc: {  	[sflag:s29] =	ssyncset.done $0x0  }
0xdd: {  	s21 =	simm.s32 $0x100;
	[sflag:s29] =	ssyncadd.s32 $0xFFFFC180  }
0xde: {  	[tilespmem:s0], [sflag:$0x1] =	stream.indirect.gather [hbm4b:s1+s31], $0x80, s21, s31, $0xb8;
	[tilespmem:$0x1E800] =	vst v63  }
0xdf: {  	_ =	swait.ge [sflag:s9], $0x3E80  }
0xe0: {  	[sflag:s9] =	ssyncset.done $0x0  }
0xe1: {  	s22 =	simm.s32 $0x1480;
	[sflag:s9] =	ssyncadd.s32 $0xFFFFC180  }
0xe2: {  	[spmem:s2] =	stream.indirect.scatter.add.f32 [tilespmem:s4], [sflag:$0x3], $0x80, s22, s31, $0xb8;
	[tilespmem:$0x1E800] =	vst v63  }
0xe3: {  	_ =	swait.ge [sflag:s29], $0x3E80  }
0xe4: {  	s18 =	simm.s32 $0x100;
	s19 =	simm.s32 $0x800;
	[sflag:s29] =	ssyncset.done $0x0  }
.LBB2_6:
0xe5: {  	s20 =	sadd.s32 $0x80, s18  }
0xe6: {  	[sflag:s29] =	ssyncadd.s32 $0xFFFFC180;
	s21 =	smov.u32 s19;
	s22 =	sadd.s32 $0x400, s19  }
0xe7: {  	[tilespmem:s4], [sflag:$0x2] =	stream.indirect.gather [hbm4b:s1+s31], $0x80, s20, s31, $0xb8;
	[tilespmem:$0x1E800] =	vst v63  }
0xe8: {  	p1 =	sne.s32 s19, $0x4800;
	_ =	swait.ge [sflag:s8], $0x3E80  }
0xe9: {  	[sflag:s8] =	ssyncset.done $0x0  }
0xea: {  	s19 =	sadd.s32 $0x1400, s18;
	[sflag:s8] =	ssyncadd.s32 $0xFFFFC180  }
0xeb: {  	[spmem:s2] =	stream.indirect.scatter.add.f32 [tilespmem:s0], [sflag:$0x3], $0x80, s19, s31, $0xb8;
	[tilespmem:$0x1E800] =	vst v63  }
0xec: {  	_ =	swait.ge [sflag:s29], $0x3E80  }
0xed: {  	[sflag:s29] =	ssyncset.done $0x0  }
0xee: {  	s19 =	sadd.s32 $0x100, s18;
	[sflag:s29] =	ssyncadd.s32 $0xFFFFC180  }
0xef: {  	[tilespmem:s0], [sflag:$0x1] =	stream.indirect.gather [hbm4b:s1+s31], $0x80, s19, s31, $0xb8;
	[tilespmem:$0x1E800] =	vst v63  }
0xf0: {  	_ =	swait.ge [sflag:s9], $0x3E80  }
.Ltmp2:
0xf1: {  	[sflag:s9] =	ssyncset.done $0x0;
	(pc) =	sbr.rel @p1 .LBB2_6-.Ltmp2, $4  }
0xf2: {  	s18 =	sadd.s32 $0x1480, s18;
	[sflag:s9] =	ssyncadd.s32 $0xFFFFC180  }
0xf3: {  	[spmem:s2] =	stream.indirect.scatter.add.f32 [tilespmem:s4], [sflag:$0x3], $0x80, s18, s31, $0xb8;
	[tilespmem:$0x1E800] =	vst v63  }
0xf4: {  	_ =	swait.ge [sflag:s29], $0x3E80  }
0xf5: {  	s19 =	smov.u32 s22;
	s18 =	sshra.s32 s21, $0x2;
	[sflag:s29] =	ssyncset.done $0x0  }
0xf6: {  	s19 =	sadd.s32 $0x80, s18;
	[sflag:s29] =	ssyncadd.s32 $0xFFFFC180  }
0xf7: {  	[tilespmem:s4], [sflag:$0x2] =	stream.indirect.gather [hbm4b:s1+s31], $0x80, s19, s31, $0xb8;
	[tilespmem:$0x1E800] =	vst v63  }
0xf8: {  	_ =	swait.ge [sflag:s8], $0x3E80  }
0xf9: {  	[sflag:s8] =	ssyncset.done $0x0  }
0xfa: {  	s21 =	sadd.s32 $0x1400, s18;
	[sflag:s8] =	ssyncadd.s32 $0xFFFFC180  }
0xfb: {  	[spmem:s2] =	stream.indirect.scatter.add.f32 [tilespmem:s0], [sflag:$0x3], $0x80, s21, s31, $0xb8;
	[tilespmem:$0x1E800] =	vst v63  }
0xfc: {  	_ =	swait.ge [sflag:s29], $0x3E80  }
0xfd: {  	[sflag:s29] =	ssyncset.done $0x0  }
0xfe: {  	s22 =	sadd.s32 $0x100, s18;
	[sflag:s29] =	ssyncadd.s32 $0xFFFFC180  }
0xff: {  	[tilespmem:s0], [sflag:$0x1] =	stream.indirect.gather [hbm4b:s1+s31], $0x80, s22, s31, $0xb8;
	[tilespmem:$0x1E800] =	vst v63  }
0x100: {  	_ =	swait.ge [sflag:s9], $0x3E80  }
0x101: {  	[sflag:s9] =	ssyncset.done $0x0  }
0x102: {  	s19 =	sadd.s32 $0x1480, s18;
	[sflag:s9] =	ssyncadd.s32 $0xFFFFC180  }
0x103: {  	[spmem:s2] =	stream.indirect.scatter.add.f32 [tilespmem:s4], [sflag:$0x3], $0x80, s19, s31, $0xb8;
	[tilespmem:$0x1E800] =	vst v63  }
0x104: {  	_ =	swait.ge [sflag:s29], $0x3E80  }
0x105: {  	[sflag:s29] =	ssyncset.done $0x0  }
0x106: {  	[sflag:s29] =	ssyncadd.s32 $0xFFFFC180  }
0x107: {  	[tilespmem:s4], [sflag:$0x2] =	stream.indirect.gather [hbm4b:s1+s31], $0x80, s10, s31, $0xb8;
	[tilespmem:$0x1E800] =	vst v63  }
0x108: {  	_ =	swait.ge [sflag:s8], $0x3E80  }
0x109: {  	[sflag:s8] =	ssyncset.done $0x0  }
0x10a: {  	[sflag:s8] =	ssyncadd.s32 $0xFFFFC180  }
0x10b: {  	[spmem:s2] =	stream.indirect.scatter.add.f32 [tilespmem:s0], [sflag:$0x3], $0x80, s11, s31, $0xb8;
	[tilespmem:$0x1E800] =	vst v63  }
0x10c: {  	_ =	swait.ge [sflag:s29], $0x3E80  }
0x10d: {  	[sflag:s29] =	ssyncset.done $0x0  }
0x10e: {  	[sflag:s29] =	ssyncadd.s32 $0xFFFFC180  }
0x10f: {  	_ =	swait.ge [sflag:s9], $0x3E80  }
0x110: {  	[sflag:s9] =	ssyncset.done $0x0  }
0x111: {  	[sflag:s9] =	ssyncadd.s32 $0xFFFFC180  }
0x112: {  	[spmem:s2] =	stream.indirect.scatter.add.f32 [tilespmem:s4], [sflag:$0x3], $0x80, s13, s31, $0xb8;
	[tilespmem:$0x1E800] =	vst v63  }
0x113: {  	_ =	swait.ge [sflag:s29], $0x3E80  }
0x114: {  	[sflag:s29] =	ssyncset.done $0x0  }
0x115: {  	s20 =	simm.s32 $0x0;
	s21 =	rddreg [dreg:$0xd];
	[sflag:s29] =	ssyncadd.s32 $0xFFFFC180  }
0x116: {  	[tilespmem:s20], [sflag:$0x3] =	stream.linear.gather [hbm4b:s21+s20], $0x1400, $0x38;
	[tilespmem:$0x1E800] =	vst v63  }
0x117: {  	_ =	swait.ge [sflag:s29], $0x1400  }
0x118: {  	[sflag:s29] =	ssyncset.done $0x0  }
0x119: {  	s22 =	rddreg [dreg:$0xe];
	[sflag:s29] =	ssyncadd.s32 $0xFFFFEC00  }
0x11a: {  	[tilespmem:s30], [sflag:$0x3] =	stream.linear.gather [hbm4b:s22+s20], $0x1400, $0x38;
	[tilespmem:$0x1E800] =	vst v63  }
0x11b: {  	_ =	swait.ge [sflag:s29], $0x1400  }
0x11c: {  	[sflag:s29] =	ssyncset.done $0x0  }
0x11d: {  	[sflag:s29] =	ssyncadd.s32 $0xFFFFEC00  }
0x11e: {  	[tilespmem:s0], [sflag:$0x1] =	stream.indirect.gather [hbm4b:s1+s31], $0x80, s20, s31, $0xb8;
	[tilespmem:$0x1E800] =	vst v63  }
0x11f: {  	s19 =	simm.s32 $0x80  }
0x120: {  	[tilespmem:s4], [sflag:$0x2] =	stream.indirect.gather [hbm4b:s1+s31], $0x80, s19, s31, $0xb8;
	[tilespmem:$0x1E800] =	vst v63  }
0x121: {  	_ =	swait.ge [sflag:s8], $0x3E80  }
0x122: {  	[sflag:s8] =	ssyncset.done $0x0  }
0x123: {  	s20 =	simm.s32 $0x1400;
	[sflag:s8] =	ssyncadd.s32 $0xFFFFC180  }
0x124: {  	[spmem:s2] =	stream.indirect.scatter.add.f32 [tilespmem:s0], [sflag:$0x3], $0x80, s20, s31, $0xb8;
	[tilespmem:$0x1E800] =	vst v63  }
0x125: {  	_ =	swait.ge [sflag:s29], $0x3E80  }
0x126: {  	[sflag:s29] =	ssyncset.done $0x0  }
0x127: {  	s21 =	simm.s32 $0x100;
	[sflag:s29] =	ssyncadd.s32 $0xFFFFC180  }
0x128: {  	[tilespmem:s0], [sflag:$0x1] =	stream.indirect.gather [hbm4b:s1+s31], $0x80, s21, s31, $0xb8;
	[tilespmem:$0x1E800] =	vst v63  }
0x129: {  	_ =	swait.ge [sflag:s9], $0x3E80  }
0x12a: {  	[sflag:s9] =	ssyncset.done $0x0  }
0x12b: {  	s22 =	simm.s32 $0x1480;
	[sflag:s9] =	ssyncadd.s32 $0xFFFFC180  }
0x12c: {  	[spmem:s2] =	stream.indirect.scatter.add.f32 [tilespmem:s4], [sflag:$0x3], $0x80, s22, s31, $0xb8;
	[tilespmem:$0x1E800] =	vst v63  }
0x12d: {  	_ =	swait.ge [sflag:s29], $0x3E80  }
0x12e: {  	s18 =	simm.s32 $0x100;
	s19 =	simm.s32 $0x800;
	[sflag:s29] =	ssyncset.done $0x0  }
.LBB2_8:
0x12f: {  	s20 =	sadd.s32 $0x80, s18  }
0x130: {  	[sflag:s29] =	ssyncadd.s32 $0xFFFFC180;
	s21 =	smov.u32 s19;
	s22 =	sadd.s32 $0x400, s19  }
0x131: {  	[tilespmem:s4], [sflag:$0x2] =	stream.indirect.gather [hbm4b:s1+s31], $0x80, s20, s31, $0xb8;
	[tilespmem:$0x1E800] =	vst v63  }
0x132: {  	p1 =	sne.s32 s19, $0x4800;
	_ =	swait.ge [sflag:s8], $0x3E80  }
0x133: {  	[sflag:s8] =	ssyncset.done $0x0  }
0x134: {  	s19 =	sadd.s32 $0x1400, s18;
	[sflag:s8] =	ssyncadd.s32 $0xFFFFC180  }
0x135: {  	[spmem:s2] =	stream.indirect.scatter.add.f32 [tilespmem:s0], [sflag:$0x3], $0x80, s19, s31, $0xb8;
	[tilespmem:$0x1E800] =	vst v63  }
0x136: {  	_ =	swait.ge [sflag:s29], $0x3E80  }
0x137: {  	[sflag:s29] =	ssyncset.done $0x0  }
0x138: {  	s19 =	sadd.s32 $0x100, s18;
	[sflag:s29] =	ssyncadd.s32 $0xFFFFC180  }
0x139: {  	[tilespmem:s0], [sflag:$0x1] =	stream.indirect.gather [hbm4b:s1+s31], $0x80, s19, s31, $0xb8;
	[tilespmem:$0x1E800] =	vst v63  }
0x13a: {  	_ =	swait.ge [sflag:s9], $0x3E80  }
.Ltmp3:
0x13b: {  	[sflag:s9] =	ssyncset.done $0x0;
	(pc) =	sbr.rel @p1 .LBB2_8-.Ltmp3, $4  }
0x13c: {  	s18 =	sadd.s32 $0x1480, s18;
	[sflag:s9] =	ssyncadd.s32 $0xFFFFC180  }
0x13d: {  	[spmem:s2] =	stream.indirect.scatter.add.f32 [tilespmem:s4], [sflag:$0x3], $0x80, s18, s31, $0xb8;
	[tilespmem:$0x1E800] =	vst v63  }
0x13e: {  	_ =	swait.ge [sflag:s29], $0x3E80  }
0x13f: {  	s19 =	smov.u32 s22;
	s18 =	sshra.s32 s21, $0x2;
	[sflag:s29] =	ssyncset.done $0x0  }
0x140: {  	s19 =	sadd.s32 $0x80, s18;
	[sflag:s29] =	ssyncadd.s32 $0xFFFFC180  }
0x141: {  	[tilespmem:s4], [sflag:$0x2] =	stream.indirect.gather [hbm4b:s1+s31], $0x80, s19, s31, $0xb8;
	[tilespmem:$0x1E800] =	vst v63  }
0x142: {  	_ =	swait.ge [sflag:s8], $0x3E80  }
0x143: {  	[sflag:s8] =	ssyncset.done $0x0  }
0x144: {  	s21 =	sadd.s32 $0x1400, s18;
	[sflag:s8] =	ssyncadd.s32 $0xFFFFC180  }
0x145: {  	[spmem:s2] =	stream.indirect.scatter.add.f32 [tilespmem:s0], [sflag:$0x3], $0x80, s21, s31, $0xb8;
	[tilespmem:$0x1E800] =	vst v63  }
0x146: {  	_ =	swait.ge [sflag:s29], $0x3E80  }
0x147: {  	[sflag:s29] =	ssyncset.done $0x0  }
0x148: {  	s22 =	sadd.s32 $0x100, s18;
	[sflag:s29] =	ssyncadd.s32 $0xFFFFC180  }
0x149: {  	[tilespmem:s0], [sflag:$0x1] =	stream.indirect.gather [hbm4b:s1+s31], $0x80, s22, s31, $0xb8;
	[tilespmem:$0x1E800] =	vst v63  }
0x14a: {  	_ =	swait.ge [sflag:s9], $0x3E80  }
0x14b: {  	[sflag:s9] =	ssyncset.done $0x0  }
0x14c: {  	s19 =	sadd.s32 $0x1480, s18;
	[sflag:s9] =	ssyncadd.s32 $0xFFFFC180  }
0x14d: {  	[spmem:s2] =	stream.indirect.scatter.add.f32 [tilespmem:s4], [sflag:$0x3], $0x80, s19, s31, $0xb8;
	[tilespmem:$0x1E800] =	vst v63  }
0x14e: {  	_ =	swait.ge [sflag:s29], $0x3E80  }
0x14f: {  	[sflag:s29] =	ssyncset.done $0x0  }
0x150: {  	[sflag:s29] =	ssyncadd.s32 $0xFFFFC180  }
0x151: {  	[tilespmem:s4], [sflag:$0x2] =	stream.indirect.gather [hbm4b:s1+s31], $0x80, s10, s31, $0xb8;
	[tilespmem:$0x1E800] =	vst v63  }
0x152: {  	_ =	swait.ge [sflag:s8], $0x3E80  }
0x153: {  	[sflag:s8] =	ssyncset.done $0x0  }
0x154: {  	[sflag:s8] =	ssyncadd.s32 $0xFFFFC180  }
0x155: {  	[spmem:s2] =	stream.indirect.scatter.add.f32 [tilespmem:s0], [sflag:$0x3], $0x80, s11, s31, $0xb8;
	[tilespmem:$0x1E800] =	vst v63  }
0x156: {  	_ =	swait.ge [sflag:s29], $0x3E80  }
0x157: {  	[sflag:s29] =	ssyncset.done $0x0  }
0x158: {  	[sflag:s29] =	ssyncadd.s32 $0xFFFFC180  }
0x159: {  	_ =	swait.ge [sflag:s9], $0x3E80  }
0x15a: {  	[sflag:s9] =	ssyncset.done $0x0  }
0x15b: {  	[sflag:s9] =	ssyncadd.s32 $0xFFFFC180  }
0x15c: {  	[spmem:s2] =	stream.indirect.scatter.add.f32 [tilespmem:s4], [sflag:$0x3], $0x80, s13, s31, $0xb8;
	[tilespmem:$0x1E800] =	vst v63  }
0x15d: {  	_ =	swait.ge [sflag:s29], $0x3E80  }
0x15e: {  	[sflag:s29] =	ssyncset.done $0x0  }
0x15f: {  	[sflag:s29] =	ssyncadd.s32 $0xFFFFC180  }
0x160: {  	s18 =	simm.s32 @p0 $0x3;
	[bflag:$0x0] =	sbarrier.arrive $0xFFFF  }
0x161: {  	[hbm:s23], [sflag:s7] =	dma.local @p0 [spmem:s16], $0x1900  }
0x162: {  	_ =	swait.ge @p0 [sflag:s18], $0x1900  }
0x163: {  	[sflag:s18] =	ssyncset.done @p0 $0x0  }
0x164: {  	[sflag:s18] =	ssyncadd.s32 @p0 $0xFFFFE700;
	s18 =	simm.s32 @!p0 $0x3  }
0x165: {  	[hbm:s26], [sflag:s7] =	dma.local @!p0 [spmem:s17], $0x2800  }
0x166: {  	_ =	swait.ge @!p0 [sflag:s18], $0x2800  }
0x167: {  	[sflag:s18] =	ssyncset.done @!p0 $0x0  }
0x168: {  	[sflag:s18] =	ssyncadd.s32 @!p0 $0xFFFFD800  }
0x169: {  	[spmem:s15], [sflag:s7] =	dma.local [hbm:s5], $0x2800  }
0x16a: {  	_ =	swait.ge [sflag:s29], $0x2800  }
0x16b: {  	[sflag:s29] =	ssyncset.done $0x0  }
0x16c: {  	[sflag:s29] =	ssyncadd.s32 $0xFFFFD800  }
0x16d: {  	[bflag:$0x0] =	sbarrier.arrive $0xFFFF  }
0x16e: {  	s20 =	simm.s32 $0x0;
	s21 =	rddreg [dreg:$0xf]  }
0x16f: {  	[tilespmem:s20], [sflag:$0x3] =	stream.linear.gather [hbm4b:s21+s20], $0x1400, $0x38;
	[tilespmem:$0x1E800] =	vst v63  }
0x170: {  	_ =	swait.ge [sflag:s29], $0x1400  }
0x171: {  	[sflag:s29] =	ssyncset.done $0x0  }
0x172: {  	s22 =	rddreg [dreg:$0x10];
	[sflag:s29] =	ssyncadd.s32 $0xFFFFEC00  }
0x173: {  	[tilespmem:s30], [sflag:$0x3] =	stream.linear.gather [hbm4b:s22+s20], $0x1400, $0x38;
	[tilespmem:$0x1E800] =	vst v63  }
0x174: {  	_ =	swait.ge [sflag:s29], $0x1400  }
0x175: {  	[sflag:s29] =	ssyncset.done $0x0  }
0x176: {  	[sflag:s29] =	ssyncadd.s32 $0xFFFFEC00  }
0x177: {  	[tilespmem:s0], [sflag:$0x1] =	stream.indirect.gather [hbm4b:s1+s31], $0x80, s20, s31, $0xb8;
	[tilespmem:$0x1E800] =	vst v63  }
0x178: {  	s19 =	simm.s32 $0x80  }
0x179: {  	[tilespmem:s4], [sflag:$0x2] =	stream.indirect.gather [hbm4b:s1+s31], $0x80, s19, s31, $0xb8;
	[tilespmem:$0x1E800] =	vst v63  }
0x17a: {  	_ =	swait.ge [sflag:s8], $0x3E80  }
0x17b: {  	[sflag:s8] =	ssyncset.done $0x0  }
0x17c: {  	s20 =	simm.s32 $0x1400;
	[sflag:s8] =	ssyncadd.s32 $0xFFFFC180  }
0x17d: {  	[spmem:s2] =	stream.indirect.scatter.add.f32 [tilespmem:s0], [sflag:$0x3], $0x80, s20, s31, $0xb8;
	[tilespmem:$0x1E800] =	vst v63  }
0x17e: {  	_ =	swait.ge [sflag:s29], $0x3E80  }
0x17f: {  	[sflag:s29] =	ssyncset.done $0x0  }
0x180: {  	s21 =	simm.s32 $0x100;
	[sflag:s29] =	ssyncadd.s32 $0xFFFFC180  }
0x181: {  	[tilespmem:s0], [sflag:$0x1] =	stream.indirect.gather [hbm4b:s1+s31], $0x80, s21, s31, $0xb8;
	[tilespmem:$0x1E800] =	vst v63  }
0x182: {  	_ =	swait.ge [sflag:s9], $0x3E80  }
0x183: {  	[sflag:s9] =	ssyncset.done $0x0  }
0x184: {  	s22 =	simm.s32 $0x1480;
	[sflag:s9] =	ssyncadd.s32 $0xFFFFC180  }
0x185: {  	[spmem:s2] =	stream.indirect.scatter.add.f32 [tilespmem:s4], [sflag:$0x3], $0x80, s22, s31, $0xb8;
	[tilespmem:$0x1E800] =	vst v63  }
0x186: {  	_ =	swait.ge [sflag:s29], $0x3E80  }
0x187: {  	s18 =	simm.s32 $0x800;
	s15 =	simm.s32 $0x100;
	[sflag:s29] =	ssyncset.done $0x0  }
.LBB2_10:
0x188: {  	s19 =	sadd.s32 $0x80, s15  }
0x189: {  	[sflag:s29] =	ssyncadd.s32 $0xFFFFC180;
	s20 =	smov.u32 s18;
	s21 =	sadd.s32 $0x400, s18  }
0x18a: {  	[tilespmem:s4], [sflag:$0x2] =	stream.indirect.gather [hbm4b:s1+s31], $0x80, s19, s31, $0xb8;
	[tilespmem:$0x1E800] =	vst v63  }
0x18b: {  	p1 =	sne.s32 s18, $0x4800;
	_ =	swait.ge [sflag:s8], $0x3E80  }
0x18c: {  	[sflag:s8] =	ssyncset.done $0x0  }
0x18d: {  	s18 =	sadd.s32 $0x1400, s15;
	[sflag:s8] =	ssyncadd.s32 $0xFFFFC180  }
0x18e: {  	[spmem:s2] =	stream.indirect.scatter.add.f32 [tilespmem:s0], [sflag:$0x3], $0x80, s18, s31, $0xb8;
	[tilespmem:$0x1E800] =	vst v63  }
0x18f: {  	_ =	swait.ge [sflag:s29], $0x3E80  }
0x190: {  	[sflag:s29] =	ssyncset.done $0x0  }
0x191: {  	s18 =	sadd.s32 $0x100, s15;
	[sflag:s29] =	ssyncadd.s32 $0xFFFFC180  }
0x192: {  	[tilespmem:s0], [sflag:$0x1] =	stream.indirect.gather [hbm4b:s1+s31], $0x80, s18, s31, $0xb8;
	[tilespmem:$0x1E800] =	vst v63  }
0x193: {  	_ =	swait.ge [sflag:s9], $0x3E80  }
.Ltmp4:
0x194: {  	[sflag:s9] =	ssyncset.done $0x0;
	(pc) =	sbr.rel @p1 .LBB2_10-.Ltmp4, $4  }
0x195: {  	s15 =	sadd.s32 $0x1480, s15;
	[sflag:s9] =	ssyncadd.s32 $0xFFFFC180  }
0x196: {  	[spmem:s2] =	stream.indirect.scatter.add.f32 [tilespmem:s4], [sflag:$0x3], $0x80, s15, s31, $0xb8;
	[tilespmem:$0x1E800] =	vst v63  }
0x197: {  	_ =	swait.ge [sflag:s29], $0x3E80  }
0x198: {  	s18 =	smov.u32 s21;
	s15 =	sshra.s32 s20, $0x2;
	[sflag:s29] =	ssyncset.done $0x0  }
0x199: {  	s18 =	sadd.s32 $0x80, s15;
	[sflag:s29] =	ssyncadd.s32 $0xFFFFC180  }
0x19a: {  	[tilespmem:s4], [sflag:$0x2] =	stream.indirect.gather [hbm4b:s1+s31], $0x80, s18, s31, $0xb8;
	[tilespmem:$0x1E800] =	vst v63  }
0x19b: {  	_ =	swait.ge [sflag:s8], $0x3E80  }
0x19c: {  	[sflag:s8] =	ssyncset.done $0x0  }
0x19d: {  	s21 =	sadd.s32 $0x1400, s15;
	[sflag:s8] =	ssyncadd.s32 $0xFFFFC180  }
0x19e: {  	[spmem:s2] =	stream.indirect.scatter.add.f32 [tilespmem:s0], [sflag:$0x3], $0x80, s21, s31, $0xb8;
	[tilespmem:$0x1E800] =	vst v63  }
0x19f: {  	_ =	swait.ge [sflag:s29], $0x3E80  }
0x1a0: {  	[sflag:s29] =	ssyncset.done $0x0  }
0x1a1: {  	s22 =	sadd.s32 $0x100, s15;
	[sflag:s29] =	ssyncadd.s32 $0xFFFFC180  }
0x1a2: {  	[tilespmem:s0], [sflag:$0x1] =	stream.indirect.gather [hbm4b:s1+s31], $0x80, s22, s31, $0xb8;
	[tilespmem:$0x1E800] =	vst v63  }
0x1a3: {  	_ =	swait.ge [sflag:s9], $0x3E80  }
0x1a4: {  	[sflag:s9] =	ssyncset.done $0x0  }
0x1a5: {  	s19 =	sadd.s32 $0x1480, s15;
	[sflag:s9] =	ssyncadd.s32 $0xFFFFC180  }
0x1a6: {  	[spmem:s2] =	stream.indirect.scatter.add.f32 [tilespmem:s4], [sflag:$0x3], $0x80, s19, s31, $0xb8;
	[tilespmem:$0x1E800] =	vst v63  }
0x1a7: {  	_ =	swait.ge [sflag:s29], $0x3E80  }
0x1a8: {  	[sflag:s29] =	ssyncset.done $0x0  }
0x1a9: {  	[sflag:s29] =	ssyncadd.s32 $0xFFFFC180  }
0x1aa: {  	[tilespmem:s4], [sflag:$0x2] =	stream.indirect.gather [hbm4b:s1+s31], $0x80, s10, s31, $0xb8;
	[tilespmem:$0x1E800] =	vst v63  }
0x1ab: {  	_ =	swait.ge [sflag:s8], $0x3E80  }
0x1ac: {  	[sflag:s8] =	ssyncset.done $0x0  }
0x1ad: {  	[sflag:s8] =	ssyncadd.s32 $0xFFFFC180  }
0x1ae: {  	[spmem:s2] =	stream.indirect.scatter.add.f32 [tilespmem:s0], [sflag:$0x3], $0x80, s11, s31, $0xb8;
	[tilespmem:$0x1E800] =	vst v63  }
0x1af: {  	_ =	swait.ge [sflag:s29], $0x3E80  }
0x1b0: {  	[sflag:s29] =	ssyncset.done $0x0  }
0x1b1: {  	[sflag:s29] =	ssyncadd.s32 $0xFFFFC180  }
0x1b2: {  	_ =	swait.ge [sflag:s9], $0x3E80  }
0x1b3: {  	[sflag:s9] =	ssyncset.done $0x0  }
0x1b4: {  	[sflag:s9] =	ssyncadd.s32 $0xFFFFC180  }
0x1b5: {  	[spmem:s2] =	stream.indirect.scatter.add.f32 [tilespmem:s4], [sflag:$0x3], $0x80, s13, s31, $0xb8;
	[tilespmem:$0x1E800] =	vst v63  }
0x1b6: {  	_ =	swait.ge [sflag:s29], $0x3E80  }
0x1b7: {  	[sflag:s29] =	ssyncset.done $0x0  }
0x1b8: {  	s20 =	simm.s32 $0x0;
	s21 =	rddreg [dreg:$0x11];
	[sflag:s29] =	ssyncadd.s32 $0xFFFFC180  }
0x1b9: {  	[tilespmem:s20], [sflag:$0x3] =	stream.linear.gather [hbm4b:s21+s20], $0x1400, $0x38;
	[tilespmem:$0x1E800] =	vst v63  }
0x1ba: {  	_ =	swait.ge [sflag:s29], $0x1400  }
0x1bb: {  	[sflag:s29] =	ssyncset.done $0x0  }
0x1bc: {  	s22 =	rddreg [dreg:$0x12];
	[sflag:s29] =	ssyncadd.s32 $0xFFFFEC00  }
0x1bd: {  	[tilespmem:s30], [sflag:$0x3] =	stream.linear.gather [hbm4b:s22+s20], $0x1400, $0x38;
	[tilespmem:$0x1E800] =	vst v63  }
0x1be: {  	_ =	swait.ge [sflag:s29], $0x1400  }
0x1bf: {  	[sflag:s29] =	ssyncset.done $0x0  }
0x1c0: {  	[sflag:s29] =	ssyncadd.s32 $0xFFFFEC00  }
0x1c1: {  	[tilespmem:s0], [sflag:$0x1] =	stream.indirect.gather [hbm4b:s1+s31], $0x80, s20, s31, $0xb8;
	[tilespmem:$0x1E800] =	vst v63  }
0x1c2: {  	s19 =	simm.s32 $0x80  }
0x1c3: {  	[tilespmem:s4], [sflag:$0x2] =	stream.indirect.gather [hbm4b:s1+s31], $0x80, s19, s31, $0xb8;
	[tilespmem:$0x1E800] =	vst v63  }
0x1c4: {  	_ =	swait.ge [sflag:s8], $0x3E80  }
0x1c5: {  	[sflag:s8] =	ssyncset.done $0x0  }
0x1c6: {  	s20 =	simm.s32 $0x1400;
	[sflag:s8] =	ssyncadd.s32 $0xFFFFC180  }
0x1c7: {  	[spmem:s2] =	stream.indirect.scatter.add.f32 [tilespmem:s0], [sflag:$0x3], $0x80, s20, s31, $0xb8;
	[tilespmem:$0x1E800] =	vst v63  }
0x1c8: {  	_ =	swait.ge [sflag:s29], $0x3E80  }
0x1c9: {  	[sflag:s29] =	ssyncset.done $0x0  }
0x1ca: {  	s21 =	simm.s32 $0x100;
	[sflag:s29] =	ssyncadd.s32 $0xFFFFC180  }
0x1cb: {  	[tilespmem:s0], [sflag:$0x1] =	stream.indirect.gather [hbm4b:s1+s31], $0x80, s21, s31, $0xb8;
	[tilespmem:$0x1E800] =	vst v63  }
0x1cc: {  	_ =	swait.ge [sflag:s9], $0x3E80  }
0x1cd: {  	[sflag:s9] =	ssyncset.done $0x0  }
0x1ce: {  	s22 =	simm.s32 $0x1480;
	[sflag:s9] =	ssyncadd.s32 $0xFFFFC180  }
0x1cf: {  	[spmem:s2] =	stream.indirect.scatter.add.f32 [tilespmem:s4], [sflag:$0x3], $0x80, s22, s31, $0xb8;
	[tilespmem:$0x1E800] =	vst v63  }
0x1d0: {  	_ =	swait.ge [sflag:s29], $0x3E80  }
0x1d1: {  	s15 =	simm.s32 $0x100;
	s18 =	simm.s32 $0x800;
	[sflag:s29] =	ssyncset.done $0x0  }
.LBB2_12:
0x1d2: {  	s19 =	sadd.s32 $0x80, s15  }
0x1d3: {  	[sflag:s29] =	ssyncadd.s32 $0xFFFFC180;
	s20 =	smov.u32 s18;
	s21 =	sadd.s32 $0x400, s18  }
0x1d4: {  	[tilespmem:s4], [sflag:$0x2] =	stream.indirect.gather [hbm4b:s1+s31], $0x80, s19, s31, $0xb8;
	[tilespmem:$0x1E800] =	vst v63  }
0x1d5: {  	p1 =	sne.s32 s18, $0x4800;
	_ =	swait.ge [sflag:s8], $0x3E80  }
0x1d6: {  	[sflag:s8] =	ssyncset.done $0x0  }
0x1d7: {  	s18 =	sadd.s32 $0x1400, s15;
	[sflag:s8] =	ssyncadd.s32 $0xFFFFC180  }
0x1d8: {  	[spmem:s2] =	stream.indirect.scatter.add.f32 [tilespmem:s0], [sflag:$0x3], $0x80, s18, s31, $0xb8;
	[tilespmem:$0x1E800] =	vst v63  }
0x1d9: {  	_ =	swait.ge [sflag:s29], $0x3E80  }
0x1da: {  	[sflag:s29] =	ssyncset.done $0x0  }
0x1db: {  	s18 =	sadd.s32 $0x100, s15;
	[sflag:s29] =	ssyncadd.s32 $0xFFFFC180  }
0x1dc: {  	[tilespmem:s0], [sflag:$0x1] =	stream.indirect.gather [hbm4b:s1+s31], $0x80, s18, s31, $0xb8;
	[tilespmem:$0x1E800] =	vst v63  }
0x1dd: {  	_ =	swait.ge [sflag:s9], $0x3E80  }
.Ltmp5:
0x1de: {  	[sflag:s9] =	ssyncset.done $0x0;
	(pc) =	sbr.rel @p1 .LBB2_12-.Ltmp5, $4  }
0x1df: {  	s15 =	sadd.s32 $0x1480, s15;
	[sflag:s9] =	ssyncadd.s32 $0xFFFFC180  }
0x1e0: {  	[spmem:s2] =	stream.indirect.scatter.add.f32 [tilespmem:s4], [sflag:$0x3], $0x80, s15, s31, $0xb8;
	[tilespmem:$0x1E800] =	vst v63  }
0x1e1: {  	_ =	swait.ge [sflag:s29], $0x3E80  }
0x1e2: {  	s18 =	smov.u32 s21;
	s15 =	sshra.s32 s20, $0x2;
	[sflag:s29] =	ssyncset.done $0x0  }
0x1e3: {  	s18 =	sadd.s32 $0x80, s15;
	[sflag:s29] =	ssyncadd.s32 $0xFFFFC180  }
0x1e4: {  	[tilespmem:s4], [sflag:$0x2] =	stream.indirect.gather [hbm4b:s1+s31], $0x80, s18, s31, $0xb8;
	[tilespmem:$0x1E800] =	vst v63  }
0x1e5: {  	_ =	swait.ge [sflag:s8], $0x3E80  }
0x1e6: {  	[sflag:s8] =	ssyncset.done $0x0  }
0x1e7: {  	s20 =	sadd.s32 $0x1400, s15;
	[sflag:s8] =	ssyncadd.s32 $0xFFFFC180  }
0x1e8: {  	[spmem:s2] =	stream.indirect.scatter.add.f32 [tilespmem:s0], [sflag:$0x3], $0x80, s20, s31, $0xb8;
	[tilespmem:$0x1E800] =	vst v63  }
0x1e9: {  	_ =	swait.ge [sflag:s29], $0x3E80  }
0x1ea: {  	[sflag:s29] =	ssyncset.done $0x0  }
0x1eb: {  	s21 =	sadd.s32 $0x100, s15;
	[sflag:s29] =	ssyncadd.s32 $0xFFFFC180  }
0x1ec: {  	[tilespmem:s0], [sflag:$0x1] =	stream.indirect.gather [hbm4b:s1+s31], $0x80, s21, s31, $0xb8;
	[tilespmem:$0x1E800] =	vst v63  }
0x1ed: {  	_ =	swait.ge [sflag:s9], $0x3E80  }
0x1ee: {  	[sflag:s9] =	ssyncset.done $0x0  }
0x1ef: {  	s22 =	sadd.s32 $0x1480, s15;
	[sflag:s9] =	ssyncadd.s32 $0xFFFFC180  }
0x1f0: {  	[spmem:s2] =	stream.indirect.scatter.add.f32 [tilespmem:s4], [sflag:$0x3], $0x80, s22, s31, $0xb8;
	[tilespmem:$0x1E800] =	vst v63  }
0x1f1: {  	_ =	swait.ge [sflag:s29], $0x3E80  }
0x1f2: {  	[sflag:s29] =	ssyncset.done $0x0  }
0x1f3: {  	[sflag:s29] =	ssyncadd.s32 $0xFFFFC180  }
0x1f4: {  	[tilespmem:s4], [sflag:$0x2] =	stream.indirect.gather [hbm4b:s1+s31], $0x80, s10, s31, $0xb8;
	[tilespmem:$0x1E800] =	vst v63  }
0x1f5: {  	_ =	swait.ge [sflag:s8], $0x3E80  }
0x1f6: {  	[sflag:s8] =	ssyncset.done $0x0  }
0x1f7: {  	[sflag:s8] =	ssyncadd.s32 $0xFFFFC180  }
0x1f8: {  	[spmem:s2] =	stream.indirect.scatter.add.f32 [tilespmem:s0], [sflag:$0x3], $0x80, s11, s31, $0xb8;
	[tilespmem:$0x1E800] =	vst v63  }
0x1f9: {  	_ =	swait.ge [sflag:s29], $0x3E80  }
0x1fa: {  	[sflag:s29] =	ssyncset.done $0x0  }
0x1fb: {  	[sflag:s29] =	ssyncadd.s32 $0xFFFFC180  }
0x1fc: {  	_ =	swait.ge [sflag:s9], $0x3E80  }
0x1fd: {  	[sflag:s9] =	ssyncset.done $0x0  }
0x1fe: {  	[sflag:s9] =	ssyncadd.s32 $0xFFFFC180  }
0x1ff: {  	[spmem:s2] =	stream.indirect.scatter.add.f32 [tilespmem:s4], [sflag:$0x3], $0x80, s13, s31, $0xb8;
	[tilespmem:$0x1E800] =	vst v63  }
0x200: {  	_ =	swait.ge [sflag:s29], $0x3E80  }
0x201: {  	[sflag:s29] =	ssyncset.done $0x0  }
0x202: {  	[sflag:s29] =	ssyncadd.s32 $0xFFFFC180  }
0x203: {  	s15 =	simm.s32 @p0 $0x3;
	[bflag:$0x0] =	sbarrier.arrive $0xFFFF  }
0x204: {  	[hbm:s24], [sflag:s7] =	dma.local @p0 [spmem:s16], $0x1900  }
0x205: {  	s14 =	sadd.s32 $0x1, s14;
	_ =	swait.ge @p0 [sflag:s15], $0x1900  }
0x206: {  	p1 =	sne.s32 s14, s25;
	[sflag:s15] =	ssyncset.done @p0 $0x0  }
.Ltmp6:
0x207: {  	[sflag:s15] =	ssyncadd.s32 @p0 $0xFFFFE700;
	s15 =	simm.s32 @!p0 $0x3;
	(pc) =	sbr.rel @p1 .LBB2_1-.Ltmp6, $4  }
0x208: {  	[hbm:s28], [sflag:s7] =	dma.local @!p0 [spmem:s17], $0x2800  }
0x209: {  	_ =	swait.ge @!p0 [sflag:s15], $0x2800  }
0x20a: {  	[sflag:s15] =	ssyncset.done @!p0 $0x0  }
0x20b: {  	[sflag:s15] =	ssyncadd.s32 @!p0 $0xFFFFD800  }
0x20c: {  	_ =	sfence.sel $0x180000  }
0x20d: {  	[bflag:$0x0] =	sbarrier.arrive $0xFFFF  }
0x20e: {  	_ =	strace $0x9000004A  }
0x20f: {  	s0 =	stileid.u32;
	[bflag:$0x2] =	sbarrier.arrive $0xFFFF  }
0x210: {  	p0 =	sne.s32 s0, $0x0;
	s0 =	rddreg [dreg:$0x4]  }
0x211: {  	s0 =	sadd.s32 @!p0 $0x100000, s0  }
0x212: {  	[sflag:s0] =	ssyncadd.tile.s32 @!p0 $0x1;
	_ =	shalt  }
.Lfunc_end2:
_tile_overlayer_lowered:
.L_overlay_start_2:
0x213: {  	(tag) =	ssettag $0x2  }
0x214: {  	s0 =	rddreg [dreg:$0x0];
	s2 =	stileid.u32  }
0x215: {  	s1 =	rddreg [dreg:$0x1];
	p0 =	sne.s32 s2, $0x0  }
0x216: {  	s3 =	rddreg [dreg:$0x2];
	[bflag:$0x3] =	sbarrier.arrive $0xFFFF;
	s2 =	simm.s32 @!p0 $0x1C03  }
0x217: {  	[timem:s3], [sflag:s2] =	dma.local @!p0 [hbm:s0], s1  }
0x218: {  	s0 =	simm.s32 @!p0 $0x3  }
0x219: {  	_ =	swait.ge @!p0 [sflag:s0], s1  }
0x21a: {  	s1 =	ssub.s32 @!p0 $0x0, s1;
	[sflag:s0] =	ssyncset.done @!p0 $0x0  }
0x21b: {  	[sflag:s0] =	ssyncadd.s32 @!p0 s1  }
0x21c: {  	[bflag:$0x3] =	sbarrier.arrive $0xFFFF  }
0x21d: {  	_ =	shalt  }

// kernel: kernel.7.cloned.1.call-start
scs
__scs_entry_jumppad:
0x0: {  	(pc) =	sbr.rel $0x88, $3  }
0x1: {  	(tag) =	ssettag $0x0;
	lr =	simm.s32 $0x1  }
0x2: {  	[smem:$0x3F84] =	sst lr;
	_ =	strace $0xD0000000  }
0x3: {  	_ = 	snop  }
0x4: {  	_ = 	snop  }
0x5: {  	_ = 	snop  }
0x6: {  	_ = 	snop  }
0x7: {  	_ = 	snop  }
__scs_overlays_trampoline_lowered:
0x8: {  	[smem:$0x3F93] =	sst s0  }
0x9: {  	[smem:$0x3F94] =	sst s1  }
0xa: {  	[smem:$0x3F95] =	sst s2  }
0xb: {  	[smem:$0x3F96] =	sst s3  }
0xc: {  	[smem:$0x3F97] =	sst s4  }
0xd: {  	[smem:$0x3F98] =	sst s5  }
0xe: {  	[smem:$0x3F99] =	sst s6  }
0xf: {  	[smem:$0x3F9A] =	sst s7  }
0x10: {  	[smem:$0x3F9B] =	sst s8  }
0x11: {  	[smem:$0x3F9C] =	sst s9;
	s0 =	simm.s32 @!p0 $0x0  }
0x12: {  	s1 =	sld [smem:$0x3F82];
	s0 =	simm.s32 @p0 $0x1  }
0x13: {  	[smem:$0x3F9D] =	sst s0;
	s0 =	simm.s32 @!p1 $0x0  }
0x14: {  	s2 =	sld [smem:$0x3F81];
	s0 =	simm.s32 @p1 $0x1  }
0x15: {  	[smem:$0x3F9E] =	sst s0;
	s0 =	simm.s32 @!p2 $0x0  }
0x16: {  	s3 =	sld [smem:$0x3FDB];
	s0 =	simm.s32 @p2 $0x1  }
0x17: {  	s4 =	simm.s32 $0x1BF5;
	[smem:$0x3FA0] =	sst s0  }
0x18: {  	s0 =	sld [smem:$0x3F83];
	_ =	swait.ge [sflag:s4], $0x0  }
0x19: {  	s7 =	sld [smem:$0x3F84]  }
0x1a: {  	s8 =	sadd.s32 $0xFFFFE003, lr  }
0x1b: {  	s9 =	sadd.s32 $0xFFFFFEF7, lr;
	s5 =	simm.s32 $0xFFFFFFFF;
	p2 =	slt.u32 s8, $0xFFFFF086  }
0x1c: {  	p1 =	slt.u32 s9, $0xF7A;
	s5 =	simm.s32 @!p2 $0x0  }
0x1d: {  	s5 =	simm.s32 @p1 $0x1;
	p0 =	seq.s32 s7, s2  }
0x1e: {  	s7 =	smul.u32 @!p0 $0xF7A, s2;
	p2 =	seq.s32 @!p0 s5, $0x0  }
0x1f: {  	s9 =	smul.u32 $0xF7A, s1;
	s8 =	simm.s32 @!p0 $0x1BF5;
	p2 =	por !p2, p0  }
0x20: {  	[sflag:s8] =	ssyncset.s32 @!p0 $0xFFFFF086;
	s6 =	sadd.s32 @!p0 s3, s7;
	s7 =	simm.s32 @!p0 $0x108  }
0x21: {  	s3 =	sadd.s32 s3, s9;
	s6 =	sadd.s32 @!p0 $0x88, s6;
	s7 =	simm.s32 @p2 $0x1082  }
0x22: {  	[simem:s7], [sflag:s8] =	dma.local @!p0 [hbm:s6], $0xF7A  }
0x23: {  	s9 =	sor.u32 $0xD0000000, s2;
	s6 =	simm.s32 $0x108;
	_ =	swait.ge @!p0 [sflag:s8], $0x0  }
0x24: {  	s3 =	sadd.s32 $0x88, s3;
	s6 =	simm.s32 @!p1 $0x1082;
	[sflag:s4] =	ssyncset.s32 $0xFFFFF086  }
0x25: {  	[simem:s6], [sflag:s4] =	dma.local [hbm:s3], $0xF7A  }
0x26: {  	[smem:$0x3F84] =	sst s1;
	(tag) =	ssettag s2;
	_ =	strace s9  }
0x27: {  	s1 =	sld [smem:$0x3F94]  }
0x28: {  	s2 =	sld [smem:$0x3F95]  }
0x29: {  	s4 =	sld [smem:$0x3F97]  }
0x2a: {  	p0 =	seq.s32 s5, $0x0;
	s5 =	sld [smem:$0x3F98]  }
0x2b: {  	s6 =	sld [smem:$0x3F99]  }
0x2c: {  	s7 =	sld [smem:$0x3F9A]  }
0x2d: {  	s3 =	simm.s32 $0x108;
	s8 =	sld [smem:$0x3F9B]  }
0x2e: {  	s3 =	simm.s32 @!p0 $0x1082;
	s9 =	sld [smem:$0x3F9C]  }
0x2f: {  	lr =	sadd.s32 s0, s3;
	s0 =	sld [smem:$0x3F93]  }
0x30: {  	s3 =	sld [smem:$0x3F96]  }
0x31: {  	[smem:$0x3F9F] =	sst s10  }
0x32: {  	s10 =	sld [smem:$0x3F9D];
	_ =	sdelay $0x3  }
0x33: {  	p0 =	seq.s32 s10, $0x1;
	s10 =	sld [smem:$0x3F9F];
	_ =	sdelay $0x3  }
0x34: {  	[smem:$0x3F9F] =	sst s10  }
0x35: {  	s10 =	sld [smem:$0x3F9E];
	_ =	sdelay $0x3  }
0x36: {  	p1 =	seq.s32 s10, $0x1;
	s10 =	sld [smem:$0x3F9F];
	_ =	sdelay $0x3  }
0x37: {  	[smem:$0x3F9F] =	sst s10  }
0x38: {  	s10 =	sld [smem:$0x3FA0]  }
0x39: {  	_ = 	snop;
	(pc) =	sbr.ind lr, $3  }
0x3a: {  	_ = 	snop  }
0x3b: {  	_ = 	snop  }
0x3c: {  	p2 =	seq.s32 s10, $0x1;
	s10 =	sld [smem:$0x3F9F]  }
0x3d: {  	_ =	shalt  }
0x3e: {  	_ =	shalt  }
0x3f: {  	_ =	shalt  }
0x40: {  	_ =	shalt  }
0x41: {  	_ =	shalt  }
0x42: {  	_ =	shalt  }
0x43: {  	_ =	shalt  }
0x44: {  	_ =	shalt  }
0x45: {  	_ =	shalt  }
0x46: {  	_ =	shalt  }
0x47: {  	_ =	shalt  }
0x48: {  	_ =	shalt  }
0x49: {  	_ =	shalt  }
0x4a: {  	_ =	shalt  }
0x4b: {  	_ =	shalt  }
0x4c: {  	_ =	shalt  }
0x4d: {  	_ =	shalt  }
0x4e: {  	_ =	shalt  }
0x4f: {  	_ =	shalt  }
0x50: {  	_ =	shalt  }
0x51: {  	_ =	shalt  }
0x52: {  	_ =	shalt  }
0x53: {  	_ =	shalt  }
0x54: {  	_ =	shalt  }
0x55: {  	_ =	shalt  }
0x56: {  	_ =	shalt  }
0x57: {  	_ =	shalt  }
0x58: {  	_ =	shalt  }
0x59: {  	_ =	shalt  }
0x5a: {  	_ =	shalt  }
0x5b: {  	_ =	shalt  }
0x5c: {  	_ =	shalt  }
0x5d: {  	_ =	shalt  }
0x5e: {  	_ =	shalt  }
0x5f: {  	_ =	shalt  }
0x60: {  	_ =	shalt  }
0x61: {  	_ =	shalt  }
0x62: {  	_ =	shalt  }
0x63: {  	_ =	shalt  }
0x64: {  	_ =	shalt  }
0x65: {  	_ =	shalt  }
0x66: {  	_ =	shalt  }
0x67: {  	_ =	shalt  }
0x68: {  	_ =	shalt  }
0x69: {  	_ =	shalt  }
0x6a: {  	_ =	shalt  }
0x6b: {  	_ =	shalt  }
0x6c: {  	_ =	shalt  }
0x6d: {  	_ =	shalt  }
0x6e: {  	_ =	shalt  }
0x6f: {  	_ =	shalt  }
0x70: {  	_ =	shalt  }
0x71: {  	_ =	shalt  }
0x72: {  	_ =	shalt  }
0x73: {  	_ =	shalt  }
0x74: {  	_ =	shalt  }
0x75: {  	_ =	shalt  }
0x76: {  	_ =	shalt  }
0x77: {  	_ =	shalt  }
0x78: {  	_ =	shalt  }
0x79: {  	_ =	shalt  }
0x7a: {  	_ =	shalt  }
0x7b: {  	_ =	shalt  }
0x7c: {  	_ =	shalt  }
0x7d: {  	_ =	shalt  }
0x7e: {  	_ =	shalt  }
0x7f: {  	_ =	shalt  }
0x80: {  	_ =	shalt  }
0x81: {  	_ =	shalt  }
0x82: {  	_ =	shalt  }
0x83: {  	_ =	shalt  }
0x84: {  	_ =	shalt  }
0x85: {  	_ =	shalt  }
0x86: {  	_ =	shalt  }
0x87: {  	_ =	shalt  }
.Lfunc_end0:
.L_simem_size_0:
called_computation_lowered:
.L_overlay_start_0:
0x88: {  	s2 =	sld [smem:$0x3FD9]  }
0x89: {  	s3 =	sld [smem:$0x3FFE];
	_ =	sdelay $0x1  }
0x8a: {  	s1 =	srdreg.scid  }
0x8b: {  	s0 =	sand.u32 $0x1, s1  }
0x8c: {  	s14 =	sshll.u32 s0, $0xA;
	s2 =	sadd.s32 s3, s2  }
0x8d: {  	s2 =	sadd.s32 s2, s14  }
0x8e: {  	[smem:$0x3FAB] =	sst s2  }
0x8f: {  	_ = 	snop  }
0x90: {  	s2 =	sld [smem:$0x3FD0];
	_ =	sdelay $0x2  }
0x91: {  	s15 =	simm.s32 $0xA;
	s4 =	simm.s32 $0x10  }
0x92: {  	[smem:s4], [sflag:s15] =	dma.local [hbm:s2], $0x1  }
0x93: {  	_ =	swait.eq [sflag:s15], $0x1  }
0x94: {  	[sflag:s15] =	ssyncset.done $0x0  }
0x95: {  	s16 =	sld [smem:$0x12];
	[sflag:s15] =	ssyncadd.s32 $0xFFFFFFFF  }
0x96: {  	s17 =	sld [smem:$0x14];
	(tm) =	ssettm $0x1  }
0x97: {  	s18 =	sld [smem:$0x3FFB];
	_ =	sdelay $0x3  }
0x98: {  	_ =	strace s18  }
0x99: {  	s4 =	sld [smem:$0x3FFC];
	_ =	sdelay $0x3  }
0x9a: {  	_ =	strace s4  }
0x9b: {  	s4 =	sld [smem:$0x3FFD];
	_ =	sdelay $0x3  }
0x9c: {  	_ =	strace s4  }
0x9d: {  	_ =	strace $0x8FFFFFFF  }
0x9e: {  	s19 =	sld [smem:$0x3FDB];
	_ =	sdelay $0x1  }
0x9f: {  	s5 =	simm.s32 $_scs_section_size  }
0xa0: {  	s6 =	simm.s32 $_size__tile_overlayer_lowered;
	s7 =	simm.s32 $_tile_overlayer_lowered  }
0xa1: {  	s22 =	simm.s32 $0x1BFF;
	s21 =	sshll.u32 s7, $0x1;
	s4 =	sadd.s32 s5, s19  }
0xa2: {  	s8 =	simm.s32 $0x0;
	s20 =	sshll.u32 s6, $0x1;
	s6 =	sadd.s32 s21, s4  }
0xa3: {  	[timem:s8], [sflag:s22] =	dma.local [hbm:s6], s20  }
0xa4: {  	_ =	swait.ge [sflag:s22], s20  }
0xa5: {  	s5 =	ssub.s32 $0x0, s20;
	[sflag:s22] =	ssyncset.done $0x0  }
0xa6: {  	[sflag:s22] =	ssyncadd.s32 s5;
	_ =	sdelay $0x1  }
0xa7: {  	s23 =	simm.s32 $0x1B8B  }
0xa8: {  	_ =	swait.ge [sflag:s23], $0x1  }
0xa9: {  	[sflag:s23] =	ssyncset.done $0x0  }
0xaa: {  	s25 =	simm.s32 $0x1B8E;
	s24 =	sld [smem:$0x3FFE];
	[sflag:s23] =	ssyncadd.s32 $0xFFFFFFFF  }
0xab: {  	s26 =	simm.s32 $execute0_lowered;
	[smem:$0x3FD2] =	sst s25  }
0xac: {  	s6 =	sshll.u32 s26, $0x1;
	_ =	strace $0x80000046;
	[dreg:$0x1] =	wrdreg $0xFFFFFFFF  }
0xad: {  	s28 =	simm.s32 $_size_execute0_lowered;
	s4 =	sadd.s32 s4, s6;
	[dreg:$0x0] =	wrdreg $0x0  }
0xae: {  	s6 =	sshll.u32 s28, $0x1;
	[dreg:$0x2] =	wrdreg s4  }
0xaf: {  	[dreg:$0x3] =	wrdreg s6  }
0xb0: {  	[dreg:$0x4] =	wrdreg $0xC0  }
0xb1: {  	_ =	task [dreg:s8], $0x5FFFF  }
0xb2: {  	[dreg:$0x1] =	wrdreg $0xFFFFFFFF  }
0xb3: {  	[dreg:$0x0] =	wrdreg $0x60  }
0xb4: {  	[dreg:$0x2] =	wrdreg s16  }
0xb5: {  	[dreg:$0x3] =	wrdreg s17  }
0xb6: {  	[dreg:$0x4] =	wrdreg s24  }
0xb7: {  	[dreg:$0x5] =	wrdreg $0xA8000  }
0xb8: {  	[dreg:$0x6] =	wrdreg $0x9  }
0xb9: {  	_ =	task.clear_ibuf [dreg:s8], $0x7FFFF;
	_ =	strace $0x90000046  }
0xba: {  	s29 =	simm.s32 $0x9;
	_ =	strace $0x80000048  }
0xbb: {  	_ =	swait.ge [sflag:s29], $0x1  }
0xbc: {  	[sflag:s29] =	ssyncadd.s32 $0xFFFFFFFF  }
0xbd: {  	_ =	strace $0x90000048  }
0xbe: {  	_ =	sfence  }
0xbf: {  	s30 =	sld [smem:$0x0];
	_ =	sdelay $0x2  }
0xc0: {  	s31 =	sshll.u32 s1, $0xD;
	s1 =	sshrl.u32 s1, $0x2  }
0xc1: {  	s3 =	sand.u32 $0x4000, s31;
	s1 =	sadd.s32 s1, s30  }
0xc2: {  	s0 =	sor.u32 s3, s0;
	s1 =	sshll.u32 s1, $0x11  }
0xc3: {  	s0 =	sor.u32 s1, s0  }
0xc4: {  	s0 =	sadd.s32 $0x8F2B, s0  }
0xc5: {  	[sflag:s0] =	ssyncadd.remote.s32 $0x1  }
0xc6: {  	_ =	sfence.sel $0xFFFF  }
0xc7: {  	[dreg:$0x0] =	wrdreg $0xFFFFFFFF;
	(pc) =	sbr.abs _section_cstart, $3  }
0xc8: {  	[dreg:$0x1] =	wrdreg $0xFFFFFFFF  }
0xc9: {  	_ =	task.clear_ibuf [dreg:s8], $0x2FFFF;
	_ =	strace $0x9FFFFFFF  }
0xca: {  	(tm) =	ssettm $0x7FFFFFFF  }
0xcb: {  	_ =	shalt  }
tec
execute0_lowered:
.L_overlay_start_1:
0x0: {  	(tag) =	ssettag $0x1  }
0x1: {  	s1 =	rddreg [dreg:$0x0]  }
0x2: {  	s0 =	rddreg [dreg:$0x1]  }
0x3: {  	s4 =	rddreg [dreg:$0x2]  }
0x4: {  	s2 =	rddreg [dreg:$0x3]  }
0x5: {  	s3 =	simm.s32 $0x0;
	s5 =	srdreg.scid;
	s14 =	stileid.u32  }
0x6: {  	s29 =	simm.s32 $0x3;
	s30 =	simm.s32 $0x1400;
	s31 =	simm.s32 $0x7D  }
0x7: {  	[smem:$0x7FF] =	sst s3;
	s8 =	sadd.s32 $0x3C00, s4;
	s7 =	sand.u32 $0x1, s5  }
0x8: {  	s5 =	sadd.s32 $0x21C00, s4;
	s9 =	smul.u32 $0x50000, s14;
	s4 =	sadd.s32 $0x24400, s4  }
0x9: {  	s24 =	sshll.u32 s14, $0x6;
	s26 =	smul.u32 $0x14000, s14;
	s18 =	sadd.s32 $0x12C000, s2  }
0xa: {  	_ =	strace $0x80000047;
	s6 =	sshll.u32 s7, $0x4;
	s23 =	smul.u32 $0x3A9800, s7  }
0xb: {  	s10 =	ssub.s32 $0x2, s7;
	s6 =	sor.u32 s14, s6;
	s9 =	sshrl.u32 s9, $0x2  }
0xc: {  	s12 =	smul.u32 $0x2800, s6;
	s6 =	sadd.s32 s9, s2;
	s9 =	sshrl.u32 s23, $0x3  }
0xd: {  	s7 =	sor.u32 $0x1C03, s24;
	[dreg:$0xa] =	wrdreg s18;
	s9 =	sadd.s32 s4, s9  }
0xe: {  	s11 =	sshrl.u32 s10, $0x1;
	s25 =	sshrl.u32 s12, $0x3;
	s17 =	sadd.s32 $0x25800, s9  }
0xf: {  	s12 =	sadd.s32 s26, s23;
	s13 =	sadd.s32 s0, s25;
	[dreg:$0x9] =	wrdreg s17  }
0x10: {  	s15 =	sadd.s32 s8, s25;
	s16 =	sadd.s32 $0x280, s25;
	[dreg:$0x5] =	wrdreg s13  }
0x11: {  	s12 =	sshrl.u32 s12, $0x3;
	[dreg:$0x6] =	wrdreg s15;
	s15 =	sadd.s32 s0, s16  }
0x12: {  	s19 =	sadd.s32 $0xA000, s25;
	s13 =	sadd.s32 s8, s16;
	[dreg:$0x7] =	wrdreg s15  }
0x13: {  	s20 =	sadd.s32 $0xA280, s25;
	s21 =	sadd.s32 s0, s19;
	[dreg:$0x8] =	wrdreg s13  }
0x14: {  	s12 =	sadd.s32 s4, s12;
	s4 =	sadd.s32 s8, s19;
	[dreg:$0xb] =	wrdreg s21  }
0x15: {  	s10 =	ssub.s32 s10, s11;
	s22 =	sadd.s32 s0, s20;
	[dreg:$0xc] =	wrdreg s4  }
0x16: {  	s24 =	sadd.s32 $0x14000, s25;
	s23 =	sadd.s32 s8, s20;
	[dreg:$0xd] =	wrdreg s22  }
0x17: {  	s11 =	sadd.s32 $0x14280, s25;
	s25 =	sadd.s32 s0, s24;
	[dreg:$0xe] =	wrdreg s23  }
0x18: {  	p0 =	seq.s32 s14, $0xF;
	s0 =	sadd.s32 s0, s11;
	[dreg:$0xf] =	wrdreg s25  }
0x19: {  	s14 =	simm.s32 $0x0;
	s26 =	sadd.s32 s8, s11;
	[dreg:$0x11] =	wrdreg s0  }
0x1a: {  	s11 =	simm.s32 $0x2700;
	s4 =	sadd.s32 s8, s24;
	[dreg:$0x12] =	wrdreg s26  }
0x1b: {  	s23 =	sadd.s32 $0x4C900, s9;
	s24 =	sadd.s32 $0x73A00, s9;
	s25 =	smax.u32 s10, $0x1  }
0x1c: {  	s26 =	sadd.s32 $0x27100, s12;
	s28 =	sadd.s32 $0x4E200, s12;
	s0 =	simm.s32 $0x2800  }
0x1d: {  	s8 =	simm.s32 $0x1;
	s9 =	simm.s32 $0x2;
	s10 =	simm.s32 $0x1380  }
0x1e: {  	s13 =	simm.s32 $0x2780;
	[dreg:$0x10] =	wrdreg s4;
	s4 =	simm.s32 $0x6800  }
.LBB2_1:
0x1f: {  	s15 =	sshrl.u32 s6, $0x3  }
0x20: {  	[spmem:s15], [sflag:s7] =	dma.local [hbm:s5], $0x2800  }
0x21: {  	_ =	swait.ge [sflag:s29], $0x2800  }
0x22: {  	[sflag:s29] =	ssyncset.done $0x0  }
0x23: {  	[sflag:s29] =	ssyncadd.s32 $0xFFFFD800  }
0x24: {  	[bflag:$0x0] =	sbarrier.arrive $0xFFFF  }
0x25: {  	s16 =	rddreg [dreg:$0x5]  }
0x26: {  	[tilespmem:s3], [sflag:$0x3] =	stream.linear.gather [hbm4b:s16+s3], $0x1400, $0x38;
	[tilespmem:$0x1E800] =	vst v63  }
0x27: {  	_ =	swait.ge [sflag:s29], $0x1400  }
0x28: {  	[sflag:s29] =	ssyncset.done $0x0  }
0x29: {  	s18 =	rddreg [dreg:$0x6];
	[sflag:s29] =	ssyncadd.s32 $0xFFFFEC00  }
0x2a: {  	[tilespmem:s30], [sflag:$0x3] =	stream.linear.gather [hbm4b:s18+s3], $0x1400, $0x38;
	[tilespmem:$0x1E800] =	vst v63  }
0x2b: {  	_ =	swait.ge [sflag:s29], $0x1400  }
0x2c: {  	[sflag:s29] =	ssyncset.done $0x0  }
0x2d: {  	[sflag:s29] =	ssyncadd.s32 $0xFFFFEC00  }
0x2e: {  	[tilespmem:s0], [sflag:$0x1] =	stream.indirect.gather [hbm4b:s1+s31], $0x80, s3, s31, $0xb8;
	[tilespmem:$0x1E800] =	vst v63  }
0x2f: {  	s19 =	simm.s32 $0x80  }
0x30: {  	[tilespmem:s4], [sflag:$0x2] =	stream.indirect.gather [hbm4b:s1+s31], $0x80, s19, s31, $0xb8;
	[tilespmem:$0x1E800] =	vst v63  }
0x31: {  	_ =	swait.ge [sflag:s8], $0x3E80  }
0x32: {  	[sflag:s8] =	ssyncset.done $0x0  }
0x33: {  	s20 =	simm.s32 $0x1400;
	[sflag:s8] =	ssyncadd.s32 $0xFFFFC180  }
0x34: {  	[spmem:s2] =	stream.indirect.scatter.add.f32 [tilespmem:s0], [sflag:$0x3], $0x80, s20, s31, $0xb8;
	[tilespmem:$0x1E800] =	vst v63  }
0x35: {  	_ =	swait.ge [sflag:s29], $0x3E80  }
0x36: {  	[sflag:s29] =	ssyncset.done $0x0  }
0x37: {  	s21 =	simm.s32 $0x100;
	[sflag:s29] =	ssyncadd.s32 $0xFFFFC180  }
0x38: {  	[tilespmem:s0], [sflag:$0x1] =	stream.indirect.gather [hbm4b:s1+s31], $0x80, s21, s31, $0xb8;
	[tilespmem:$0x1E800] =	vst v63  }
0x39: {  	_ =	swait.ge [sflag:s9], $0x3E80  }
0x3a: {  	[sflag:s9] =	ssyncset.done $0x0  }
0x3b: {  	s22 =	simm.s32 $0x1480;
	[sflag:s9] =	ssyncadd.s32 $0xFFFFC180  }
0x3c: {  	[spmem:s2] =	stream.indirect.scatter.add.f32 [tilespmem:s4], [sflag:$0x3], $0x80, s22, s31, $0xb8;
	[tilespmem:$0x1E800] =	vst v63  }
0x3d: {  	_ =	swait.ge [sflag:s29], $0x3E80  }
0x3e: {  	s17 =	simm.s32 $0x800;
	s16 =	simm.s32 $0x100;
	[sflag:s29] =	ssyncset.done $0x0  }
.LBB2_2:
0x3f: {  	s18 =	sadd.s32 $0x80, s16  }
0x40: {  	[sflag:s29] =	ssyncadd.s32 $0xFFFFC180;
	s19 =	smov.u32 s17;
	s20 =	sadd.s32 $0x400, s17  }
0x41: {  	[tilespmem:s4], [sflag:$0x2] =	stream.indirect.gather [hbm4b:s1+s31], $0x80, s18, s31, $0xb8;
	[tilespmem:$0x1E800] =	vst v63  }
0x42: {  	p1 =	sne.s32 s17, $0x4800;
	_ =	swait.ge [sflag:s8], $0x3E80  }
0x43: {  	[sflag:s8] =	ssyncset.done $0x0  }
0x44: {  	s17 =	sadd.s32 $0x1400, s16;
	[sflag:s8] =	ssyncadd.s32 $0xFFFFC180  }
0x45: {  	[spmem:s2] =	stream.indirect.scatter.add.f32 [tilespmem:s0], [sflag:$0x3], $0x80, s17, s31, $0xb8;
	[tilespmem:$0x1E800] =	vst v63  }
0x46: {  	_ =	swait.ge [sflag:s29], $0x3E80  }
0x47: {  	[sflag:s29] =	ssyncset.done $0x0  }
0x48: {  	s17 =	sadd.s32 $0x100, s16;
	[sflag:s29] =	ssyncadd.s32 $0xFFFFC180  }
0x49: {  	[tilespmem:s0], [sflag:$0x1] =	stream.indirect.gather [hbm4b:s1+s31], $0x80, s17, s31, $0xb8;
	[tilespmem:$0x1E800] =	vst v63  }
0x4a: {  	_ =	swait.ge [sflag:s9], $0x3E80  }
.Ltmp0:
0x4b: {  	[sflag:s9] =	ssyncset.done $0x0;
	(pc) =	sbr.rel @p1 .LBB2_2-.Ltmp0, $4  }
0x4c: {  	s16 =	sadd.s32 $0x1480, s16;
	[sflag:s9] =	ssyncadd.s32 $0xFFFFC180  }
0x4d: {  	[spmem:s2] =	stream.indirect.scatter.add.f32 [tilespmem:s4], [sflag:$0x3], $0x80, s16, s31, $0xb8;
	[tilespmem:$0x1E800] =	vst v63  }
0x4e: {  	_ =	swait.ge [sflag:s29], $0x3E80  }
0x4f: {  	s17 =	smov.u32 s20;
	s16 =	sshra.s32 s19, $0x2;
	[sflag:s29] =	ssyncset.done $0x0  }
0x50: {  	s17 =	sadd.s32 $0x80, s16;
	[sflag:s29] =	ssyncadd.s32 $0xFFFFC180  }
0x51: {  	[tilespmem:s4], [sflag:$0x2] =	stream.indirect.gather [hbm4b:s1+s31], $0x80, s17, s31, $0xb8;
	[tilespmem:$0x1E800] =	vst v63  }
0x52: {  	_ =	swait.ge [sflag:s8], $0x3E80  }
0x53: {  	[sflag:s8] =	ssyncset.done $0x0  }
0x54: {  	s18 =	sadd.s32 $0x1400, s16;
	[sflag:s8] =	ssyncadd.s32 $0xFFFFC180  }
0x55: {  	[spmem:s2] =	stream.indirect.scatter.add.f32 [tilespmem:s0], [sflag:$0x3], $0x80, s18, s31, $0xb8;
	[tilespmem:$0x1E800] =	vst v63  }
0x56: {  	_ =	swait.ge [sflag:s29], $0x3E80  }
0x57: {  	[sflag:s29] =	ssyncset.done $0x0  }
0x58: {  	s19 =	sadd.s32 $0x100, s16;
	[sflag:s29] =	ssyncadd.s32 $0xFFFFC180  }
0x59: {  	[tilespmem:s0], [sflag:$0x1] =	stream.indirect.gather [hbm4b:s1+s31], $0x80, s19, s31, $0xb8;
	[tilespmem:$0x1E800] =	vst v63  }
0x5a: {  	_ =	swait.ge [sflag:s9], $0x3E80  }
0x5b: {  	[sflag:s9] =	ssyncset.done $0x0  }
0x5c: {  	s20 =	sadd.s32 $0x1480, s16;
	[sflag:s9] =	ssyncadd.s32 $0xFFFFC180  }
0x5d: {  	[spmem:s2] =	stream.indirect.scatter.add.f32 [tilespmem:s4], [sflag:$0x3], $0x80, s20, s31, $0xb8;
	[tilespmem:$0x1E800] =	vst v63  }
0x5e: {  	_ =	swait.ge [sflag:s29], $0x3E80  }
0x5f: {  	[sflag:s29] =	ssyncset.done $0x0  }
0x60: {  	[sflag:s29] =	ssyncadd.s32 $0xFFFFC180  }
0x61: {  	[tilespmem:s4], [sflag:$0x2] =	stream.indirect.gather [hbm4b:s1+s31], $0x80, s10, s31, $0xb8;
	[tilespmem:$0x1E800] =	vst v63  }
0x62: {  	_ =	swait.ge [sflag:s8], $0x3E80  }
0x63: {  	[sflag:s8] =	ssyncset.done $0x0  }
0x64: {  	[sflag:s8] =	ssyncadd.s32 $0xFFFFC180  }
0x65: {  	[spmem:s2] =	stream.indirect.scatter.add.f32 [tilespmem:s0], [sflag:$0x3], $0x80, s11, s31, $0xb8;
	[tilespmem:$0x1E800] =	vst v63  }
0x66: {  	_ =	swait.ge [sflag:s29], $0x3E80  }
0x67: {  	[sflag:s29] =	ssyncset.done $0x0  }
0x68: {  	[sflag:s29] =	ssyncadd.s32 $0xFFFFC180  }
0x69: {  	_ =	swait.ge [sflag:s9], $0x3E80  }
0x6a: {  	[sflag:s9] =	ssyncset.done $0x0  }
0x6b: {  	[sflag:s9] =	ssyncadd.s32 $0xFFFFC180  }
0x6c: {  	[spmem:s2] =	stream.indirect.scatter.add.f32 [tilespmem:s4], [sflag:$0x3], $0x80, s13, s31, $0xb8;
	[tilespmem:$0x1E800] =	vst v63  }
0x6d: {  	_ =	swait.ge [sflag:s29], $0x3E80  }
0x6e: {  	[sflag:s29] =	ssyncset.done $0x0  }
0x6f: {  	s21 =	simm.s32 $0x0;
	s22 =	rddreg [dreg:$0x7];
	[sflag:s29] =	ssyncadd.s32 $0xFFFFC180  }
0x70: {  	[tilespmem:s21], [sflag:$0x3] =	stream.linear.gather [hbm4b:s22+s21], $0x1400, $0x38;
	[tilespmem:$0x1E800] =	vst v63  }
0x71: {  	_ =	swait.ge [sflag:s29], $0x1400  }
0x72: {  	[sflag:s29] =	ssyncset.done $0x0  }
0x73: {  	s18 =	rddreg [dreg:$0x8];
	[sflag:s29] =	ssyncadd.s32 $0xFFFFEC00  }
0x74: {  	[tilespmem:s30], [sflag:$0x3] =	stream.linear.gather [hbm4b:s18+s21], $0x1400, $0x38;
	[tilespmem:$0x1E800] =	vst v63  }
0x75: {  	_ =	swait.ge [sflag:s29], $0x1400  }
0x76: {  	[sflag:s29] =	ssyncset.done $0x0  }
0x77: {  	[sflag:s29] =	ssyncadd.s32 $0xFFFFEC00  }
0x78: {  	[tilespmem:s0], [sflag:$0x1] =	stream.indirect.gather [hbm4b:s1+s31], $0x80, s21, s31, $0xb8;
	[tilespmem:$0x1E800] =	vst v63  }
0x79: {  	s19 =	simm.s32 $0x80  }
0x7a: {  	[tilespmem:s4], [sflag:$0x2] =	stream.indirect.gather [hbm4b:s1+s31], $0x80, s19, s31, $0xb8;
	[tilespmem:$0x1E800] =	vst v63  }
0x7b: {  	_ =	swait.ge [sflag:s8], $0x3E80  }
0x7c: {  	[sflag:s8] =	ssyncset.done $0x0  }
0x7d: {  	s20 =	simm.s32 $0x1400;
	[sflag:s8] =	ssyncadd.s32 $0xFFFFC180  }
0x7e: {  	[spmem:s2] =	stream.indirect.scatter.add.f32 [tilespmem:s0], [sflag:$0x3], $0x80, s20, s31, $0xb8;
	[tilespmem:$0x1E800] =	vst v63  }
0x7f: {  	_ =	swait.ge [sflag:s29], $0x3E80  }
0x80: {  	[sflag:s29] =	ssyncset.done $0x0  }
0x81: {  	s21 =	simm.s32 $0x100;
	[sflag:s29] =	ssyncadd.s32 $0xFFFFC180  }
0x82: {  	[tilespmem:s0], [sflag:$0x1] =	stream.indirect.gather [hbm4b:s1+s31], $0x80, s21, s31, $0xb8;
	[tilespmem:$0x1E800] =	vst v63  }
0x83: {  	_ =	swait.ge [sflag:s9], $0x3E80  }
0x84: {  	[sflag:s9] =	ssyncset.done $0x0  }
0x85: {  	s22 =	simm.s32 $0x1480;
	[sflag:s9] =	ssyncadd.s32 $0xFFFFC180  }
0x86: {  	[spmem:s2] =	stream.indirect.scatter.add.f32 [tilespmem:s4], [sflag:$0x3], $0x80, s22, s31, $0xb8;
	[tilespmem:$0x1E800] =	vst v63  }
0x87: {  	_ =	swait.ge [sflag:s29], $0x3E80  }
0x88: {  	s16 =	simm.s32 $0x100;
	s17 =	simm.s32 $0x800;
	[sflag:s29] =	ssyncset.done $0x0  }
.LBB2_4:
0x89: {  	s18 =	sadd.s32 $0x80, s16  }
0x8a: {  	[sflag:s29] =	ssyncadd.s32 $0xFFFFC180;
	s19 =	smov.u32 s17;
	s20 =	sadd.s32 $0x400, s17  }
0x8b: {  	[tilespmem:s4], [sflag:$0x2] =	stream.indirect.gather [hbm4b:s1+s31], $0x80, s18, s31, $0xb8;
	[tilespmem:$0x1E800] =	vst v63  }
0x8c: {  	p1 =	sne.s32 s17, $0x4800;
	_ =	swait.ge [sflag:s8], $0x3E80  }
0x8d: {  	[sflag:s8] =	ssyncset.done $0x0  }
0x8e: {  	s17 =	sadd.s32 $0x1400, s16;
	[sflag:s8] =	ssyncadd.s32 $0xFFFFC180  }
0x8f: {  	[spmem:s2] =	stream.indirect.scatter.add.f32 [tilespmem:s0], [sflag:$0x3], $0x80, s17, s31, $0xb8;
	[tilespmem:$0x1E800] =	vst v63  }
0x90: {  	_ =	swait.ge [sflag:s29], $0x3E80  }
0x91: {  	[sflag:s29] =	ssyncset.done $0x0  }
0x92: {  	s17 =	sadd.s32 $0x100, s16;
	[sflag:s29] =	ssyncadd.s32 $0xFFFFC180  }
0x93: {  	[tilespmem:s0], [sflag:$0x1] =	stream.indirect.gather [hbm4b:s1+s31], $0x80, s17, s31, $0xb8;
	[tilespmem:$0x1E800] =	vst v63  }
0x94: {  	_ =	swait.ge [sflag:s9], $0x3E80  }
.Ltmp1:
0x95: {  	[sflag:s9] =	ssyncset.done $0x0;
	(pc) =	sbr.rel @p1 .LBB2_4-.Ltmp1, $4  }
0x96: {  	s16 =	sadd.s32 $0x1480, s16;
	[sflag:s9] =	ssyncadd.s32 $0xFFFFC180  }
0x97: {  	[spmem:s2] =	stream.indirect.scatter.add.f32 [tilespmem:s4], [sflag:$0x3], $0x80, s16, s31, $0xb8;
	[tilespmem:$0x1E800] =	vst v63  }
0x98: {  	_ =	swait.ge [sflag:s29], $0x3E80  }
0x99: {  	s17 =	smov.u32 s20;
	s16 =	sshra.s32 s19, $0x2;
	[sflag:s29] =	ssyncset.done $0x0  }
0x9a: {  	s17 =	sadd.s32 $0x80, s16;
	[sflag:s29] =	ssyncadd.s32 $0xFFFFC180  }
0x9b: {  	[tilespmem:s4], [sflag:$0x2] =	stream.indirect.gather [hbm4b:s1+s31], $0x80, s17, s31, $0xb8;
	[tilespmem:$0x1E800] =	vst v63  }
0x9c: {  	_ =	swait.ge [sflag:s8], $0x3E80  }
0x9d: {  	[sflag:s8] =	ssyncset.done $0x0  }
0x9e: {  	s18 =	sadd.s32 $0x1400, s16;
	[sflag:s8] =	ssyncadd.s32 $0xFFFFC180  }
0x9f: {  	[spmem:s2] =	stream.indirect.scatter.add.f32 [tilespmem:s0], [sflag:$0x3], $0x80, s18, s31, $0xb8;
	[tilespmem:$0x1E800] =	vst v63  }
0xa0: {  	_ =	swait.ge [sflag:s29], $0x3E80  }
0xa1: {  	[sflag:s29] =	ssyncset.done $0x0  }
0xa2: {  	s19 =	sadd.s32 $0x100, s16;
	[sflag:s29] =	ssyncadd.s32 $0xFFFFC180  }
0xa3: {  	[tilespmem:s0], [sflag:$0x1] =	stream.indirect.gather [hbm4b:s1+s31], $0x80, s19, s31, $0xb8;
	[tilespmem:$0x1E800] =	vst v63  }
0xa4: {  	_ =	swait.ge [sflag:s9], $0x3E80  }
0xa5: {  	[sflag:s9] =	ssyncset.done $0x0  }
0xa6: {  	s20 =	sadd.s32 $0x1480, s16;
	[sflag:s9] =	ssyncadd.s32 $0xFFFFC180  }
0xa7: {  	[spmem:s2] =	stream.indirect.scatter.add.f32 [tilespmem:s4], [sflag:$0x3], $0x80, s20, s31, $0xb8;
	[tilespmem:$0x1E800] =	vst v63  }
0xa8: {  	_ =	swait.ge [sflag:s29], $0x3E80  }
0xa9: {  	[sflag:s29] =	ssyncset.done $0x0  }
0xaa: {  	[sflag:s29] =	ssyncadd.s32 $0xFFFFC180  }
0xab: {  	[tilespmem:s4], [sflag:$0x2] =	stream.indirect.gather [hbm4b:s1+s31], $0x80, s10, s31, $0xb8;
	[tilespmem:$0x1E800] =	vst v63  }
0xac: {  	_ =	swait.ge [sflag:s8], $0x3E80  }
0xad: {  	[sflag:s8] =	ssyncset.done $0x0  }
0xae: {  	[sflag:s8] =	ssyncadd.s32 $0xFFFFC180  }
0xaf: {  	[spmem:s2] =	stream.indirect.scatter.add.f32 [tilespmem:s0], [sflag:$0x3], $0x80, s11, s31, $0xb8;
	[tilespmem:$0x1E800] =	vst v63  }
0xb0: {  	_ =	swait.ge [sflag:s29], $0x3E80  }
0xb1: {  	[sflag:s29] =	ssyncset.done $0x0  }
0xb2: {  	[sflag:s29] =	ssyncadd.s32 $0xFFFFC180  }
0xb3: {  	_ =	swait.ge [sflag:s9], $0x3E80  }
0xb4: {  	[sflag:s9] =	ssyncset.done $0x0  }
0xb5: {  	[sflag:s9] =	ssyncadd.s32 $0xFFFFC180  }
0xb6: {  	[spmem:s2] =	stream.indirect.scatter.add.f32 [tilespmem:s4], [sflag:$0x3], $0x80, s13, s31, $0xb8;
	[tilespmem:$0x1E800] =	vst v63  }
0xb7: {  	_ =	swait.ge [sflag:s29], $0x3E80  }
0xb8: {  	[sflag:s29] =	ssyncset.done $0x0  }
0xb9: {  	[sflag:s29] =	ssyncadd.s32 $0xFFFFC180  }
0xba: {  	[bflag:$0x0] =	sbarrier.arrive $0xFFFF  }
0xbb: {  	s16 =	rddreg [dreg:$0xa]  }
0xbc: {  	s17 =	rddreg [dreg:$0x9];
	s16 =	sshrl.u32 @p0 s16, $0x3  }
0xbd: {  	[hbm:s17], [sflag:s7] =	dma.local @p0 [spmem:s16], $0x1900  }
0xbe: {  	s17 =	simm.s32 @p0 $0x3  }
0xbf: {  	_ =	swait.ge @p0 [sflag:s17], $0x1900  }
0xc0: {  	[sflag:s17] =	ssyncset.done @p0 $0x0  }
0xc1: {  	s18 =	simm.s32 @!p0 $0x3;
	[sflag:s17] =	ssyncadd.s32 @p0 $0xFFFFE700;
	s17 =	sshrl.u32 @!p0 s6, $0x3  }
0xc2: {  	[hbm:s12], [sflag:s7] =	dma.local @!p0 [spmem:s17], $0x2800  }
0xc3: {  	_ =	swait.ge @!p0 [sflag:s18], $0x2800  }
0xc4: {  	[sflag:s18] =	ssyncset.done @!p0 $0x0  }
0xc5: {  	[sflag:s18] =	ssyncadd.s32 @!p0 $0xFFFFD800  }
0xc6: {  	[spmem:s15], [sflag:s7] =	dma.local [hbm:s5], $0x2800  }
0xc7: {  	_ =	swait.ge [sflag:s29], $0x2800  }
0xc8: {  	[sflag:s29] =	ssyncset.done $0x0  }
0xc9: {  	[sflag:s29] =	ssyncadd.s32 $0xFFFFD800  }
0xca: {  	[bflag:$0x0] =	sbarrier.arrive $0xFFFF  }
0xcb: {  	s21 =	simm.s32 $0x0;
	s19 =	rddreg [dreg:$0xb]  }
0xcc: {  	[tilespmem:s21], [sflag:$0x3] =	stream.linear.gather [hbm4b:s19+s21], $0x1400, $0x38;
	[tilespmem:$0x1E800] =	vst v63  }
0xcd: {  	_ =	swait.ge [sflag:s29], $0x1400  }
0xce: {  	[sflag:s29] =	ssyncset.done $0x0  }
0xcf: {  	s22 =	rddreg [dreg:$0xc];
	[sflag:s29] =	ssyncadd.s32 $0xFFFFEC00  }
0xd0: {  	[tilespmem:s30], [sflag:$0x3] =	stream.linear.gather [hbm4b:s22+s21], $0x1400, $0x38;
	[tilespmem:$0x1E800] =	vst v63  }
0xd1: {  	_ =	swait.ge [sflag:s29], $0x1400  }
0xd2: {  	[sflag:s29] =	ssyncset.done $0x0  }
0xd3: {  	[sflag:s29] =	ssyncadd.s32 $0xFFFFEC00  }
0xd4: {  	[tilespmem:s0], [sflag:$0x1] =	stream.indirect.gather [hbm4b:s1+s31], $0x80, s21, s31, $0xb8;
	[tilespmem:$0x1E800] =	vst v63  }
0xd5: {  	s19 =	simm.s32 $0x80  }
0xd6: {  	[tilespmem:s4], [sflag:$0x2] =	stream.indirect.gather [hbm4b:s1+s31], $0x80, s19, s31, $0xb8;
	[tilespmem:$0x1E800] =	vst v63  }
0xd7: {  	_ =	swait.ge [sflag:s8], $0x3E80  }
0xd8: {  	[sflag:s8] =	ssyncset.done $0x0  }
0xd9: {  	s20 =	simm.s32 $0x1400;
	[sflag:s8] =	ssyncadd.s32 $0xFFFFC180  }
0xda: {  	[spmem:s2] =	stream.indirect.scatter.add.f32 [tilespmem:s0], [sflag:$0x3], $0x80, s20, s31, $0xb8;
	[tilespmem:$0x1E800] =	vst v63  }
0xdb: {  	_ =	swait.ge [sflag:s29], $0x3E80  }
0xdc: {  	[sflag:s29] =	ssyncset.done $0x0  }
0xdd: {  	s21 =	simm.s32 $0x100;
	[sflag:s29] =	ssyncadd.s32 $0xFFFFC180  }
0xde: {  	[tilespmem:s0], [sflag:$0x1] =	stream.indirect.gather [hbm4b:s1+s31], $0x80, s21, s31, $0xb8;
	[tilespmem:$0x1E800] =	vst v63  }
0xdf: {  	_ =	swait.ge [sflag:s9], $0x3E80  }
0xe0: {  	[sflag:s9] =	ssyncset.done $0x0  }
0xe1: {  	s22 =	simm.s32 $0x1480;
	[sflag:s9] =	ssyncadd.s32 $0xFFFFC180  }
0xe2: {  	[spmem:s2] =	stream.indirect.scatter.add.f32 [tilespmem:s4], [sflag:$0x3], $0x80, s22, s31, $0xb8;
	[tilespmem:$0x1E800] =	vst v63  }
0xe3: {  	_ =	swait.ge [sflag:s29], $0x3E80  }
0xe4: {  	s18 =	simm.s32 $0x100;
	s19 =	simm.s32 $0x800;
	[sflag:s29] =	ssyncset.done $0x0  }
.LBB2_6:
0xe5: {  	s20 =	sadd.s32 $0x80, s18  }
0xe6: {  	[sflag:s29] =	ssyncadd.s32 $0xFFFFC180;
	s21 =	smov.u32 s19;
	s22 =	sadd.s32 $0x400, s19  }
0xe7: {  	[tilespmem:s4], [sflag:$0x2] =	stream.indirect.gather [hbm4b:s1+s31], $0x80, s20, s31, $0xb8;
	[tilespmem:$0x1E800] =	vst v63  }
0xe8: {  	p1 =	sne.s32 s19, $0x4800;
	_ =	swait.ge [sflag:s8], $0x3E80  }
0xe9: {  	[sflag:s8] =	ssyncset.done $0x0  }
0xea: {  	s19 =	sadd.s32 $0x1400, s18;
	[sflag:s8] =	ssyncadd.s32 $0xFFFFC180  }
0xeb: {  	[spmem:s2] =	stream.indirect.scatter.add.f32 [tilespmem:s0], [sflag:$0x3], $0x80, s19, s31, $0xb8;
	[tilespmem:$0x1E800] =	vst v63  }
0xec: {  	_ =	swait.ge [sflag:s29], $0x3E80  }
0xed: {  	[sflag:s29] =	ssyncset.done $0x0  }
0xee: {  	s19 =	sadd.s32 $0x100, s18;
	[sflag:s29] =	ssyncadd.s32 $0xFFFFC180  }
0xef: {  	[tilespmem:s0], [sflag:$0x1] =	stream.indirect.gather [hbm4b:s1+s31], $0x80, s19, s31, $0xb8;
	[tilespmem:$0x1E800] =	vst v63  }
0xf0: {  	_ =	swait.ge [sflag:s9], $0x3E80  }
.Ltmp2:
0xf1: {  	[sflag:s9] =	ssyncset.done $0x0;
	(pc) =	sbr.rel @p1 .LBB2_6-.Ltmp2, $4  }
0xf2: {  	s18 =	sadd.s32 $0x1480, s18;
	[sflag:s9] =	ssyncadd.s32 $0xFFFFC180  }
0xf3: {  	[spmem:s2] =	stream.indirect.scatter.add.f32 [tilespmem:s4], [sflag:$0x3], $0x80, s18, s31, $0xb8;
	[tilespmem:$0x1E800] =	vst v63  }
0xf4: {  	_ =	swait.ge [sflag:s29], $0x3E80  }
0xf5: {  	s19 =	smov.u32 s22;
	s18 =	sshra.s32 s21, $0x2;
	[sflag:s29] =	ssyncset.done $0x0  }
0xf6: {  	s19 =	sadd.s32 $0x80, s18;
	[sflag:s29] =	ssyncadd.s32 $0xFFFFC180  }
0xf7: {  	[tilespmem:s4], [sflag:$0x2] =	stream.indirect.gather [hbm4b:s1+s31], $0x80, s19, s31, $0xb8;
	[tilespmem:$0x1E800] =	vst v63  }
0xf8: {  	_ =	swait.ge [sflag:s8], $0x3E80  }
0xf9: {  	[sflag:s8] =	ssyncset.done $0x0  }
0xfa: {  	s21 =	sadd.s32 $0x1400, s18;
	[sflag:s8] =	ssyncadd.s32 $0xFFFFC180  }
0xfb: {  	[spmem:s2] =	stream.indirect.scatter.add.f32 [tilespmem:s0], [sflag:$0x3], $0x80, s21, s31, $0xb8;
	[tilespmem:$0x1E800] =	vst v63  }
0xfc: {  	_ =	swait.ge [sflag:s29], $0x3E80  }
0xfd: {  	[sflag:s29] =	ssyncset.done $0x0  }
0xfe: {  	s22 =	sadd.s32 $0x100, s18;
	[sflag:s29] =	ssyncadd.s32 $0xFFFFC180  }
0xff: {  	[tilespmem:s0], [sflag:$0x1] =	stream.indirect.gather [hbm4b:s1+s31], $0x80, s22, s31, $0xb8;
	[tilespmem:$0x1E800] =	vst v63  }
0x100: {  	_ =	swait.ge [sflag:s9], $0x3E80  }
0x101: {  	[sflag:s9] =	ssyncset.done $0x0  }
0x102: {  	s19 =	sadd.s32 $0x1480, s18;
	[sflag:s9] =	ssyncadd.s32 $0xFFFFC180  }
0x103: {  	[spmem:s2] =	stream.indirect.scatter.add.f32 [tilespmem:s4], [sflag:$0x3], $0x80, s19, s31, $0xb8;
	[tilespmem:$0x1E800] =	vst v63  }
0x104: {  	_ =	swait.ge [sflag:s29], $0x3E80  }
0x105: {  	[sflag:s29] =	ssyncset.done $0x0  }
0x106: {  	[sflag:s29] =	ssyncadd.s32 $0xFFFFC180  }
0x107: {  	[tilespmem:s4], [sflag:$0x2] =	stream.indirect.gather [hbm4b:s1+s31], $0x80, s10, s31, $0xb8;
	[tilespmem:$0x1E800] =	vst v63  }
0x108: {  	_ =	swait.ge [sflag:s8], $0x3E80  }
0x109: {  	[sflag:s8] =	ssyncset.done $0x0  }
0x10a: {  	[sflag:s8] =	ssyncadd.s32 $0xFFFFC180  }
0x10b: {  	[spmem:s2] =	stream.indirect.scatter.add.f32 [tilespmem:s0], [sflag:$0x3], $0x80, s11, s31, $0xb8;
	[tilespmem:$0x1E800] =	vst v63  }
0x10c: {  	_ =	swait.ge [sflag:s29], $0x3E80  }
0x10d: {  	[sflag:s29] =	ssyncset.done $0x0  }
0x10e: {  	[sflag:s29] =	ssyncadd.s32 $0xFFFFC180  }
0x10f: {  	_ =	swait.ge [sflag:s9], $0x3E80  }
0x110: {  	[sflag:s9] =	ssyncset.done $0x0  }
0x111: {  	[sflag:s9] =	ssyncadd.s32 $0xFFFFC180  }
0x112: {  	[spmem:s2] =	stream.indirect.scatter.add.f32 [tilespmem:s4], [sflag:$0x3], $0x80, s13, s31, $0xb8;
	[tilespmem:$0x1E800] =	vst v63  }
0x113: {  	_ =	swait.ge [sflag:s29], $0x3E80  }
0x114: {  	[sflag:s29] =	ssyncset.done $0x0  }
0x115: {  	s20 =	simm.s32 $0x0;
	s21 =	rddreg [dreg:$0xd];
	[sflag:s29] =	ssyncadd.s32 $0xFFFFC180  }
0x116: {  	[tilespmem:s20], [sflag:$0x3] =	stream.linear.gather [hbm4b:s21+s20], $0x1400, $0x38;
	[tilespmem:$0x1E800] =	vst v63  }
0x117: {  	_ =	swait.ge [sflag:s29], $0x1400  }
0x118: {  	[sflag:s29] =	ssyncset.done $0x0  }
0x119: {  	s22 =	rddreg [dreg:$0xe];
	[sflag:s29] =	ssyncadd.s32 $0xFFFFEC00  }
0x11a: {  	[tilespmem:s30], [sflag:$0x3] =	stream.linear.gather [hbm4b:s22+s20], $0x1400, $0x38;
	[tilespmem:$0x1E800] =	vst v63  }
0x11b: {  	_ =	swait.ge [sflag:s29], $0x1400  }
0x11c: {  	[sflag:s29] =	ssyncset.done $0x0  }
0x11d: {  	[sflag:s29] =	ssyncadd.s32 $0xFFFFEC00  }
0x11e: {  	[tilespmem:s0], [sflag:$0x1] =	stream.indirect.gather [hbm4b:s1+s31], $0x80, s20, s31, $0xb8;
	[tilespmem:$0x1E800] =	vst v63  }
0x11f: {  	s19 =	simm.s32 $0x80  }
0x120: {  	[tilespmem:s4], [sflag:$0x2] =	stream.indirect.gather [hbm4b:s1+s31], $0x80, s19, s31, $0xb8;
	[tilespmem:$0x1E800] =	vst v63  }
0x121: {  	_ =	swait.ge [sflag:s8], $0x3E80  }
0x122: {  	[sflag:s8] =	ssyncset.done $0x0  }
0x123: {  	s20 =	simm.s32 $0x1400;
	[sflag:s8] =	ssyncadd.s32 $0xFFFFC180  }
0x124: {  	[spmem:s2] =	stream.indirect.scatter.add.f32 [tilespmem:s0], [sflag:$0x3], $0x80, s20, s31, $0xb8;
	[tilespmem:$0x1E800] =	vst v63  }
0x125: {  	_ =	swait.ge [sflag:s29], $0x3E80  }
0x126: {  	[sflag:s29] =	ssyncset.done $0x0  }
0x127: {  	s21 =	simm.s32 $0x100;
	[sflag:s29] =	ssyncadd.s32 $0xFFFFC180  }
0x128: {  	[tilespmem:s0], [sflag:$0x1] =	stream.indirect.gather [hbm4b:s1+s31], $0x80, s21, s31, $0xb8;
	[tilespmem:$0x1E800] =	vst v63  }
0x129: {  	_ =	swait.ge [sflag:s9], $0x3E80  }
0x12a: {  	[sflag:s9] =	ssyncset.done $0x0  }
0x12b: {  	s22 =	simm.s32 $0x1480;
	[sflag:s9] =	ssyncadd.s32 $0xFFFFC180  }
0x12c: {  	[spmem:s2] =	stream.indirect.scatter.add.f32 [tilespmem:s4], [sflag:$0x3], $0x80, s22, s31, $0xb8;
	[tilespmem:$0x1E800] =	vst v63  }
0x12d: {  	_ =	swait.ge [sflag:s29], $0x3E80  }
0x12e: {  	s18 =	simm.s32 $0x100;
	s19 =	simm.s32 $0x800;
	[sflag:s29] =	ssyncset.done $0x0  }
.LBB2_8:
0x12f: {  	s20 =	sadd.s32 $0x80, s18  }
0x130: {  	[sflag:s29] =	ssyncadd.s32 $0xFFFFC180;
	s21 =	smov.u32 s19;
	s22 =	sadd.s32 $0x400, s19  }
0x131: {  	[tilespmem:s4], [sflag:$0x2] =	stream.indirect.gather [hbm4b:s1+s31], $0x80, s20, s31, $0xb8;
	[tilespmem:$0x1E800] =	vst v63  }
0x132: {  	p1 =	sne.s32 s19, $0x4800;
	_ =	swait.ge [sflag:s8], $0x3E80  }
0x133: {  	[sflag:s8] =	ssyncset.done $0x0  }
0x134: {  	s19 =	sadd.s32 $0x1400, s18;
	[sflag:s8] =	ssyncadd.s32 $0xFFFFC180  }
0x135: {  	[spmem:s2] =	stream.indirect.scatter.add.f32 [tilespmem:s0], [sflag:$0x3], $0x80, s19, s31, $0xb8;
	[tilespmem:$0x1E800] =	vst v63  }
0x136: {  	_ =	swait.ge [sflag:s29], $0x3E80  }
0x137: {  	[sflag:s29] =	ssyncset.done $0x0  }
0x138: {  	s19 =	sadd.s32 $0x100, s18;
	[sflag:s29] =	ssyncadd.s32 $0xFFFFC180  }
0x139: {  	[tilespmem:s0], [sflag:$0x1] =	stream.indirect.gather [hbm4b:s1+s31], $0x80, s19, s31, $0xb8;
	[tilespmem:$0x1E800] =	vst v63  }
0x13a: {  	_ =	swait.ge [sflag:s9], $0x3E80  }
.Ltmp3:
0x13b: {  	[sflag:s9] =	ssyncset.done $0x0;
	(pc) =	sbr.rel @p1 .LBB2_8-.Ltmp3, $4  }
0x13c: {  	s18 =	sadd.s32 $0x1480, s18;
	[sflag:s9] =	ssyncadd.s32 $0xFFFFC180  }
0x13d: {  	[spmem:s2] =	stream.indirect.scatter.add.f32 [tilespmem:s4], [sflag:$0x3], $0x80, s18, s31, $0xb8;
	[tilespmem:$0x1E800] =	vst v63  }
0x13e: {  	_ =	swait.ge [sflag:s29], $0x3E80  }
0x13f: {  	s19 =	smov.u32 s22;
	s18 =	sshra.s32 s21, $0x2;
	[sflag:s29] =	ssyncset.done $0x0  }
0x140: {  	s19 =	sadd.s32 $0x80, s18;
	[sflag:s29] =	ssyncadd.s32 $0xFFFFC180  }
0x141: {  	[tilespmem:s4], [sflag:$0x2] =	stream.indirect.gather [hbm4b:s1+s31], $0x80, s19, s31, $0xb8;
	[tilespmem:$0x1E800] =	vst v63  }
0x142: {  	_ =	swait.ge [sflag:s8], $0x3E80  }
0x143: {  	[sflag:s8] =	ssyncset.done $0x0  }
0x144: {  	s21 =	sadd.s32 $0x1400, s18;
	[sflag:s8] =	ssyncadd.s32 $0xFFFFC180  }
0x145: {  	[spmem:s2] =	stream.indirect.scatter.add.f32 [tilespmem:s0], [sflag:$0x3], $0x80, s21, s31, $0xb8;
	[tilespmem:$0x1E800] =	vst v63  }
0x146: {  	_ =	swait.ge [sflag:s29], $0x3E80  }
0x147: {  	[sflag:s29] =	ssyncset.done $0x0  }
0x148: {  	s22 =	sadd.s32 $0x100, s18;
	[sflag:s29] =	ssyncadd.s32 $0xFFFFC180  }
0x149: {  	[tilespmem:s0], [sflag:$0x1] =	stream.indirect.gather [hbm4b:s1+s31], $0x80, s22, s31, $0xb8;
	[tilespmem:$0x1E800] =	vst v63  }
0x14a: {  	_ =	swait.ge [sflag:s9], $0x3E80  }
0x14b: {  	[sflag:s9] =	ssyncset.done $0x0  }
0x14c: {  	s19 =	sadd.s32 $0x1480, s18;
	[sflag:s9] =	ssyncadd.s32 $0xFFFFC180  }
0x14d: {  	[spmem:s2] =	stream.indirect.scatter.add.f32 [tilespmem:s4], [sflag:$0x3], $0x80, s19, s31, $0xb8;
	[tilespmem:$0x1E800] =	vst v63  }
0x14e: {  	_ =	swait.ge [sflag:s29], $0x3E80  }
0x14f: {  	[sflag:s29] =	ssyncset.done $0x0  }
0x150: {  	[sflag:s29] =	ssyncadd.s32 $0xFFFFC180  }
0x151: {  	[tilespmem:s4], [sflag:$0x2] =	stream.indirect.gather [hbm4b:s1+s31], $0x80, s10, s31, $0xb8;
	[tilespmem:$0x1E800] =	vst v63  }
0x152: {  	_ =	swait.ge [sflag:s8], $0x3E80  }
0x153: {  	[sflag:s8] =	ssyncset.done $0x0  }
0x154: {  	[sflag:s8] =	ssyncadd.s32 $0xFFFFC180  }
0x155: {  	[spmem:s2] =	stream.indirect.scatter.add.f32 [tilespmem:s0], [sflag:$0x3], $0x80, s11, s31, $0xb8;
	[tilespmem:$0x1E800] =	vst v63  }
0x156: {  	_ =	swait.ge [sflag:s29], $0x3E80  }
0x157: {  	[sflag:s29] =	ssyncset.done $0x0  }
0x158: {  	[sflag:s29] =	ssyncadd.s32 $0xFFFFC180  }
0x159: {  	_ =	swait.ge [sflag:s9], $0x3E80  }
0x15a: {  	[sflag:s9] =	ssyncset.done $0x0  }
0x15b: {  	[sflag:s9] =	ssyncadd.s32 $0xFFFFC180  }
0x15c: {  	[spmem:s2] =	stream.indirect.scatter.add.f32 [tilespmem:s4], [sflag:$0x3], $0x80, s13, s31, $0xb8;
	[tilespmem:$0x1E800] =	vst v63  }
0x15d: {  	_ =	swait.ge [sflag:s29], $0x3E80  }
0x15e: {  	[sflag:s29] =	ssyncset.done $0x0  }
0x15f: {  	[sflag:s29] =	ssyncadd.s32 $0xFFFFC180  }
0x160: {  	s18 =	simm.s32 @p0 $0x3;
	[bflag:$0x0] =	sbarrier.arrive $0xFFFF  }
0x161: {  	[hbm:s23], [sflag:s7] =	dma.local @p0 [spmem:s16], $0x1900  }
0x162: {  	_ =	swait.ge @p0 [sflag:s18], $0x1900  }
0x163: {  	[sflag:s18] =	ssyncset.done @p0 $0x0  }
0x164: {  	[sflag:s18] =	ssyncadd.s32 @p0 $0xFFFFE700;
	s18 =	simm.s32 @!p0 $0x3  }
0x165: {  	[hbm:s26], [sflag:s7] =	dma.local @!p0 [spmem:s17], $0x2800  }
0x166: {  	_ =	swait.ge @!p0 [sflag:s18], $0x2800  }
0x167: {  	[sflag:s18] =	ssyncset.done @!p0 $0x0  }
0x168: {  	[sflag:s18] =	ssyncadd.s32 @!p0 $0xFFFFD800  }
0x169: {  	[spmem:s15], [sflag:s7] =	dma.local [hbm:s5], $0x2800  }
0x16a: {  	_ =	swait.ge [sflag:s29], $0x2800  }
0x16b: {  	[sflag:s29] =	ssyncset.done $0x0  }
0x16c: {  	[sflag:s29] =	ssyncadd.s32 $0xFFFFD800  }
0x16d: {  	[bflag:$0x0] =	sbarrier.arrive $0xFFFF  }
0x16e: {  	s20 =	simm.s32 $0x0;
	s21 =	rddreg [dreg:$0xf]  }
0x16f: {  	[tilespmem:s20], [sflag:$0x3] =	stream.linear.gather [hbm4b:s21+s20], $0x1400, $0x38;
	[tilespmem:$0x1E800] =	vst v63  }
0x170: {  	_ =	swait.ge [sflag:s29], $0x1400  }
0x171: {  	[sflag:s29] =	ssyncset.done $0x0  }
0x172: {  	s22 =	rddreg [dreg:$0x10];
	[sflag:s29] =	ssyncadd.s32 $0xFFFFEC00  }
0x173: {  	[tilespmem:s30], [sflag:$0x3] =	stream.linear.gather [hbm4b:s22+s20], $0x1400, $0x38;
	[tilespmem:$0x1E800] =	vst v63  }
0x174: {  	_ =	swait.ge [sflag:s29], $0x1400  }
0x175: {  	[sflag:s29] =	ssyncset.done $0x0  }
0x176: {  	[sflag:s29] =	ssyncadd.s32 $0xFFFFEC00  }
0x177: {  	[tilespmem:s0], [sflag:$0x1] =	stream.indirect.gather [hbm4b:s1+s31], $0x80, s20, s31, $0xb8;
	[tilespmem:$0x1E800] =	vst v63  }
0x178: {  	s19 =	simm.s32 $0x80  }
0x179: {  	[tilespmem:s4], [sflag:$0x2] =	stream.indirect.gather [hbm4b:s1+s31], $0x80, s19, s31, $0xb8;
	[tilespmem:$0x1E800] =	vst v63  }
0x17a: {  	_ =	swait.ge [sflag:s8], $0x3E80  }
0x17b: {  	[sflag:s8] =	ssyncset.done $0x0  }
0x17c: {  	s20 =	simm.s32 $0x1400;
	[sflag:s8] =	ssyncadd.s32 $0xFFFFC180  }
0x17d: {  	[spmem:s2] =	stream.indirect.scatter.add.f32 [tilespmem:s0], [sflag:$0x3], $0x80, s20, s31, $0xb8;
	[tilespmem:$0x1E800] =	vst v63  }
0x17e: {  	_ =	swait.ge [sflag:s29], $0x3E80  }
0x17f: {  	[sflag:s29] =	ssyncset.done $0x0  }
0x180: {  	s21 =	simm.s32 $0x100;
	[sflag:s29] =	ssyncadd.s32 $0xFFFFC180  }
0x181: {  	[tilespmem:s0], [sflag:$0x1] =	stream.indirect.gather [hbm4b:s1+s31], $0x80, s21, s31, $0xb8;
	[tilespmem:$0x1E800] =	vst v63  }
0x182: {  	_ =	swait.ge [sflag:s9], $0x3E80  }
0x183: {  	[sflag:s9] =	ssyncset.done $0x0  }
0x184: {  	s22 =	simm.s32 $0x1480;
	[sflag:s9] =	ssyncadd.s32 $0xFFFFC180  }
0x185: {  	[spmem:s2] =	stream.indirect.scatter.add.f32 [tilespmem:s4], [sflag:$0x3], $0x80, s22, s31, $0xb8;
	[tilespmem:$0x1E800] =	vst v63  }
0x186: {  	_ =	swait.ge [sflag:s29], $0x3E80  }
0x187: {  	s18 =	simm.s32 $0x800;
	s15 =	simm.s32 $0x100;
	[sflag:s29] =	ssyncset.done $0x0  }
.LBB2_10:
0x188: {  	s19 =	sadd.s32 $0x80, s15  }
0x189: {  	[sflag:s29] =	ssyncadd.s32 $0xFFFFC180;
	s20 =	smov.u32 s18;
	s21 =	sadd.s32 $0x400, s18  }
0x18a: {  	[tilespmem:s4], [sflag:$0x2] =	stream.indirect.gather [hbm4b:s1+s31], $0x80, s19, s31, $0xb8;
	[tilespmem:$0x1E800] =	vst v63  }
0x18b: {  	p1 =	sne.s32 s18, $0x4800;
	_ =	swait.ge [sflag:s8], $0x3E80  }
0x18c: {  	[sflag:s8] =	ssyncset.done $0x0  }
0x18d: {  	s18 =	sadd.s32 $0x1400, s15;
	[sflag:s8] =	ssyncadd.s32 $0xFFFFC180  }
0x18e: {  	[spmem:s2] =	stream.indirect.scatter.add.f32 [tilespmem:s0], [sflag:$0x3], $0x80, s18, s31, $0xb8;
	[tilespmem:$0x1E800] =	vst v63  }
0x18f: {  	_ =	swait.ge [sflag:s29], $0x3E80  }
0x190: {  	[sflag:s29] =	ssyncset.done $0x0  }
0x191: {  	s18 =	sadd.s32 $0x100, s15;
	[sflag:s29] =	ssyncadd.s32 $0xFFFFC180  }
0x192: {  	[tilespmem:s0], [sflag:$0x1] =	stream.indirect.gather [hbm4b:s1+s31], $0x80, s18, s31, $0xb8;
	[tilespmem:$0x1E800] =	vst v63  }
0x193: {  	_ =	swait.ge [sflag:s9], $0x3E80  }
.Ltmp4:
0x194: {  	[sflag:s9] =	ssyncset.done $0x0;
	(pc) =	sbr.rel @p1 .LBB2_10-.Ltmp4, $4  }
0x195: {  	s15 =	sadd.s32 $0x1480, s15;
	[sflag:s9] =	ssyncadd.s32 $0xFFFFC180  }
0x196: {  	[spmem:s2] =	stream.indirect.scatter.add.f32 [tilespmem:s4], [sflag:$0x3], $0x80, s15, s31, $0xb8;
	[tilespmem:$0x1E800] =	vst v63  }
0x197: {  	_ =	swait.ge [sflag:s29], $0x3E80  }
0x198: {  	s18 =	smov.u32 s21;
	s15 =	sshra.s32 s20, $0x2;
	[sflag:s29] =	ssyncset.done $0x0  }
0x199: {  	s18 =	sadd.s32 $0x80, s15;
	[sflag:s29] =	ssyncadd.s32 $0xFFFFC180  }
0x19a: {  	[tilespmem:s4], [sflag:$0x2] =	stream.indirect.gather [hbm4b:s1+s31], $0x80, s18, s31, $0xb8;
	[tilespmem:$0x1E800] =	vst v63  }
0x19b: {  	_ =	swait.ge [sflag:s8], $0x3E80  }
0x19c: {  	[sflag:s8] =	ssyncset.done $0x0  }
0x19d: {  	s21 =	sadd.s32 $0x1400, s15;
	[sflag:s8] =	ssyncadd.s32 $0xFFFFC180  }
0x19e: {  	[spmem:s2] =	stream.indirect.scatter.add.f32 [tilespmem:s0], [sflag:$0x3], $0x80, s21, s31, $0xb8;
	[tilespmem:$0x1E800] =	vst v63  }
0x19f: {  	_ =	swait.ge [sflag:s29], $0x3E80  }
0x1a0: {  	[sflag:s29] =	ssyncset.done $0x0  }
0x1a1: {  	s22 =	sadd.s32 $0x100, s15;
	[sflag:s29] =	ssyncadd.s32 $0xFFFFC180  }
0x1a2: {  	[tilespmem:s0], [sflag:$0x1] =	stream.indirect.gather [hbm4b:s1+s31], $0x80, s22, s31, $0xb8;
	[tilespmem:$0x1E800] =	vst v63  }
0x1a3: {  	_ =	swait.ge [sflag:s9], $0x3E80  }
0x1a4: {  	[sflag:s9] =	ssyncset.done $0x0  }
0x1a5: {  	s19 =	sadd.s32 $0x1480, s15;
	[sflag:s9] =	ssyncadd.s32 $0xFFFFC180  }
0x1a6: {  	[spmem:s2] =	stream.indirect.scatter.add.f32 [tilespmem:s4], [sflag:$0x3], $0x80, s19, s31, $0xb8;
	[tilespmem:$0x1E800] =	vst v63  }
0x1a7: {  	_ =	swait.ge [sflag:s29], $0x3E80  }
0x1a8: {  	[sflag:s29] =	ssyncset.done $0x0  }
0x1a9: {  	[sflag:s29] =	ssyncadd.s32 $0xFFFFC180  }
0x1aa: {  	[tilespmem:s4], [sflag:$0x2] =	stream.indirect.gather [hbm4b:s1+s31], $0x80, s10, s31, $0xb8;
	[tilespmem:$0x1E800] =	vst v63  }
0x1ab: {  	_ =	swait.ge [sflag:s8], $0x3E80  }
0x1ac: {  	[sflag:s8] =	ssyncset.done $0x0  }
0x1ad: {  	[sflag:s8] =	ssyncadd.s32 $0xFFFFC180  }
0x1ae: {  	[spmem:s2] =	stream.indirect.scatter.add.f32 [tilespmem:s0], [sflag:$0x3], $0x80, s11, s31, $0xb8;
	[tilespmem:$0x1E800] =	vst v63  }
0x1af: {  	_ =	swait.ge [sflag:s29], $0x3E80  }
0x1b0: {  	[sflag:s29] =	ssyncset.done $0x0  }
0x1b1: {  	[sflag:s29] =	ssyncadd.s32 $0xFFFFC180  }
0x1b2: {  	_ =	swait.ge [sflag:s9], $0x3E80  }
0x1b3: {  	[sflag:s9] =	ssyncset.done $0x0  }
0x1b4: {  	[sflag:s9] =	ssyncadd.s32 $0xFFFFC180  }
0x1b5: {  	[spmem:s2] =	stream.indirect.scatter.add.f32 [tilespmem:s4], [sflag:$0x3], $0x80, s13, s31, $0xb8;
	[tilespmem:$0x1E800] =	vst v63  }
0x1b6: {  	_ =	swait.ge [sflag:s29], $0x3E80  }
0x1b7: {  	[sflag:s29] =	ssyncset.done $0x0  }
0x1b8: {  	s20 =	simm.s32 $0x0;
	s21 =	rddreg [dreg:$0x11];
	[sflag:s29] =	ssyncadd.s32 $0xFFFFC180  }
0x1b9: {  	[tilespmem:s20], [sflag:$0x3] =	stream.linear.gather [hbm4b:s21+s20], $0x1400, $0x38;
	[tilespmem:$0x1E800] =	vst v63  }
0x1ba: {  	_ =	swait.ge [sflag:s29], $0x1400  }
0x1bb: {  	[sflag:s29] =	ssyncset.done $0x0  }
0x1bc: {  	s22 =	rddreg [dreg:$0x12];
	[sflag:s29] =	ssyncadd.s32 $0xFFFFEC00  }
0x1bd: {  	[tilespmem:s30], [sflag:$0x3] =	stream.linear.gather [hbm4b:s22+s20], $0x1400, $0x38;
	[tilespmem:$0x1E800] =	vst v63  }
0x1be: {  	_ =	swait.ge [sflag:s29], $0x1400  }
0x1bf: {  	[sflag:s29] =	ssyncset.done $0x0  }
0x1c0: {  	[sflag:s29] =	ssyncadd.s32 $0xFFFFEC00  }
0x1c1: {  	[tilespmem:s0], [sflag:$0x1] =	stream.indirect.gather [hbm4b:s1+s31], $0x80, s20, s31, $0xb8;
	[tilespmem:$0x1E800] =	vst v63  }
0x1c2: {  	s19 =	simm.s32 $0x80  }
0x1c3: {  	[tilespmem:s4], [sflag:$0x2] =	stream.indirect.gather [hbm4b:s1+s31], $0x80, s19, s31, $0xb8;
	[tilespmem:$0x1E800] =	vst v63  }
0x1c4: {  	_ =	swait.ge [sflag:s8], $0x3E80  }
0x1c5: {  	[sflag:s8] =	ssyncset.done $0x0  }
0x1c6: {  	s20 =	simm.s32 $0x1400;
	[sflag:s8] =	ssyncadd.s32 $0xFFFFC180  }
0x1c7: {  	[spmem:s2] =	stream.indirect.scatter.add.f32 [tilespmem:s0], [sflag:$0x3], $0x80, s20, s31, $0xb8;
	[tilespmem:$0x1E800] =	vst v63  }
0x1c8: {  	_ =	swait.ge [sflag:s29], $0x3E80  }
0x1c9: {  	[sflag:s29] =	ssyncset.done $0x0  }
0x1ca: {  	s21 =	simm.s32 $0x100;
	[sflag:s29] =	ssyncadd.s32 $0xFFFFC180  }
0x1cb: {  	[tilespmem:s0], [sflag:$0x1] =	stream.indirect.gather [hbm4b:s1+s31], $0x80, s21, s31, $0xb8;
	[tilespmem:$0x1E800] =	vst v63  }
0x1cc: {  	_ =	swait.ge [sflag:s9], $0x3E80  }
0x1cd: {  	[sflag:s9] =	ssyncset.done $0x0  }
0x1ce: {  	s22 =	simm.s32 $0x1480;
	[sflag:s9] =	ssyncadd.s32 $0xFFFFC180  }
0x1cf: {  	[spmem:s2] =	stream.indirect.scatter.add.f32 [tilespmem:s4], [sflag:$0x3], $0x80, s22, s31, $0xb8;
	[tilespmem:$0x1E800] =	vst v63  }
0x1d0: {  	_ =	swait.ge [sflag:s29], $0x3E80  }
0x1d1: {  	s15 =	simm.s32 $0x100;
	s18 =	simm.s32 $0x800;
	[sflag:s29] =	ssyncset.done $0x0  }
.LBB2_12:
0x1d2: {  	s19 =	sadd.s32 $0x80, s15  }
0x1d3: {  	[sflag:s29] =	ssyncadd.s32 $0xFFFFC180;
	s20 =	smov.u32 s18;
	s21 =	sadd.s32 $0x400, s18  }
0x1d4: {  	[tilespmem:s4], [sflag:$0x2] =	stream.indirect.gather [hbm4b:s1+s31], $0x80, s19, s31, $0xb8;
	[tilespmem:$0x1E800] =	vst v63  }
0x1d5: {  	p1 =	sne.s32 s18, $0x4800;
	_ =	swait.ge [sflag:s8], $0x3E80  }
0x1d6: {  	[sflag:s8] =	ssyncset.done $0x0  }
0x1d7: {  	s18 =	sadd.s32 $0x1400, s15;
	[sflag:s8] =	ssyncadd.s32 $0xFFFFC180  }
0x1d8: {  	[spmem:s2] =	stream.indirect.scatter.add.f32 [tilespmem:s0], [sflag:$0x3], $0x80, s18, s31, $0xb8;
	[tilespmem:$0x1E800] =	vst v63  }
0x1d9: {  	_ =	swait.ge [sflag:s29], $0x3E80  }
0x1da: {  	[sflag:s29] =	ssyncset.done $0x0  }
0x1db: {  	s18 =	sadd.s32 $0x100, s15;
	[sflag:s29] =	ssyncadd.s32 $0xFFFFC180  }
0x1dc: {  	[tilespmem:s0], [sflag:$0x1] =	stream.indirect.gather [hbm4b:s1+s31], $0x80, s18, s31, $0xb8;
	[tilespmem:$0x1E800] =	vst v63  }
0x1dd: {  	_ =	swait.ge [sflag:s9], $0x3E80  }
.Ltmp5:
0x1de: {  	[sflag:s9] =	ssyncset.done $0x0;
	(pc) =	sbr.rel @p1 .LBB2_12-.Ltmp5, $4  }
0x1df: {  	s15 =	sadd.s32 $0x1480, s15;
	[sflag:s9] =	ssyncadd.s32 $0xFFFFC180  }
0x1e0: {  	[spmem:s2] =	stream.indirect.scatter.add.f32 [tilespmem:s4], [sflag:$0x3], $0x80, s15, s31, $0xb8;
	[tilespmem:$0x1E800] =	vst v63  }
0x1e1: {  	_ =	swait.ge [sflag:s29], $0x3E80  }
0x1e2: {  	s18 =	smov.u32 s21;
	s15 =	sshra.s32 s20, $0x2;
	[sflag:s29] =	ssyncset.done $0x0  }
0x1e3: {  	s18 =	sadd.s32 $0x80, s15;
	[sflag:s29] =	ssyncadd.s32 $0xFFFFC180  }
0x1e4: {  	[tilespmem:s4], [sflag:$0x2] =	stream.indirect.gather [hbm4b:s1+s31], $0x80, s18, s31, $0xb8;
	[tilespmem:$0x1E800] =	vst v63  }
0x1e5: {  	_ =	swait.ge [sflag:s8], $0x3E80  }
0x1e6: {  	[sflag:s8] =	ssyncset.done $0x0  }
0x1e7: {  	s20 =	sadd.s32 $0x1400, s15;
	[sflag:s8] =	ssyncadd.s32 $0xFFFFC180  }
0x1e8: {  	[spmem:s2] =	stream.indirect.scatter.add.f32 [tilespmem:s0], [sflag:$0x3], $0x80, s20, s31, $0xb8;
	[tilespmem:$0x1E800] =	vst v63  }
0x1e9: {  	_ =	swait.ge [sflag:s29], $0x3E80  }
0x1ea: {  	[sflag:s29] =	ssyncset.done $0x0  }
0x1eb: {  	s21 =	sadd.s32 $0x100, s15;
	[sflag:s29] =	ssyncadd.s32 $0xFFFFC180  }
0x1ec: {  	[tilespmem:s0], [sflag:$0x1] =	stream.indirect.gather [hbm4b:s1+s31], $0x80, s21, s31, $0xb8;
	[tilespmem:$0x1E800] =	vst v63  }
0x1ed: {  	_ =	swait.ge [sflag:s9], $0x3E80  }
0x1ee: {  	[sflag:s9] =	ssyncset.done $0x0  }
0x1ef: {  	s22 =	sadd.s32 $0x1480, s15;
	[sflag:s9] =	ssyncadd.s32 $0xFFFFC180  }
0x1f0: {  	[spmem:s2] =	stream.indirect.scatter.add.f32 [tilespmem:s4], [sflag:$0x3], $0x80, s22, s31, $0xb8;
	[tilespmem:$0x1E800] =	vst v63  }
0x1f1: {  	_ =	swait.ge [sflag:s29], $0x3E80  }
0x1f2: {  	[sflag:s29] =	ssyncset.done $0x0  }
0x1f3: {  	[sflag:s29] =	ssyncadd.s32 $0xFFFFC180  }
0x1f4: {  	[tilespmem:s4], [sflag:$0x2] =	stream.indirect.gather [hbm4b:s1+s31], $0x80, s10, s31, $0xb8;
	[tilespmem:$0x1E800] =	vst v63  }
0x1f5: {  	_ =	swait.ge [sflag:s8], $0x3E80  }
0x1f6: {  	[sflag:s8] =	ssyncset.done $0x0  }
0x1f7: {  	[sflag:s8] =	ssyncadd.s32 $0xFFFFC180  }
0x1f8: {  	[spmem:s2] =	stream.indirect.scatter.add.f32 [tilespmem:s0], [sflag:$0x3], $0x80, s11, s31, $0xb8;
	[tilespmem:$0x1E800] =	vst v63  }
0x1f9: {  	_ =	swait.ge [sflag:s29], $0x3E80  }
0x1fa: {  	[sflag:s29] =	ssyncset.done $0x0  }
0x1fb: {  	[sflag:s29] =	ssyncadd.s32 $0xFFFFC180  }
0x1fc: {  	_ =	swait.ge [sflag:s9], $0x3E80  }
0x1fd: {  	[sflag:s9] =	ssyncset.done $0x0  }
0x1fe: {  	[sflag:s9] =	ssyncadd.s32 $0xFFFFC180  }
0x1ff: {  	[spmem:s2] =	stream.indirect.scatter.add.f32 [tilespmem:s4], [sflag:$0x3], $0x80, s13, s31, $0xb8;
	[tilespmem:$0x1E800] =	vst v63  }
0x200: {  	_ =	swait.ge [sflag:s29], $0x3E80  }
0x201: {  	[sflag:s29] =	ssyncset.done $0x0  }
0x202: {  	[sflag:s29] =	ssyncadd.s32 $0xFFFFC180  }
0x203: {  	s15 =	simm.s32 @p0 $0x3;
	[bflag:$0x0] =	sbarrier.arrive $0xFFFF  }
0x204: {  	[hbm:s24], [sflag:s7] =	dma.local @p0 [spmem:s16], $0x1900  }
0x205: {  	s14 =	sadd.s32 $0x1, s14;
	_ =	swait.ge @p0 [sflag:s15], $0x1900  }
0x206: {  	p1 =	sne.s32 s14, s25;
	[sflag:s15] =	ssyncset.done @p0 $0x0  }
.Ltmp6:
0x207: {  	[sflag:s15] =	ssyncadd.s32 @p0 $0xFFFFE700;
	s15 =	simm.s32 @!p0 $0x3;
	(pc) =	sbr.rel @p1 .LBB2_1-.Ltmp6, $4  }
0x208: {  	[hbm:s28], [sflag:s7] =	dma.local @!p0 [spmem:s17], $0x2800  }
0x209: {  	_ =	swait.ge @!p0 [sflag:s15], $0x2800  }
0x20a: {  	[sflag:s15] =	ssyncset.done @!p0 $0x0  }
0x20b: {  	[sflag:s15] =	ssyncadd.s32 @!p0 $0xFFFFD800  }
0x20c: {  	_ =	sfence.sel $0x180000  }
0x20d: {  	[bflag:$0x0] =	sbarrier.arrive $0xFFFF  }
0x20e: {  	_ =	strace $0x90000047  }
0x20f: {  	s0 =	stileid.u32;
	[bflag:$0x2] =	sbarrier.arrive $0xFFFF  }
0x210: {  	p0 =	sne.s32 s0, $0x0;
	s0 =	rddreg [dreg:$0x4]  }
0x211: {  	s0 =	sadd.s32 @!p0 $0x100000, s0  }
0x212: {  	[sflag:s0] =	ssyncadd.tile.s32 @!p0 $0x1;
	_ =	shalt  }
.Lfunc_end2:
_tile_overlayer_lowered:
.L_overlay_start_2:
0x213: {  	(tag) =	ssettag $0x2  }
0x214: {  	s0 =	rddreg [dreg:$0x0];
	s2 =	stileid.u32  }
0x215: {  	s1 =	rddreg [dreg:$0x1];
	p0 =	sne.s32 s2, $0x0  }
0x216: {  	s3 =	rddreg [dreg:$0x2];
	[bflag:$0x3] =	sbarrier.arrive $0xFFFF;
	s2 =	simm.s32 @!p0 $0x1C03  }
0x217: {  	[timem:s3], [sflag:s2] =	dma.local @!p0 [hbm:s0], s1  }
0x218: {  	s0 =	simm.s32 @!p0 $0x3  }
0x219: {  	_ =	swait.ge @!p0 [sflag:s0], s1  }
0x21a: {  	s1 =	ssub.s32 @!p0 $0x0, s1;
	[sflag:s0] =	ssyncset.done @!p0 $0x0  }
0x21b: {  	[sflag:s0] =	ssyncadd.s32 @!p0 s1  }
0x21c: {  	[bflag:$0x3] =	sbarrier.arrive $0xFFFF  }
0x21d: {  	_ =	shalt  }

</sc_bundles>
